<compile_context>
chip_gen: v7x
topology: tpu7x:2x2x1
jax: 0.10.2.dev20260603
libtpu: 0.0.44.dev20260713+nightly
codegen_flags: <defaults>
</compile_context>

<pallas_src>
import functools

import jax
import jax.numpy as jnp
from jax import lax
from jax.experimental import pallas as pl
from jax.experimental.pallas import tpu as pltpu
from jax.experimental.pallas import tpu_sc as plsc

B, P, C = 8, 8192, 150
H = W = 512
N = B * P
NC, NS = 2, 16
NW = NC * NS
PTS_PER_W = N // NW
GATHER_CHUNK = 128
N_CHUNKS = PTS_PER_W // GATHER_CHUNK
PART_PAD = 1024


def _round_nearest_idx(v):
    c = v * 512.0
    fi = c.astype(jnp.int32)
    tie = fi.astype(jnp.float32) == c
    odd = (fi & 1) == 1
    r = fi - jnp.where(tie & odd, 1, 0)
    return jnp.clip(r, 0, W - 1)


def _sc_pick_partials(coords_tiled, labels_1d, logits_flat):
    mesh = plsc.VectorSubcoreMesh(core_axis_name="c", subcore_axis_name="s")

    @functools.partial(
        pl.kernel,
        mesh=mesh,
        out_type=jax.ShapeDtypeStruct((PART_PAD,), jnp.float32),
        scratch_types=[
            pltpu.VMEM((2 * PTS_PER_W,), jnp.float32),
            pltpu.VMEM((N_CHUNKS, GATHER_CHUNK), jnp.int32),
            pltpu.VMEM((PTS_PER_W,), jnp.int32),
            pltpu.VMEM((PTS_PER_W,), jnp.float32),
            pltpu.VMEM((16,), jnp.float32),
            pltpu.SemaphoreType.DMA,
        ],
    )
    def sc_kernel(coords_hbm, labels_hbm, logits_hbm, out_hbm,
                  cv, idx_v, rows_v, vals_v, part_v, sem):
        wid = lax.axis_index("s") * NC + lax.axis_index("c")
        base = wid * PTS_PER_W
        b_idx = wid >> 2
        q = wid & 3
        b_base = b_idx << 18

        pltpu.sync_copy(coords_hbm.at[pl.ds(2 * base, 2 * PTS_PER_W)], cv)

        copies = []
        for j in range(N_CHUNKS):
            idx_row = idx_v.at[j]

            def body(g, _, j=j, idx_row=idx_row):
                ix = _round_nearest_idx(cv[pl.ds(j * 256 + g * 16, 16)])
                iy = _round_nearest_idx(cv[pl.ds(j * 256 + 128 + g * 16, 16)])
                idx_row[pl.ds(g * 16, 16)] = b_base + iy * W + ix
                return 0

            lax.fori_loop(0, GATHER_CHUNK // 16, body, 0)
            copies.append(
                pltpu.async_copy(
                    labels_hbm.at[idx_row],
                    rows_v.at[pl.ds(j * GATHER_CHUNK, GATHER_CHUNK)],
                    sem,
                )
            )
        for cp in copies:
            cp.wait()

        lane = lax.iota(jnp.int32, 16)
        copies2 = []
        for j in range(N_CHUNKS):
            idx_row = idx_v.at[j]
            pt_base = ((16 * q + j) << 10) + (b_idx << 7)

            def body2(g, _, j=j, idx_row=idx_row, pt_base=pt_base):
                lbl = rows_v[pl.ds(j * GATHER_CHUNK + g * 16, 16)]
                idx_row[pl.ds(g * 16, 16)] = (
                    (lbl << 16) + pt_base + g * 16 + lane)
                return 0

            lax.fori_loop(0, GATHER_CHUNK // 16, body2, 0)
            copies2.append(
                pltpu.async_copy(
                    logits_hbm.at[idx_row],
                    vals_v.at[pl.ds(j * GATHER_CHUNK, GATHER_CHUNK)],
                    sem,
                )
            )
        for cp in copies2:
            cp.wait()

        def body3(k, acc):
            return acc + vals_v[pl.ds(k * 16, 16)]

        acc = lax.fori_loop(1, PTS_PER_W // 16, body3, vals_v[pl.ds(0, 16)])
        part_v[...] = acc
        pltpu.sync_copy(part_v, out_hbm.at[pl.ds(wid * 16, 16)])

    return sc_kernel(coords_tiled, labels_1d, logits_flat)


CB_C = 30
N_BLKS = C // CB_C


def _tc_lse_body(logits_ref, out_ref, s_acc):
    i = pl.program_id(0)
    blk = logits_ref[...]
    ex = jnp.exp(blk)
    s_part = jnp.sum(ex, axis=0)
    prev = jnp.where(i == 0, 0.0, s_acc[...])
    s_new = prev + s_part
    s_acc[...] = s_new

    @pl.when(i == N_BLKS - 1)
    def _finalize():
        out_ref[...] = jnp.sum(jnp.log(s_new)).reshape(1, 1)


def _tc_combine_body(lse_ref, parts_ref, out_ref):
    parts = parts_ref[...]
    row = lax.broadcasted_iota(jnp.int32, parts.shape, 0)
    pick_sum = jnp.sum(jnp.where(row < (NW * 16) // 128, parts, 0.0))
    out_ref[...] = (lse_ref[...] - pick_sum) / float(N)


def kernel(logits, coords, labels):
    coords_tiled = coords.reshape(B, P // 128, 128, 2).transpose(0, 1, 3, 2)
    coords_tiled = coords_tiled.reshape(2 * N)
    labels_1d = labels.reshape(B * H * W)
    logits_t = logits.transpose(2, 0, 1)
    logits_flat = logits_t.reshape(C, B, P // 128, 128)
    logits_flat = logits_flat.transpose(0, 2, 1, 3).reshape(C * N)

    partials = _sc_pick_partials(coords_tiled, labels_1d, logits_flat)

    lse = pl.pallas_call(
        _tc_lse_body,
        grid=(N_BLKS,),
        in_specs=[pl.BlockSpec((CB_C, B, P), lambda i: (i, 0, 0))],
        out_specs=pl.BlockSpec((1, 1), lambda i: (0, 0)),
        out_shape=jax.ShapeDtypeStruct((1, 1), jnp.float32),
        scratch_shapes=[pltpu.VMEM((B, P), jnp.float32)],
    )(logits_t)

    out = pl.pallas_call(
        _tc_combine_body,
        in_specs=[
            pl.BlockSpec((1, 1), lambda: (0, 0)),
            pl.BlockSpec((PART_PAD // 128, 128), lambda: (0, 0)),
        ],
        out_specs=pl.BlockSpec((1, 1), lambda: (0, 0)),
        out_shape=jax.ShapeDtypeStruct((1, 1), jnp.float32),
    )(lse, partials.reshape(PART_PAD // 128, 128))
    return out[0, 0]

# --- scband reference (transcript-rebuilt; emitter-appended) ---
"""Pipeline reference for scband-point-loss-86449101734385 (READ-ONLY COPY).

The authoritative reference and input builder live on the scoring server;
editing this copy changes nothing except your own understanding.
"""

import jax, jax.numpy as jnp
import numpy as np


def setup_inputs(seed: int = 0) -> dict:
    key = jax.random.key(seed)
    k1, k2, k3 = jax.random.split(key, 3)
    logits = jax.random.normal(k1, (8, 8192, 150), dtype=jnp.float32)
    coords = jax.random.uniform(k2, (8, 8192, 2), dtype=jnp.float32)
    labels = jax.random.randint(k3, (8, 512, 512, 1), 0, 150, dtype=jnp.int32)
    return {"logits": logits, "coords": coords, "labels": labels}


def _point_sample_nearest(feat, coords):
    # feat: [B, H, W, C]; coords: [B, P, 2] in [0, 1], (x, y) order.
    # align_corners=False, mode='nearest' (grid_sample semantics).
    B, H, W, C = feat.shape
    x = coords[..., 0] * W - 0.5
    y = coords[..., 1] * H - 0.5
    ix = jnp.clip(jnp.round(x).astype(jnp.int32), 0, W - 1)
    iy = jnp.clip(jnp.round(y).astype(jnp.int32), 0, H - 1)
    flat = feat.reshape(B, H * W, C)
    idx = iy * W + ix  # [B, P]
    # gather per-batch rows
    sampled = jnp.take_along_axis(flat, idx[..., None], axis=1)  # [B, P, C]
    return sampled


def reference(logits, coords, labels):
    # PointLoss (weighted=False, classes=150, reduction=AUTO -> mean):
    # 1) nearest-neighbor sample integer labels at point coords
    # 2) sparse categorical crossentropy from logits, mean reduction
    point_labels = _point_sample_nearest(labels, coords)[..., 0]  # [B, P] int32
    logits_f = logits.astype(jnp.float32)
    log_probs = jax.nn.log_softmax(logits_f, axis=-1)  # [B, P, C]
    nll = -jnp.take_along_axis(log_probs, point_labels[..., None].astype(jnp.int32), axis=-1)[..., 0]
    return jnp.mean(nll)

if __name__ == "__main__":
    import jax
    _d = setup_inputs()
    print(jax.jit(kernel)(*tuple(_d.values())))

</pallas_src>

<mosaic_0001>
#map = affine_map<(d0, d1) -> (0)>
module attributes {stable_mosaic.version = 14 : i64} {
  func.func @sc_kernel(%arg0: i32, %arg1: i32, %arg2: memref<131072xf32, #tpu.memory_space<hbm>>, %arg3: memref<2097152xi32, #tpu.memory_space<hbm>>, %arg4: memref<9830400xf32, #tpu.memory_space<hbm>>, %arg5: memref<1024xf32, #tpu.memory_space<hbm>>, %arg6: memref<4096xf32, #tpu.memory_space<vmem>>, %arg7: memref<16x128xi32, #tpu.memory_space<vmem>>, %arg8: memref<2048xi32, #tpu.memory_space<vmem>>, %arg9: memref<2048xf32, #tpu.memory_space<vmem>>, %arg10: memref<16xf32, #tpu.memory_space<vmem>>, %arg11: memref<!tpu.dma_semaphore, #tpu.memory_space<semaphore_mem>>) attributes {dimension_semantics = [#tpu.dimension_semantics<core_parallel>, #tpu.dimension_semantics<subcore_parallel>], iteration_bounds = array<i64: 2, 16>, scalar_prefetch = 0 : i64, scratch_operands = 6 : i64, tpu.core_type = #tpu.core_type<sc_vector_subcore>, window_params = [{transform_indices = #map}, {transform_indices = #map}, {transform_indices = #map}, {transform_indices = #map}]} {
    %mul3A = arith.constant 2 : i32
    %mul3A_0 = arith.muli %arg1, %mul3A : i32
    %add3A = arith.addi %mul3A_0, %arg0 : i32
    %mul3A_1 = arith.constant 2048 : i32
    %mul3A_2 = arith.muli %add3A, %mul3A_1 : i32
    %shift_right_arithmetic3A = arith.constant 2 : i32
    %shift_right_arithmetic3A_3 = arith.shrsi %add3A, %shift_right_arithmetic3A : i32
    %and3A = arith.constant 3 : i32
    %and3A_4 = arith.andi %add3A, %and3A : i32
    %shift_left3A = arith.constant 18 : i32
    %shift_left3A_5 = arith.shli %shift_right_arithmetic3A_3, %shift_left3A : i32
    %mul3A_6 = arith.constant 2 : i32
    %mul3A_7 = arith.muli %mul3A_6, %mul3A_2 : i32
    "tpu.region"() ({
      %run_scoped3A = tpu.sem_alloc : memref<!tpu.dma_semaphore, #tpu.memory_space<semaphore_mem>>
      %dma_start3A_930 = tpu.memref_slice %arg2[%mul3A_7] : memref<131072xf32, #tpu.memory_space<hbm>> -> memref<4096xf32, #tpu.memory_space<hbm>>
      %dma_start3A_931 = tpu.memref_slice %arg2[%mul3A_7] : memref<131072xf32, #tpu.memory_space<hbm>> -> memref<4096xf32, #tpu.memory_space<hbm>>
      tpu.enqueue_dma source(%dma_start3A_931 : memref<4096xf32, #tpu.memory_space<hbm>>) target(%arg6 : memref<4096xf32, #tpu.memory_space<vmem>>) target_semaphore(%run_scoped3A : memref<!tpu.dma_semaphore, #tpu.memory_space<semaphore_mem>>)
      %dma_wait3A_932 = tpu.memref_slice %arg2[%mul3A_7] : memref<131072xf32, #tpu.memory_space<hbm>> -> memref<4096xf32, #tpu.memory_space<hbm>>
      %dma_wait3A_933 = tpu.memref_slice %arg2[%mul3A_7] : memref<131072xf32, #tpu.memory_space<hbm>> -> memref<4096xf32, #tpu.memory_space<hbm>>
      tpu.wait_dma2 semaphore(%run_scoped3A : memref<!tpu.dma_semaphore, #tpu.memory_space<semaphore_mem>>) src(%dma_wait3A_933 : memref<4096xf32, #tpu.memory_space<hbm>>) dst(%arg6 : memref<4096xf32, #tpu.memory_space<vmem>>)
      tpu.yield
    }) : () -> ()
    %scan3A = arith.constant 0 : i32
    %scan3A_8 = arith.constant 0 : i32
    %scan3A_9 = arith.constant 0 : i32
    %scan3A_10 = arith.constant 8 : i32
    %scan3A_11 = arith.addi %scan3A_9, %scan3A_10 : i32
    %scan3A_12 = arith.constant 1 : i32
    %scan3A_13 = scf.for %scan3A_930 = %scan3A_9 to %scan3A_11 step %scan3A_12 iter_args(%scan3A_931 = %scan3A_8) -> (i32)  : i32 {
      %mul3A_932 = arith.constant 16 : i32
      %mul3A_933 = arith.muli %scan3A_930, %mul3A_932 : i32
      %add3A_934 = arith.constant 0 : i32
      %add3A_935 = arith.addi %add3A_934, %mul3A_933 : i32
      %get3A_936 = arith.index_cast %add3A_935 : i32 to index
      %get3A_937 = tpu.vector_load %arg6[%get3A_936] {strides = array<i32>} : memref<4096xf32, #tpu.memory_space<vmem>>, vector<16xf32>,
      %get3A_938 = vector.shape_cast %get3A_937 : vector<16xf32> to vector<16xf32>
      %mul3A_939 = arith.constant 5.120000e+02 : f32
      %mul3A_940 = vector.broadcast %mul3A_939 : f32 to vector<16xf32>
      %mul3A_941 = arith.mulf %get3A_938, %mul3A_940 : vector<16xf32>
      %convert_element_type3A = arith.fptosi %mul3A_941 : vector<16xf32> to vector<16xi32>
      %convert_element_type3A_942 = arith.sitofp %convert_element_type3A : vector<16xi32> to vector<16xf32>
      %eq3A = arith.cmpf oeq, %convert_element_type3A_942, %mul3A_941 : vector<16xf32>
      %and3A_943 = arith.constant 1 : i32
      %and3A_944 = vector.broadcast %and3A_943 : i32 to vector<16xi32>
      %and3A_945 = arith.andi %convert_element_type3A, %and3A_944 : vector<16xi32>
      %eq3A_946 = arith.constant 1 : i32
      %eq3A_947 = vector.broadcast %eq3A_946 : i32 to vector<16xi32>
      %eq3A_948 = arith.cmpi eq, %and3A_945, %eq3A_947 : vector<16xi32>
      %and3A_949 = arith.andi %eq3A, %eq3A_948 : vector<16xi1>
      %jit3A = arith.constant 1 : i32
      %jit3A_950 = arith.constant 0 : i32
      %broadcast_in_dim3A = vector.broadcast %jit3A : i32 to vector<16xi32>
      %broadcast_in_dim3A_951 = vector.broadcast %jit3A_950 : i32 to vector<16xi32>
      %select_n3A = arith.select %and3A_949, %broadcast_in_dim3A, %broadcast_in_dim3A_951 : vector<16xi1>, vector<16xi32>
      %sub3A = arith.subi %convert_element_type3A, %select_n3A : vector<16xi32>
      %jit3A_952 = arith.constant 0 : i32
      %jit3A_953 = arith.constant 511 : i32
      %max3A = vector.broadcast %jit3A_952 : i32 to vector<16xi32>
      %max3A_954 = arith.maxsi %max3A, %sub3A : vector<16xi32>
      %min3A = vector.broadcast %jit3A_953 : i32 to vector<16xi32>
      %min3A_955 = arith.minsi %min3A, %max3A_954 : vector<16xi32>
      %mul3A_956 = arith.constant 16 : i32
      %mul3A_957 = arith.muli %scan3A_930, %mul3A_956 : i32
      %add3A_958 = arith.constant 128 : i32
      %add3A_959 = arith.addi %add3A_958, %mul3A_957 : i32
      %get3A_960 = arith.index_cast %add3A_959 : i32 to index
      %get3A_961 = tpu.vector_load %arg6[%get3A_960] {strides = array<i32>} : memref<4096xf32, #tpu.memory_space<vmem>>, vector<16xf32>,
      %get3A_962 = vector.shape_cast %get3A_961 : vector<16xf32> to vector<16xf32>
      %mul3A_963 = arith.constant 5.120000e+02 : f32
      %mul3A_964 = vector.broadcast %mul3A_963 : f32 to vector<16xf32>
      %mul3A_965 = arith.mulf %get3A_962, %mul3A_964 : vector<16xf32>
      %convert_element_type3A_966 = arith.fptosi %mul3A_965 : vector<16xf32> to vector<16xi32>
      %convert_element_type3A_967 = arith.sitofp %convert_element_type3A_966 : vector<16xi32> to vector<16xf32>
      %eq3A_968 = arith.cmpf oeq, %convert_element_type3A_967, %mul3A_965 : vector<16xf32>
      %and3A_969 = arith.constant 1 : i32
      %and3A_970 = vector.broadcast %and3A_969 : i32 to vector<16xi32>
      %and3A_971 = arith.andi %convert_element_type3A_966, %and3A_970 : vector<16xi32>
      %eq3A_972 = arith.constant 1 : i32
      %eq3A_973 = vector.broadcast %eq3A_972 : i32 to vector<16xi32>
      %eq3A_974 = arith.cmpi eq, %and3A_971, %eq3A_973 : vector<16xi32>
      %and3A_975 = arith.andi %eq3A_968, %eq3A_974 : vector<16xi1>
      %jit3A_976 = arith.constant 1 : i32
      %jit3A_977 = arith.constant 0 : i32
      %broadcast_in_dim3A_978 = vector.broadcast %jit3A_976 : i32 to vector<16xi32>
      %broadcast_in_dim3A_979 = vector.broadcast %jit3A_977 : i32 to vector<16xi32>
      %select_n3A_980 = arith.select %and3A_975, %broadcast_in_dim3A_978, %broadcast_in_dim3A_979 : vector<16xi1>, vector<16xi32>
      %sub3A_981 = arith.subi %convert_element_type3A_966, %select_n3A_980 : vector<16xi32>
      %jit3A_982 = arith.constant 0 : i32
      %jit3A_983 = arith.constant 511 : i32
      %max3A_984 = vector.broadcast %jit3A_982 : i32 to vector<16xi32>
      %max3A_985 = arith.maxsi %max3A_984, %sub3A_981 : vector<16xi32>
      %min3A_986 = vector.broadcast %jit3A_983 : i32 to vector<16xi32>
      %min3A_987 = arith.minsi %min3A_986, %max3A_985 : vector<16xi32>
      %mul3A_988 = arith.constant 512 : i32
      %mul3A_989 = vector.broadcast %mul3A_988 : i32 to vector<16xi32>
      %mul3A_990 = arith.muli %min3A_987, %mul3A_989 : vector<16xi32>
      %add3A_991 = vector.broadcast %shift_left3A_5 : i32 to vector<16xi32>
      %add3A_992 = arith.addi %add3A_991, %mul3A_990 : vector<16xi32>
      %add3A_993 = arith.addi %add3A_992, %min3A_955 : vector<16xi32>
      %mul3A_994 = arith.constant 16 : i32
      %mul3A_995 = arith.muli %scan3A_930, %mul3A_994 : i32
      %swap3A_996 = arith.constant 0 : i32
      %swap3A_997 = tpu.memref_slice %arg7[%scan3A, %swap3A_996] : memref<16x128xi32, #tpu.memory_space<vmem>> -> memref<1x128xi32, #tpu.memory_space<vmem>>
      %swap3A_998 = tpu.memref_squeeze %swap3A_997 : memref<1x128xi32, #tpu.memory_space<vmem>> -> memref<128xi32, #tpu.memory_space<vmem>>
      %swap3A_999 = arith.index_cast %mul3A_995 : i32 to index
      %swap3A_1000 = tpu.vector_load %swap3A_998[%swap3A_999] {strides = array<i32>} : memref<128xi32, #tpu.memory_space<vmem>>, vector<16xi32>,
      %swap3A_1001 = vector.shape_cast %swap3A_1000 : vector<16xi32> to vector<16xi32>
      %swap3A_1002 = vector.shape_cast %add3A_993 : vector<16xi32> to vector<16xi32>
      tpu.vector_store %swap3A_998[%swap3A_999], %swap3A_1002 {strides = array<i32>} : memref<128xi32, #tpu.memory_space<vmem>>, vector<16xi32>,
      %scan3A_1003 = arith.constant 0 : i32
      scf.yield %scan3A_1003 : i32
    }
    %scan3A_14 = arith.constant 8 : i32
    %dma_start3A = arith.constant 0 : i32
    %dma_start3A_15 = arith.constant 0 : i32
    %dma_start3A_16 = tpu.memref_slice %arg8[%dma_start3A_15] : memref<2048xi32, #tpu.memory_space<vmem>> -> memref<128xi32, #tpu.memory_space<vmem>>
    %dma_start3A_17 = arith.constant 0 : i32
    %dma_start3A_18 = tpu.memref_slice %arg7[%dma_start3A, %dma_start3A_17] : memref<16x128xi32, #tpu.memory_space<vmem>> -> memref<1x128xi32, #tpu.memory_space<vmem>>
    %dma_start3A_19 = tpu.memref_squeeze %dma_start3A_18 : memref<1x128xi32, #tpu.memory_space<vmem>> -> memref<128xi32, #tpu.memory_space<vmem>>
    %dma_start3A_20 = arith.constant 0 : i32
    %dma_start3A_21 = tpu.memref_slice %arg3[%dma_start3A_20] : memref<2097152xi32, #tpu.memory_space<hbm>> -> memref<2097152xi32, #tpu.memory_space<hbm>>
    tpu.enqueue_indirect_dma source(%dma_start3A_21 : memref<2097152xi32, #tpu.memory_space<hbm>>) target(%dma_start3A_16 : memref<128xi32, #tpu.memory_space<vmem>>) offsets(%dma_start3A_19 : memref<128xi32, #tpu.memory_space<vmem>>) semaphore(%arg11 : memref<!tpu.dma_semaphore, #tpu.memory_space<semaphore_mem>>)
    %scan3A_22 = arith.constant 1 : i32
    %scan3A_23 = arith.constant 0 : i32
    %scan3A_24 = arith.constant 0 : i32
    %scan3A_25 = arith.constant 8 : i32
    %scan3A_26 = arith.addi %scan3A_24, %scan3A_25 : i32
    %scan3A_27 = arith.constant 1 : i32
    %scan3A_28 = scf.for %scan3A_930 = %scan3A_24 to %scan3A_26 step %scan3A_27 iter_args(%scan3A_931 = %scan3A_23) -> (i32)  : i32 {
      %mul3A_932 = arith.constant 16 : i32
      %mul3A_933 = arith.muli %scan3A_930, %mul3A_932 : i32
      %add3A_934 = arith.constant 256 : i32
      %add3A_935 = arith.addi %add3A_934, %mul3A_933 : i32
      %get3A_936 = arith.index_cast %add3A_935 : i32 to index
      %get3A_937 = tpu.vector_load %arg6[%get3A_936] {strides = array<i32>} : memref<4096xf32, #tpu.memory_space<vmem>>, vector<16xf32>,
      %get3A_938 = vector.shape_cast %get3A_937 : vector<16xf32> to vector<16xf32>
      %mul3A_939 = arith.constant 5.120000e+02 : f32
      %mul3A_940 = vector.broadcast %mul3A_939 : f32 to vector<16xf32>
      %mul3A_941 = arith.mulf %get3A_938, %mul3A_940 : vector<16xf32>
      %convert_element_type3A = arith.fptosi %mul3A_941 : vector<16xf32> to vector<16xi32>
      %convert_element_type3A_942 = arith.sitofp %convert_element_type3A : vector<16xi32> to vector<16xf32>
      %eq3A = arith.cmpf oeq, %convert_element_type3A_942, %mul3A_941 : vector<16xf32>
      %and3A_943 = arith.constant 1 : i32
      %and3A_944 = vector.broadcast %and3A_943 : i32 to vector<16xi32>
      %and3A_945 = arith.andi %convert_element_type3A, %and3A_944 : vector<16xi32>
      %eq3A_946 = arith.constant 1 : i32
      %eq3A_947 = vector.broadcast %eq3A_946 : i32 to vector<16xi32>
      %eq3A_948 = arith.cmpi eq, %and3A_945, %eq3A_947 : vector<16xi32>
      %and3A_949 = arith.andi %eq3A, %eq3A_948 : vector<16xi1>
      %jit3A = arith.constant 1 : i32
      %jit3A_950 = arith.constant 0 : i32
      %broadcast_in_dim3A = vector.broadcast %jit3A : i32 to vector<16xi32>
      %broadcast_in_dim3A_951 = vector.broadcast %jit3A_950 : i32 to vector<16xi32>
      %select_n3A = arith.select %and3A_949, %broadcast_in_dim3A, %broadcast_in_dim3A_951 : vector<16xi1>, vector<16xi32>
      %sub3A = arith.subi %convert_element_type3A, %select_n3A : vector<16xi32>
      %jit3A_952 = arith.constant 0 : i32
      %jit3A_953 = arith.constant 511 : i32
      %max3A = vector.broadcast %jit3A_952 : i32 to vector<16xi32>
      %max3A_954 = arith.maxsi %max3A, %sub3A : vector<16xi32>
      %min3A = vector.broadcast %jit3A_953 : i32 to vector<16xi32>
      %min3A_955 = arith.minsi %min3A, %max3A_954 : vector<16xi32>
      %mul3A_956 = arith.constant 16 : i32
      %mul3A_957 = arith.muli %scan3A_930, %mul3A_956 : i32
      %add3A_958 = arith.constant 384 : i32
      %add3A_959 = arith.addi %add3A_958, %mul3A_957 : i32
      %get3A_960 = arith.index_cast %add3A_959 : i32 to index
      %get3A_961 = tpu.vector_load %arg6[%get3A_960] {strides = array<i32>} : memref<4096xf32, #tpu.memory_space<vmem>>, vector<16xf32>,
      %get3A_962 = vector.shape_cast %get3A_961 : vector<16xf32> to vector<16xf32>
      %mul3A_963 = arith.constant 5.120000e+02 : f32
      %mul3A_964 = vector.broadcast %mul3A_963 : f32 to vector<16xf32>
      %mul3A_965 = arith.mulf %get3A_962, %mul3A_964 : vector<16xf32>
      %convert_element_type3A_966 = arith.fptosi %mul3A_965 : vector<16xf32> to vector<16xi32>
      %convert_element_type3A_967 = arith.sitofp %convert_element_type3A_966 : vector<16xi32> to vector<16xf32>
      %eq3A_968 = arith.cmpf oeq, %convert_element_type3A_967, %mul3A_965 : vector<16xf32>
      %and3A_969 = arith.constant 1 : i32
      %and3A_970 = vector.broadcast %and3A_969 : i32 to vector<16xi32>
      %and3A_971 = arith.andi %convert_element_type3A_966, %and3A_970 : vector<16xi32>
      %eq3A_972 = arith.constant 1 : i32
      %eq3A_973 = vector.broadcast %eq3A_972 : i32 to vector<16xi32>
      %eq3A_974 = arith.cmpi eq, %and3A_971, %eq3A_973 : vector<16xi32>
      %and3A_975 = arith.andi %eq3A_968, %eq3A_974 : vector<16xi1>
      %jit3A_976 = arith.constant 1 : i32
      %jit3A_977 = arith.constant 0 : i32
      %broadcast_in_dim3A_978 = vector.broadcast %jit3A_976 : i32 to vector<16xi32>
      %broadcast_in_dim3A_979 = vector.broadcast %jit3A_977 : i32 to vector<16xi32>
      %select_n3A_980 = arith.select %and3A_975, %broadcast_in_dim3A_978, %broadcast_in_dim3A_979 : vector<16xi1>, vector<16xi32>
      %sub3A_981 = arith.subi %convert_element_type3A_966, %select_n3A_980 : vector<16xi32>
      %jit3A_982 = arith.constant 0 : i32
      %jit3A_983 = arith.constant 511 : i32
      %max3A_984 = vector.broadcast %jit3A_982 : i32 to vector<16xi32>
      %max3A_985 = arith.maxsi %max3A_984, %sub3A_981 : vector<16xi32>
      %min3A_986 = vector.broadcast %jit3A_983 : i32 to vector<16xi32>
      %min3A_987 = arith.minsi %min3A_986, %max3A_985 : vector<16xi32>
      %mul3A_988 = arith.constant 512 : i32
      %mul3A_989 = vector.broadcast %mul3A_988 : i32 to vector<16xi32>
      %mul3A_990 = arith.muli %min3A_987, %mul3A_989 : vector<16xi32>
      %add3A_991 = vector.broadcast %shift_left3A_5 : i32 to vector<16xi32>
      %add3A_992 = arith.addi %add3A_991, %mul3A_990 : vector<16xi32>
      %add3A_993 = arith.addi %add3A_992, %min3A_955 : vector<16xi32>
      %mul3A_994 = arith.constant 16 : i32
      %mul3A_995 = arith.muli %scan3A_930, %mul3A_994 : i32
      %swap3A_996 = arith.constant 0 : i32
      %swap3A_997 = tpu.memref_slice %arg7[%scan3A_22, %swap3A_996] : memref<16x128xi32, #tpu.memory_space<vmem>> -> memref<1x128xi32, #tpu.memory_space<vmem>>
      %swap3A_998 = tpu.memref_squeeze %swap3A_997 : memref<1x128xi32, #tpu.memory_space<vmem>> -> memref<128xi32, #tpu.memory_space<vmem>>
      %swap3A_999 = arith.index_cast %mul3A_995 : i32 to index
      %swap3A_1000 = tpu.vector_load %swap3A_998[%swap3A_999] {strides = array<i32>} : memref<128xi32, #tpu.memory_space<vmem>>, vector<16xi32>,
      %swap3A_1001 = vector.shape_cast %swap3A_1000 : vector<16xi32> to vector<16xi32>
      %swap3A_1002 = vector.shape_cast %add3A_993 : vector<16xi32> to vector<16xi32>
      tpu.vector_store %swap3A_998[%swap3A_999], %swap3A_1002 {strides = array<i32>} : memref<128xi32, #tpu.memory_space<vmem>>, vector<16xi32>,
      %scan3A_1003 = arith.constant 0 : i32
      scf.yield %scan3A_1003 : i32
    }
    %scan3A_29 = arith.constant 8 : i32
    %dma_start3A_30 = arith.constant 1 : i32
    %dma_start3A_31 = arith.constant 128 : i32
    %dma_start3A_32 = tpu.memref_slice %arg8[%dma_start3A_31] : memref<2048xi32, #tpu.memory_space<vmem>> -> memref<128xi32, #tpu.memory_space<vmem>>
    %dma_start3A_33 = arith.constant 0 : i32
    %dma_start3A_34 = tpu.memref_slice %arg7[%dma_start3A_30, %dma_start3A_33] : memref<16x128xi32, #tpu.memory_space<vmem>> -> memref<1x128xi32, #tpu.memory_space<vmem>>
    %dma_start3A_35 = tpu.memref_squeeze %dma_start3A_34 : memref<1x128xi32, #tpu.memory_space<vmem>> -> memref<128xi32, #tpu.memory_space<vmem>>
    %dma_start3A_36 = arith.constant 0 : i32
    %dma_start3A_37 = tpu.memref_slice %arg3[%dma_start3A_36] : memref<2097152xi32, #tpu.memory_space<hbm>> -> memref<2097152xi32, #tpu.memory_space<hbm>>
    tpu.enqueue_indirect_dma source(%dma_start3A_37 : memref<2097152xi32, #tpu.memory_space<hbm>>) target(%dma_start3A_32 : memref<128xi32, #tpu.memory_space<vmem>>) offsets(%dma_start3A_35 : memref<128xi32, #tpu.memory_space<vmem>>) semaphore(%arg11 : memref<!tpu.dma_semaphore, #tpu.memory_space<semaphore_mem>>)
    %scan3A_38 = arith.constant 2 : i32
    %scan3A_39 = arith.constant 0 : i32
    %scan3A_40 = arith.constant 0 : i32
    %scan3A_41 = arith.constant 8 : i32
    %scan3A_42 = arith.addi %scan3A_40, %scan3A_41 : i32
    %scan3A_43 = arith.constant 1 : i32
    %scan3A_44 = scf.for %scan3A_930 = %scan3A_40 to %scan3A_42 step %scan3A_43 iter_args(%scan3A_931 = %scan3A_39) -> (i32)  : i32 {
      %mul3A_932 = arith.constant 16 : i32
      %mul3A_933 = arith.muli %scan3A_930, %mul3A_932 : i32
      %add3A_934 = arith.constant 512 : i32
      %add3A_935 = arith.addi %add3A_934, %mul3A_933 : i32
      %get3A_936 = arith.index_cast %add3A_935 : i32 to index
      %get3A_937 = tpu.vector_load %arg6[%get3A_936] {strides = array<i32>} : memref<4096xf32, #tpu.memory_space<vmem>>, vector<16xf32>,
      %get3A_938 = vector.shape_cast %get3A_937 : vector<16xf32> to vector<16xf32>
      %mul3A_939 = arith.constant 5.120000e+02 : f32
      %mul3A_940 = vector.broadcast %mul3A_939 : f32 to vector<16xf32>
      %mul3A_941 = arith.mulf %get3A_938, %mul3A_940 : vector<16xf32>
      %convert_element_type3A = arith.fptosi %mul3A_941 : vector<16xf32> to vector<16xi32>
      %convert_element_type3A_942 = arith.sitofp %convert_element_type3A : vector<16xi32> to vector<16xf32>
      %eq3A = arith.cmpf oeq, %convert_element_type3A_942, %mul3A_941 : vector<16xf32>
      %and3A_943 = arith.constant 1 : i32
      %and3A_944 = vector.broadcast %and3A_943 : i32 to vector<16xi32>
      %and3A_945 = arith.andi %convert_element_type3A, %and3A_944 : vector<16xi32>
      %eq3A_946 = arith.constant 1 : i32
      %eq3A_947 = vector.broadcast %eq3A_946 : i32 to vector<16xi32>
      %eq3A_948 = arith.cmpi eq, %and3A_945, %eq3A_947 : vector<16xi32>
      %and3A_949 = arith.andi %eq3A, %eq3A_948 : vector<16xi1>
      %jit3A = arith.constant 1 : i32
      %jit3A_950 = arith.constant 0 : i32
      %broadcast_in_dim3A = vector.broadcast %jit3A : i32 to vector<16xi32>
      %broadcast_in_dim3A_951 = vector.broadcast %jit3A_950 : i32 to vector<16xi32>
      %select_n3A = arith.select %and3A_949, %broadcast_in_dim3A, %broadcast_in_dim3A_951 : vector<16xi1>, vector<16xi32>
      %sub3A = arith.subi %convert_element_type3A, %select_n3A : vector<16xi32>
      %jit3A_952 = arith.constant 0 : i32
      %jit3A_953 = arith.constant 511 : i32
      %max3A = vector.broadcast %jit3A_952 : i32 to vector<16xi32>
      %max3A_954 = arith.maxsi %max3A, %sub3A : vector<16xi32>
      %min3A = vector.broadcast %jit3A_953 : i32 to vector<16xi32>
      %min3A_955 = arith.minsi %min3A, %max3A_954 : vector<16xi32>
      %mul3A_956 = arith.constant 16 : i32
      %mul3A_957 = arith.muli %scan3A_930, %mul3A_956 : i32
      %add3A_958 = arith.constant 640 : i32
      %add3A_959 = arith.addi %add3A_958, %mul3A_957 : i32
      %get3A_960 = arith.index_cast %add3A_959 : i32 to index
      %get3A_961 = tpu.vector_load %arg6[%get3A_960] {strides = array<i32>} : memref<4096xf32, #tpu.memory_space<vmem>>, vector<16xf32>,
      %get3A_962 = vector.shape_cast %get3A_961 : vector<16xf32> to vector<16xf32>
      %mul3A_963 = arith.constant 5.120000e+02 : f32
      %mul3A_964 = vector.broadcast %mul3A_963 : f32 to vector<16xf32>
      %mul3A_965 = arith.mulf %get3A_962, %mul3A_964 : vector<16xf32>
      %convert_element_type3A_966 = arith.fptosi %mul3A_965 : vector<16xf32> to vector<16xi32>
      %convert_element_type3A_967 = arith.sitofp %convert_element_type3A_966 : vector<16xi32> to vector<16xf32>
      %eq3A_968 = arith.cmpf oeq, %convert_element_type3A_967, %mul3A_965 : vector<16xf32>
      %and3A_969 = arith.constant 1 : i32
      %and3A_970 = vector.broadcast %and3A_969 : i32 to vector<16xi32>
      %and3A_971 = arith.andi %convert_element_type3A_966, %and3A_970 : vector<16xi32>
      %eq3A_972 = arith.constant 1 : i32
      %eq3A_973 = vector.broadcast %eq3A_972 : i32 to vector<16xi32>
      %eq3A_974 = arith.cmpi eq, %and3A_971, %eq3A_973 : vector<16xi32>
      %and3A_975 = arith.andi %eq3A_968, %eq3A_974 : vector<16xi1>
      %jit3A_976 = arith.constant 1 : i32
      %jit3A_977 = arith.constant 0 : i32
      %broadcast_in_dim3A_978 = vector.broadcast %jit3A_976 : i32 to vector<16xi32>
      %broadcast_in_dim3A_979 = vector.broadcast %jit3A_977 : i32 to vector<16xi32>
      %select_n3A_980 = arith.select %and3A_975, %broadcast_in_dim3A_978, %broadcast_in_dim3A_979 : vector<16xi1>, vector<16xi32>
      %sub3A_981 = arith.subi %convert_element_type3A_966, %select_n3A_980 : vector<16xi32>
      %jit3A_982 = arith.constant 0 : i32
      %jit3A_983 = arith.constant 511 : i32
      %max3A_984 = vector.broadcast %jit3A_982 : i32 to vector<16xi32>
      %max3A_985 = arith.maxsi %max3A_984, %sub3A_981 : vector<16xi32>
      %min3A_986 = vector.broadcast %jit3A_983 : i32 to vector<16xi32>
      %min3A_987 = arith.minsi %min3A_986, %max3A_985 : vector<16xi32>
      %mul3A_988 = arith.constant 512 : i32
      %mul3A_989 = vector.broadcast %mul3A_988 : i32 to vector<16xi32>
      %mul3A_990 = arith.muli %min3A_987, %mul3A_989 : vector<16xi32>
      %add3A_991 = vector.broadcast %shift_left3A_5 : i32 to vector<16xi32>
      %add3A_992 = arith.addi %add3A_991, %mul3A_990 : vector<16xi32>
      %add3A_993 = arith.addi %add3A_992, %min3A_955 : vector<16xi32>
      %mul3A_994 = arith.constant 16 : i32
      %mul3A_995 = arith.muli %scan3A_930, %mul3A_994 : i32
      %swap3A_996 = arith.constant 0 : i32
      %swap3A_997 = tpu.memref_slice %arg7[%scan3A_38, %swap3A_996] : memref<16x128xi32, #tpu.memory_space<vmem>> -> memref<1x128xi32, #tpu.memory_space<vmem>>
      %swap3A_998 = tpu.memref_squeeze %swap3A_997 : memref<1x128xi32, #tpu.memory_space<vmem>> -> memref<128xi32, #tpu.memory_space<vmem>>
      %swap3A_999 = arith.index_cast %mul3A_995 : i32 to index
      %swap3A_1000 = tpu.vector_load %swap3A_998[%swap3A_999] {strides = array<i32>} : memref<128xi32, #tpu.memory_space<vmem>>, vector<16xi32>,
      %swap3A_1001 = vector.shape_cast %swap3A_1000 : vector<16xi32> to vector<16xi32>
      %swap3A_1002 = vector.shape_cast %add3A_993 : vector<16xi32> to vector<16xi32>
      tpu.vector_store %swap3A_998[%swap3A_999], %swap3A_1002 {strides = array<i32>} : memref<128xi32, #tpu.memory_space<vmem>>, vector<16xi32>,
      %scan3A_1003 = arith.constant 0 : i32
      scf.yield %scan3A_1003 : i32
    }
    %scan3A_45 = arith.constant 8 : i32
    %dma_start3A_46 = arith.constant 2 : i32
    %dma_start3A_47 = arith.constant 256 : i32
    %dma_start3A_48 = tpu.memref_slice %arg8[%dma_start3A_47] : memref<2048xi32, #tpu.memory_space<vmem>> -> memref<128xi32, #tpu.memory_space<vmem>>
    %dma_start3A_49 = arith.constant 0 : i32
    %dma_start3A_50 = tpu.memref_slice %arg7[%dma_start3A_46, %dma_start3A_49] : memref<16x128xi32, #tpu.memory_space<vmem>> -> memref<1x128xi32, #tpu.memory_space<vmem>>
    %dma_start3A_51 = tpu.memref_squeeze %dma_start3A_50 : memref<1x128xi32, #tpu.memory_space<vmem>> -> memref<128xi32, #tpu.memory_space<vmem>>
    %dma_start3A_52 = arith.constant 0 : i32
    %dma_start3A_53 = tpu.memref_slice %arg3[%dma_start3A_52] : memref<2097152xi32, #tpu.memory_space<hbm>> -> memref<2097152xi32, #tpu.memory_space<hbm>>
    tpu.enqueue_indirect_dma source(%dma_start3A_53 : memref<2097152xi32, #tpu.memory_space<hbm>>) target(%dma_start3A_48 : memref<128xi32, #tpu.memory_space<vmem>>) offsets(%dma_start3A_51 : memref<128xi32, #tpu.memory_space<vmem>>) semaphore(%arg11 : memref<!tpu.dma_semaphore, #tpu.memory_space<semaphore_mem>>)
    %scan3A_54 = arith.constant 3 : i32
    %scan3A_55 = arith.constant 0 : i32
    %scan3A_56 = arith.constant 0 : i32
    %scan3A_57 = arith.constant 8 : i32
    %scan3A_58 = arith.addi %scan3A_56, %scan3A_57 : i32
    %scan3A_59 = arith.constant 1 : i32
    %scan3A_60 = scf.for %scan3A_930 = %scan3A_56 to %scan3A_58 step %scan3A_59 iter_args(%scan3A_931 = %scan3A_55) -> (i32)  : i32 {
      %mul3A_932 = arith.constant 16 : i32
      %mul3A_933 = arith.muli %scan3A_930, %mul3A_932 : i32
      %add3A_934 = arith.constant 768 : i32
      %add3A_935 = arith.addi %add3A_934, %mul3A_933 : i32
      %get3A_936 = arith.index_cast %add3A_935 : i32 to index
      %get3A_937 = tpu.vector_load %arg6[%get3A_936] {strides = array<i32>} : memref<4096xf32, #tpu.memory_space<vmem>>, vector<16xf32>,
      %get3A_938 = vector.shape_cast %get3A_937 : vector<16xf32> to vector<16xf32>
      %mul3A_939 = arith.constant 5.120000e+02 : f32
      %mul3A_940 = vector.broadcast %mul3A_939 : f32 to vector<16xf32>
      %mul3A_941 = arith.mulf %get3A_938, %mul3A_940 : vector<16xf32>
      %convert_element_type3A = arith.fptosi %mul3A_941 : vector<16xf32> to vector<16xi32>
      %convert_element_type3A_942 = arith.sitofp %convert_element_type3A : vector<16xi32> to vector<16xf32>
      %eq3A = arith.cmpf oeq, %convert_element_type3A_942, %mul3A_941 : vector<16xf32>
      %and3A_943 = arith.constant 1 : i32
      %and3A_944 = vector.broadcast %and3A_943 : i32 to vector<16xi32>
      %and3A_945 = arith.andi %convert_element_type3A, %and3A_944 : vector<16xi32>
      %eq3A_946 = arith.constant 1 : i32
      %eq3A_947 = vector.broadcast %eq3A_946 : i32 to vector<16xi32>
      %eq3A_948 = arith.cmpi eq, %and3A_945, %eq3A_947 : vector<16xi32>
      %and3A_949 = arith.andi %eq3A, %eq3A_948 : vector<16xi1>
      %jit3A = arith.constant 1 : i32
      %jit3A_950 = arith.constant 0 : i32
      %broadcast_in_dim3A = vector.broadcast %jit3A : i32 to vector<16xi32>
      %broadcast_in_dim3A_951 = vector.broadcast %jit3A_950 : i32 to vector<16xi32>
      %select_n3A = arith.select %and3A_949, %broadcast_in_dim3A, %broadcast_in_dim3A_951 : vector<16xi1>, vector<16xi32>
      %sub3A = arith.subi %convert_element_type3A, %select_n3A : vector<16xi32>
      %jit3A_952 = arith.constant 0 : i32
      %jit3A_953 = arith.constant 511 : i32
      %max3A = vector.broadcast %jit3A_952 : i32 to vector<16xi32>
      %max3A_954 = arith.maxsi %max3A, %sub3A : vector<16xi32>
      %min3A = vector.broadcast %jit3A_953 : i32 to vector<16xi32>
      %min3A_955 = arith.minsi %min3A, %max3A_954 : vector<16xi32>
      %mul3A_956 = arith.constant 16 : i32
      %mul3A_957 = arith.muli %scan3A_930, %mul3A_956 : i32
      %add3A_958 = arith.constant 896 : i32
      %add3A_959 = arith.addi %add3A_958, %mul3A_957 : i32
      %get3A_960 = arith.index_cast %add3A_959 : i32 to index
      %get3A_961 = tpu.vector_load %arg6[%get3A_960] {strides = array<i32>} : memref<4096xf32, #tpu.memory_space<vmem>>, vector<16xf32>,
      %get3A_962 = vector.shape_cast %get3A_961 : vector<16xf32> to vector<16xf32>
      %mul3A_963 = arith.constant 5.120000e+02 : f32
      %mul3A_964 = vector.broadcast %mul3A_963 : f32 to vector<16xf32>
      %mul3A_965 = arith.mulf %get3A_962, %mul3A_964 : vector<16xf32>
      %convert_element_type3A_966 = arith.fptosi %mul3A_965 : vector<16xf32> to vector<16xi32>
      %convert_element_type3A_967 = arith.sitofp %convert_element_type3A_966 : vector<16xi32> to vector<16xf32>
      %eq3A_968 = arith.cmpf oeq, %convert_element_type3A_967, %mul3A_965 : vector<16xf32>
      %and3A_969 = arith.constant 1 : i32
      %and3A_970 = vector.broadcast %and3A_969 : i32 to vector<16xi32>
      %and3A_971 = arith.andi %convert_element_type3A_966, %and3A_970 : vector<16xi32>
      %eq3A_972 = arith.constant 1 : i32
      %eq3A_973 = vector.broadcast %eq3A_972 : i32 to vector<16xi32>
      %eq3A_974 = arith.cmpi eq, %and3A_971, %eq3A_973 : vector<16xi32>
      %and3A_975 = arith.andi %eq3A_968, %eq3A_974 : vector<16xi1>
      %jit3A_976 = arith.constant 1 : i32
      %jit3A_977 = arith.constant 0 : i32
      %broadcast_in_dim3A_978 = vector.broadcast %jit3A_976 : i32 to vector<16xi32>
      %broadcast_in_dim3A_979 = vector.broadcast %jit3A_977 : i32 to vector<16xi32>
      %select_n3A_980 = arith.select %and3A_975, %broadcast_in_dim3A_978, %broadcast_in_dim3A_979 : vector<16xi1>, vector<16xi32>
      %sub3A_981 = arith.subi %convert_element_type3A_966, %select_n3A_980 : vector<16xi32>
      %jit3A_982 = arith.constant 0 : i32
      %jit3A_983 = arith.constant 511 : i32
      %max3A_984 = vector.broadcast %jit3A_982 : i32 to vector<16xi32>
      %max3A_985 = arith.maxsi %max3A_984, %sub3A_981 : vector<16xi32>
      %min3A_986 = vector.broadcast %jit3A_983 : i32 to vector<16xi32>
      %min3A_987 = arith.minsi %min3A_986, %max3A_985 : vector<16xi32>
      %mul3A_988 = arith.constant 512 : i32
      %mul3A_989 = vector.broadcast %mul3A_988 : i32 to vector<16xi32>
      %mul3A_990 = arith.muli %min3A_987, %mul3A_989 : vector<16xi32>
      %add3A_991 = vector.broadcast %shift_left3A_5 : i32 to vector<16xi32>
      %add3A_992 = arith.addi %add3A_991, %mul3A_990 : vector<16xi32>
      %add3A_993 = arith.addi %add3A_992, %min3A_955 : vector<16xi32>
      %mul3A_994 = arith.constant 16 : i32
      %mul3A_995 = arith.muli %scan3A_930, %mul3A_994 : i32
      %swap3A_996 = arith.constant 0 : i32
      %swap3A_997 = tpu.memref_slice %arg7[%scan3A_54, %swap3A_996] : memref<16x128xi32, #tpu.memory_space<vmem>> -> memref<1x128xi32, #tpu.memory_space<vmem>>
      %swap3A_998 = tpu.memref_squeeze %swap3A_997 : memref<1x128xi32, #tpu.memory_space<vmem>> -> memref<128xi32, #tpu.memory_space<vmem>>
      %swap3A_999 = arith.index_cast %mul3A_995 : i32 to index
      %swap3A_1000 = tpu.vector_load %swap3A_998[%swap3A_999] {strides = array<i32>} : memref<128xi32, #tpu.memory_space<vmem>>, vector<16xi32>,
      %swap3A_1001 = vector.shape_cast %swap3A_1000 : vector<16xi32> to vector<16xi32>
      %swap3A_1002 = vector.shape_cast %add3A_993 : vector<16xi32> to vector<16xi32>
      tpu.vector_store %swap3A_998[%swap3A_999], %swap3A_1002 {strides = array<i32>} : memref<128xi32, #tpu.memory_space<vmem>>, vector<16xi32>,
      %scan3A_1003 = arith.constant 0 : i32
      scf.yield %scan3A_1003 : i32
    }
    %scan3A_61 = arith.constant 8 : i32
    %dma_start3A_62 = arith.constant 3 : i32
    %dma_start3A_63 = arith.constant 384 : i32
    %dma_start3A_64 = tpu.memref_slice %arg8[%dma_start3A_63] : memref<2048xi32, #tpu.memory_space<vmem>> -> memref<128xi32, #tpu.memory_space<vmem>>
    %dma_start3A_65 = arith.constant 0 : i32
    %dma_start3A_66 = tpu.memref_slice %arg7[%dma_start3A_62, %dma_start3A_65] : memref<16x128xi32, #tpu.memory_space<vmem>> -> memref<1x128xi32, #tpu.memory_space<vmem>>
    %dma_start3A_67 = tpu.memref_squeeze %dma_start3A_66 : memref<1x128xi32, #tpu.memory_space<vmem>> -> memref<128xi32, #tpu.memory_space<vmem>>
    %dma_start3A_68 = arith.constant 0 : i32
    %dma_start3A_69 = tpu.memref_slice %arg3[%dma_start3A_68] : memref<2097152xi32, #tpu.memory_space<hbm>> -> memref<2097152xi32, #tpu.memory_space<hbm>>
    tpu.enqueue_indirect_dma source(%dma_start3A_69 : memref<2097152xi32, #tpu.memory_space<hbm>>) target(%dma_start3A_64 : memref<128xi32, #tpu.memory_space<vmem>>) offsets(%dma_start3A_67 : memref<128xi32, #tpu.memory_space<vmem>>) semaphore(%arg11 : memref<!tpu.dma_semaphore, #tpu.memory_space<semaphore_mem>>)
    %scan3A_70 = arith.constant 4 : i32
    %scan3A_71 = arith.constant 0 : i32
    %scan3A_72 = arith.constant 0 : i32
    %scan3A_73 = arith.constant 8 : i32
    %scan3A_74 = arith.addi %scan3A_72, %scan3A_73 : i32
    %scan3A_75 = arith.constant 1 : i32
    %scan3A_76 = scf.for %scan3A_930 = %scan3A_72 to %scan3A_74 step %scan3A_75 iter_args(%scan3A_931 = %scan3A_71) -> (i32)  : i32 {
      %mul3A_932 = arith.constant 16 : i32
      %mul3A_933 = arith.muli %scan3A_930, %mul3A_932 : i32
      %add3A_934 = arith.constant 1024 : i32
      %add3A_935 = arith.addi %add3A_934, %mul3A_933 : i32
      %get3A_936 = arith.index_cast %add3A_935 : i32 to index
      %get3A_937 = tpu.vector_load %arg6[%get3A_936] {strides = array<i32>} : memref<4096xf32, #tpu.memory_space<vmem>>, vector<16xf32>,
      %get3A_938 = vector.shape_cast %get3A_937 : vector<16xf32> to vector<16xf32>
      %mul3A_939 = arith.constant 5.120000e+02 : f32
      %mul3A_940 = vector.broadcast %mul3A_939 : f32 to vector<16xf32>
      %mul3A_941 = arith.mulf %get3A_938, %mul3A_940 : vector<16xf32>
      %convert_element_type3A = arith.fptosi %mul3A_941 : vector<16xf32> to vector<16xi32>
      %convert_element_type3A_942 = arith.sitofp %convert_element_type3A : vector<16xi32> to vector<16xf32>
      %eq3A = arith.cmpf oeq, %convert_element_type3A_942, %mul3A_941 : vector<16xf32>
      %and3A_943 = arith.constant 1 : i32
      %and3A_944 = vector.broadcast %and3A_943 : i32 to vector<16xi32>
      %and3A_945 = arith.andi %convert_element_type3A, %and3A_944 : vector<16xi32>
      %eq3A_946 = arith.constant 1 : i32
      %eq3A_947 = vector.broadcast %eq3A_946 : i32 to vector<16xi32>
      %eq3A_948 = arith.cmpi eq, %and3A_945, %eq3A_947 : vector<16xi32>
      %and3A_949 = arith.andi %eq3A, %eq3A_948 : vector<16xi1>
      %jit3A = arith.constant 1 : i32
      %jit3A_950 = arith.constant 0 : i32
      %broadcast_in_dim3A = vector.broadcast %jit3A : i32 to vector<16xi32>
      %broadcast_in_dim3A_951 = vector.broadcast %jit3A_950 : i32 to vector<16xi32>
      %select_n3A = arith.select %and3A_949, %broadcast_in_dim3A, %broadcast_in_dim3A_951 : vector<16xi1>, vector<16xi32>
      %sub3A = arith.subi %convert_element_type3A, %select_n3A : vector<16xi32>
      %jit3A_952 = arith.constant 0 : i32
      %jit3A_953 = arith.constant 511 : i32
      %max3A = vector.broadcast %jit3A_952 : i32 to vector<16xi32>
      %max3A_954 = arith.maxsi %max3A, %sub3A : vector<16xi32>
      %min3A = vector.broadcast %jit3A_953 : i32 to vector<16xi32>
      %min3A_955 = arith.minsi %min3A, %max3A_954 : vector<16xi32>
      %mul3A_956 = arith.constant 16 : i32
      %mul3A_957 = arith.muli %scan3A_930, %mul3A_956 : i32
      %add3A_958 = arith.constant 1152 : i32
      %add3A_959 = arith.addi %add3A_958, %mul3A_957 : i32
      %get3A_960 = arith.index_cast %add3A_959 : i32 to index
      %get3A_961 = tpu.vector_load %arg6[%get3A_960] {strides = array<i32>} : memref<4096xf32, #tpu.memory_space<vmem>>, vector<16xf32>,
      %get3A_962 = vector.shape_cast %get3A_961 : vector<16xf32> to vector<16xf32>
      %mul3A_963 = arith.constant 5.120000e+02 : f32
      %mul3A_964 = vector.broadcast %mul3A_963 : f32 to vector<16xf32>
      %mul3A_965 = arith.mulf %get3A_962, %mul3A_964 : vector<16xf32>
      %convert_element_type3A_966 = arith.fptosi %mul3A_965 : vector<16xf32> to vector<16xi32>
      %convert_element_type3A_967 = arith.sitofp %convert_element_type3A_966 : vector<16xi32> to vector<16xf32>
      %eq3A_968 = arith.cmpf oeq, %convert_element_type3A_967, %mul3A_965 : vector<16xf32>
      %and3A_969 = arith.constant 1 : i32
      %and3A_970 = vector.broadcast %and3A_969 : i32 to vector<16xi32>
      %and3A_971 = arith.andi %convert_element_type3A_966, %and3A_970 : vector<16xi32>
      %eq3A_972 = arith.constant 1 : i32
      %eq3A_973 = vector.broadcast %eq3A_972 : i32 to vector<16xi32>
      %eq3A_974 = arith.cmpi eq, %and3A_971, %eq3A_973 : vector<16xi32>
      %and3A_975 = arith.andi %eq3A_968, %eq3A_974 : vector<16xi1>
      %jit3A_976 = arith.constant 1 : i32
      %jit3A_977 = arith.constant 0 : i32
      %broadcast_in_dim3A_978 = vector.broadcast %jit3A_976 : i32 to vector<16xi32>
      %broadcast_in_dim3A_979 = vector.broadcast %jit3A_977 : i32 to vector<16xi32>
      %select_n3A_980 = arith.select %and3A_975, %broadcast_in_dim3A_978, %broadcast_in_dim3A_979 : vector<16xi1>, vector<16xi32>
      %sub3A_981 = arith.subi %convert_element_type3A_966, %select_n3A_980 : vector<16xi32>
      %jit3A_982 = arith.constant 0 : i32
      %jit3A_983 = arith.constant 511 : i32
      %max3A_984 = vector.broadcast %jit3A_982 : i32 to vector<16xi32>
      %max3A_985 = arith.maxsi %max3A_984, %sub3A_981 : vector<16xi32>
      %min3A_986 = vector.broadcast %jit3A_983 : i32 to vector<16xi32>
      %min3A_987 = arith.minsi %min3A_986, %max3A_985 : vector<16xi32>
      %mul3A_988 = arith.constant 512 : i32
      %mul3A_989 = vector.broadcast %mul3A_988 : i32 to vector<16xi32>
      %mul3A_990 = arith.muli %min3A_987, %mul3A_989 : vector<16xi32>
      %add3A_991 = vector.broadcast %shift_left3A_5 : i32 to vector<16xi32>
      %add3A_992 = arith.addi %add3A_991, %mul3A_990 : vector<16xi32>
      %add3A_993 = arith.addi %add3A_992, %min3A_955 : vector<16xi32>
      %mul3A_994 = arith.constant 16 : i32
      %mul3A_995 = arith.muli %scan3A_930, %mul3A_994 : i32
      %swap3A_996 = arith.constant 0 : i32
      %swap3A_997 = tpu.memref_slice %arg7[%scan3A_70, %swap3A_996] : memref<16x128xi32, #tpu.memory_space<vmem>> -> memref<1x128xi32, #tpu.memory_space<vmem>>
      %swap3A_998 = tpu.memref_squeeze %swap3A_997 : memref<1x128xi32, #tpu.memory_space<vmem>> -> memref<128xi32, #tpu.memory_space<vmem>>
      %swap3A_999 = arith.index_cast %mul3A_995 : i32 to index
      %swap3A_1000 = tpu.vector_load %swap3A_998[%swap3A_999] {strides = array<i32>} : memref<128xi32, #tpu.memory_space<vmem>>, vector<16xi32>,
      %swap3A_1001 = vector.shape_cast %swap3A_1000 : vector<16xi32> to vector<16xi32>
      %swap3A_1002 = vector.shape_cast %add3A_993 : vector<16xi32> to vector<16xi32>
      tpu.vector_store %swap3A_998[%swap3A_999], %swap3A_1002 {strides = array<i32>} : memref<128xi32, #tpu.memory_space<vmem>>, vector<16xi32>,
      %scan3A_1003 = arith.constant 0 : i32
      scf.yield %scan3A_1003 : i32
    }
    %scan3A_77 = arith.constant 8 : i32
    %dma_start3A_78 = arith.constant 4 : i32
    %dma_start3A_79 = arith.constant 512 : i32
    %dma_start3A_80 = tpu.memref_slice %arg8[%dma_start3A_79] : memref<2048xi32, #tpu.memory_space<vmem>> -> memref<128xi32, #tpu.memory_space<vmem>>
    %dma_start3A_81 = arith.constant 0 : i32
    %dma_start3A_82 = tpu.memref_slice %arg7[%dma_start3A_78, %dma_start3A_81] : memref<16x128xi32, #tpu.memory_space<vmem>> -> memref<1x128xi32, #tpu.memory_space<vmem>>
    %dma_start3A_83 = tpu.memref_squeeze %dma_start3A_82 : memref<1x128xi32, #tpu.memory_space<vmem>> -> memref<128xi32, #tpu.memory_space<vmem>>
    %dma_start3A_84 = arith.constant 0 : i32
    %dma_start3A_85 = tpu.memref_slice %arg3[%dma_start3A_84] : memref<2097152xi32, #tpu.memory_space<hbm>> -> memref<2097152xi32, #tpu.memory_space<hbm>>
    tpu.enqueue_indirect_dma source(%dma_start3A_85 : memref<2097152xi32, #tpu.memory_space<hbm>>) target(%dma_start3A_80 : memref<128xi32, #tpu.memory_space<vmem>>) offsets(%dma_start3A_83 : memref<128xi32, #tpu.memory_space<vmem>>) semaphore(%arg11 : memref<!tpu.dma_semaphore, #tpu.memory_space<semaphore_mem>>)
    %scan3A_86 = arith.constant 5 : i32
    %scan3A_87 = arith.constant 0 : i32
    %scan3A_88 = arith.constant 0 : i32
    %scan3A_89 = arith.constant 8 : i32
    %scan3A_90 = arith.addi %scan3A_88, %scan3A_89 : i32
    %scan3A_91 = arith.constant 1 : i32
    %scan3A_92 = scf.for %scan3A_930 = %scan3A_88 to %scan3A_90 step %scan3A_91 iter_args(%scan3A_931 = %scan3A_87) -> (i32)  : i32 {
      %mul3A_932 = arith.constant 16 : i32
      %mul3A_933 = arith.muli %scan3A_930, %mul3A_932 : i32
      %add3A_934 = arith.constant 1280 : i32
      %add3A_935 = arith.addi %add3A_934, %mul3A_933 : i32
      %get3A_936 = arith.index_cast %add3A_935 : i32 to index
      %get3A_937 = tpu.vector_load %arg6[%get3A_936] {strides = array<i32>} : memref<4096xf32, #tpu.memory_space<vmem>>, vector<16xf32>,
      %get3A_938 = vector.shape_cast %get3A_937 : vector<16xf32> to vector<16xf32>
      %mul3A_939 = arith.constant 5.120000e+02 : f32
      %mul3A_940 = vector.broadcast %mul3A_939 : f32 to vector<16xf32>
      %mul3A_941 = arith.mulf %get3A_938, %mul3A_940 : vector<16xf32>
      %convert_element_type3A = arith.fptosi %mul3A_941 : vector<16xf32> to vector<16xi32>
      %convert_element_type3A_942 = arith.sitofp %convert_element_type3A : vector<16xi32> to vector<16xf32>
      %eq3A = arith.cmpf oeq, %convert_element_type3A_942, %mul3A_941 : vector<16xf32>
      %and3A_943 = arith.constant 1 : i32
      %and3A_944 = vector.broadcast %and3A_943 : i32 to vector<16xi32>
      %and3A_945 = arith.andi %convert_element_type3A, %and3A_944 : vector<16xi32>
      %eq3A_946 = arith.constant 1 : i32
      %eq3A_947 = vector.broadcast %eq3A_946 : i32 to vector<16xi32>
      %eq3A_948 = arith.cmpi eq, %and3A_945, %eq3A_947 : vector<16xi32>
      %and3A_949 = arith.andi %eq3A, %eq3A_948 : vector<16xi1>
      %jit3A = arith.constant 1 : i32
      %jit3A_950 = arith.constant 0 : i32
      %broadcast_in_dim3A = vector.broadcast %jit3A : i32 to vector<16xi32>
      %broadcast_in_dim3A_951 = vector.broadcast %jit3A_950 : i32 to vector<16xi32>
      %select_n3A = arith.select %and3A_949, %broadcast_in_dim3A, %broadcast_in_dim3A_951 : vector<16xi1>, vector<16xi32>
      %sub3A = arith.subi %convert_element_type3A, %select_n3A : vector<16xi32>
      %jit3A_952 = arith.constant 0 : i32
      %jit3A_953 = arith.constant 511 : i32
      %max3A = vector.broadcast %jit3A_952 : i32 to vector<16xi32>
      %max3A_954 = arith.maxsi %max3A, %sub3A : vector<16xi32>
      %min3A = vector.broadcast %jit3A_953 : i32 to vector<16xi32>
      %min3A_955 = arith.minsi %min3A, %max3A_954 : vector<16xi32>
      %mul3A_956 = arith.constant 16 : i32
      %mul3A_957 = arith.muli %scan3A_930, %mul3A_956 : i32
      %add3A_958 = arith.constant 1408 : i32
      %add3A_959 = arith.addi %add3A_958, %mul3A_957 : i32
      %get3A_960 = arith.index_cast %add3A_959 : i32 to index
      %get3A_961 = tpu.vector_load %arg6[%get3A_960] {strides = array<i32>} : memref<4096xf32, #tpu.memory_space<vmem>>, vector<16xf32>,
      %get3A_962 = vector.shape_cast %get3A_961 : vector<16xf32> to vector<16xf32>
      %mul3A_963 = arith.constant 5.120000e+02 : f32
      %mul3A_964 = vector.broadcast %mul3A_963 : f32 to vector<16xf32>
      %mul3A_965 = arith.mulf %get3A_962, %mul3A_964 : vector<16xf32>
      %convert_element_type3A_966 = arith.fptosi %mul3A_965 : vector<16xf32> to vector<16xi32>
      %convert_element_type3A_967 = arith.sitofp %convert_element_type3A_966 : vector<16xi32> to vector<16xf32>
      %eq3A_968 = arith.cmpf oeq, %convert_element_type3A_967, %mul3A_965 : vector<16xf32>
      %and3A_969 = arith.constant 1 : i32
      %and3A_970 = vector.broadcast %and3A_969 : i32 to vector<16xi32>
      %and3A_971 = arith.andi %convert_element_type3A_966, %and3A_970 : vector<16xi32>
      %eq3A_972 = arith.constant 1 : i32
      %eq3A_973 = vector.broadcast %eq3A_972 : i32 to vector<16xi32>
      %eq3A_974 = arith.cmpi eq, %and3A_971, %eq3A_973 : vector<16xi32>
      %and3A_975 = arith.andi %eq3A_968, %eq3A_974 : vector<16xi1>
      %jit3A_976 = arith.constant 1 : i32
      %jit3A_977 = arith.constant 0 : i32
      %broadcast_in_dim3A_978 = vector.broadcast %jit3A_976 : i32 to vector<16xi32>
      %broadcast_in_dim3A_979 = vector.broadcast %jit3A_977 : i32 to vector<16xi32>
      %select_n3A_980 = arith.select %and3A_975, %broadcast_in_dim3A_978, %broadcast_in_dim3A_979 : vector<16xi1>, vector<16xi32>
      %sub3A_981 = arith.subi %convert_element_type3A_966, %select_n3A_980 : vector<16xi32>
      %jit3A_982 = arith.constant 0 : i32
      %jit3A_983 = arith.constant 511 : i32
      %max3A_984 = vector.broadcast %jit3A_982 : i32 to vector<16xi32>
      %max3A_985 = arith.maxsi %max3A_984, %sub3A_981 : vector<16xi32>
      %min3A_986 = vector.broadcast %jit3A_983 : i32 to vector<16xi32>
      %min3A_987 = arith.minsi %min3A_986, %max3A_985 : vector<16xi32>
      %mul3A_988 = arith.constant 512 : i32
      %mul3A_989 = vector.broadcast %mul3A_988 : i32 to vector<16xi32>
      %mul3A_990 = arith.muli %min3A_987, %mul3A_989 : vector<16xi32>
      %add3A_991 = vector.broadcast %shift_left3A_5 : i32 to vector<16xi32>
      %add3A_992 = arith.addi %add3A_991, %mul3A_990 : vector<16xi32>
      %add3A_993 = arith.addi %add3A_992, %min3A_955 : vector<16xi32>
      %mul3A_994 = arith.constant 16 : i32
      %mul3A_995 = arith.muli %scan3A_930, %mul3A_994 : i32
      %swap3A_996 = arith.constant 0 : i32
      %swap3A_997 = tpu.memref_slice %arg7[%scan3A_86, %swap3A_996] : memref<16x128xi32, #tpu.memory_space<vmem>> -> memref<1x128xi32, #tpu.memory_space<vmem>>
      %swap3A_998 = tpu.memref_squeeze %swap3A_997 : memref<1x128xi32, #tpu.memory_space<vmem>> -> memref<128xi32, #tpu.memory_space<vmem>>
      %swap3A_999 = arith.index_cast %mul3A_995 : i32 to index
      %swap3A_1000 = tpu.vector_load %swap3A_998[%swap3A_999] {strides = array<i32>} : memref<128xi32, #tpu.memory_space<vmem>>, vector<16xi32>,
      %swap3A_1001 = vector.shape_cast %swap3A_1000 : vector<16xi32> to vector<16xi32>
      %swap3A_1002 = vector.shape_cast %add3A_993 : vector<16xi32> to vector<16xi32>
      tpu.vector_store %swap3A_998[%swap3A_999], %swap3A_1002 {strides = array<i32>} : memref<128xi32, #tpu.memory_space<vmem>>, vector<16xi32>,
      %scan3A_1003 = arith.constant 0 : i32
      scf.yield %scan3A_1003 : i32
    }
    %scan3A_93 = arith.constant 8 : i32
    %dma_start3A_94 = arith.constant 5 : i32
    %dma_start3A_95 = arith.constant 640 : i32
    %dma_start3A_96 = tpu.memref_slice %arg8[%dma_start3A_95] : memref<2048xi32, #tpu.memory_space<vmem>> -> memref<128xi32, #tpu.memory_space<vmem>>
    %dma_start3A_97 = arith.constant 0 : i32
    %dma_start3A_98 = tpu.memref_slice %arg7[%dma_start3A_94, %dma_start3A_97] : memref<16x128xi32, #tpu.memory_space<vmem>> -> memref<1x128xi32, #tpu.memory_space<vmem>>
    %dma_start3A_99 = tpu.memref_squeeze %dma_start3A_98 : memref<1x128xi32, #tpu.memory_space<vmem>> -> memref<128xi32, #tpu.memory_space<vmem>>
    %dma_start3A_100 = arith.constant 0 : i32
    %dma_start3A_101 = tpu.memref_slice %arg3[%dma_start3A_100] : memref<2097152xi32, #tpu.memory_space<hbm>> -> memref<2097152xi32, #tpu.memory_space<hbm>>
    tpu.enqueue_indirect_dma source(%dma_start3A_101 : memref<2097152xi32, #tpu.memory_space<hbm>>) target(%dma_start3A_96 : memref<128xi32, #tpu.memory_space<vmem>>) offsets(%dma_start3A_99 : memref<128xi32, #tpu.memory_space<vmem>>) semaphore(%arg11 : memref<!tpu.dma_semaphore, #tpu.memory_space<semaphore_mem>>)
    %scan3A_102 = arith.constant 6 : i32
    %scan3A_103 = arith.constant 0 : i32
    %scan3A_104 = arith.constant 0 : i32
    %scan3A_105 = arith.constant 8 : i32
    %scan3A_106 = arith.addi %scan3A_104, %scan3A_105 : i32
    %scan3A_107 = arith.constant 1 : i32
    %scan3A_108 = scf.for %scan3A_930 = %scan3A_104 to %scan3A_106 step %scan3A_107 iter_args(%scan3A_931 = %scan3A_103) -> (i32)  : i32 {
      %mul3A_932 = arith.constant 16 : i32
      %mul3A_933 = arith.muli %scan3A_930, %mul3A_932 : i32
      %add3A_934 = arith.constant 1536 : i32
      %add3A_935 = arith.addi %add3A_934, %mul3A_933 : i32
      %get3A_936 = arith.index_cast %add3A_935 : i32 to index
      %get3A_937 = tpu.vector_load %arg6[%get3A_936] {strides = array<i32>} : memref<4096xf32, #tpu.memory_space<vmem>>, vector<16xf32>,
      %get3A_938 = vector.shape_cast %get3A_937 : vector<16xf32> to vector<16xf32>
      %mul3A_939 = arith.constant 5.120000e+02 : f32
      %mul3A_940 = vector.broadcast %mul3A_939 : f32 to vector<16xf32>
      %mul3A_941 = arith.mulf %get3A_938, %mul3A_940 : vector<16xf32>
      %convert_element_type3A = arith.fptosi %mul3A_941 : vector<16xf32> to vector<16xi32>
      %convert_element_type3A_942 = arith.sitofp %convert_element_type3A : vector<16xi32> to vector<16xf32>
      %eq3A = arith.cmpf oeq, %convert_element_type3A_942, %mul3A_941 : vector<16xf32>
      %and3A_943 = arith.constant 1 : i32
      %and3A_944 = vector.broadcast %and3A_943 : i32 to vector<16xi32>
      %and3A_945 = arith.andi %convert_element_type3A, %and3A_944 : vector<16xi32>
      %eq3A_946 = arith.constant 1 : i32
      %eq3A_947 = vector.broadcast %eq3A_946 : i32 to vector<16xi32>
      %eq3A_948 = arith.cmpi eq, %and3A_945, %eq3A_947 : vector<16xi32>
      %and3A_949 = arith.andi %eq3A, %eq3A_948 : vector<16xi1>
      %jit3A = arith.constant 1 : i32
      %jit3A_950 = arith.constant 0 : i32
      %broadcast_in_dim3A = vector.broadcast %jit3A : i32 to vector<16xi32>
      %broadcast_in_dim3A_951 = vector.broadcast %jit3A_950 : i32 to vector<16xi32>
      %select_n3A = arith.select %and3A_949, %broadcast_in_dim3A, %broadcast_in_dim3A_951 : vector<16xi1>, vector<16xi32>
      %sub3A = arith.subi %convert_element_type3A, %select_n3A : vector<16xi32>
      %jit3A_952 = arith.constant 0 : i32
      %jit3A_953 = arith.constant 511 : i32
      %max3A = vector.broadcast %jit3A_952 : i32 to vector<16xi32>
      %max3A_954 = arith.maxsi %max3A, %sub3A : vector<16xi32>
      %min3A = vector.broadcast %jit3A_953 : i32 to vector<16xi32>
      %min3A_955 = arith.minsi %min3A, %max3A_954 : vector<16xi32>
      %mul3A_956 = arith.constant 16 : i32
      %mul3A_957 = arith.muli %scan3A_930, %mul3A_956 : i32
      %add3A_958 = arith.constant 1664 : i32
      %add3A_959 = arith.addi %add3A_958, %mul3A_957 : i32
      %get3A_960 = arith.index_cast %add3A_959 : i32 to index
      %get3A_961 = tpu.vector_load %arg6[%get3A_960] {strides = array<i32>} : memref<4096xf32, #tpu.memory_space<vmem>>, vector<16xf32>,
      %get3A_962 = vector.shape_cast %get3A_961 : vector<16xf32> to vector<16xf32>
      %mul3A_963 = arith.constant 5.120000e+02 : f32
      %mul3A_964 = vector.broadcast %mul3A_963 : f32 to vector<16xf32>
      %mul3A_965 = arith.mulf %get3A_962, %mul3A_964 : vector<16xf32>
      %convert_element_type3A_966 = arith.fptosi %mul3A_965 : vector<16xf32> to vector<16xi32>
      %convert_element_type3A_967 = arith.sitofp %convert_element_type3A_966 : vector<16xi32> to vector<16xf32>
      %eq3A_968 = arith.cmpf oeq, %convert_element_type3A_967, %mul3A_965 : vector<16xf32>
      %and3A_969 = arith.constant 1 : i32
      %and3A_970 = vector.broadcast %and3A_969 : i32 to vector<16xi32>
      %and3A_971 = arith.andi %convert_element_type3A_966, %and3A_970 : vector<16xi32>
      %eq3A_972 = arith.constant 1 : i32
      %eq3A_973 = vector.broadcast %eq3A_972 : i32 to vector<16xi32>
      %eq3A_974 = arith.cmpi eq, %and3A_971, %eq3A_973 : vector<16xi32>
      %and3A_975 = arith.andi %eq3A_968, %eq3A_974 : vector<16xi1>
      %jit3A_976 = arith.constant 1 : i32
      %jit3A_977 = arith.constant 0 : i32
      %broadcast_in_dim3A_978 = vector.broadcast %jit3A_976 : i32 to vector<16xi32>
      %broadcast_in_dim3A_979 = vector.broadcast %jit3A_977 : i32 to vector<16xi32>
      %select_n3A_980 = arith.select %and3A_975, %broadcast_in_dim3A_978, %broadcast_in_dim3A_979 : vector<16xi1>, vector<16xi32>
      %sub3A_981 = arith.subi %convert_element_type3A_966, %select_n3A_980 : vector<16xi32>
      %jit3A_982 = arith.constant 0 : i32
      %jit3A_983 = arith.constant 511 : i32
      %max3A_984 = vector.broadcast %jit3A_982 : i32 to vector<16xi32>
      %max3A_985 = arith.maxsi %max3A_984, %sub3A_981 : vector<16xi32>
      %min3A_986 = vector.broadcast %jit3A_983 : i32 to vector<16xi32>
      %min3A_987 = arith.minsi %min3A_986, %max3A_985 : vector<16xi32>
      %mul3A_988 = arith.constant 512 : i32
      %mul3A_989 = vector.broadcast %mul3A_988 : i32 to vector<16xi32>
      %mul3A_990 = arith.muli %min3A_987, %mul3A_989 : vector<16xi32>
      %add3A_991 = vector.broadcast %shift_left3A_5 : i32 to vector<16xi32>
      %add3A_992 = arith.addi %add3A_991, %mul3A_990 : vector<16xi32>
      %add3A_993 = arith.addi %add3A_992, %min3A_955 : vector<16xi32>
      %mul3A_994 = arith.constant 16 : i32
      %mul3A_995 = arith.muli %scan3A_930, %mul3A_994 : i32
      %swap3A_996 = arith.constant 0 : i32
      %swap3A_997 = tpu.memref_slice %arg7[%scan3A_102, %swap3A_996] : memref<16x128xi32, #tpu.memory_space<vmem>> -> memref<1x128xi32, #tpu.memory_space<vmem>>
      %swap3A_998 = tpu.memref_squeeze %swap3A_997 : memref<1x128xi32, #tpu.memory_space<vmem>> -> memref<128xi32, #tpu.memory_space<vmem>>
      %swap3A_999 = arith.index_cast %mul3A_995 : i32 to index
      %swap3A_1000 = tpu.vector_load %swap3A_998[%swap3A_999] {strides = array<i32>} : memref<128xi32, #tpu.memory_space<vmem>>, vector<16xi32>,
      %swap3A_1001 = vector.shape_cast %swap3A_1000 : vector<16xi32> to vector<16xi32>
      %swap3A_1002 = vector.shape_cast %add3A_993 : vector<16xi32> to vector<16xi32>
      tpu.vector_store %swap3A_998[%swap3A_999], %swap3A_1002 {strides = array<i32>} : memref<128xi32, #tpu.memory_space<vmem>>, vector<16xi32>,
      %scan3A_1003 = arith.constant 0 : i32
      scf.yield %scan3A_1003 : i32
    }
    %scan3A_109 = arith.constant 8 : i32
    %dma_start3A_110 = arith.constant 6 : i32
    %dma_start3A_111 = arith.constant 768 : i32
    %dma_start3A_112 = tpu.memref_slice %arg8[%dma_start3A_111] : memref<2048xi32, #tpu.memory_space<vmem>> -> memref<128xi32, #tpu.memory_space<vmem>>
    %dma_start3A_113 = arith.constant 0 : i32
    %dma_start3A_114 = tpu.memref_slice %arg7[%dma_start3A_110, %dma_start3A_113] : memref<16x128xi32, #tpu.memory_space<vmem>> -> memref<1x128xi32, #tpu.memory_space<vmem>>
    %dma_start3A_115 = tpu.memref_squeeze %dma_start3A_114 : memref<1x128xi32, #tpu.memory_space<vmem>> -> memref<128xi32, #tpu.memory_space<vmem>>
    %dma_start3A_116 = arith.constant 0 : i32
    %dma_start3A_117 = tpu.memref_slice %arg3[%dma_start3A_116] : memref<2097152xi32, #tpu.memory_space<hbm>> -> memref<2097152xi32, #tpu.memory_space<hbm>>
    tpu.enqueue_indirect_dma source(%dma_start3A_117 : memref<2097152xi32, #tpu.memory_space<hbm>>) target(%dma_start3A_112 : memref<128xi32, #tpu.memory_space<vmem>>) offsets(%dma_start3A_115 : memref<128xi32, #tpu.memory_space<vmem>>) semaphore(%arg11 : memref<!tpu.dma_semaphore, #tpu.memory_space<semaphore_mem>>)
    %scan3A_118 = arith.constant 7 : i32
    %scan3A_119 = arith.constant 0 : i32
    %scan3A_120 = arith.constant 0 : i32
    %scan3A_121 = arith.constant 8 : i32
    %scan3A_122 = arith.addi %scan3A_120, %scan3A_121 : i32
    %scan3A_123 = arith.constant 1 : i32
    %scan3A_124 = scf.for %scan3A_930 = %scan3A_120 to %scan3A_122 step %scan3A_123 iter_args(%scan3A_931 = %scan3A_119) -> (i32)  : i32 {
      %mul3A_932 = arith.constant 16 : i32
      %mul3A_933 = arith.muli %scan3A_930, %mul3A_932 : i32
      %add3A_934 = arith.constant 1792 : i32
      %add3A_935 = arith.addi %add3A_934, %mul3A_933 : i32
      %get3A_936 = arith.index_cast %add3A_935 : i32 to index
      %get3A_937 = tpu.vector_load %arg6[%get3A_936] {strides = array<i32>} : memref<4096xf32, #tpu.memory_space<vmem>>, vector<16xf32>,
      %get3A_938 = vector.shape_cast %get3A_937 : vector<16xf32> to vector<16xf32>
      %mul3A_939 = arith.constant 5.120000e+02 : f32
      %mul3A_940 = vector.broadcast %mul3A_939 : f32 to vector<16xf32>
      %mul3A_941 = arith.mulf %get3A_938, %mul3A_940 : vector<16xf32>
      %convert_element_type3A = arith.fptosi %mul3A_941 : vector<16xf32> to vector<16xi32>
      %convert_element_type3A_942 = arith.sitofp %convert_element_type3A : vector<16xi32> to vector<16xf32>
      %eq3A = arith.cmpf oeq, %convert_element_type3A_942, %mul3A_941 : vector<16xf32>
      %and3A_943 = arith.constant 1 : i32
      %and3A_944 = vector.broadcast %and3A_943 : i32 to vector<16xi32>
      %and3A_945 = arith.andi %convert_element_type3A, %and3A_944 : vector<16xi32>
      %eq3A_946 = arith.constant 1 : i32
      %eq3A_947 = vector.broadcast %eq3A_946 : i32 to vector<16xi32>
      %eq3A_948 = arith.cmpi eq, %and3A_945, %eq3A_947 : vector<16xi32>
      %and3A_949 = arith.andi %eq3A, %eq3A_948 : vector<16xi1>
      %jit3A = arith.constant 1 : i32
      %jit3A_950 = arith.constant 0 : i32
      %broadcast_in_dim3A = vector.broadcast %jit3A : i32 to vector<16xi32>
      %broadcast_in_dim3A_951 = vector.broadcast %jit3A_950 : i32 to vector<16xi32>
      %select_n3A = arith.select %and3A_949, %broadcast_in_dim3A, %broadcast_in_dim3A_951 : vector<16xi1>, vector<16xi32>
      %sub3A = arith.subi %convert_element_type3A, %select_n3A : vector<16xi32>
      %jit3A_952 = arith.constant 0 : i32
      %jit3A_953 = arith.constant 511 : i32
      %max3A = vector.broadcast %jit3A_952 : i32 to vector<16xi32>
      %max3A_954 = arith.maxsi %max3A, %sub3A : vector<16xi32>
      %min3A = vector.broadcast %jit3A_953 : i32 to vector<16xi32>
      %min3A_955 = arith.minsi %min3A, %max3A_954 : vector<16xi32>
      %mul3A_956 = arith.constant 16 : i32
      %mul3A_957 = arith.muli %scan3A_930, %mul3A_956 : i32
      %add3A_958 = arith.constant 1920 : i32
      %add3A_959 = arith.addi %add3A_958, %mul3A_957 : i32
      %get3A_960 = arith.index_cast %add3A_959 : i32 to index
      %get3A_961 = tpu.vector_load %arg6[%get3A_960] {strides = array<i32>} : memref<4096xf32, #tpu.memory_space<vmem>>, vector<16xf32>,
      %get3A_962 = vector.shape_cast %get3A_961 : vector<16xf32> to vector<16xf32>
      %mul3A_963 = arith.constant 5.120000e+02 : f32
      %mul3A_964 = vector.broadcast %mul3A_963 : f32 to vector<16xf32>
      %mul3A_965 = arith.mulf %get3A_962, %mul3A_964 : vector<16xf32>
      %convert_element_type3A_966 = arith.fptosi %mul3A_965 : vector<16xf32> to vector<16xi32>
      %convert_element_type3A_967 = arith.sitofp %convert_element_type3A_966 : vector<16xi32> to vector<16xf32>
      %eq3A_968 = arith.cmpf oeq, %convert_element_type3A_967, %mul3A_965 : vector<16xf32>
      %and3A_969 = arith.constant 1 : i32
      %and3A_970 = vector.broadcast %and3A_969 : i32 to vector<16xi32>
      %and3A_971 = arith.andi %convert_element_type3A_966, %and3A_970 : vector<16xi32>
      %eq3A_972 = arith.constant 1 : i32
      %eq3A_973 = vector.broadcast %eq3A_972 : i32 to vector<16xi32>
      %eq3A_974 = arith.cmpi eq, %and3A_971, %eq3A_973 : vector<16xi32>
      %and3A_975 = arith.andi %eq3A_968, %eq3A_974 : vector<16xi1>
      %jit3A_976 = arith.constant 1 : i32
      %jit3A_977 = arith.constant 0 : i32
      %broadcast_in_dim3A_978 = vector.broadcast %jit3A_976 : i32 to vector<16xi32>
      %broadcast_in_dim3A_979 = vector.broadcast %jit3A_977 : i32 to vector<16xi32>
      %select_n3A_980 = arith.select %and3A_975, %broadcast_in_dim3A_978, %broadcast_in_dim3A_979 : vector<16xi1>, vector<16xi32>
      %sub3A_981 = arith.subi %convert_element_type3A_966, %select_n3A_980 : vector<16xi32>
      %jit3A_982 = arith.constant 0 : i32
      %jit3A_983 = arith.constant 511 : i32
      %max3A_984 = vector.broadcast %jit3A_982 : i32 to vector<16xi32>
      %max3A_985 = arith.maxsi %max3A_984, %sub3A_981 : vector<16xi32>
      %min3A_986 = vector.broadcast %jit3A_983 : i32 to vector<16xi32>
      %min3A_987 = arith.minsi %min3A_986, %max3A_985 : vector<16xi32>
      %mul3A_988 = arith.constant 512 : i32
      %mul3A_989 = vector.broadcast %mul3A_988 : i32 to vector<16xi32>
      %mul3A_990 = arith.muli %min3A_987, %mul3A_989 : vector<16xi32>
      %add3A_991 = vector.broadcast %shift_left3A_5 : i32 to vector<16xi32>
      %add3A_992 = arith.addi %add3A_991, %mul3A_990 : vector<16xi32>
      %add3A_993 = arith.addi %add3A_992, %min3A_955 : vector<16xi32>
      %mul3A_994 = arith.constant 16 : i32
      %mul3A_995 = arith.muli %scan3A_930, %mul3A_994 : i32
      %swap3A_996 = arith.constant 0 : i32
      %swap3A_997 = tpu.memref_slice %arg7[%scan3A_118, %swap3A_996] : memref<16x128xi32, #tpu.memory_space<vmem>> -> memref<1x128xi32, #tpu.memory_space<vmem>>
      %swap3A_998 = tpu.memref_squeeze %swap3A_997 : memref<1x128xi32, #tpu.memory_space<vmem>> -> memref<128xi32, #tpu.memory_space<vmem>>
      %swap3A_999 = arith.index_cast %mul3A_995 : i32 to index
      %swap3A_1000 = tpu.vector_load %swap3A_998[%swap3A_999] {strides = array<i32>} : memref<128xi32, #tpu.memory_space<vmem>>, vector<16xi32>,
      %swap3A_1001 = vector.shape_cast %swap3A_1000 : vector<16xi32> to vector<16xi32>
      %swap3A_1002 = vector.shape_cast %add3A_993 : vector<16xi32> to vector<16xi32>
      tpu.vector_store %swap3A_998[%swap3A_999], %swap3A_1002 {strides = array<i32>} : memref<128xi32, #tpu.memory_space<vmem>>, vector<16xi32>,
      %scan3A_1003 = arith.constant 0 : i32
      scf.yield %scan3A_1003 : i32
    }
    %scan3A_125 = arith.constant 8 : i32
    %dma_start3A_126 = arith.constant 7 : i32
    %dma_start3A_127 = arith.constant 896 : i32
    %dma_start3A_128 = tpu.memref_slice %arg8[%dma_start3A_127] : memref<2048xi32, #tpu.memory_space<vmem>> -> memref<128xi32, #tpu.memory_space<vmem>>
    %dma_start3A_129 = arith.constant 0 : i32
    %dma_start3A_130 = tpu.memref_slice %arg7[%dma_start3A_126, %dma_start3A_129] : memref<16x128xi32, #tpu.memory_space<vmem>> -> memref<1x128xi32, #tpu.memory_space<vmem>>
    %dma_start3A_131 = tpu.memref_squeeze %dma_start3A_130 : memref<1x128xi32, #tpu.memory_space<vmem>> -> memref<128xi32, #tpu.memory_space<vmem>>
    %dma_start3A_132 = arith.constant 0 : i32
    %dma_start3A_133 = tpu.memref_slice %arg3[%dma_start3A_132] : memref<2097152xi32, #tpu.memory_space<hbm>> -> memref<2097152xi32, #tpu.memory_space<hbm>>
    tpu.enqueue_indirect_dma source(%dma_start3A_133 : memref<2097152xi32, #tpu.memory_space<hbm>>) target(%dma_start3A_128 : memref<128xi32, #tpu.memory_space<vmem>>) offsets(%dma_start3A_131 : memref<128xi32, #tpu.memory_space<vmem>>) semaphore(%arg11 : memref<!tpu.dma_semaphore, #tpu.memory_space<semaphore_mem>>)
    %scan3A_134 = arith.constant 8 : i32
    %scan3A_135 = arith.constant 0 : i32
    %scan3A_136 = arith.constant 0 : i32
    %scan3A_137 = arith.constant 8 : i32
    %scan3A_138 = arith.addi %scan3A_136, %scan3A_137 : i32
    %scan3A_139 = arith.constant 1 : i32
    %scan3A_140 = scf.for %scan3A_930 = %scan3A_136 to %scan3A_138 step %scan3A_139 iter_args(%scan3A_931 = %scan3A_135) -> (i32)  : i32 {
      %mul3A_932 = arith.constant 16 : i32
      %mul3A_933 = arith.muli %scan3A_930, %mul3A_932 : i32
      %add3A_934 = arith.constant 2048 : i32
      %add3A_935 = arith.addi %add3A_934, %mul3A_933 : i32
      %get3A_936 = arith.index_cast %add3A_935 : i32 to index
      %get3A_937 = tpu.vector_load %arg6[%get3A_936] {strides = array<i32>} : memref<4096xf32, #tpu.memory_space<vmem>>, vector<16xf32>,
      %get3A_938 = vector.shape_cast %get3A_937 : vector<16xf32> to vector<16xf32>
      %mul3A_939 = arith.constant 5.120000e+02 : f32
      %mul3A_940 = vector.broadcast %mul3A_939 : f32 to vector<16xf32>
      %mul3A_941 = arith.mulf %get3A_938, %mul3A_940 : vector<16xf32>
      %convert_element_type3A = arith.fptosi %mul3A_941 : vector<16xf32> to vector<16xi32>
      %convert_element_type3A_942 = arith.sitofp %convert_element_type3A : vector<16xi32> to vector<16xf32>
      %eq3A = arith.cmpf oeq, %convert_element_type3A_942, %mul3A_941 : vector<16xf32>
      %and3A_943 = arith.constant 1 : i32
      %and3A_944 = vector.broadcast %and3A_943 : i32 to vector<16xi32>
      %and3A_945 = arith.andi %convert_element_type3A, %and3A_944 : vector<16xi32>
      %eq3A_946 = arith.constant 1 : i32
      %eq3A_947 = vector.broadcast %eq3A_946 : i32 to vector<16xi32>
      %eq3A_948 = arith.cmpi eq, %and3A_945, %eq3A_947 : vector<16xi32>
      %and3A_949 = arith.andi %eq3A, %eq3A_948 : vector<16xi1>
      %jit3A = arith.constant 1 : i32
      %jit3A_950 = arith.constant 0 : i32
      %broadcast_in_dim3A = vector.broadcast %jit3A : i32 to vector<16xi32>
      %broadcast_in_dim3A_951 = vector.broadcast %jit3A_950 : i32 to vector<16xi32>
      %select_n3A = arith.select %and3A_949, %broadcast_in_dim3A, %broadcast_in_dim3A_951 : vector<16xi1>, vector<16xi32>
      %sub3A = arith.subi %convert_element_type3A, %select_n3A : vector<16xi32>
      %jit3A_952 = arith.constant 0 : i32
      %jit3A_953 = arith.constant 511 : i32
      %max3A = vector.broadcast %jit3A_952 : i32 to vector<16xi32>
      %max3A_954 = arith.maxsi %max3A, %sub3A : vector<16xi32>
      %min3A = vector.broadcast %jit3A_953 : i32 to vector<16xi32>
      %min3A_955 = arith.minsi %min3A, %max3A_954 : vector<16xi32>
      %mul3A_956 = arith.constant 16 : i32
      %mul3A_957 = arith.muli %scan3A_930, %mul3A_956 : i32
      %add3A_958 = arith.constant 2176 : i32
      %add3A_959 = arith.addi %add3A_958, %mul3A_957 : i32
      %get3A_960 = arith.index_cast %add3A_959 : i32 to index
      %get3A_961 = tpu.vector_load %arg6[%get3A_960] {strides = array<i32>} : memref<4096xf32, #tpu.memory_space<vmem>>, vector<16xf32>,
      %get3A_962 = vector.shape_cast %get3A_961 : vector<16xf32> to vector<16xf32>
      %mul3A_963 = arith.constant 5.120000e+02 : f32
      %mul3A_964 = vector.broadcast %mul3A_963 : f32 to vector<16xf32>
      %mul3A_965 = arith.mulf %get3A_962, %mul3A_964 : vector<16xf32>
      %convert_element_type3A_966 = arith.fptosi %mul3A_965 : vector<16xf32> to vector<16xi32>
      %convert_element_type3A_967 = arith.sitofp %convert_element_type3A_966 : vector<16xi32> to vector<16xf32>
      %eq3A_968 = arith.cmpf oeq, %convert_element_type3A_967, %mul3A_965 : vector<16xf32>
      %and3A_969 = arith.constant 1 : i32
      %and3A_970 = vector.broadcast %and3A_969 : i32 to vector<16xi32>
      %and3A_971 = arith.andi %convert_element_type3A_966, %and3A_970 : vector<16xi32>
      %eq3A_972 = arith.constant 1 : i32
      %eq3A_973 = vector.broadcast %eq3A_972 : i32 to vector<16xi32>
      %eq3A_974 = arith.cmpi eq, %and3A_971, %eq3A_973 : vector<16xi32>
      %and3A_975 = arith.andi %eq3A_968, %eq3A_974 : vector<16xi1>
      %jit3A_976 = arith.constant 1 : i32
      %jit3A_977 = arith.constant 0 : i32
      %broadcast_in_dim3A_978 = vector.broadcast %jit3A_976 : i32 to vector<16xi32>
      %broadcast_in_dim3A_979 = vector.broadcast %jit3A_977 : i32 to vector<16xi32>
      %select_n3A_980 = arith.select %and3A_975, %broadcast_in_dim3A_978, %broadcast_in_dim3A_979 : vector<16xi1>, vector<16xi32>
      %sub3A_981 = arith.subi %convert_element_type3A_966, %select_n3A_980 : vector<16xi32>
      %jit3A_982 = arith.constant 0 : i32
      %jit3A_983 = arith.constant 511 : i32
      %max3A_984 = vector.broadcast %jit3A_982 : i32 to vector<16xi32>
      %max3A_985 = arith.maxsi %max3A_984, %sub3A_981 : vector<16xi32>
      %min3A_986 = vector.broadcast %jit3A_983 : i32 to vector<16xi32>
      %min3A_987 = arith.minsi %min3A_986, %max3A_985 : vector<16xi32>
      %mul3A_988 = arith.constant 512 : i32
      %mul3A_989 = vector.broadcast %mul3A_988 : i32 to vector<16xi32>
      %mul3A_990 = arith.muli %min3A_987, %mul3A_989 : vector<16xi32>
      %add3A_991 = vector.broadcast %shift_left3A_5 : i32 to vector<16xi32>
      %add3A_992 = arith.addi %add3A_991, %mul3A_990 : vector<16xi32>
      %add3A_993 = arith.addi %add3A_992, %min3A_955 : vector<16xi32>
      %mul3A_994 = arith.constant 16 : i32
      %mul3A_995 = arith.muli %scan3A_930, %mul3A_994 : i32
      %swap3A_996 = arith.constant 0 : i32
      %swap3A_997 = tpu.memref_slice %arg7[%scan3A_134, %swap3A_996] : memref<16x128xi32, #tpu.memory_space<vmem>> -> memref<1x128xi32, #tpu.memory_space<vmem>>
      %swap3A_998 = tpu.memref_squeeze %swap3A_997 : memref<1x128xi32, #tpu.memory_space<vmem>> -> memref<128xi32, #tpu.memory_space<vmem>>
      %swap3A_999 = arith.index_cast %mul3A_995 : i32 to index
      %swap3A_1000 = tpu.vector_load %swap3A_998[%swap3A_999] {strides = array<i32>} : memref<128xi32, #tpu.memory_space<vmem>>, vector<16xi32>,
      %swap3A_1001 = vector.shape_cast %swap3A_1000 : vector<16xi32> to vector<16xi32>
      %swap3A_1002 = vector.shape_cast %add3A_993 : vector<16xi32> to vector<16xi32>
      tpu.vector_store %swap3A_998[%swap3A_999], %swap3A_1002 {strides = array<i32>} : memref<128xi32, #tpu.memory_space<vmem>>, vector<16xi32>,
      %scan3A_1003 = arith.constant 0 : i32
      scf.yield %scan3A_1003 : i32
    }
    %scan3A_141 = arith.constant 8 : i32
    %dma_start3A_142 = arith.constant 8 : i32
    %dma_start3A_143 = arith.constant 1024 : i32
    %dma_start3A_144 = tpu.memref_slice %arg8[%dma_start3A_143] : memref<2048xi32, #tpu.memory_space<vmem>> -> memref<128xi32, #tpu.memory_space<vmem>>
    %dma_start3A_145 = arith.constant 0 : i32
    %dma_start3A_146 = tpu.memref_slice %arg7[%dma_start3A_142, %dma_start3A_145] : memref<16x128xi32, #tpu.memory_space<vmem>> -> memref<1x128xi32, #tpu.memory_space<vmem>>
    %dma_start3A_147 = tpu.memref_squeeze %dma_start3A_146 : memref<1x128xi32, #tpu.memory_space<vmem>> -> memref<128xi32, #tpu.memory_space<vmem>>
    %dma_start3A_148 = arith.constant 0 : i32
    %dma_start3A_149 = tpu.memref_slice %arg3[%dma_start3A_148] : memref<2097152xi32, #tpu.memory_space<hbm>> -> memref<2097152xi32, #tpu.memory_space<hbm>>
    tpu.enqueue_indirect_dma source(%dma_start3A_149 : memref<2097152xi32, #tpu.memory_space<hbm>>) target(%dma_start3A_144 : memref<128xi32, #tpu.memory_space<vmem>>) offsets(%dma_start3A_147 : memref<128xi32, #tpu.memory_space<vmem>>) semaphore(%arg11 : memref<!tpu.dma_semaphore, #tpu.memory_space<semaphore_mem>>)
    %scan3A_150 = arith.constant 9 : i32
    %scan3A_151 = arith.constant 0 : i32
    %scan3A_152 = arith.constant 0 : i32
    %scan3A_153 = arith.constant 8 : i32
    %scan3A_154 = arith.addi %scan3A_152, %scan3A_153 : i32
    %scan3A_155 = arith.constant 1 : i32
    %scan3A_156 = scf.for %scan3A_930 = %scan3A_152 to %scan3A_154 step %scan3A_155 iter_args(%scan3A_931 = %scan3A_151) -> (i32)  : i32 {
      %mul3A_932 = arith.constant 16 : i32
      %mul3A_933 = arith.muli %scan3A_930, %mul3A_932 : i32
      %add3A_934 = arith.constant 2304 : i32
      %add3A_935 = arith.addi %add3A_934, %mul3A_933 : i32
      %get3A_936 = arith.index_cast %add3A_935 : i32 to index
      %get3A_937 = tpu.vector_load %arg6[%get3A_936] {strides = array<i32>} : memref<4096xf32, #tpu.memory_space<vmem>>, vector<16xf32>,
      %get3A_938 = vector.shape_cast %get3A_937 : vector<16xf32> to vector<16xf32>
      %mul3A_939 = arith.constant 5.120000e+02 : f32
      %mul3A_940 = vector.broadcast %mul3A_939 : f32 to vector<16xf32>
      %mul3A_941 = arith.mulf %get3A_938, %mul3A_940 : vector<16xf32>
      %convert_element_type3A = arith.fptosi %mul3A_941 : vector<16xf32> to vector<16xi32>
      %convert_element_type3A_942 = arith.sitofp %convert_element_type3A : vector<16xi32> to vector<16xf32>
      %eq3A = arith.cmpf oeq, %convert_element_type3A_942, %mul3A_941 : vector<16xf32>
      %and3A_943 = arith.constant 1 : i32
      %and3A_944 = vector.broadcast %and3A_943 : i32 to vector<16xi32>
      %and3A_945 = arith.andi %convert_element_type3A, %and3A_944 : vector<16xi32>
      %eq3A_946 = arith.constant 1 : i32
      %eq3A_947 = vector.broadcast %eq3A_946 : i32 to vector<16xi32>
      %eq3A_948 = arith.cmpi eq, %and3A_945, %eq3A_947 : vector<16xi32>
      %and3A_949 = arith.andi %eq3A, %eq3A_948 : vector<16xi1>
      %jit3A = arith.constant 1 : i32
      %jit3A_950 = arith.constant 0 : i32
      %broadcast_in_dim3A = vector.broadcast %jit3A : i32 to vector<16xi32>
      %broadcast_in_dim3A_951 = vector.broadcast %jit3A_950 : i32 to vector<16xi32>
      %select_n3A = arith.select %and3A_949, %broadcast_in_dim3A, %broadcast_in_dim3A_951 : vector<16xi1>, vector<16xi32>
      %sub3A = arith.subi %convert_element_type3A, %select_n3A : vector<16xi32>
      %jit3A_952 = arith.constant 0 : i32
      %jit3A_953 = arith.constant 511 : i32
      %max3A = vector.broadcast %jit3A_952 : i32 to vector<16xi32>
      %max3A_954 = arith.maxsi %max3A, %sub3A : vector<16xi32>
      %min3A = vector.broadcast %jit3A_953 : i32 to vector<16xi32>
      %min3A_955 = arith.minsi %min3A, %max3A_954 : vector<16xi32>
      %mul3A_956 = arith.constant 16 : i32
      %mul3A_957 = arith.muli %scan3A_930, %mul3A_956 : i32
      %add3A_958 = arith.constant 2432 : i32
      %add3A_959 = arith.addi %add3A_958, %mul3A_957 : i32
      %get3A_960 = arith.index_cast %add3A_959 : i32 to index
      %get3A_961 = tpu.vector_load %arg6[%get3A_960] {strides = array<i32>} : memref<4096xf32, #tpu.memory_space<vmem>>, vector<16xf32>,
      %get3A_962 = vector.shape_cast %get3A_961 : vector<16xf32> to vector<16xf32>
      %mul3A_963 = arith.constant 5.120000e+02 : f32
      %mul3A_964 = vector.broadcast %mul3A_963 : f32 to vector<16xf32>
      %mul3A_965 = arith.mulf %get3A_962, %mul3A_964 : vector<16xf32>
      %convert_element_type3A_966 = arith.fptosi %mul3A_965 : vector<16xf32> to vector<16xi32>
      %convert_element_type3A_967 = arith.sitofp %convert_element_type3A_966 : vector<16xi32> to vector<16xf32>
      %eq3A_968 = arith.cmpf oeq, %convert_element_type3A_967, %mul3A_965 : vector<16xf32>
      %and3A_969 = arith.constant 1 : i32
      %and3A_970 = vector.broadcast %and3A_969 : i32 to vector<16xi32>
      %and3A_971 = arith.andi %convert_element_type3A_966, %and3A_970 : vector<16xi32>
      %eq3A_972 = arith.constant 1 : i32
      %eq3A_973 = vector.broadcast %eq3A_972 : i32 to vector<16xi32>
      %eq3A_974 = arith.cmpi eq, %and3A_971, %eq3A_973 : vector<16xi32>
      %and3A_975 = arith.andi %eq3A_968, %eq3A_974 : vector<16xi1>
      %jit3A_976 = arith.constant 1 : i32
      %jit3A_977 = arith.constant 0 : i32
      %broadcast_in_dim3A_978 = vector.broadcast %jit3A_976 : i32 to vector<16xi32>
      %broadcast_in_dim3A_979 = vector.broadcast %jit3A_977 : i32 to vector<16xi32>
      %select_n3A_980 = arith.select %and3A_975, %broadcast_in_dim3A_978, %broadcast_in_dim3A_979 : vector<16xi1>, vector<16xi32>
      %sub3A_981 = arith.subi %convert_element_type3A_966, %select_n3A_980 : vector<16xi32>
      %jit3A_982 = arith.constant 0 : i32
      %jit3A_983 = arith.constant 511 : i32
      %max3A_984 = vector.broadcast %jit3A_982 : i32 to vector<16xi32>
      %max3A_985 = arith.maxsi %max3A_984, %sub3A_981 : vector<16xi32>
      %min3A_986 = vector.broadcast %jit3A_983 : i32 to vector<16xi32>
      %min3A_987 = arith.minsi %min3A_986, %max3A_985 : vector<16xi32>
      %mul3A_988 = arith.constant 512 : i32
      %mul3A_989 = vector.broadcast %mul3A_988 : i32 to vector<16xi32>
      %mul3A_990 = arith.muli %min3A_987, %mul3A_989 : vector<16xi32>
      %add3A_991 = vector.broadcast %shift_left3A_5 : i32 to vector<16xi32>
      %add3A_992 = arith.addi %add3A_991, %mul3A_990 : vector<16xi32>
      %add3A_993 = arith.addi %add3A_992, %min3A_955 : vector<16xi32>
      %mul3A_994 = arith.constant 16 : i32
      %mul3A_995 = arith.muli %scan3A_930, %mul3A_994 : i32
      %swap3A_996 = arith.constant 0 : i32
      %swap3A_997 = tpu.memref_slice %arg7[%scan3A_150, %swap3A_996] : memref<16x128xi32, #tpu.memory_space<vmem>> -> memref<1x128xi32, #tpu.memory_space<vmem>>
      %swap3A_998 = tpu.memref_squeeze %swap3A_997 : memref<1x128xi32, #tpu.memory_space<vmem>> -> memref<128xi32, #tpu.memory_space<vmem>>
      %swap3A_999 = arith.index_cast %mul3A_995 : i32 to index
      %swap3A_1000 = tpu.vector_load %swap3A_998[%swap3A_999] {strides = array<i32>} : memref<128xi32, #tpu.memory_space<vmem>>, vector<16xi32>,
      %swap3A_1001 = vector.shape_cast %swap3A_1000 : vector<16xi32> to vector<16xi32>
      %swap3A_1002 = vector.shape_cast %add3A_993 : vector<16xi32> to vector<16xi32>
      tpu.vector_store %swap3A_998[%swap3A_999], %swap3A_1002 {strides = array<i32>} : memref<128xi32, #tpu.memory_space<vmem>>, vector<16xi32>,
      %scan3A_1003 = arith.constant 0 : i32
      scf.yield %scan3A_1003 : i32
    }
    %scan3A_157 = arith.constant 8 : i32
    %dma_start3A_158 = arith.constant 9 : i32
    %dma_start3A_159 = arith.constant 1152 : i32
    %dma_start3A_160 = tpu.memref_slice %arg8[%dma_start3A_159] : memref<2048xi32, #tpu.memory_space<vmem>> -> memref<128xi32, #tpu.memory_space<vmem>>
    %dma_start3A_161 = arith.constant 0 : i32
    %dma_start3A_162 = tpu.memref_slice %arg7[%dma_start3A_158, %dma_start3A_161] : memref<16x128xi32, #tpu.memory_space<vmem>> -> memref<1x128xi32, #tpu.memory_space<vmem>>
    %dma_start3A_163 = tpu.memref_squeeze %dma_start3A_162 : memref<1x128xi32, #tpu.memory_space<vmem>> -> memref<128xi32, #tpu.memory_space<vmem>>
    %dma_start3A_164 = arith.constant 0 : i32
    %dma_start3A_165 = tpu.memref_slice %arg3[%dma_start3A_164] : memref<2097152xi32, #tpu.memory_space<hbm>> -> memref<2097152xi32, #tpu.memory_space<hbm>>
    tpu.enqueue_indirect_dma source(%dma_start3A_165 : memref<2097152xi32, #tpu.memory_space<hbm>>) target(%dma_start3A_160 : memref<128xi32, #tpu.memory_space<vmem>>) offsets(%dma_start3A_163 : memref<128xi32, #tpu.memory_space<vmem>>) semaphore(%arg11 : memref<!tpu.dma_semaphore, #tpu.memory_space<semaphore_mem>>)
    %scan3A_166 = arith.constant 10 : i32
    %scan3A_167 = arith.constant 0 : i32
    %scan3A_168 = arith.constant 0 : i32
    %scan3A_169 = arith.constant 8 : i32
    %scan3A_170 = arith.addi %scan3A_168, %scan3A_169 : i32
    %scan3A_171 = arith.constant 1 : i32
    %scan3A_172 = scf.for %scan3A_930 = %scan3A_168 to %scan3A_170 step %scan3A_171 iter_args(%scan3A_931 = %scan3A_167) -> (i32)  : i32 {
      %mul3A_932 = arith.constant 16 : i32
      %mul3A_933 = arith.muli %scan3A_930, %mul3A_932 : i32
      %add3A_934 = arith.constant 2560 : i32
      %add3A_935 = arith.addi %add3A_934, %mul3A_933 : i32
      %get3A_936 = arith.index_cast %add3A_935 : i32 to index
      %get3A_937 = tpu.vector_load %arg6[%get3A_936] {strides = array<i32>} : memref<4096xf32, #tpu.memory_space<vmem>>, vector<16xf32>,
      %get3A_938 = vector.shape_cast %get3A_937 : vector<16xf32> to vector<16xf32>
      %mul3A_939 = arith.constant 5.120000e+02 : f32
      %mul3A_940 = vector.broadcast %mul3A_939 : f32 to vector<16xf32>
      %mul3A_941 = arith.mulf %get3A_938, %mul3A_940 : vector<16xf32>
      %convert_element_type3A = arith.fptosi %mul3A_941 : vector<16xf32> to vector<16xi32>
      %convert_element_type3A_942 = arith.sitofp %convert_element_type3A : vector<16xi32> to vector<16xf32>
      %eq3A = arith.cmpf oeq, %convert_element_type3A_942, %mul3A_941 : vector<16xf32>
      %and3A_943 = arith.constant 1 : i32
      %and3A_944 = vector.broadcast %and3A_943 : i32 to vector<16xi32>
      %and3A_945 = arith.andi %convert_element_type3A, %and3A_944 : vector<16xi32>
      %eq3A_946 = arith.constant 1 : i32
      %eq3A_947 = vector.broadcast %eq3A_946 : i32 to vector<16xi32>
      %eq3A_948 = arith.cmpi eq, %and3A_945, %eq3A_947 : vector<16xi32>
      %and3A_949 = arith.andi %eq3A, %eq3A_948 : vector<16xi1>
      %jit3A = arith.constant 1 : i32
      %jit3A_950 = arith.constant 0 : i32
      %broadcast_in_dim3A = vector.broadcast %jit3A : i32 to vector<16xi32>
      %broadcast_in_dim3A_951 = vector.broadcast %jit3A_950 : i32 to vector<16xi32>
      %select_n3A = arith.select %and3A_949, %broadcast_in_dim3A, %broadcast_in_dim3A_951 : vector<16xi1>, vector<16xi32>
      %sub3A = arith.subi %convert_element_type3A, %select_n3A : vector<16xi32>
      %jit3A_952 = arith.constant 0 : i32
      %jit3A_953 = arith.constant 511 : i32
      %max3A = vector.broadcast %jit3A_952 : i32 to vector<16xi32>
      %max3A_954 = arith.maxsi %max3A, %sub3A : vector<16xi32>
      %min3A = vector.broadcast %jit3A_953 : i32 to vector<16xi32>
      %min3A_955 = arith.minsi %min3A, %max3A_954 : vector<16xi32>
      %mul3A_956 = arith.constant 16 : i32
      %mul3A_957 = arith.muli %scan3A_930, %mul3A_956 : i32
      %add3A_958 = arith.constant 2688 : i32
      %add3A_959 = arith.addi %add3A_958, %mul3A_957 : i32
      %get3A_960 = arith.index_cast %add3A_959 : i32 to index
      %get3A_961 = tpu.vector_load %arg6[%get3A_960] {strides = array<i32>} : memref<4096xf32, #tpu.memory_space<vmem>>, vector<16xf32>,
      %get3A_962 = vector.shape_cast %get3A_961 : vector<16xf32> to vector<16xf32>
      %mul3A_963 = arith.constant 5.120000e+02 : f32
      %mul3A_964 = vector.broadcast %mul3A_963 : f32 to vector<16xf32>
      %mul3A_965 = arith.mulf %get3A_962, %mul3A_964 : vector<16xf32>
      %convert_element_type3A_966 = arith.fptosi %mul3A_965 : vector<16xf32> to vector<16xi32>
      %convert_element_type3A_967 = arith.sitofp %convert_element_type3A_966 : vector<16xi32> to vector<16xf32>
      %eq3A_968 = arith.cmpf oeq, %convert_element_type3A_967, %mul3A_965 : vector<16xf32>
      %and3A_969 = arith.constant 1 : i32
      %and3A_970 = vector.broadcast %and3A_969 : i32 to vector<16xi32>
      %and3A_971 = arith.andi %convert_element_type3A_966, %and3A_970 : vector<16xi32>
      %eq3A_972 = arith.constant 1 : i32
      %eq3A_973 = vector.broadcast %eq3A_972 : i32 to vector<16xi32>
      %eq3A_974 = arith.cmpi eq, %and3A_971, %eq3A_973 : vector<16xi32>
      %and3A_975 = arith.andi %eq3A_968, %eq3A_974 : vector<16xi1>
      %jit3A_976 = arith.constant 1 : i32
      %jit3A_977 = arith.constant 0 : i32
      %broadcast_in_dim3A_978 = vector.broadcast %jit3A_976 : i32 to vector<16xi32>
      %broadcast_in_dim3A_979 = vector.broadcast %jit3A_977 : i32 to vector<16xi32>
      %select_n3A_980 = arith.select %and3A_975, %broadcast_in_dim3A_978, %broadcast_in_dim3A_979 : vector<16xi1>, vector<16xi32>
      %sub3A_981 = arith.subi %convert_element_type3A_966, %select_n3A_980 : vector<16xi32>
      %jit3A_982 = arith.constant 0 : i32
      %jit3A_983 = arith.constant 511 : i32
      %max3A_984 = vector.broadcast %jit3A_982 : i32 to vector<16xi32>
      %max3A_985 = arith.maxsi %max3A_984, %sub3A_981 : vector<16xi32>
      %min3A_986 = vector.broadcast %jit3A_983 : i32 to vector<16xi32>
      %min3A_987 = arith.minsi %min3A_986, %max3A_985 : vector<16xi32>
      %mul3A_988 = arith.constant 512 : i32
      %mul3A_989 = vector.broadcast %mul3A_988 : i32 to vector<16xi32>
      %mul3A_990 = arith.muli %min3A_987, %mul3A_989 : vector<16xi32>
      %add3A_991 = vector.broadcast %shift_left3A_5 : i32 to vector<16xi32>
      %add3A_992 = arith.addi %add3A_991, %mul3A_990 : vector<16xi32>
      %add3A_993 = arith.addi %add3A_992, %min3A_955 : vector<16xi32>
      %mul3A_994 = arith.constant 16 : i32
      %mul3A_995 = arith.muli %scan3A_930, %mul3A_994 : i32
      %swap3A_996 = arith.constant 0 : i32
      %swap3A_997 = tpu.memref_slice %arg7[%scan3A_166, %swap3A_996] : memref<16x128xi32, #tpu.memory_space<vmem>> -> memref<1x128xi32, #tpu.memory_space<vmem>>
      %swap3A_998 = tpu.memref_squeeze %swap3A_997 : memref<1x128xi32, #tpu.memory_space<vmem>> -> memref<128xi32, #tpu.memory_space<vmem>>
      %swap3A_999 = arith.index_cast %mul3A_995 : i32 to index
      %swap3A_1000 = tpu.vector_load %swap3A_998[%swap3A_999] {strides = array<i32>} : memref<128xi32, #tpu.memory_space<vmem>>, vector<16xi32>,
      %swap3A_1001 = vector.shape_cast %swap3A_1000 : vector<16xi32> to vector<16xi32>
      %swap3A_1002 = vector.shape_cast %add3A_993 : vector<16xi32> to vector<16xi32>
      tpu.vector_store %swap3A_998[%swap3A_999], %swap3A_1002 {strides = array<i32>} : memref<128xi32, #tpu.memory_space<vmem>>, vector<16xi32>,
      %scan3A_1003 = arith.constant 0 : i32
      scf.yield %scan3A_1003 : i32
    }
    %scan3A_173 = arith.constant 8 : i32
    %dma_start3A_174 = arith.constant 10 : i32
    %dma_start3A_175 = arith.constant 1280 : i32
    %dma_start3A_176 = tpu.memref_slice %arg8[%dma_start3A_175] : memref<2048xi32, #tpu.memory_space<vmem>> -> memref<128xi32, #tpu.memory_space<vmem>>
    %dma_start3A_177 = arith.constant 0 : i32
    %dma_start3A_178 = tpu.memref_slice %arg7[%dma_start3A_174, %dma_start3A_177] : memref<16x128xi32, #tpu.memory_space<vmem>> -> memref<1x128xi32, #tpu.memory_space<vmem>>
    %dma_start3A_179 = tpu.memref_squeeze %dma_start3A_178 : memref<1x128xi32, #tpu.memory_space<vmem>> -> memref<128xi32, #tpu.memory_space<vmem>>
    %dma_start3A_180 = arith.constant 0 : i32
    %dma_start3A_181 = tpu.memref_slice %arg3[%dma_start3A_180] : memref<2097152xi32, #tpu.memory_space<hbm>> -> memref<2097152xi32, #tpu.memory_space<hbm>>
    tpu.enqueue_indirect_dma source(%dma_start3A_181 : memref<2097152xi32, #tpu.memory_space<hbm>>) target(%dma_start3A_176 : memref<128xi32, #tpu.memory_space<vmem>>) offsets(%dma_start3A_179 : memref<128xi32, #tpu.memory_space<vmem>>) semaphore(%arg11 : memref<!tpu.dma_semaphore, #tpu.memory_space<semaphore_mem>>)
    %scan3A_182 = arith.constant 11 : i32
    %scan3A_183 = arith.constant 0 : i32
    %scan3A_184 = arith.constant 0 : i32
    %scan3A_185 = arith.constant 8 : i32
    %scan3A_186 = arith.addi %scan3A_184, %scan3A_185 : i32
    %scan3A_187 = arith.constant 1 : i32
    %scan3A_188 = scf.for %scan3A_930 = %scan3A_184 to %scan3A_186 step %scan3A_187 iter_args(%scan3A_931 = %scan3A_183) -> (i32)  : i32 {
      %mul3A_932 = arith.constant 16 : i32
      %mul3A_933 = arith.muli %scan3A_930, %mul3A_932 : i32
      %add3A_934 = arith.constant 2816 : i32
      %add3A_935 = arith.addi %add3A_934, %mul3A_933 : i32
      %get3A_936 = arith.index_cast %add3A_935 : i32 to index
      %get3A_937 = tpu.vector_load %arg6[%get3A_936] {strides = array<i32>} : memref<4096xf32, #tpu.memory_space<vmem>>, vector<16xf32>,
      %get3A_938 = vector.shape_cast %get3A_937 : vector<16xf32> to vector<16xf32>
      %mul3A_939 = arith.constant 5.120000e+02 : f32
      %mul3A_940 = vector.broadcast %mul3A_939 : f32 to vector<16xf32>
      %mul3A_941 = arith.mulf %get3A_938, %mul3A_940 : vector<16xf32>
      %convert_element_type3A = arith.fptosi %mul3A_941 : vector<16xf32> to vector<16xi32>
      %convert_element_type3A_942 = arith.sitofp %convert_element_type3A : vector<16xi32> to vector<16xf32>
      %eq3A = arith.cmpf oeq, %convert_element_type3A_942, %mul3A_941 : vector<16xf32>
      %and3A_943 = arith.constant 1 : i32
      %and3A_944 = vector.broadcast %and3A_943 : i32 to vector<16xi32>
      %and3A_945 = arith.andi %convert_element_type3A, %and3A_944 : vector<16xi32>
      %eq3A_946 = arith.constant 1 : i32
      %eq3A_947 = vector.broadcast %eq3A_946 : i32 to vector<16xi32>
      %eq3A_948 = arith.cmpi eq, %and3A_945, %eq3A_947 : vector<16xi32>
      %and3A_949 = arith.andi %eq3A, %eq3A_948 : vector<16xi1>
      %jit3A = arith.constant 1 : i32
      %jit3A_950 = arith.constant 0 : i32
      %broadcast_in_dim3A = vector.broadcast %jit3A : i32 to vector<16xi32>
      %broadcast_in_dim3A_951 = vector.broadcast %jit3A_950 : i32 to vector<16xi32>
      %select_n3A = arith.select %and3A_949, %broadcast_in_dim3A, %broadcast_in_dim3A_951 : vector<16xi1>, vector<16xi32>
      %sub3A = arith.subi %convert_element_type3A, %select_n3A : vector<16xi32>
      %jit3A_952 = arith.constant 0 : i32
      %jit3A_953 = arith.constant 511 : i32
      %max3A = vector.broadcast %jit3A_952 : i32 to vector<16xi32>
      %max3A_954 = arith.maxsi %max3A, %sub3A : vector<16xi32>
      %min3A = vector.broadcast %jit3A_953 : i32 to vector<16xi32>
      %min3A_955 = arith.minsi %min3A, %max3A_954 : vector<16xi32>
      %mul3A_956 = arith.constant 16 : i32
      %mul3A_957 = arith.muli %scan3A_930, %mul3A_956 : i32
      %add3A_958 = arith.constant 2944 : i32
      %add3A_959 = arith.addi %add3A_958, %mul3A_957 : i32
      %get3A_960 = arith.index_cast %add3A_959 : i32 to index
      %get3A_961 = tpu.vector_load %arg6[%get3A_960] {strides = array<i32>} : memref<4096xf32, #tpu.memory_space<vmem>>, vector<16xf32>,
      %get3A_962 = vector.shape_cast %get3A_961 : vector<16xf32> to vector<16xf32>
      %mul3A_963 = arith.constant 5.120000e+02 : f32
      %mul3A_964 = vector.broadcast %mul3A_963 : f32 to vector<16xf32>
      %mul3A_965 = arith.mulf %get3A_962, %mul3A_964 : vector<16xf32>
      %convert_element_type3A_966 = arith.fptosi %mul3A_965 : vector<16xf32> to vector<16xi32>
      %convert_element_type3A_967 = arith.sitofp %convert_element_type3A_966 : vector<16xi32> to vector<16xf32>
      %eq3A_968 = arith.cmpf oeq, %convert_element_type3A_967, %mul3A_965 : vector<16xf32>
      %and3A_969 = arith.constant 1 : i32
      %and3A_970 = vector.broadcast %and3A_969 : i32 to vector<16xi32>
      %and3A_971 = arith.andi %convert_element_type3A_966, %and3A_970 : vector<16xi32>
      %eq3A_972 = arith.constant 1 : i32
      %eq3A_973 = vector.broadcast %eq3A_972 : i32 to vector<16xi32>
      %eq3A_974 = arith.cmpi eq, %and3A_971, %eq3A_973 : vector<16xi32>
      %and3A_975 = arith.andi %eq3A_968, %eq3A_974 : vector<16xi1>
      %jit3A_976 = arith.constant 1 : i32
      %jit3A_977 = arith.constant 0 : i32
      %broadcast_in_dim3A_978 = vector.broadcast %jit3A_976 : i32 to vector<16xi32>
      %broadcast_in_dim3A_979 = vector.broadcast %jit3A_977 : i32 to vector<16xi32>
      %select_n3A_980 = arith.select %and3A_975, %broadcast_in_dim3A_978, %broadcast_in_dim3A_979 : vector<16xi1>, vector<16xi32>
      %sub3A_981 = arith.subi %convert_element_type3A_966, %select_n3A_980 : vector<16xi32>
      %jit3A_982 = arith.constant 0 : i32
      %jit3A_983 = arith.constant 511 : i32
      %max3A_984 = vector.broadcast %jit3A_982 : i32 to vector<16xi32>
      %max3A_985 = arith.maxsi %max3A_984, %sub3A_981 : vector<16xi32>
      %min3A_986 = vector.broadcast %jit3A_983 : i32 to vector<16xi32>
      %min3A_987 = arith.minsi %min3A_986, %max3A_985 : vector<16xi32>
      %mul3A_988 = arith.constant 512 : i32
      %mul3A_989 = vector.broadcast %mul3A_988 : i32 to vector<16xi32>
      %mul3A_990 = arith.muli %min3A_987, %mul3A_989 : vector<16xi32>
      %add3A_991 = vector.broadcast %shift_left3A_5 : i32 to vector<16xi32>
      %add3A_992 = arith.addi %add3A_991, %mul3A_990 : vector<16xi32>
      %add3A_993 = arith.addi %add3A_992, %min3A_955 : vector<16xi32>
      %mul3A_994 = arith.constant 16 : i32
      %mul3A_995 = arith.muli %scan3A_930, %mul3A_994 : i32
      %swap3A_996 = arith.constant 0 : i32
      %swap3A_997 = tpu.memref_slice %arg7[%scan3A_182, %swap3A_996] : memref<16x128xi32, #tpu.memory_space<vmem>> -> memref<1x128xi32, #tpu.memory_space<vmem>>
      %swap3A_998 = tpu.memref_squeeze %swap3A_997 : memref<1x128xi32, #tpu.memory_space<vmem>> -> memref<128xi32, #tpu.memory_space<vmem>>
      %swap3A_999 = arith.index_cast %mul3A_995 : i32 to index
      %swap3A_1000 = tpu.vector_load %swap3A_998[%swap3A_999] {strides = array<i32>} : memref<128xi32, #tpu.memory_space<vmem>>, vector<16xi32>,
      %swap3A_1001 = vector.shape_cast %swap3A_1000 : vector<16xi32> to vector<16xi32>
      %swap3A_1002 = vector.shape_cast %add3A_993 : vector<16xi32> to vector<16xi32>
      tpu.vector_store %swap3A_998[%swap3A_999], %swap3A_1002 {strides = array<i32>} : memref<128xi32, #tpu.memory_space<vmem>>, vector<16xi32>,
      %scan3A_1003 = arith.constant 0 : i32
      scf.yield %scan3A_1003 : i32
    }
    %scan3A_189 = arith.constant 8 : i32
    %dma_start3A_190 = arith.constant 11 : i32
    %dma_start3A_191 = arith.constant 1408 : i32
    %dma_start3A_192 = tpu.memref_slice %arg8[%dma_start3A_191] : memref<2048xi32, #tpu.memory_space<vmem>> -> memref<128xi32, #tpu.memory_space<vmem>>
    %dma_start3A_193 = arith.constant 0 : i32
    %dma_start3A_194 = tpu.memref_slice %arg7[%dma_start3A_190, %dma_start3A_193] : memref<16x128xi32, #tpu.memory_space<vmem>> -> memref<1x128xi32, #tpu.memory_space<vmem>>
    %dma_start3A_195 = tpu.memref_squeeze %dma_start3A_194 : memref<1x128xi32, #tpu.memory_space<vmem>> -> memref<128xi32, #tpu.memory_space<vmem>>
    %dma_start3A_196 = arith.constant 0 : i32
    %dma_start3A_197 = tpu.memref_slice %arg3[%dma_start3A_196] : memref<2097152xi32, #tpu.memory_space<hbm>> -> memref<2097152xi32, #tpu.memory_space<hbm>>
    tpu.enqueue_indirect_dma source(%dma_start3A_197 : memref<2097152xi32, #tpu.memory_space<hbm>>) target(%dma_start3A_192 : memref<128xi32, #tpu.memory_space<vmem>>) offsets(%dma_start3A_195 : memref<128xi32, #tpu.memory_space<vmem>>) semaphore(%arg11 : memref<!tpu.dma_semaphore, #tpu.memory_space<semaphore_mem>>)
    %scan3A_198 = arith.constant 12 : i32
    %scan3A_199 = arith.constant 0 : i32
    %scan3A_200 = arith.constant 0 : i32
    %scan3A_201 = arith.constant 8 : i32
    %scan3A_202 = arith.addi %scan3A_200, %scan3A_201 : i32
    %scan3A_203 = arith.constant 1 : i32
    %scan3A_204 = scf.for %scan3A_930 = %scan3A_200 to %scan3A_202 step %scan3A_203 iter_args(%scan3A_931 = %scan3A_199) -> (i32)  : i32 {
      %mul3A_932 = arith.constant 16 : i32
      %mul3A_933 = arith.muli %scan3A_930, %mul3A_932 : i32
      %add3A_934 = arith.constant 3072 : i32
      %add3A_935 = arith.addi %add3A_934, %mul3A_933 : i32
      %get3A_936 = arith.index_cast %add3A_935 : i32 to index
      %get3A_937 = tpu.vector_load %arg6[%get3A_936] {strides = array<i32>} : memref<4096xf32, #tpu.memory_space<vmem>>, vector<16xf32>,
      %get3A_938 = vector.shape_cast %get3A_937 : vector<16xf32> to vector<16xf32>
      %mul3A_939 = arith.constant 5.120000e+02 : f32
      %mul3A_940 = vector.broadcast %mul3A_939 : f32 to vector<16xf32>
      %mul3A_941 = arith.mulf %get3A_938, %mul3A_940 : vector<16xf32>
      %convert_element_type3A = arith.fptosi %mul3A_941 : vector<16xf32> to vector<16xi32>
      %convert_element_type3A_942 = arith.sitofp %convert_element_type3A : vector<16xi32> to vector<16xf32>
      %eq3A = arith.cmpf oeq, %convert_element_type3A_942, %mul3A_941 : vector<16xf32>
      %and3A_943 = arith.constant 1 : i32
      %and3A_944 = vector.broadcast %and3A_943 : i32 to vector<16xi32>
      %and3A_945 = arith.andi %convert_element_type3A, %and3A_944 : vector<16xi32>
      %eq3A_946 = arith.constant 1 : i32
      %eq3A_947 = vector.broadcast %eq3A_946 : i32 to vector<16xi32>
      %eq3A_948 = arith.cmpi eq, %and3A_945, %eq3A_947 : vector<16xi32>
      %and3A_949 = arith.andi %eq3A, %eq3A_948 : vector<16xi1>
      %jit3A = arith.constant 1 : i32
      %jit3A_950 = arith.constant 0 : i32
      %broadcast_in_dim3A = vector.broadcast %jit3A : i32 to vector<16xi32>
      %broadcast_in_dim3A_951 = vector.broadcast %jit3A_950 : i32 to vector<16xi32>
      %select_n3A = arith.select %and3A_949, %broadcast_in_dim3A, %broadcast_in_dim3A_951 : vector<16xi1>, vector<16xi32>
      %sub3A = arith.subi %convert_element_type3A, %select_n3A : vector<16xi32>
      %jit3A_952 = arith.constant 0 : i32
      %jit3A_953 = arith.constant 511 : i32
      %max3A = vector.broadcast %jit3A_952 : i32 to vector<16xi32>
      %max3A_954 = arith.maxsi %max3A, %sub3A : vector<16xi32>
      %min3A = vector.broadcast %jit3A_953 : i32 to vector<16xi32>
      %min3A_955 = arith.minsi %min3A, %max3A_954 : vector<16xi32>
      %mul3A_956 = arith.constant 16 : i32
      %mul3A_957 = arith.muli %scan3A_930, %mul3A_956 : i32
      %add3A_958 = arith.constant 3200 : i32
      %add3A_959 = arith.addi %add3A_958, %mul3A_957 : i32
      %get3A_960 = arith.index_cast %add3A_959 : i32 to index
      %get3A_961 = tpu.vector_load %arg6[%get3A_960] {strides = array<i32>} : memref<4096xf32, #tpu.memory_space<vmem>>, vector<16xf32>,
      %get3A_962 = vector.shape_cast %get3A_961 : vector<16xf32> to vector<16xf32>
      %mul3A_963 = arith.constant 5.120000e+02 : f32
      %mul3A_964 = vector.broadcast %mul3A_963 : f32 to vector<16xf32>
      %mul3A_965 = arith.mulf %get3A_962, %mul3A_964 : vector<16xf32>
      %convert_element_type3A_966 = arith.fptosi %mul3A_965 : vector<16xf32> to vector<16xi32>
      %convert_element_type3A_967 = arith.sitofp %convert_element_type3A_966 : vector<16xi32> to vector<16xf32>
      %eq3A_968 = arith.cmpf oeq, %convert_element_type3A_967, %mul3A_965 : vector<16xf32>
      %and3A_969 = arith.constant 1 : i32
      %and3A_970 = vector.broadcast %and3A_969 : i32 to vector<16xi32>
      %and3A_971 = arith.andi %convert_element_type3A_966, %and3A_970 : vector<16xi32>
      %eq3A_972 = arith.constant 1 : i32
      %eq3A_973 = vector.broadcast %eq3A_972 : i32 to vector<16xi32>
      %eq3A_974 = arith.cmpi eq, %and3A_971, %eq3A_973 : vector<16xi32>
      %and3A_975 = arith.andi %eq3A_968, %eq3A_974 : vector<16xi1>
      %jit3A_976 = arith.constant 1 : i32
      %jit3A_977 = arith.constant 0 : i32
      %broadcast_in_dim3A_978 = vector.broadcast %jit3A_976 : i32 to vector<16xi32>
      %broadcast_in_dim3A_979 = vector.broadcast %jit3A_977 : i32 to vector<16xi32>
      %select_n3A_980 = arith.select %and3A_975, %broadcast_in_dim3A_978, %broadcast_in_dim3A_979 : vector<16xi1>, vector<16xi32>
      %sub3A_981 = arith.subi %convert_element_type3A_966, %select_n3A_980 : vector<16xi32>
      %jit3A_982 = arith.constant 0 : i32
      %jit3A_983 = arith.constant 511 : i32
      %max3A_984 = vector.broadcast %jit3A_982 : i32 to vector<16xi32>
      %max3A_985 = arith.maxsi %max3A_984, %sub3A_981 : vector<16xi32>
      %min3A_986 = vector.broadcast %jit3A_983 : i32 to vector<16xi32>
      %min3A_987 = arith.minsi %min3A_986, %max3A_985 : vector<16xi32>
      %mul3A_988 = arith.constant 512 : i32
      %mul3A_989 = vector.broadcast %mul3A_988 : i32 to vector<16xi32>
      %mul3A_990 = arith.muli %min3A_987, %mul3A_989 : vector<16xi32>
      %add3A_991 = vector.broadcast %shift_left3A_5 : i32 to vector<16xi32>
      %add3A_992 = arith.addi %add3A_991, %mul3A_990 : vector<16xi32>
      %add3A_993 = arith.addi %add3A_992, %min3A_955 : vector<16xi32>
      %mul3A_994 = arith.constant 16 : i32
      %mul3A_995 = arith.muli %scan3A_930, %mul3A_994 : i32
      %swap3A_996 = arith.constant 0 : i32
      %swap3A_997 = tpu.memref_slice %arg7[%scan3A_198, %swap3A_996] : memref<16x128xi32, #tpu.memory_space<vmem>> -> memref<1x128xi32, #tpu.memory_space<vmem>>
      %swap3A_998 = tpu.memref_squeeze %swap3A_997 : memref<1x128xi32, #tpu.memory_space<vmem>> -> memref<128xi32, #tpu.memory_space<vmem>>
      %swap3A_999 = arith.index_cast %mul3A_995 : i32 to index
      %swap3A_1000 = tpu.vector_load %swap3A_998[%swap3A_999] {strides = array<i32>} : memref<128xi32, #tpu.memory_space<vmem>>, vector<16xi32>,
      %swap3A_1001 = vector.shape_cast %swap3A_1000 : vector<16xi32> to vector<16xi32>
      %swap3A_1002 = vector.shape_cast %add3A_993 : vector<16xi32> to vector<16xi32>
      tpu.vector_store %swap3A_998[%swap3A_999], %swap3A_1002 {strides = array<i32>} : memref<128xi32, #tpu.memory_space<vmem>>, vector<16xi32>,
      %scan3A_1003 = arith.constant 0 : i32
      scf.yield %scan3A_1003 : i32
    }
    %scan3A_205 = arith.constant 8 : i32
    %dma_start3A_206 = arith.constant 12 : i32
    %dma_start3A_207 = arith.constant 1536 : i32
    %dma_start3A_208 = tpu.memref_slice %arg8[%dma_start3A_207] : memref<2048xi32, #tpu.memory_space<vmem>> -> memref<128xi32, #tpu.memory_space<vmem>>
    %dma_start3A_209 = arith.constant 0 : i32
    %dma_start3A_210 = tpu.memref_slice %arg7[%dma_start3A_206, %dma_start3A_209] : memref<16x128xi32, #tpu.memory_space<vmem>> -> memref<1x128xi32, #tpu.memory_space<vmem>>
    %dma_start3A_211 = tpu.memref_squeeze %dma_start3A_210 : memref<1x128xi32, #tpu.memory_space<vmem>> -> memref<128xi32, #tpu.memory_space<vmem>>
    %dma_start3A_212 = arith.constant 0 : i32
    %dma_start3A_213 = tpu.memref_slice %arg3[%dma_start3A_212] : memref<2097152xi32, #tpu.memory_space<hbm>> -> memref<2097152xi32, #tpu.memory_space<hbm>>
    tpu.enqueue_indirect_dma source(%dma_start3A_213 : memref<2097152xi32, #tpu.memory_space<hbm>>) target(%dma_start3A_208 : memref<128xi32, #tpu.memory_space<vmem>>) offsets(%dma_start3A_211 : memref<128xi32, #tpu.memory_space<vmem>>) semaphore(%arg11 : memref<!tpu.dma_semaphore, #tpu.memory_space<semaphore_mem>>)
    %scan3A_214 = arith.constant 13 : i32
    %scan3A_215 = arith.constant 0 : i32
    %scan3A_216 = arith.constant 0 : i32
    %scan3A_217 = arith.constant 8 : i32
    %scan3A_218 = arith.addi %scan3A_216, %scan3A_217 : i32
    %scan3A_219 = arith.constant 1 : i32
    %scan3A_220 = scf.for %scan3A_930 = %scan3A_216 to %scan3A_218 step %scan3A_219 iter_args(%scan3A_931 = %scan3A_215) -> (i32)  : i32 {
      %mul3A_932 = arith.constant 16 : i32
      %mul3A_933 = arith.muli %scan3A_930, %mul3A_932 : i32
      %add3A_934 = arith.constant 3328 : i32
      %add3A_935 = arith.addi %add3A_934, %mul3A_933 : i32
      %get3A_936 = arith.index_cast %add3A_935 : i32 to index
      %get3A_937 = tpu.vector_load %arg6[%get3A_936] {strides = array<i32>} : memref<4096xf32, #tpu.memory_space<vmem>>, vector<16xf32>,
      %get3A_938 = vector.shape_cast %get3A_937 : vector<16xf32> to vector<16xf32>
      %mul3A_939 = arith.constant 5.120000e+02 : f32
      %mul3A_940 = vector.broadcast %mul3A_939 : f32 to vector<16xf32>
      %mul3A_941 = arith.mulf %get3A_938, %mul3A_940 : vector<16xf32>
      %convert_element_type3A = arith.fptosi %mul3A_941 : vector<16xf32> to vector<16xi32>
      %convert_element_type3A_942 = arith.sitofp %convert_element_type3A : vector<16xi32> to vector<16xf32>
      %eq3A = arith.cmpf oeq, %convert_element_type3A_942, %mul3A_941 : vector<16xf32>
      %and3A_943 = arith.constant 1 : i32
      %and3A_944 = vector.broadcast %and3A_943 : i32 to vector<16xi32>
      %and3A_945 = arith.andi %convert_element_type3A, %and3A_944 : vector<16xi32>
      %eq3A_946 = arith.constant 1 : i32
      %eq3A_947 = vector.broadcast %eq3A_946 : i32 to vector<16xi32>
      %eq3A_948 = arith.cmpi eq, %and3A_945, %eq3A_947 : vector<16xi32>
      %and3A_949 = arith.andi %eq3A, %eq3A_948 : vector<16xi1>
      %jit3A = arith.constant 1 : i32
      %jit3A_950 = arith.constant 0 : i32
      %broadcast_in_dim3A = vector.broadcast %jit3A : i32 to vector<16xi32>
      %broadcast_in_dim3A_951 = vector.broadcast %jit3A_950 : i32 to vector<16xi32>
      %select_n3A = arith.select %and3A_949, %broadcast_in_dim3A, %broadcast_in_dim3A_951 : vector<16xi1>, vector<16xi32>
      %sub3A = arith.subi %convert_element_type3A, %select_n3A : vector<16xi32>
      %jit3A_952 = arith.constant 0 : i32
      %jit3A_953 = arith.constant 511 : i32
      %max3A = vector.broadcast %jit3A_952 : i32 to vector<16xi32>
      %max3A_954 = arith.maxsi %max3A, %sub3A : vector<16xi32>
      %min3A = vector.broadcast %jit3A_953 : i32 to vector<16xi32>
      %min3A_955 = arith.minsi %min3A, %max3A_954 : vector<16xi32>
      %mul3A_956 = arith.constant 16 : i32
      %mul3A_957 = arith.muli %scan3A_930, %mul3A_956 : i32
      %add3A_958 = arith.constant 3456 : i32
      %add3A_959 = arith.addi %add3A_958, %mul3A_957 : i32
      %get3A_960 = arith.index_cast %add3A_959 : i32 to index
      %get3A_961 = tpu.vector_load %arg6[%get3A_960] {strides = array<i32>} : memref<4096xf32, #tpu.memory_space<vmem>>, vector<16xf32>,
      %get3A_962 = vector.shape_cast %get3A_961 : vector<16xf32> to vector<16xf32>
      %mul3A_963 = arith.constant 5.120000e+02 : f32
      %mul3A_964 = vector.broadcast %mul3A_963 : f32 to vector<16xf32>
      %mul3A_965 = arith.mulf %get3A_962, %mul3A_964 : vector<16xf32>
      %convert_element_type3A_966 = arith.fptosi %mul3A_965 : vector<16xf32> to vector<16xi32>
      %convert_element_type3A_967 = arith.sitofp %convert_element_type3A_966 : vector<16xi32> to vector<16xf32>
      %eq3A_968 = arith.cmpf oeq, %convert_element_type3A_967, %mul3A_965 : vector<16xf32>
      %and3A_969 = arith.constant 1 : i32
      %and3A_970 = vector.broadcast %and3A_969 : i32 to vector<16xi32>
      %and3A_971 = arith.andi %convert_element_type3A_966, %and3A_970 : vector<16xi32>
      %eq3A_972 = arith.constant 1 : i32
      %eq3A_973 = vector.broadcast %eq3A_972 : i32 to vector<16xi32>
      %eq3A_974 = arith.cmpi eq, %and3A_971, %eq3A_973 : vector<16xi32>
      %and3A_975 = arith.andi %eq3A_968, %eq3A_974 : vector<16xi1>
      %jit3A_976 = arith.constant 1 : i32
      %jit3A_977 = arith.constant 0 : i32
      %broadcast_in_dim3A_978 = vector.broadcast %jit3A_976 : i32 to vector<16xi32>
      %broadcast_in_dim3A_979 = vector.broadcast %jit3A_977 : i32 to vector<16xi32>
      %select_n3A_980 = arith.select %and3A_975, %broadcast_in_dim3A_978, %broadcast_in_dim3A_979 : vector<16xi1>, vector<16xi32>
      %sub3A_981 = arith.subi %convert_element_type3A_966, %select_n3A_980 : vector<16xi32>
      %jit3A_982 = arith.constant 0 : i32
      %jit3A_983 = arith.constant 511 : i32
      %max3A_984 = vector.broadcast %jit3A_982 : i32 to vector<16xi32>
      %max3A_985 = arith.maxsi %max3A_984, %sub3A_981 : vector<16xi32>
      %min3A_986 = vector.broadcast %jit3A_983 : i32 to vector<16xi32>
      %min3A_987 = arith.minsi %min3A_986, %max3A_985 : vector<16xi32>
      %mul3A_988 = arith.constant 512 : i32
      %mul3A_989 = vector.broadcast %mul3A_988 : i32 to vector<16xi32>
      %mul3A_990 = arith.muli %min3A_987, %mul3A_989 : vector<16xi32>
      %add3A_991 = vector.broadcast %shift_left3A_5 : i32 to vector<16xi32>
      %add3A_992 = arith.addi %add3A_991, %mul3A_990 : vector<16xi32>
      %add3A_993 = arith.addi %add3A_992, %min3A_955 : vector<16xi32>
      %mul3A_994 = arith.constant 16 : i32
      %mul3A_995 = arith.muli %scan3A_930, %mul3A_994 : i32
      %swap3A_996 = arith.constant 0 : i32
      %swap3A_997 = tpu.memref_slice %arg7[%scan3A_214, %swap3A_996] : memref<16x128xi32, #tpu.memory_space<vmem>> -> memref<1x128xi32, #tpu.memory_space<vmem>>
      %swap3A_998 = tpu.memref_squeeze %swap3A_997 : memref<1x128xi32, #tpu.memory_space<vmem>> -> memref<128xi32, #tpu.memory_space<vmem>>
      %swap3A_999 = arith.index_cast %mul3A_995 : i32 to index
      %swap3A_1000 = tpu.vector_load %swap3A_998[%swap3A_999] {strides = array<i32>} : memref<128xi32, #tpu.memory_space<vmem>>, vector<16xi32>,
      %swap3A_1001 = vector.shape_cast %swap3A_1000 : vector<16xi32> to vector<16xi32>
      %swap3A_1002 = vector.shape_cast %add3A_993 : vector<16xi32> to vector<16xi32>
      tpu.vector_store %swap3A_998[%swap3A_999], %swap3A_1002 {strides = array<i32>} : memref<128xi32, #tpu.memory_space<vmem>>, vector<16xi32>,
      %scan3A_1003 = arith.constant 0 : i32
      scf.yield %scan3A_1003 : i32
    }
    %scan3A_221 = arith.constant 8 : i32
    %dma_start3A_222 = arith.constant 13 : i32
    %dma_start3A_223 = arith.constant 1664 : i32
    %dma_start3A_224 = tpu.memref_slice %arg8[%dma_start3A_223] : memref<2048xi32, #tpu.memory_space<vmem>> -> memref<128xi32, #tpu.memory_space<vmem>>
    %dma_start3A_225 = arith.constant 0 : i32
    %dma_start3A_226 = tpu.memref_slice %arg7[%dma_start3A_222, %dma_start3A_225] : memref<16x128xi32, #tpu.memory_space<vmem>> -> memref<1x128xi32, #tpu.memory_space<vmem>>
    %dma_start3A_227 = tpu.memref_squeeze %dma_start3A_226 : memref<1x128xi32, #tpu.memory_space<vmem>> -> memref<128xi32, #tpu.memory_space<vmem>>
    %dma_start3A_228 = arith.constant 0 : i32
    %dma_start3A_229 = tpu.memref_slice %arg3[%dma_start3A_228] : memref<2097152xi32, #tpu.memory_space<hbm>> -> memref<2097152xi32, #tpu.memory_space<hbm>>
    tpu.enqueue_indirect_dma source(%dma_start3A_229 : memref<2097152xi32, #tpu.memory_space<hbm>>) target(%dma_start3A_224 : memref<128xi32, #tpu.memory_space<vmem>>) offsets(%dma_start3A_227 : memref<128xi32, #tpu.memory_space<vmem>>) semaphore(%arg11 : memref<!tpu.dma_semaphore, #tpu.memory_space<semaphore_mem>>)
    %scan3A_230 = arith.constant 14 : i32
    %scan3A_231 = arith.constant 0 : i32
    %scan3A_232 = arith.constant 0 : i32
    %scan3A_233 = arith.constant 8 : i32
    %scan3A_234 = arith.addi %scan3A_232, %scan3A_233 : i32
    %scan3A_235 = arith.constant 1 : i32
    %scan3A_236 = scf.for %scan3A_930 = %scan3A_232 to %scan3A_234 step %scan3A_235 iter_args(%scan3A_931 = %scan3A_231) -> (i32)  : i32 {
      %mul3A_932 = arith.constant 16 : i32
      %mul3A_933 = arith.muli %scan3A_930, %mul3A_932 : i32
      %add3A_934 = arith.constant 3584 : i32
      %add3A_935 = arith.addi %add3A_934, %mul3A_933 : i32
      %get3A_936 = arith.index_cast %add3A_935 : i32 to index
      %get3A_937 = tpu.vector_load %arg6[%get3A_936] {strides = array<i32>} : memref<4096xf32, #tpu.memory_space<vmem>>, vector<16xf32>,
      %get3A_938 = vector.shape_cast %get3A_937 : vector<16xf32> to vector<16xf32>
      %mul3A_939 = arith.constant 5.120000e+02 : f32
      %mul3A_940 = vector.broadcast %mul3A_939 : f32 to vector<16xf32>
      %mul3A_941 = arith.mulf %get3A_938, %mul3A_940 : vector<16xf32>
      %convert_element_type3A = arith.fptosi %mul3A_941 : vector<16xf32> to vector<16xi32>
      %convert_element_type3A_942 = arith.sitofp %convert_element_type3A : vector<16xi32> to vector<16xf32>
      %eq3A = arith.cmpf oeq, %convert_element_type3A_942, %mul3A_941 : vector<16xf32>
      %and3A_943 = arith.constant 1 : i32
      %and3A_944 = vector.broadcast %and3A_943 : i32 to vector<16xi32>
      %and3A_945 = arith.andi %convert_element_type3A, %and3A_944 : vector<16xi32>
      %eq3A_946 = arith.constant 1 : i32
      %eq3A_947 = vector.broadcast %eq3A_946 : i32 to vector<16xi32>
      %eq3A_948 = arith.cmpi eq, %and3A_945, %eq3A_947 : vector<16xi32>
      %and3A_949 = arith.andi %eq3A, %eq3A_948 : vector<16xi1>
      %jit3A = arith.constant 1 : i32
      %jit3A_950 = arith.constant 0 : i32
      %broadcast_in_dim3A = vector.broadcast %jit3A : i32 to vector<16xi32>
      %broadcast_in_dim3A_951 = vector.broadcast %jit3A_950 : i32 to vector<16xi32>
      %select_n3A = arith.select %and3A_949, %broadcast_in_dim3A, %broadcast_in_dim3A_951 : vector<16xi1>, vector<16xi32>
      %sub3A = arith.subi %convert_element_type3A, %select_n3A : vector<16xi32>
      %jit3A_952 = arith.constant 0 : i32
      %jit3A_953 = arith.constant 511 : i32
      %max3A = vector.broadcast %jit3A_952 : i32 to vector<16xi32>
      %max3A_954 = arith.maxsi %max3A, %sub3A : vector<16xi32>
      %min3A = vector.broadcast %jit3A_953 : i32 to vector<16xi32>
      %min3A_955 = arith.minsi %min3A, %max3A_954 : vector<16xi32>
      %mul3A_956 = arith.constant 16 : i32
      %mul3A_957 = arith.muli %scan3A_930, %mul3A_956 : i32
      %add3A_958 = arith.constant 3712 : i32
      %add3A_959 = arith.addi %add3A_958, %mul3A_957 : i32
      %get3A_960 = arith.index_cast %add3A_959 : i32 to index
      %get3A_961 = tpu.vector_load %arg6[%get3A_960] {strides = array<i32>} : memref<4096xf32, #tpu.memory_space<vmem>>, vector<16xf32>,
      %get3A_962 = vector.shape_cast %get3A_961 : vector<16xf32> to vector<16xf32>
      %mul3A_963 = arith.constant 5.120000e+02 : f32
      %mul3A_964 = vector.broadcast %mul3A_963 : f32 to vector<16xf32>
      %mul3A_965 = arith.mulf %get3A_962, %mul3A_964 : vector<16xf32>
      %convert_element_type3A_966 = arith.fptosi %mul3A_965 : vector<16xf32> to vector<16xi32>
      %convert_element_type3A_967 = arith.sitofp %convert_element_type3A_966 : vector<16xi32> to vector<16xf32>
      %eq3A_968 = arith.cmpf oeq, %convert_element_type3A_967, %mul3A_965 : vector<16xf32>
      %and3A_969 = arith.constant 1 : i32
      %and3A_970 = vector.broadcast %and3A_969 : i32 to vector<16xi32>
      %and3A_971 = arith.andi %convert_element_type3A_966, %and3A_970 : vector<16xi32>
      %eq3A_972 = arith.constant 1 : i32
      %eq3A_973 = vector.broadcast %eq3A_972 : i32 to vector<16xi32>
      %eq3A_974 = arith.cmpi eq, %and3A_971, %eq3A_973 : vector<16xi32>
      %and3A_975 = arith.andi %eq3A_968, %eq3A_974 : vector<16xi1>
      %jit3A_976 = arith.constant 1 : i32
      %jit3A_977 = arith.constant 0 : i32
      %broadcast_in_dim3A_978 = vector.broadcast %jit3A_976 : i32 to vector<16xi32>
      %broadcast_in_dim3A_979 = vector.broadcast %jit3A_977 : i32 to vector<16xi32>
      %select_n3A_980 = arith.select %and3A_975, %broadcast_in_dim3A_978, %broadcast_in_dim3A_979 : vector<16xi1>, vector<16xi32>
      %sub3A_981 = arith.subi %convert_element_type3A_966, %select_n3A_980 : vector<16xi32>
      %jit3A_982 = arith.constant 0 : i32
      %jit3A_983 = arith.constant 511 : i32
      %max3A_984 = vector.broadcast %jit3A_982 : i32 to vector<16xi32>
      %max3A_985 = arith.maxsi %max3A_984, %sub3A_981 : vector<16xi32>
      %min3A_986 = vector.broadcast %jit3A_983 : i32 to vector<16xi32>
      %min3A_987 = arith.minsi %min3A_986, %max3A_985 : vector<16xi32>
      %mul3A_988 = arith.constant 512 : i32
      %mul3A_989 = vector.broadcast %mul3A_988 : i32 to vector<16xi32>
      %mul3A_990 = arith.muli %min3A_987, %mul3A_989 : vector<16xi32>
      %add3A_991 = vector.broadcast %shift_left3A_5 : i32 to vector<16xi32>
      %add3A_992 = arith.addi %add3A_991, %mul3A_990 : vector<16xi32>
      %add3A_993 = arith.addi %add3A_992, %min3A_955 : vector<16xi32>
      %mul3A_994 = arith.constant 16 : i32
      %mul3A_995 = arith.muli %scan3A_930, %mul3A_994 : i32
      %swap3A_996 = arith.constant 0 : i32
      %swap3A_997 = tpu.memref_slice %arg7[%scan3A_230, %swap3A_996] : memref<16x128xi32, #tpu.memory_space<vmem>> -> memref<1x128xi32, #tpu.memory_space<vmem>>
      %swap3A_998 = tpu.memref_squeeze %swap3A_997 : memref<1x128xi32, #tpu.memory_space<vmem>> -> memref<128xi32, #tpu.memory_space<vmem>>
      %swap3A_999 = arith.index_cast %mul3A_995 : i32 to index
      %swap3A_1000 = tpu.vector_load %swap3A_998[%swap3A_999] {strides = array<i32>} : memref<128xi32, #tpu.memory_space<vmem>>, vector<16xi32>,
      %swap3A_1001 = vector.shape_cast %swap3A_1000 : vector<16xi32> to vector<16xi32>
      %swap3A_1002 = vector.shape_cast %add3A_993 : vector<16xi32> to vector<16xi32>
      tpu.vector_store %swap3A_998[%swap3A_999], %swap3A_1002 {strides = array<i32>} : memref<128xi32, #tpu.memory_space<vmem>>, vector<16xi32>,
      %scan3A_1003 = arith.constant 0 : i32
      scf.yield %scan3A_1003 : i32
    }
    %scan3A_237 = arith.constant 8 : i32
    %dma_start3A_238 = arith.constant 14 : i32
    %dma_start3A_239 = arith.constant 1792 : i32
    %dma_start3A_240 = tpu.memref_slice %arg8[%dma_start3A_239] : memref<2048xi32, #tpu.memory_space<vmem>> -> memref<128xi32, #tpu.memory_space<vmem>>
    %dma_start3A_241 = arith.constant 0 : i32
    %dma_start3A_242 = tpu.memref_slice %arg7[%dma_start3A_238, %dma_start3A_241] : memref<16x128xi32, #tpu.memory_space<vmem>> -> memref<1x128xi32, #tpu.memory_space<vmem>>
    %dma_start3A_243 = tpu.memref_squeeze %dma_start3A_242 : memref<1x128xi32, #tpu.memory_space<vmem>> -> memref<128xi32, #tpu.memory_space<vmem>>
    %dma_start3A_244 = arith.constant 0 : i32
    %dma_start3A_245 = tpu.memref_slice %arg3[%dma_start3A_244] : memref<2097152xi32, #tpu.memory_space<hbm>> -> memref<2097152xi32, #tpu.memory_space<hbm>>
    tpu.enqueue_indirect_dma source(%dma_start3A_245 : memref<2097152xi32, #tpu.memory_space<hbm>>) target(%dma_start3A_240 : memref<128xi32, #tpu.memory_space<vmem>>) offsets(%dma_start3A_243 : memref<128xi32, #tpu.memory_space<vmem>>) semaphore(%arg11 : memref<!tpu.dma_semaphore, #tpu.memory_space<semaphore_mem>>)
    %scan3A_246 = arith.constant 15 : i32
    %scan3A_247 = arith.constant 0 : i32
    %scan3A_248 = arith.constant 0 : i32
    %scan3A_249 = arith.constant 8 : i32
    %scan3A_250 = arith.addi %scan3A_248, %scan3A_249 : i32
    %scan3A_251 = arith.constant 1 : i32
    %scan3A_252 = scf.for %scan3A_930 = %scan3A_248 to %scan3A_250 step %scan3A_251 iter_args(%scan3A_931 = %scan3A_247) -> (i32)  : i32 {
      %mul3A_932 = arith.constant 16 : i32
      %mul3A_933 = arith.muli %scan3A_930, %mul3A_932 : i32
      %add3A_934 = arith.constant 3840 : i32
      %add3A_935 = arith.addi %add3A_934, %mul3A_933 : i32
      %get3A_936 = arith.index_cast %add3A_935 : i32 to index
      %get3A_937 = tpu.vector_load %arg6[%get3A_936] {strides = array<i32>} : memref<4096xf32, #tpu.memory_space<vmem>>, vector<16xf32>,
      %get3A_938 = vector.shape_cast %get3A_937 : vector<16xf32> to vector<16xf32>
      %mul3A_939 = arith.constant 5.120000e+02 : f32
      %mul3A_940 = vector.broadcast %mul3A_939 : f32 to vector<16xf32>
      %mul3A_941 = arith.mulf %get3A_938, %mul3A_940 : vector<16xf32>
      %convert_element_type3A = arith.fptosi %mul3A_941 : vector<16xf32> to vector<16xi32>
      %convert_element_type3A_942 = arith.sitofp %convert_element_type3A : vector<16xi32> to vector<16xf32>
      %eq3A = arith.cmpf oeq, %convert_element_type3A_942, %mul3A_941 : vector<16xf32>
      %and3A_943 = arith.constant 1 : i32
      %and3A_944 = vector.broadcast %and3A_943 : i32 to vector<16xi32>
      %and3A_945 = arith.andi %convert_element_type3A, %and3A_944 : vector<16xi32>
      %eq3A_946 = arith.constant 1 : i32
      %eq3A_947 = vector.broadcast %eq3A_946 : i32 to vector<16xi32>
      %eq3A_948 = arith.cmpi eq, %and3A_945, %eq3A_947 : vector<16xi32>
      %and3A_949 = arith.andi %eq3A, %eq3A_948 : vector<16xi1>
      %jit3A = arith.constant 1 : i32
      %jit3A_950 = arith.constant 0 : i32
      %broadcast_in_dim3A = vector.broadcast %jit3A : i32 to vector<16xi32>
      %broadcast_in_dim3A_951 = vector.broadcast %jit3A_950 : i32 to vector<16xi32>
      %select_n3A = arith.select %and3A_949, %broadcast_in_dim3A, %broadcast_in_dim3A_951 : vector<16xi1>, vector<16xi32>
      %sub3A = arith.subi %convert_element_type3A, %select_n3A : vector<16xi32>
      %jit3A_952 = arith.constant 0 : i32
      %jit3A_953 = arith.constant 511 : i32
      %max3A = vector.broadcast %jit3A_952 : i32 to vector<16xi32>
      %max3A_954 = arith.maxsi %max3A, %sub3A : vector<16xi32>
      %min3A = vector.broadcast %jit3A_953 : i32 to vector<16xi32>
      %min3A_955 = arith.minsi %min3A, %max3A_954 : vector<16xi32>
      %mul3A_956 = arith.constant 16 : i32
      %mul3A_957 = arith.muli %scan3A_930, %mul3A_956 : i32
      %add3A_958 = arith.constant 3968 : i32
      %add3A_959 = arith.addi %add3A_958, %mul3A_957 : i32
      %get3A_960 = arith.index_cast %add3A_959 : i32 to index
      %get3A_961 = tpu.vector_load %arg6[%get3A_960] {strides = array<i32>} : memref<4096xf32, #tpu.memory_space<vmem>>, vector<16xf32>,
      %get3A_962 = vector.shape_cast %get3A_961 : vector<16xf32> to vector<16xf32>
      %mul3A_963 = arith.constant 5.120000e+02 : f32
      %mul3A_964 = vector.broadcast %mul3A_963 : f32 to vector<16xf32>
      %mul3A_965 = arith.mulf %get3A_962, %mul3A_964 : vector<16xf32>
      %convert_element_type3A_966 = arith.fptosi %mul3A_965 : vector<16xf32> to vector<16xi32>
      %convert_element_type3A_967 = arith.sitofp %convert_element_type3A_966 : vector<16xi32> to vector<16xf32>
      %eq3A_968 = arith.cmpf oeq, %convert_element_type3A_967, %mul3A_965 : vector<16xf32>
      %and3A_969 = arith.constant 1 : i32
      %and3A_970 = vector.broadcast %and3A_969 : i32 to vector<16xi32>
      %and3A_971 = arith.andi %convert_element_type3A_966, %and3A_970 : vector<16xi32>
      %eq3A_972 = arith.constant 1 : i32
      %eq3A_973 = vector.broadcast %eq3A_972 : i32 to vector<16xi32>
      %eq3A_974 = arith.cmpi eq, %and3A_971, %eq3A_973 : vector<16xi32>
      %and3A_975 = arith.andi %eq3A_968, %eq3A_974 : vector<16xi1>
      %jit3A_976 = arith.constant 1 : i32
      %jit3A_977 = arith.constant 0 : i32
      %broadcast_in_dim3A_978 = vector.broadcast %jit3A_976 : i32 to vector<16xi32>
      %broadcast_in_dim3A_979 = vector.broadcast %jit3A_977 : i32 to vector<16xi32>
      %select_n3A_980 = arith.select %and3A_975, %broadcast_in_dim3A_978, %broadcast_in_dim3A_979 : vector<16xi1>, vector<16xi32>
      %sub3A_981 = arith.subi %convert_element_type3A_966, %select_n3A_980 : vector<16xi32>
      %jit3A_982 = arith.constant 0 : i32
      %jit3A_983 = arith.constant 511 : i32
      %max3A_984 = vector.broadcast %jit3A_982 : i32 to vector<16xi32>
      %max3A_985 = arith.maxsi %max3A_984, %sub3A_981 : vector<16xi32>
      %min3A_986 = vector.broadcast %jit3A_983 : i32 to vector<16xi32>
      %min3A_987 = arith.minsi %min3A_986, %max3A_985 : vector<16xi32>
      %mul3A_988 = arith.constant 512 : i32
      %mul3A_989 = vector.broadcast %mul3A_988 : i32 to vector<16xi32>
      %mul3A_990 = arith.muli %min3A_987, %mul3A_989 : vector<16xi32>
      %add3A_991 = vector.broadcast %shift_left3A_5 : i32 to vector<16xi32>
      %add3A_992 = arith.addi %add3A_991, %mul3A_990 : vector<16xi32>
      %add3A_993 = arith.addi %add3A_992, %min3A_955 : vector<16xi32>
      %mul3A_994 = arith.constant 16 : i32
      %mul3A_995 = arith.muli %scan3A_930, %mul3A_994 : i32
      %swap3A_996 = arith.constant 0 : i32
      %swap3A_997 = tpu.memref_slice %arg7[%scan3A_246, %swap3A_996] : memref<16x128xi32, #tpu.memory_space<vmem>> -> memref<1x128xi32, #tpu.memory_space<vmem>>
      %swap3A_998 = tpu.memref_squeeze %swap3A_997 : memref<1x128xi32, #tpu.memory_space<vmem>> -> memref<128xi32, #tpu.memory_space<vmem>>
      %swap3A_999 = arith.index_cast %mul3A_995 : i32 to index
      %swap3A_1000 = tpu.vector_load %swap3A_998[%swap3A_999] {strides = array<i32>} : memref<128xi32, #tpu.memory_space<vmem>>, vector<16xi32>,
      %swap3A_1001 = vector.shape_cast %swap3A_1000 : vector<16xi32> to vector<16xi32>
      %swap3A_1002 = vector.shape_cast %add3A_993 : vector<16xi32> to vector<16xi32>
      tpu.vector_store %swap3A_998[%swap3A_999], %swap3A_1002 {strides = array<i32>} : memref<128xi32, #tpu.memory_space<vmem>>, vector<16xi32>,
      %scan3A_1003 = arith.constant 0 : i32
      scf.yield %scan3A_1003 : i32
    }
    %scan3A_253 = arith.constant 8 : i32
    %dma_start3A_254 = arith.constant 15 : i32
    %dma_start3A_255 = arith.constant 1920 : i32
    %dma_start3A_256 = tpu.memref_slice %arg8[%dma_start3A_255] : memref<2048xi32, #tpu.memory_space<vmem>> -> memref<128xi32, #tpu.memory_space<vmem>>
    %dma_start3A_257 = arith.constant 0 : i32
    %dma_start3A_258 = tpu.memref_slice %arg7[%dma_start3A_254, %dma_start3A_257] : memref<16x128xi32, #tpu.memory_space<vmem>> -> memref<1x128xi32, #tpu.memory_space<vmem>>
    %dma_start3A_259 = tpu.memref_squeeze %dma_start3A_258 : memref<1x128xi32, #tpu.memory_space<vmem>> -> memref<128xi32, #tpu.memory_space<vmem>>
    %dma_start3A_260 = arith.constant 0 : i32
    %dma_start3A_261 = tpu.memref_slice %arg3[%dma_start3A_260] : memref<2097152xi32, #tpu.memory_space<hbm>> -> memref<2097152xi32, #tpu.memory_space<hbm>>
    tpu.enqueue_indirect_dma source(%dma_start3A_261 : memref<2097152xi32, #tpu.memory_space<hbm>>) target(%dma_start3A_256 : memref<128xi32, #tpu.memory_space<vmem>>) offsets(%dma_start3A_259 : memref<128xi32, #tpu.memory_space<vmem>>) semaphore(%arg11 : memref<!tpu.dma_semaphore, #tpu.memory_space<semaphore_mem>>)
    %dma_wait3A = arith.constant 0 : i32
    %dma_wait3A_262 = arith.constant 0 : i32
    %dma_wait3A_263 = tpu.memref_slice %arg8[%dma_wait3A_262] : memref<2048xi32, #tpu.memory_space<vmem>> -> memref<128xi32, #tpu.memory_space<vmem>>
    %dma_wait3A_264 = arith.constant 0 : i32
    %dma_wait3A_265 = tpu.memref_slice %arg7[%dma_wait3A, %dma_wait3A_264] : memref<16x128xi32, #tpu.memory_space<vmem>> -> memref<1x128xi32, #tpu.memory_space<vmem>>
    %dma_wait3A_266 = tpu.memref_squeeze %dma_wait3A_265 : memref<1x128xi32, #tpu.memory_space<vmem>> -> memref<128xi32, #tpu.memory_space<vmem>>
    %dma_wait3A_267 = arith.constant 0 : i32
    %dma_wait3A_268 = tpu.memref_slice %arg3[%dma_wait3A_267] : memref<2097152xi32, #tpu.memory_space<hbm>> -> memref<2097152xi32, #tpu.memory_space<hbm>>
    tpu.wait_indirect_dma semaphore(%arg11 : memref<!tpu.dma_semaphore, #tpu.memory_space<semaphore_mem>>) src(%dma_wait3A_268 : memref<2097152xi32, #tpu.memory_space<hbm>>) dst(%dma_wait3A_263 : memref<128xi32, #tpu.memory_space<vmem>>)
    %dma_wait3A_269 = arith.constant 1 : i32
    %dma_wait3A_270 = arith.constant 128 : i32
    %dma_wait3A_271 = tpu.memref_slice %arg8[%dma_wait3A_270] : memref<2048xi32, #tpu.memory_space<vmem>> -> memref<128xi32, #tpu.memory_space<vmem>>
    %dma_wait3A_272 = arith.constant 0 : i32
    %dma_wait3A_273 = tpu.memref_slice %arg7[%dma_wait3A_269, %dma_wait3A_272] : memref<16x128xi32, #tpu.memory_space<vmem>> -> memref<1x128xi32, #tpu.memory_space<vmem>>
    %dma_wait3A_274 = tpu.memref_squeeze %dma_wait3A_273 : memref<1x128xi32, #tpu.memory_space<vmem>> -> memref<128xi32, #tpu.memory_space<vmem>>
    %dma_wait3A_275 = arith.constant 0 : i32
    %dma_wait3A_276 = tpu.memref_slice %arg3[%dma_wait3A_275] : memref<2097152xi32, #tpu.memory_space<hbm>> -> memref<2097152xi32, #tpu.memory_space<hbm>>
    tpu.wait_indirect_dma semaphore(%arg11 : memref<!tpu.dma_semaphore, #tpu.memory_space<semaphore_mem>>) src(%dma_wait3A_276 : memref<2097152xi32, #tpu.memory_space<hbm>>) dst(%dma_wait3A_271 : memref<128xi32, #tpu.memory_space<vmem>>)
    %dma_wait3A_277 = arith.constant 2 : i32
    %dma_wait3A_278 = arith.constant 256 : i32
    %dma_wait3A_279 = tpu.memref_slice %arg8[%dma_wait3A_278] : memref<2048xi32, #tpu.memory_space<vmem>> -> memref<128xi32, #tpu.memory_space<vmem>>
    %dma_wait3A_280 = arith.constant 0 : i32
    %dma_wait3A_281 = tpu.memref_slice %arg7[%dma_wait3A_277, %dma_wait3A_280] : memref<16x128xi32, #tpu.memory_space<vmem>> -> memref<1x128xi32, #tpu.memory_space<vmem>>
    %dma_wait3A_282 = tpu.memref_squeeze %dma_wait3A_281 : memref<1x128xi32, #tpu.memory_space<vmem>> -> memref<128xi32, #tpu.memory_space<vmem>>
    %dma_wait3A_283 = arith.constant 0 : i32
    %dma_wait3A_284 = tpu.memref_slice %arg3[%dma_wait3A_283] : memref<2097152xi32, #tpu.memory_space<hbm>> -> memref<2097152xi32, #tpu.memory_space<hbm>>
    tpu.wait_indirect_dma semaphore(%arg11 : memref<!tpu.dma_semaphore, #tpu.memory_space<semaphore_mem>>) src(%dma_wait3A_284 : memref<2097152xi32, #tpu.memory_space<hbm>>) dst(%dma_wait3A_279 : memref<128xi32, #tpu.memory_space<vmem>>)
    %dma_wait3A_285 = arith.constant 3 : i32
    %dma_wait3A_286 = arith.constant 384 : i32
    %dma_wait3A_287 = tpu.memref_slice %arg8[%dma_wait3A_286] : memref<2048xi32, #tpu.memory_space<vmem>> -> memref<128xi32, #tpu.memory_space<vmem>>
    %dma_wait3A_288 = arith.constant 0 : i32
    %dma_wait3A_289 = tpu.memref_slice %arg7[%dma_wait3A_285, %dma_wait3A_288] : memref<16x128xi32, #tpu.memory_space<vmem>> -> memref<1x128xi32, #tpu.memory_space<vmem>>
    %dma_wait3A_290 = tpu.memref_squeeze %dma_wait3A_289 : memref<1x128xi32, #tpu.memory_space<vmem>> -> memref<128xi32, #tpu.memory_space<vmem>>
    %dma_wait3A_291 = arith.constant 0 : i32
    %dma_wait3A_292 = tpu.memref_slice %arg3[%dma_wait3A_291] : memref<2097152xi32, #tpu.memory_space<hbm>> -> memref<2097152xi32, #tpu.memory_space<hbm>>
    tpu.wait_indirect_dma semaphore(%arg11 : memref<!tpu.dma_semaphore, #tpu.memory_space<semaphore_mem>>) src(%dma_wait3A_292 : memref<2097152xi32, #tpu.memory_space<hbm>>) dst(%dma_wait3A_287 : memref<128xi32, #tpu.memory_space<vmem>>)
    %dma_wait3A_293 = arith.constant 4 : i32
    %dma_wait3A_294 = arith.constant 512 : i32
    %dma_wait3A_295 = tpu.memref_slice %arg8[%dma_wait3A_294] : memref<2048xi32, #tpu.memory_space<vmem>> -> memref<128xi32, #tpu.memory_space<vmem>>
    %dma_wait3A_296 = arith.constant 0 : i32
    %dma_wait3A_297 = tpu.memref_slice %arg7[%dma_wait3A_293, %dma_wait3A_296] : memref<16x128xi32, #tpu.memory_space<vmem>> -> memref<1x128xi32, #tpu.memory_space<vmem>>
    %dma_wait3A_298 = tpu.memref_squeeze %dma_wait3A_297 : memref<1x128xi32, #tpu.memory_space<vmem>> -> memref<128xi32, #tpu.memory_space<vmem>>
    %dma_wait3A_299 = arith.constant 0 : i32
    %dma_wait3A_300 = tpu.memref_slice %arg3[%dma_wait3A_299] : memref<2097152xi32, #tpu.memory_space<hbm>> -> memref<2097152xi32, #tpu.memory_space<hbm>>
    tpu.wait_indirect_dma semaphore(%arg11 : memref<!tpu.dma_semaphore, #tpu.memory_space<semaphore_mem>>) src(%dma_wait3A_300 : memref<2097152xi32, #tpu.memory_space<hbm>>) dst(%dma_wait3A_295 : memref<128xi32, #tpu.memory_space<vmem>>)
    %dma_wait3A_301 = arith.constant 5 : i32
    %dma_wait3A_302 = arith.constant 640 : i32
    %dma_wait3A_303 = tpu.memref_slice %arg8[%dma_wait3A_302] : memref<2048xi32, #tpu.memory_space<vmem>> -> memref<128xi32, #tpu.memory_space<vmem>>
    %dma_wait3A_304 = arith.constant 0 : i32
    %dma_wait3A_305 = tpu.memref_slice %arg7[%dma_wait3A_301, %dma_wait3A_304] : memref<16x128xi32, #tpu.memory_space<vmem>> -> memref<1x128xi32, #tpu.memory_space<vmem>>
    %dma_wait3A_306 = tpu.memref_squeeze %dma_wait3A_305 : memref<1x128xi32, #tpu.memory_space<vmem>> -> memref<128xi32, #tpu.memory_space<vmem>>
    %dma_wait3A_307 = arith.constant 0 : i32
    %dma_wait3A_308 = tpu.memref_slice %arg3[%dma_wait3A_307] : memref<2097152xi32, #tpu.memory_space<hbm>> -> memref<2097152xi32, #tpu.memory_space<hbm>>
    tpu.wait_indirect_dma semaphore(%arg11 : memref<!tpu.dma_semaphore, #tpu.memory_space<semaphore_mem>>) src(%dma_wait3A_308 : memref<2097152xi32, #tpu.memory_space<hbm>>) dst(%dma_wait3A_303 : memref<128xi32, #tpu.memory_space<vmem>>)
    %dma_wait3A_309 = arith.constant 6 : i32
    %dma_wait3A_310 = arith.constant 768 : i32
    %dma_wait3A_311 = tpu.memref_slice %arg8[%dma_wait3A_310] : memref<2048xi32, #tpu.memory_space<vmem>> -> memref<128xi32, #tpu.memory_space<vmem>>
    %dma_wait3A_312 = arith.constant 0 : i32
    %dma_wait3A_313 = tpu.memref_slice %arg7[%dma_wait3A_309, %dma_wait3A_312] : memref<16x128xi32, #tpu.memory_space<vmem>> -> memref<1x128xi32, #tpu.memory_space<vmem>>
    %dma_wait3A_314 = tpu.memref_squeeze %dma_wait3A_313 : memref<1x128xi32, #tpu.memory_space<vmem>> -> memref<128xi32, #tpu.memory_space<vmem>>
    %dma_wait3A_315 = arith.constant 0 : i32
    %dma_wait3A_316 = tpu.memref_slice %arg3[%dma_wait3A_315] : memref<2097152xi32, #tpu.memory_space<hbm>> -> memref<2097152xi32, #tpu.memory_space<hbm>>
    tpu.wait_indirect_dma semaphore(%arg11 : memref<!tpu.dma_semaphore, #tpu.memory_space<semaphore_mem>>) src(%dma_wait3A_316 : memref<2097152xi32, #tpu.memory_space<hbm>>) dst(%dma_wait3A_311 : memref<128xi32, #tpu.memory_space<vmem>>)
    %dma_wait3A_317 = arith.constant 7 : i32
    %dma_wait3A_318 = arith.constant 896 : i32
    %dma_wait3A_319 = tpu.memref_slice %arg8[%dma_wait3A_318] : memref<2048xi32, #tpu.memory_space<vmem>> -> memref<128xi32, #tpu.memory_space<vmem>>
    %dma_wait3A_320 = arith.constant 0 : i32
    %dma_wait3A_321 = tpu.memref_slice %arg7[%dma_wait3A_317, %dma_wait3A_320] : memref<16x128xi32, #tpu.memory_space<vmem>> -> memref<1x128xi32, #tpu.memory_space<vmem>>
    %dma_wait3A_322 = tpu.memref_squeeze %dma_wait3A_321 : memref<1x128xi32, #tpu.memory_space<vmem>> -> memref<128xi32, #tpu.memory_space<vmem>>
    %dma_wait3A_323 = arith.constant 0 : i32
    %dma_wait3A_324 = tpu.memref_slice %arg3[%dma_wait3A_323] : memref<2097152xi32, #tpu.memory_space<hbm>> -> memref<2097152xi32, #tpu.memory_space<hbm>>
    tpu.wait_indirect_dma semaphore(%arg11 : memref<!tpu.dma_semaphore, #tpu.memory_space<semaphore_mem>>) src(%dma_wait3A_324 : memref<2097152xi32, #tpu.memory_space<hbm>>) dst(%dma_wait3A_319 : memref<128xi32, #tpu.memory_space<vmem>>)
    %dma_wait3A_325 = arith.constant 8 : i32
    %dma_wait3A_326 = arith.constant 1024 : i32
    %dma_wait3A_327 = tpu.memref_slice %arg8[%dma_wait3A_326] : memref<2048xi32, #tpu.memory_space<vmem>> -> memref<128xi32, #tpu.memory_space<vmem>>
    %dma_wait3A_328 = arith.constant 0 : i32
    %dma_wait3A_329 = tpu.memref_slice %arg7[%dma_wait3A_325, %dma_wait3A_328] : memref<16x128xi32, #tpu.memory_space<vmem>> -> memref<1x128xi32, #tpu.memory_space<vmem>>
    %dma_wait3A_330 = tpu.memref_squeeze %dma_wait3A_329 : memref<1x128xi32, #tpu.memory_space<vmem>> -> memref<128xi32, #tpu.memory_space<vmem>>
    %dma_wait3A_331 = arith.constant 0 : i32
    %dma_wait3A_332 = tpu.memref_slice %arg3[%dma_wait3A_331] : memref<2097152xi32, #tpu.memory_space<hbm>> -> memref<2097152xi32, #tpu.memory_space<hbm>>
    tpu.wait_indirect_dma semaphore(%arg11 : memref<!tpu.dma_semaphore, #tpu.memory_space<semaphore_mem>>) src(%dma_wait3A_332 : memref<2097152xi32, #tpu.memory_space<hbm>>) dst(%dma_wait3A_327 : memref<128xi32, #tpu.memory_space<vmem>>)
    %dma_wait3A_333 = arith.constant 9 : i32
    %dma_wait3A_334 = arith.constant 1152 : i32
    %dma_wait3A_335 = tpu.memref_slice %arg8[%dma_wait3A_334] : memref<2048xi32, #tpu.memory_space<vmem>> -> memref<128xi32, #tpu.memory_space<vmem>>
    %dma_wait3A_336 = arith.constant 0 : i32
    %dma_wait3A_337 = tpu.memref_slice %arg7[%dma_wait3A_333, %dma_wait3A_336] : memref<16x128xi32, #tpu.memory_space<vmem>> -> memref<1x128xi32, #tpu.memory_space<vmem>>
    %dma_wait3A_338 = tpu.memref_squeeze %dma_wait3A_337 : memref<1x128xi32, #tpu.memory_space<vmem>> -> memref<128xi32, #tpu.memory_space<vmem>>
    %dma_wait3A_339 = arith.constant 0 : i32
    %dma_wait3A_340 = tpu.memref_slice %arg3[%dma_wait3A_339] : memref<2097152xi32, #tpu.memory_space<hbm>> -> memref<2097152xi32, #tpu.memory_space<hbm>>
    tpu.wait_indirect_dma semaphore(%arg11 : memref<!tpu.dma_semaphore, #tpu.memory_space<semaphore_mem>>) src(%dma_wait3A_340 : memref<2097152xi32, #tpu.memory_space<hbm>>) dst(%dma_wait3A_335 : memref<128xi32, #tpu.memory_space<vmem>>)
    %dma_wait3A_341 = arith.constant 10 : i32
    %dma_wait3A_342 = arith.constant 1280 : i32
    %dma_wait3A_343 = tpu.memref_slice %arg8[%dma_wait3A_342] : memref<2048xi32, #tpu.memory_space<vmem>> -> memref<128xi32, #tpu.memory_space<vmem>>
    %dma_wait3A_344 = arith.constant 0 : i32
    %dma_wait3A_345 = tpu.memref_slice %arg7[%dma_wait3A_341, %dma_wait3A_344] : memref<16x128xi32, #tpu.memory_space<vmem>> -> memref<1x128xi32, #tpu.memory_space<vmem>>
    %dma_wait3A_346 = tpu.memref_squeeze %dma_wait3A_345 : memref<1x128xi32, #tpu.memory_space<vmem>> -> memref<128xi32, #tpu.memory_space<vmem>>
    %dma_wait3A_347 = arith.constant 0 : i32
    %dma_wait3A_348 = tpu.memref_slice %arg3[%dma_wait3A_347] : memref<2097152xi32, #tpu.memory_space<hbm>> -> memref<2097152xi32, #tpu.memory_space<hbm>>
    tpu.wait_indirect_dma semaphore(%arg11 : memref<!tpu.dma_semaphore, #tpu.memory_space<semaphore_mem>>) src(%dma_wait3A_348 : memref<2097152xi32, #tpu.memory_space<hbm>>) dst(%dma_wait3A_343 : memref<128xi32, #tpu.memory_space<vmem>>)
    %dma_wait3A_349 = arith.constant 11 : i32
    %dma_wait3A_350 = arith.constant 1408 : i32
    %dma_wait3A_351 = tpu.memref_slice %arg8[%dma_wait3A_350] : memref<2048xi32, #tpu.memory_space<vmem>> -> memref<128xi32, #tpu.memory_space<vmem>>
    %dma_wait3A_352 = arith.constant 0 : i32
    %dma_wait3A_353 = tpu.memref_slice %arg7[%dma_wait3A_349, %dma_wait3A_352] : memref<16x128xi32, #tpu.memory_space<vmem>> -> memref<1x128xi32, #tpu.memory_space<vmem>>
    %dma_wait3A_354 = tpu.memref_squeeze %dma_wait3A_353 : memref<1x128xi32, #tpu.memory_space<vmem>> -> memref<128xi32, #tpu.memory_space<vmem>>
    %dma_wait3A_355 = arith.constant 0 : i32
    %dma_wait3A_356 = tpu.memref_slice %arg3[%dma_wait3A_355] : memref<2097152xi32, #tpu.memory_space<hbm>> -> memref<2097152xi32, #tpu.memory_space<hbm>>
    tpu.wait_indirect_dma semaphore(%arg11 : memref<!tpu.dma_semaphore, #tpu.memory_space<semaphore_mem>>) src(%dma_wait3A_356 : memref<2097152xi32, #tpu.memory_space<hbm>>) dst(%dma_wait3A_351 : memref<128xi32, #tpu.memory_space<vmem>>)
    %dma_wait3A_357 = arith.constant 12 : i32
    %dma_wait3A_358 = arith.constant 1536 : i32
    %dma_wait3A_359 = tpu.memref_slice %arg8[%dma_wait3A_358] : memref<2048xi32, #tpu.memory_space<vmem>> -> memref<128xi32, #tpu.memory_space<vmem>>
    %dma_wait3A_360 = arith.constant 0 : i32
    %dma_wait3A_361 = tpu.memref_slice %arg7[%dma_wait3A_357, %dma_wait3A_360] : memref<16x128xi32, #tpu.memory_space<vmem>> -> memref<1x128xi32, #tpu.memory_space<vmem>>
    %dma_wait3A_362 = tpu.memref_squeeze %dma_wait3A_361 : memref<1x128xi32, #tpu.memory_space<vmem>> -> memref<128xi32, #tpu.memory_space<vmem>>
    %dma_wait3A_363 = arith.constant 0 : i32
    %dma_wait3A_364 = tpu.memref_slice %arg3[%dma_wait3A_363] : memref<2097152xi32, #tpu.memory_space<hbm>> -> memref<2097152xi32, #tpu.memory_space<hbm>>
    tpu.wait_indirect_dma semaphore(%arg11 : memref<!tpu.dma_semaphore, #tpu.memory_space<semaphore_mem>>) src(%dma_wait3A_364 : memref<2097152xi32, #tpu.memory_space<hbm>>) dst(%dma_wait3A_359 : memref<128xi32, #tpu.memory_space<vmem>>)
    %dma_wait3A_365 = arith.constant 13 : i32
    %dma_wait3A_366 = arith.constant 1664 : i32
    %dma_wait3A_367 = tpu.memref_slice %arg8[%dma_wait3A_366] : memref<2048xi32, #tpu.memory_space<vmem>> -> memref<128xi32, #tpu.memory_space<vmem>>
    %dma_wait3A_368 = arith.constant 0 : i32
    %dma_wait3A_369 = tpu.memref_slice %arg7[%dma_wait3A_365, %dma_wait3A_368] : memref<16x128xi32, #tpu.memory_space<vmem>> -> memref<1x128xi32, #tpu.memory_space<vmem>>
    %dma_wait3A_370 = tpu.memref_squeeze %dma_wait3A_369 : memref<1x128xi32, #tpu.memory_space<vmem>> -> memref<128xi32, #tpu.memory_space<vmem>>
    %dma_wait3A_371 = arith.constant 0 : i32
    %dma_wait3A_372 = tpu.memref_slice %arg3[%dma_wait3A_371] : memref<2097152xi32, #tpu.memory_space<hbm>> -> memref<2097152xi32, #tpu.memory_space<hbm>>
    tpu.wait_indirect_dma semaphore(%arg11 : memref<!tpu.dma_semaphore, #tpu.memory_space<semaphore_mem>>) src(%dma_wait3A_372 : memref<2097152xi32, #tpu.memory_space<hbm>>) dst(%dma_wait3A_367 : memref<128xi32, #tpu.memory_space<vmem>>)
    %dma_wait3A_373 = arith.constant 14 : i32
    %dma_wait3A_374 = arith.constant 1792 : i32
    %dma_wait3A_375 = tpu.memref_slice %arg8[%dma_wait3A_374] : memref<2048xi32, #tpu.memory_space<vmem>> -> memref<128xi32, #tpu.memory_space<vmem>>
    %dma_wait3A_376 = arith.constant 0 : i32
    %dma_wait3A_377 = tpu.memref_slice %arg7[%dma_wait3A_373, %dma_wait3A_376] : memref<16x128xi32, #tpu.memory_space<vmem>> -> memref<1x128xi32, #tpu.memory_space<vmem>>
    %dma_wait3A_378 = tpu.memref_squeeze %dma_wait3A_377 : memref<1x128xi32, #tpu.memory_space<vmem>> -> memref<128xi32, #tpu.memory_space<vmem>>
    %dma_wait3A_379 = arith.constant 0 : i32
    %dma_wait3A_380 = tpu.memref_slice %arg3[%dma_wait3A_379] : memref<2097152xi32, #tpu.memory_space<hbm>> -> memref<2097152xi32, #tpu.memory_space<hbm>>
    tpu.wait_indirect_dma semaphore(%arg11 : memref<!tpu.dma_semaphore, #tpu.memory_space<semaphore_mem>>) src(%dma_wait3A_380 : memref<2097152xi32, #tpu.memory_space<hbm>>) dst(%dma_wait3A_375 : memref<128xi32, #tpu.memory_space<vmem>>)
    %dma_wait3A_381 = arith.constant 15 : i32
    %dma_wait3A_382 = arith.constant 1920 : i32
    %dma_wait3A_383 = tpu.memref_slice %arg8[%dma_wait3A_382] : memref<2048xi32, #tpu.memory_space<vmem>> -> memref<128xi32, #tpu.memory_space<vmem>>
    %dma_wait3A_384 = arith.constant 0 : i32
    %dma_wait3A_385 = tpu.memref_slice %arg7[%dma_wait3A_381, %dma_wait3A_384] : memref<16x128xi32, #tpu.memory_space<vmem>> -> memref<1x128xi32, #tpu.memory_space<vmem>>
    %dma_wait3A_386 = tpu.memref_squeeze %dma_wait3A_385 : memref<1x128xi32, #tpu.memory_space<vmem>> -> memref<128xi32, #tpu.memory_space<vmem>>
    %dma_wait3A_387 = arith.constant 0 : i32
    %dma_wait3A_388 = tpu.memref_slice %arg3[%dma_wait3A_387] : memref<2097152xi32, #tpu.memory_space<hbm>> -> memref<2097152xi32, #tpu.memory_space<hbm>>
    tpu.wait_indirect_dma semaphore(%arg11 : memref<!tpu.dma_semaphore, #tpu.memory_space<semaphore_mem>>) src(%dma_wait3A_388 : memref<2097152xi32, #tpu.memory_space<hbm>>) dst(%dma_wait3A_383 : memref<128xi32, #tpu.memory_space<vmem>>)
    %iota3A = tpu.iota {dimensions = array<i32: 0>} : vector<16xi32>
    %mul3A_389 = arith.constant 16 : i32
    %mul3A_390 = arith.muli %mul3A_389, %and3A_4 : i32
    %add3A_391 = arith.constant 0 : i32
    %add3A_392 = arith.addi %mul3A_390, %add3A_391 : i32
    %shift_left3A_393 = arith.constant 10 : i32
    %shift_left3A_394 = arith.shli %add3A_392, %shift_left3A_393 : i32
    %shift_left3A_395 = arith.constant 7 : i32
    %shift_left3A_396 = arith.shli %shift_right_arithmetic3A_3, %shift_left3A_395 : i32
    %add3A_397 = arith.addi %shift_left3A_394, %shift_left3A_396 : i32
    %scan3A_398 = arith.constant 0 : i32
    %scan3A_399 = arith.constant 0 : i32
    %scan3A_400 = arith.constant 0 : i32
    %scan3A_401 = arith.constant 8 : i32
    %scan3A_402 = arith.addi %scan3A_400, %scan3A_401 : i32
    %scan3A_403 = arith.constant 1 : i32
    %scan3A_404 = scf.for %scan3A_930 = %scan3A_400 to %scan3A_402 step %scan3A_403 iter_args(%scan3A_931 = %scan3A_399) -> (i32)  : i32 {
      %mul3A_932 = arith.constant 16 : i32
      %mul3A_933 = arith.muli %scan3A_930, %mul3A_932 : i32
      %add3A_934 = arith.constant 0 : i32
      %add3A_935 = arith.addi %add3A_934, %mul3A_933 : i32
      %get3A_936 = arith.index_cast %add3A_935 : i32 to index
      %get3A_937 = tpu.vector_load %arg8[%get3A_936] {strides = array<i32>} : memref<2048xi32, #tpu.memory_space<vmem>>, vector<16xi32>,
      %get3A_938 = vector.shape_cast %get3A_937 : vector<16xi32> to vector<16xi32>
      %shift_left3A_939 = arith.constant 16 : i32
      %shift_left3A_940 = vector.broadcast %shift_left3A_939 : i32 to vector<16xi32>
      %shift_left3A_941 = arith.shli %get3A_938, %shift_left3A_940 : vector<16xi32>
      %add3A_942 = vector.broadcast %add3A_397 : i32 to vector<16xi32>
      %add3A_943 = arith.addi %shift_left3A_941, %add3A_942 : vector<16xi32>
      %mul3A_944 = arith.constant 16 : i32
      %mul3A_945 = arith.muli %scan3A_930, %mul3A_944 : i32
      %add3A_946 = vector.broadcast %mul3A_945 : i32 to vector<16xi32>
      %add3A_947 = arith.addi %add3A_943, %add3A_946 : vector<16xi32>
      %add3A_948 = arith.addi %add3A_947, %iota3A : vector<16xi32>
      %mul3A_949 = arith.constant 16 : i32
      %mul3A_950 = arith.muli %scan3A_930, %mul3A_949 : i32
      %swap3A_951 = arith.constant 0 : i32
      %swap3A_952 = tpu.memref_slice %arg7[%scan3A_398, %swap3A_951] : memref<16x128xi32, #tpu.memory_space<vmem>> -> memref<1x128xi32, #tpu.memory_space<vmem>>
      %swap3A_953 = tpu.memref_squeeze %swap3A_952 : memref<1x128xi32, #tpu.memory_space<vmem>> -> memref<128xi32, #tpu.memory_space<vmem>>
      %swap3A_954 = arith.index_cast %mul3A_950 : i32 to index
      %swap3A_955 = tpu.vector_load %swap3A_953[%swap3A_954] {strides = array<i32>} : memref<128xi32, #tpu.memory_space<vmem>>, vector<16xi32>,
      %swap3A_956 = vector.shape_cast %swap3A_955 : vector<16xi32> to vector<16xi32>
      %swap3A_957 = vector.shape_cast %add3A_948 : vector<16xi32> to vector<16xi32>
      tpu.vector_store %swap3A_953[%swap3A_954], %swap3A_957 {strides = array<i32>} : memref<128xi32, #tpu.memory_space<vmem>>, vector<16xi32>,
      %scan3A_958 = arith.constant 0 : i32
      scf.yield %scan3A_958 : i32
    }
    %scan3A_405 = arith.constant 8 : i32
    %dma_start3A_406 = arith.constant 0 : i32
    %dma_start3A_407 = arith.constant 0 : i32
    %dma_start3A_408 = tpu.memref_slice %arg9[%dma_start3A_407] : memref<2048xf32, #tpu.memory_space<vmem>> -> memref<128xf32, #tpu.memory_space<vmem>>
    %dma_start3A_409 = arith.constant 0 : i32
    %dma_start3A_410 = tpu.memref_slice %arg7[%dma_start3A_406, %dma_start3A_409] : memref<16x128xi32, #tpu.memory_space<vmem>> -> memref<1x128xi32, #tpu.memory_space<vmem>>
    %dma_start3A_411 = tpu.memref_squeeze %dma_start3A_410 : memref<1x128xi32, #tpu.memory_space<vmem>> -> memref<128xi32, #tpu.memory_space<vmem>>
    %dma_start3A_412 = arith.constant 0 : i32
    %dma_start3A_413 = tpu.memref_slice %arg4[%dma_start3A_412] : memref<9830400xf32, #tpu.memory_space<hbm>> -> memref<9830400xf32, #tpu.memory_space<hbm>>
    tpu.enqueue_indirect_dma source(%dma_start3A_413 : memref<9830400xf32, #tpu.memory_space<hbm>>) target(%dma_start3A_408 : memref<128xf32, #tpu.memory_space<vmem>>) offsets(%dma_start3A_411 : memref<128xi32, #tpu.memory_space<vmem>>) semaphore(%arg11 : memref<!tpu.dma_semaphore, #tpu.memory_space<semaphore_mem>>)
    %mul3A_414 = arith.constant 16 : i32
    %mul3A_415 = arith.muli %mul3A_414, %and3A_4 : i32
    %add3A_416 = arith.constant 1 : i32
    %add3A_417 = arith.addi %mul3A_415, %add3A_416 : i32
    %shift_left3A_418 = arith.constant 10 : i32
    %shift_left3A_419 = arith.shli %add3A_417, %shift_left3A_418 : i32
    %shift_left3A_420 = arith.constant 7 : i32
    %shift_left3A_421 = arith.shli %shift_right_arithmetic3A_3, %shift_left3A_420 : i32
    %add3A_422 = arith.addi %shift_left3A_419, %shift_left3A_421 : i32
    %scan3A_423 = arith.constant 1 : i32
    %scan3A_424 = arith.constant 0 : i32
    %scan3A_425 = arith.constant 0 : i32
    %scan3A_426 = arith.constant 8 : i32
    %scan3A_427 = arith.addi %scan3A_425, %scan3A_426 : i32
    %scan3A_428 = arith.constant 1 : i32
    %scan3A_429 = scf.for %scan3A_930 = %scan3A_425 to %scan3A_427 step %scan3A_428 iter_args(%scan3A_931 = %scan3A_424) -> (i32)  : i32 {
      %mul3A_932 = arith.constant 16 : i32
      %mul3A_933 = arith.muli %scan3A_930, %mul3A_932 : i32
      %add3A_934 = arith.constant 128 : i32
      %add3A_935 = arith.addi %add3A_934, %mul3A_933 : i32
      %get3A_936 = arith.index_cast %add3A_935 : i32 to index
      %get3A_937 = tpu.vector_load %arg8[%get3A_936] {strides = array<i32>} : memref<2048xi32, #tpu.memory_space<vmem>>, vector<16xi32>,
      %get3A_938 = vector.shape_cast %get3A_937 : vector<16xi32> to vector<16xi32>
      %shift_left3A_939 = arith.constant 16 : i32
      %shift_left3A_940 = vector.broadcast %shift_left3A_939 : i32 to vector<16xi32>
      %shift_left3A_941 = arith.shli %get3A_938, %shift_left3A_940 : vector<16xi32>
      %add3A_942 = vector.broadcast %add3A_422 : i32 to vector<16xi32>
      %add3A_943 = arith.addi %shift_left3A_941, %add3A_942 : vector<16xi32>
      %mul3A_944 = arith.constant 16 : i32
      %mul3A_945 = arith.muli %scan3A_930, %mul3A_944 : i32
      %add3A_946 = vector.broadcast %mul3A_945 : i32 to vector<16xi32>
      %add3A_947 = arith.addi %add3A_943, %add3A_946 : vector<16xi32>
      %add3A_948 = arith.addi %add3A_947, %iota3A : vector<16xi32>
      %mul3A_949 = arith.constant 16 : i32
      %mul3A_950 = arith.muli %scan3A_930, %mul3A_949 : i32
      %swap3A_951 = arith.constant 0 : i32
      %swap3A_952 = tpu.memref_slice %arg7[%scan3A_423, %swap3A_951] : memref<16x128xi32, #tpu.memory_space<vmem>> -> memref<1x128xi32, #tpu.memory_space<vmem>>
      %swap3A_953 = tpu.memref_squeeze %swap3A_952 : memref<1x128xi32, #tpu.memory_space<vmem>> -> memref<128xi32, #tpu.memory_space<vmem>>
      %swap3A_954 = arith.index_cast %mul3A_950 : i32 to index
      %swap3A_955 = tpu.vector_load %swap3A_953[%swap3A_954] {strides = array<i32>} : memref<128xi32, #tpu.memory_space<vmem>>, vector<16xi32>,
      %swap3A_956 = vector.shape_cast %swap3A_955 : vector<16xi32> to vector<16xi32>
      %swap3A_957 = vector.shape_cast %add3A_948 : vector<16xi32> to vector<16xi32>
      tpu.vector_store %swap3A_953[%swap3A_954], %swap3A_957 {strides = array<i32>} : memref<128xi32, #tpu.memory_space<vmem>>, vector<16xi32>,
      %scan3A_958 = arith.constant 0 : i32
      scf.yield %scan3A_958 : i32
    }
    %scan3A_430 = arith.constant 8 : i32
    %dma_start3A_431 = arith.constant 1 : i32
    %dma_start3A_432 = arith.constant 128 : i32
    %dma_start3A_433 = tpu.memref_slice %arg9[%dma_start3A_432] : memref<2048xf32, #tpu.memory_space<vmem>> -> memref<128xf32, #tpu.memory_space<vmem>>
    %dma_start3A_434 = arith.constant 0 : i32
    %dma_start3A_435 = tpu.memref_slice %arg7[%dma_start3A_431, %dma_start3A_434] : memref<16x128xi32, #tpu.memory_space<vmem>> -> memref<1x128xi32, #tpu.memory_space<vmem>>
    %dma_start3A_436 = tpu.memref_squeeze %dma_start3A_435 : memref<1x128xi32, #tpu.memory_space<vmem>> -> memref<128xi32, #tpu.memory_space<vmem>>
    %dma_start3A_437 = arith.constant 0 : i32
    %dma_start3A_438 = tpu.memref_slice %arg4[%dma_start3A_437] : memref<9830400xf32, #tpu.memory_space<hbm>> -> memref<9830400xf32, #tpu.memory_space<hbm>>
    tpu.enqueue_indirect_dma source(%dma_start3A_438 : memref<9830400xf32, #tpu.memory_space<hbm>>) target(%dma_start3A_433 : memref<128xf32, #tpu.memory_space<vmem>>) offsets(%dma_start3A_436 : memref<128xi32, #tpu.memory_space<vmem>>) semaphore(%arg11 : memref<!tpu.dma_semaphore, #tpu.memory_space<semaphore_mem>>)
    %mul3A_439 = arith.constant 16 : i32
    %mul3A_440 = arith.muli %mul3A_439, %and3A_4 : i32
    %add3A_441 = arith.constant 2 : i32
    %add3A_442 = arith.addi %mul3A_440, %add3A_441 : i32
    %shift_left3A_443 = arith.constant 10 : i32
    %shift_left3A_444 = arith.shli %add3A_442, %shift_left3A_443 : i32
    %shift_left3A_445 = arith.constant 7 : i32
    %shift_left3A_446 = arith.shli %shift_right_arithmetic3A_3, %shift_left3A_445 : i32
    %add3A_447 = arith.addi %shift_left3A_444, %shift_left3A_446 : i32
    %scan3A_448 = arith.constant 2 : i32
    %scan3A_449 = arith.constant 0 : i32
    %scan3A_450 = arith.constant 0 : i32
    %scan3A_451 = arith.constant 8 : i32
    %scan3A_452 = arith.addi %scan3A_450, %scan3A_451 : i32
    %scan3A_453 = arith.constant 1 : i32
    %scan3A_454 = scf.for %scan3A_930 = %scan3A_450 to %scan3A_452 step %scan3A_453 iter_args(%scan3A_931 = %scan3A_449) -> (i32)  : i32 {
      %mul3A_932 = arith.constant 16 : i32
      %mul3A_933 = arith.muli %scan3A_930, %mul3A_932 : i32
      %add3A_934 = arith.constant 256 : i32
      %add3A_935 = arith.addi %add3A_934, %mul3A_933 : i32
      %get3A_936 = arith.index_cast %add3A_935 : i32 to index
      %get3A_937 = tpu.vector_load %arg8[%get3A_936] {strides = array<i32>} : memref<2048xi32, #tpu.memory_space<vmem>>, vector<16xi32>,
      %get3A_938 = vector.shape_cast %get3A_937 : vector<16xi32> to vector<16xi32>
      %shift_left3A_939 = arith.constant 16 : i32
      %shift_left3A_940 = vector.broadcast %shift_left3A_939 : i32 to vector<16xi32>
      %shift_left3A_941 = arith.shli %get3A_938, %shift_left3A_940 : vector<16xi32>
      %add3A_942 = vector.broadcast %add3A_447 : i32 to vector<16xi32>
      %add3A_943 = arith.addi %shift_left3A_941, %add3A_942 : vector<16xi32>
      %mul3A_944 = arith.constant 16 : i32
      %mul3A_945 = arith.muli %scan3A_930, %mul3A_944 : i32
      %add3A_946 = vector.broadcast %mul3A_945 : i32 to vector<16xi32>
      %add3A_947 = arith.addi %add3A_943, %add3A_946 : vector<16xi32>
      %add3A_948 = arith.addi %add3A_947, %iota3A : vector<16xi32>
      %mul3A_949 = arith.constant 16 : i32
      %mul3A_950 = arith.muli %scan3A_930, %mul3A_949 : i32
      %swap3A_951 = arith.constant 0 : i32
      %swap3A_952 = tpu.memref_slice %arg7[%scan3A_448, %swap3A_951] : memref<16x128xi32, #tpu.memory_space<vmem>> -> memref<1x128xi32, #tpu.memory_space<vmem>>
      %swap3A_953 = tpu.memref_squeeze %swap3A_952 : memref<1x128xi32, #tpu.memory_space<vmem>> -> memref<128xi32, #tpu.memory_space<vmem>>
      %swap3A_954 = arith.index_cast %mul3A_950 : i32 to index
      %swap3A_955 = tpu.vector_load %swap3A_953[%swap3A_954] {strides = array<i32>} : memref<128xi32, #tpu.memory_space<vmem>>, vector<16xi32>,
      %swap3A_956 = vector.shape_cast %swap3A_955 : vector<16xi32> to vector<16xi32>
      %swap3A_957 = vector.shape_cast %add3A_948 : vector<16xi32> to vector<16xi32>
      tpu.vector_store %swap3A_953[%swap3A_954], %swap3A_957 {strides = array<i32>} : memref<128xi32, #tpu.memory_space<vmem>>, vector<16xi32>,
      %scan3A_958 = arith.constant 0 : i32
      scf.yield %scan3A_958 : i32
    }
    %scan3A_455 = arith.constant 8 : i32
    %dma_start3A_456 = arith.constant 2 : i32
    %dma_start3A_457 = arith.constant 256 : i32
    %dma_start3A_458 = tpu.memref_slice %arg9[%dma_start3A_457] : memref<2048xf32, #tpu.memory_space<vmem>> -> memref<128xf32, #tpu.memory_space<vmem>>
    %dma_start3A_459 = arith.constant 0 : i32
    %dma_start3A_460 = tpu.memref_slice %arg7[%dma_start3A_456, %dma_start3A_459] : memref<16x128xi32, #tpu.memory_space<vmem>> -> memref<1x128xi32, #tpu.memory_space<vmem>>
    %dma_start3A_461 = tpu.memref_squeeze %dma_start3A_460 : memref<1x128xi32, #tpu.memory_space<vmem>> -> memref<128xi32, #tpu.memory_space<vmem>>
    %dma_start3A_462 = arith.constant 0 : i32
    %dma_start3A_463 = tpu.memref_slice %arg4[%dma_start3A_462] : memref<9830400xf32, #tpu.memory_space<hbm>> -> memref<9830400xf32, #tpu.memory_space<hbm>>
    tpu.enqueue_indirect_dma source(%dma_start3A_463 : memref<9830400xf32, #tpu.memory_space<hbm>>) target(%dma_start3A_458 : memref<128xf32, #tpu.memory_space<vmem>>) offsets(%dma_start3A_461 : memref<128xi32, #tpu.memory_space<vmem>>) semaphore(%arg11 : memref<!tpu.dma_semaphore, #tpu.memory_space<semaphore_mem>>)
    %mul3A_464 = arith.constant 16 : i32
    %mul3A_465 = arith.muli %mul3A_464, %and3A_4 : i32
    %add3A_466 = arith.constant 3 : i32
    %add3A_467 = arith.addi %mul3A_465, %add3A_466 : i32
    %shift_left3A_468 = arith.constant 10 : i32
    %shift_left3A_469 = arith.shli %add3A_467, %shift_left3A_468 : i32
    %shift_left3A_470 = arith.constant 7 : i32
    %shift_left3A_471 = arith.shli %shift_right_arithmetic3A_3, %shift_left3A_470 : i32
    %add3A_472 = arith.addi %shift_left3A_469, %shift_left3A_471 : i32
    %scan3A_473 = arith.constant 3 : i32
    %scan3A_474 = arith.constant 0 : i32
    %scan3A_475 = arith.constant 0 : i32
    %scan3A_476 = arith.constant 8 : i32
    %scan3A_477 = arith.addi %scan3A_475, %scan3A_476 : i32
    %scan3A_478 = arith.constant 1 : i32
    %scan3A_479 = scf.for %scan3A_930 = %scan3A_475 to %scan3A_477 step %scan3A_478 iter_args(%scan3A_931 = %scan3A_474) -> (i32)  : i32 {
      %mul3A_932 = arith.constant 16 : i32
      %mul3A_933 = arith.muli %scan3A_930, %mul3A_932 : i32
      %add3A_934 = arith.constant 384 : i32
      %add3A_935 = arith.addi %add3A_934, %mul3A_933 : i32
      %get3A_936 = arith.index_cast %add3A_935 : i32 to index
      %get3A_937 = tpu.vector_load %arg8[%get3A_936] {strides = array<i32>} : memref<2048xi32, #tpu.memory_space<vmem>>, vector<16xi32>,
      %get3A_938 = vector.shape_cast %get3A_937 : vector<16xi32> to vector<16xi32>
      %shift_left3A_939 = arith.constant 16 : i32
      %shift_left3A_940 = vector.broadcast %shift_left3A_939 : i32 to vector<16xi32>
      %shift_left3A_941 = arith.shli %get3A_938, %shift_left3A_940 : vector<16xi32>
      %add3A_942 = vector.broadcast %add3A_472 : i32 to vector<16xi32>
      %add3A_943 = arith.addi %shift_left3A_941, %add3A_942 : vector<16xi32>
      %mul3A_944 = arith.constant 16 : i32
      %mul3A_945 = arith.muli %scan3A_930, %mul3A_944 : i32
      %add3A_946 = vector.broadcast %mul3A_945 : i32 to vector<16xi32>
      %add3A_947 = arith.addi %add3A_943, %add3A_946 : vector<16xi32>
      %add3A_948 = arith.addi %add3A_947, %iota3A : vector<16xi32>
      %mul3A_949 = arith.constant 16 : i32
      %mul3A_950 = arith.muli %scan3A_930, %mul3A_949 : i32
      %swap3A_951 = arith.constant 0 : i32
      %swap3A_952 = tpu.memref_slice %arg7[%scan3A_473, %swap3A_951] : memref<16x128xi32, #tpu.memory_space<vmem>> -> memref<1x128xi32, #tpu.memory_space<vmem>>
      %swap3A_953 = tpu.memref_squeeze %swap3A_952 : memref<1x128xi32, #tpu.memory_space<vmem>> -> memref<128xi32, #tpu.memory_space<vmem>>
      %swap3A_954 = arith.index_cast %mul3A_950 : i32 to index
      %swap3A_955 = tpu.vector_load %swap3A_953[%swap3A_954] {strides = array<i32>} : memref<128xi32, #tpu.memory_space<vmem>>, vector<16xi32>,
      %swap3A_956 = vector.shape_cast %swap3A_955 : vector<16xi32> to vector<16xi32>
      %swap3A_957 = vector.shape_cast %add3A_948 : vector<16xi32> to vector<16xi32>
      tpu.vector_store %swap3A_953[%swap3A_954], %swap3A_957 {strides = array<i32>} : memref<128xi32, #tpu.memory_space<vmem>>, vector<16xi32>,
      %scan3A_958 = arith.constant 0 : i32
      scf.yield %scan3A_958 : i32
    }
    %scan3A_480 = arith.constant 8 : i32
    %dma_start3A_481 = arith.constant 3 : i32
    %dma_start3A_482 = arith.constant 384 : i32
    %dma_start3A_483 = tpu.memref_slice %arg9[%dma_start3A_482] : memref<2048xf32, #tpu.memory_space<vmem>> -> memref<128xf32, #tpu.memory_space<vmem>>
    %dma_start3A_484 = arith.constant 0 : i32
    %dma_start3A_485 = tpu.memref_slice %arg7[%dma_start3A_481, %dma_start3A_484] : memref<16x128xi32, #tpu.memory_space<vmem>> -> memref<1x128xi32, #tpu.memory_space<vmem>>
    %dma_start3A_486 = tpu.memref_squeeze %dma_start3A_485 : memref<1x128xi32, #tpu.memory_space<vmem>> -> memref<128xi32, #tpu.memory_space<vmem>>
    %dma_start3A_487 = arith.constant 0 : i32
    %dma_start3A_488 = tpu.memref_slice %arg4[%dma_start3A_487] : memref<9830400xf32, #tpu.memory_space<hbm>> -> memref<9830400xf32, #tpu.memory_space<hbm>>
    tpu.enqueue_indirect_dma source(%dma_start3A_488 : memref<9830400xf32, #tpu.memory_space<hbm>>) target(%dma_start3A_483 : memref<128xf32, #tpu.memory_space<vmem>>) offsets(%dma_start3A_486 : memref<128xi32, #tpu.memory_space<vmem>>) semaphore(%arg11 : memref<!tpu.dma_semaphore, #tpu.memory_space<semaphore_mem>>)
    %mul3A_489 = arith.constant 16 : i32
    %mul3A_490 = arith.muli %mul3A_489, %and3A_4 : i32
    %add3A_491 = arith.constant 4 : i32
    %add3A_492 = arith.addi %mul3A_490, %add3A_491 : i32
    %shift_left3A_493 = arith.constant 10 : i32
    %shift_left3A_494 = arith.shli %add3A_492, %shift_left3A_493 : i32
    %shift_left3A_495 = arith.constant 7 : i32
    %shift_left3A_496 = arith.shli %shift_right_arithmetic3A_3, %shift_left3A_495 : i32
    %add3A_497 = arith.addi %shift_left3A_494, %shift_left3A_496 : i32
    %scan3A_498 = arith.constant 4 : i32
    %scan3A_499 = arith.constant 0 : i32
    %scan3A_500 = arith.constant 0 : i32
    %scan3A_501 = arith.constant 8 : i32
    %scan3A_502 = arith.addi %scan3A_500, %scan3A_501 : i32
    %scan3A_503 = arith.constant 1 : i32
    %scan3A_504 = scf.for %scan3A_930 = %scan3A_500 to %scan3A_502 step %scan3A_503 iter_args(%scan3A_931 = %scan3A_499) -> (i32)  : i32 {
      %mul3A_932 = arith.constant 16 : i32
      %mul3A_933 = arith.muli %scan3A_930, %mul3A_932 : i32
      %add3A_934 = arith.constant 512 : i32
      %add3A_935 = arith.addi %add3A_934, %mul3A_933 : i32
      %get3A_936 = arith.index_cast %add3A_935 : i32 to index
      %get3A_937 = tpu.vector_load %arg8[%get3A_936] {strides = array<i32>} : memref<2048xi32, #tpu.memory_space<vmem>>, vector<16xi32>,
      %get3A_938 = vector.shape_cast %get3A_937 : vector<16xi32> to vector<16xi32>
      %shift_left3A_939 = arith.constant 16 : i32
      %shift_left3A_940 = vector.broadcast %shift_left3A_939 : i32 to vector<16xi32>
      %shift_left3A_941 = arith.shli %get3A_938, %shift_left3A_940 : vector<16xi32>
      %add3A_942 = vector.broadcast %add3A_497 : i32 to vector<16xi32>
      %add3A_943 = arith.addi %shift_left3A_941, %add3A_942 : vector<16xi32>
      %mul3A_944 = arith.constant 16 : i32
      %mul3A_945 = arith.muli %scan3A_930, %mul3A_944 : i32
      %add3A_946 = vector.broadcast %mul3A_945 : i32 to vector<16xi32>
      %add3A_947 = arith.addi %add3A_943, %add3A_946 : vector<16xi32>
      %add3A_948 = arith.addi %add3A_947, %iota3A : vector<16xi32>
      %mul3A_949 = arith.constant 16 : i32
      %mul3A_950 = arith.muli %scan3A_930, %mul3A_949 : i32
      %swap3A_951 = arith.constant 0 : i32
      %swap3A_952 = tpu.memref_slice %arg7[%scan3A_498, %swap3A_951] : memref<16x128xi32, #tpu.memory_space<vmem>> -> memref<1x128xi32, #tpu.memory_space<vmem>>
      %swap3A_953 = tpu.memref_squeeze %swap3A_952 : memref<1x128xi32, #tpu.memory_space<vmem>> -> memref<128xi32, #tpu.memory_space<vmem>>
      %swap3A_954 = arith.index_cast %mul3A_950 : i32 to index
      %swap3A_955 = tpu.vector_load %swap3A_953[%swap3A_954] {strides = array<i32>} : memref<128xi32, #tpu.memory_space<vmem>>, vector<16xi32>,
      %swap3A_956 = vector.shape_cast %swap3A_955 : vector<16xi32> to vector<16xi32>
      %swap3A_957 = vector.shape_cast %add3A_948 : vector<16xi32> to vector<16xi32>
      tpu.vector_store %swap3A_953[%swap3A_954], %swap3A_957 {strides = array<i32>} : memref<128xi32, #tpu.memory_space<vmem>>, vector<16xi32>,
      %scan3A_958 = arith.constant 0 : i32
      scf.yield %scan3A_958 : i32
    }
    %scan3A_505 = arith.constant 8 : i32
    %dma_start3A_506 = arith.constant 4 : i32
    %dma_start3A_507 = arith.constant 512 : i32
    %dma_start3A_508 = tpu.memref_slice %arg9[%dma_start3A_507] : memref<2048xf32, #tpu.memory_space<vmem>> -> memref<128xf32, #tpu.memory_space<vmem>>
    %dma_start3A_509 = arith.constant 0 : i32
    %dma_start3A_510 = tpu.memref_slice %arg7[%dma_start3A_506, %dma_start3A_509] : memref<16x128xi32, #tpu.memory_space<vmem>> -> memref<1x128xi32, #tpu.memory_space<vmem>>
    %dma_start3A_511 = tpu.memref_squeeze %dma_start3A_510 : memref<1x128xi32, #tpu.memory_space<vmem>> -> memref<128xi32, #tpu.memory_space<vmem>>
    %dma_start3A_512 = arith.constant 0 : i32
    %dma_start3A_513 = tpu.memref_slice %arg4[%dma_start3A_512] : memref<9830400xf32, #tpu.memory_space<hbm>> -> memref<9830400xf32, #tpu.memory_space<hbm>>
    tpu.enqueue_indirect_dma source(%dma_start3A_513 : memref<9830400xf32, #tpu.memory_space<hbm>>) target(%dma_start3A_508 : memref<128xf32, #tpu.memory_space<vmem>>) offsets(%dma_start3A_511 : memref<128xi32, #tpu.memory_space<vmem>>) semaphore(%arg11 : memref<!tpu.dma_semaphore, #tpu.memory_space<semaphore_mem>>)
    %mul3A_514 = arith.constant 16 : i32
    %mul3A_515 = arith.muli %mul3A_514, %and3A_4 : i32
    %add3A_516 = arith.constant 5 : i32
    %add3A_517 = arith.addi %mul3A_515, %add3A_516 : i32
    %shift_left3A_518 = arith.constant 10 : i32
    %shift_left3A_519 = arith.shli %add3A_517, %shift_left3A_518 : i32
    %shift_left3A_520 = arith.constant 7 : i32
    %shift_left3A_521 = arith.shli %shift_right_arithmetic3A_3, %shift_left3A_520 : i32
    %add3A_522 = arith.addi %shift_left3A_519, %shift_left3A_521 : i32
    %scan3A_523 = arith.constant 5 : i32
    %scan3A_524 = arith.constant 0 : i32
    %scan3A_525 = arith.constant 0 : i32
    %scan3A_526 = arith.constant 8 : i32
    %scan3A_527 = arith.addi %scan3A_525, %scan3A_526 : i32
    %scan3A_528 = arith.constant 1 : i32
    %scan3A_529 = scf.for %scan3A_930 = %scan3A_525 to %scan3A_527 step %scan3A_528 iter_args(%scan3A_931 = %scan3A_524) -> (i32)  : i32 {
      %mul3A_932 = arith.constant 16 : i32
      %mul3A_933 = arith.muli %scan3A_930, %mul3A_932 : i32
      %add3A_934 = arith.constant 640 : i32
      %add3A_935 = arith.addi %add3A_934, %mul3A_933 : i32
      %get3A_936 = arith.index_cast %add3A_935 : i32 to index
      %get3A_937 = tpu.vector_load %arg8[%get3A_936] {strides = array<i32>} : memref<2048xi32, #tpu.memory_space<vmem>>, vector<16xi32>,
      %get3A_938 = vector.shape_cast %get3A_937 : vector<16xi32> to vector<16xi32>
      %shift_left3A_939 = arith.constant 16 : i32
      %shift_left3A_940 = vector.broadcast %shift_left3A_939 : i32 to vector<16xi32>
      %shift_left3A_941 = arith.shli %get3A_938, %shift_left3A_940 : vector<16xi32>
      %add3A_942 = vector.broadcast %add3A_522 : i32 to vector<16xi32>
      %add3A_943 = arith.addi %shift_left3A_941, %add3A_942 : vector<16xi32>
      %mul3A_944 = arith.constant 16 : i32
      %mul3A_945 = arith.muli %scan3A_930, %mul3A_944 : i32
      %add3A_946 = vector.broadcast %mul3A_945 : i32 to vector<16xi32>
      %add3A_947 = arith.addi %add3A_943, %add3A_946 : vector<16xi32>
      %add3A_948 = arith.addi %add3A_947, %iota3A : vector<16xi32>
      %mul3A_949 = arith.constant 16 : i32
      %mul3A_950 = arith.muli %scan3A_930, %mul3A_949 : i32
      %swap3A_951 = arith.constant 0 : i32
      %swap3A_952 = tpu.memref_slice %arg7[%scan3A_523, %swap3A_951] : memref<16x128xi32, #tpu.memory_space<vmem>> -> memref<1x128xi32, #tpu.memory_space<vmem>>
      %swap3A_953 = tpu.memref_squeeze %swap3A_952 : memref<1x128xi32, #tpu.memory_space<vmem>> -> memref<128xi32, #tpu.memory_space<vmem>>
      %swap3A_954 = arith.index_cast %mul3A_950 : i32 to index
      %swap3A_955 = tpu.vector_load %swap3A_953[%swap3A_954] {strides = array<i32>} : memref<128xi32, #tpu.memory_space<vmem>>, vector<16xi32>,
      %swap3A_956 = vector.shape_cast %swap3A_955 : vector<16xi32> to vector<16xi32>
      %swap3A_957 = vector.shape_cast %add3A_948 : vector<16xi32> to vector<16xi32>
      tpu.vector_store %swap3A_953[%swap3A_954], %swap3A_957 {strides = array<i32>} : memref<128xi32, #tpu.memory_space<vmem>>, vector<16xi32>,
      %scan3A_958 = arith.constant 0 : i32
      scf.yield %scan3A_958 : i32
    }
    %scan3A_530 = arith.constant 8 : i32
    %dma_start3A_531 = arith.constant 5 : i32
    %dma_start3A_532 = arith.constant 640 : i32
    %dma_start3A_533 = tpu.memref_slice %arg9[%dma_start3A_532] : memref<2048xf32, #tpu.memory_space<vmem>> -> memref<128xf32, #tpu.memory_space<vmem>>
    %dma_start3A_534 = arith.constant 0 : i32
    %dma_start3A_535 = tpu.memref_slice %arg7[%dma_start3A_531, %dma_start3A_534] : memref<16x128xi32, #tpu.memory_space<vmem>> -> memref<1x128xi32, #tpu.memory_space<vmem>>
    %dma_start3A_536 = tpu.memref_squeeze %dma_start3A_535 : memref<1x128xi32, #tpu.memory_space<vmem>> -> memref<128xi32, #tpu.memory_space<vmem>>
    %dma_start3A_537 = arith.constant 0 : i32
    %dma_start3A_538 = tpu.memref_slice %arg4[%dma_start3A_537] : memref<9830400xf32, #tpu.memory_space<hbm>> -> memref<9830400xf32, #tpu.memory_space<hbm>>
    tpu.enqueue_indirect_dma source(%dma_start3A_538 : memref<9830400xf32, #tpu.memory_space<hbm>>) target(%dma_start3A_533 : memref<128xf32, #tpu.memory_space<vmem>>) offsets(%dma_start3A_536 : memref<128xi32, #tpu.memory_space<vmem>>) semaphore(%arg11 : memref<!tpu.dma_semaphore, #tpu.memory_space<semaphore_mem>>)
    %mul3A_539 = arith.constant 16 : i32
    %mul3A_540 = arith.muli %mul3A_539, %and3A_4 : i32
    %add3A_541 = arith.constant 6 : i32
    %add3A_542 = arith.addi %mul3A_540, %add3A_541 : i32
    %shift_left3A_543 = arith.constant 10 : i32
    %shift_left3A_544 = arith.shli %add3A_542, %shift_left3A_543 : i32
    %shift_left3A_545 = arith.constant 7 : i32
    %shift_left3A_546 = arith.shli %shift_right_arithmetic3A_3, %shift_left3A_545 : i32
    %add3A_547 = arith.addi %shift_left3A_544, %shift_left3A_546 : i32
    %scan3A_548 = arith.constant 6 : i32
    %scan3A_549 = arith.constant 0 : i32
    %scan3A_550 = arith.constant 0 : i32
    %scan3A_551 = arith.constant 8 : i32
    %scan3A_552 = arith.addi %scan3A_550, %scan3A_551 : i32
    %scan3A_553 = arith.constant 1 : i32
    %scan3A_554 = scf.for %scan3A_930 = %scan3A_550 to %scan3A_552 step %scan3A_553 iter_args(%scan3A_931 = %scan3A_549) -> (i32)  : i32 {
      %mul3A_932 = arith.constant 16 : i32
      %mul3A_933 = arith.muli %scan3A_930, %mul3A_932 : i32
      %add3A_934 = arith.constant 768 : i32
      %add3A_935 = arith.addi %add3A_934, %mul3A_933 : i32
      %get3A_936 = arith.index_cast %add3A_935 : i32 to index
      %get3A_937 = tpu.vector_load %arg8[%get3A_936] {strides = array<i32>} : memref<2048xi32, #tpu.memory_space<vmem>>, vector<16xi32>,
      %get3A_938 = vector.shape_cast %get3A_937 : vector<16xi32> to vector<16xi32>
      %shift_left3A_939 = arith.constant 16 : i32
      %shift_left3A_940 = vector.broadcast %shift_left3A_939 : i32 to vector<16xi32>
      %shift_left3A_941 = arith.shli %get3A_938, %shift_left3A_940 : vector<16xi32>
      %add3A_942 = vector.broadcast %add3A_547 : i32 to vector<16xi32>
      %add3A_943 = arith.addi %shift_left3A_941, %add3A_942 : vector<16xi32>
      %mul3A_944 = arith.constant 16 : i32
      %mul3A_945 = arith.muli %scan3A_930, %mul3A_944 : i32
      %add3A_946 = vector.broadcast %mul3A_945 : i32 to vector<16xi32>
      %add3A_947 = arith.addi %add3A_943, %add3A_946 : vector<16xi32>
      %add3A_948 = arith.addi %add3A_947, %iota3A : vector<16xi32>
      %mul3A_949 = arith.constant 16 : i32
      %mul3A_950 = arith.muli %scan3A_930, %mul3A_949 : i32
      %swap3A_951 = arith.constant 0 : i32
      %swap3A_952 = tpu.memref_slice %arg7[%scan3A_548, %swap3A_951] : memref<16x128xi32, #tpu.memory_space<vmem>> -> memref<1x128xi32, #tpu.memory_space<vmem>>
      %swap3A_953 = tpu.memref_squeeze %swap3A_952 : memref<1x128xi32, #tpu.memory_space<vmem>> -> memref<128xi32, #tpu.memory_space<vmem>>
      %swap3A_954 = arith.index_cast %mul3A_950 : i32 to index
      %swap3A_955 = tpu.vector_load %swap3A_953[%swap3A_954] {strides = array<i32>} : memref<128xi32, #tpu.memory_space<vmem>>, vector<16xi32>,
      %swap3A_956 = vector.shape_cast %swap3A_955 : vector<16xi32> to vector<16xi32>
      %swap3A_957 = vector.shape_cast %add3A_948 : vector<16xi32> to vector<16xi32>
      tpu.vector_store %swap3A_953[%swap3A_954], %swap3A_957 {strides = array<i32>} : memref<128xi32, #tpu.memory_space<vmem>>, vector<16xi32>,
      %scan3A_958 = arith.constant 0 : i32
      scf.yield %scan3A_958 : i32
    }
    %scan3A_555 = arith.constant 8 : i32
    %dma_start3A_556 = arith.constant 6 : i32
    %dma_start3A_557 = arith.constant 768 : i32
    %dma_start3A_558 = tpu.memref_slice %arg9[%dma_start3A_557] : memref<2048xf32, #tpu.memory_space<vmem>> -> memref<128xf32, #tpu.memory_space<vmem>>
    %dma_start3A_559 = arith.constant 0 : i32
    %dma_start3A_560 = tpu.memref_slice %arg7[%dma_start3A_556, %dma_start3A_559] : memref<16x128xi32, #tpu.memory_space<vmem>> -> memref<1x128xi32, #tpu.memory_space<vmem>>
    %dma_start3A_561 = tpu.memref_squeeze %dma_start3A_560 : memref<1x128xi32, #tpu.memory_space<vmem>> -> memref<128xi32, #tpu.memory_space<vmem>>
    %dma_start3A_562 = arith.constant 0 : i32
    %dma_start3A_563 = tpu.memref_slice %arg4[%dma_start3A_562] : memref<9830400xf32, #tpu.memory_space<hbm>> -> memref<9830400xf32, #tpu.memory_space<hbm>>
    tpu.enqueue_indirect_dma source(%dma_start3A_563 : memref<9830400xf32, #tpu.memory_space<hbm>>) target(%dma_start3A_558 : memref<128xf32, #tpu.memory_space<vmem>>) offsets(%dma_start3A_561 : memref<128xi32, #tpu.memory_space<vmem>>) semaphore(%arg11 : memref<!tpu.dma_semaphore, #tpu.memory_space<semaphore_mem>>)
    %mul3A_564 = arith.constant 16 : i32
    %mul3A_565 = arith.muli %mul3A_564, %and3A_4 : i32
    %add3A_566 = arith.constant 7 : i32
    %add3A_567 = arith.addi %mul3A_565, %add3A_566 : i32
    %shift_left3A_568 = arith.constant 10 : i32
    %shift_left3A_569 = arith.shli %add3A_567, %shift_left3A_568 : i32
    %shift_left3A_570 = arith.constant 7 : i32
    %shift_left3A_571 = arith.shli %shift_right_arithmetic3A_3, %shift_left3A_570 : i32
    %add3A_572 = arith.addi %shift_left3A_569, %shift_left3A_571 : i32
    %scan3A_573 = arith.constant 7 : i32
    %scan3A_574 = arith.constant 0 : i32
    %scan3A_575 = arith.constant 0 : i32
    %scan3A_576 = arith.constant 8 : i32
    %scan3A_577 = arith.addi %scan3A_575, %scan3A_576 : i32
    %scan3A_578 = arith.constant 1 : i32
    %scan3A_579 = scf.for %scan3A_930 = %scan3A_575 to %scan3A_577 step %scan3A_578 iter_args(%scan3A_931 = %scan3A_574) -> (i32)  : i32 {
      %mul3A_932 = arith.constant 16 : i32
      %mul3A_933 = arith.muli %scan3A_930, %mul3A_932 : i32
      %add3A_934 = arith.constant 896 : i32
      %add3A_935 = arith.addi %add3A_934, %mul3A_933 : i32
      %get3A_936 = arith.index_cast %add3A_935 : i32 to index
      %get3A_937 = tpu.vector_load %arg8[%get3A_936] {strides = array<i32>} : memref<2048xi32, #tpu.memory_space<vmem>>, vector<16xi32>,
      %get3A_938 = vector.shape_cast %get3A_937 : vector<16xi32> to vector<16xi32>
      %shift_left3A_939 = arith.constant 16 : i32
      %shift_left3A_940 = vector.broadcast %shift_left3A_939 : i32 to vector<16xi32>
      %shift_left3A_941 = arith.shli %get3A_938, %shift_left3A_940 : vector<16xi32>
      %add3A_942 = vector.broadcast %add3A_572 : i32 to vector<16xi32>
      %add3A_943 = arith.addi %shift_left3A_941, %add3A_942 : vector<16xi32>
      %mul3A_944 = arith.constant 16 : i32
      %mul3A_945 = arith.muli %scan3A_930, %mul3A_944 : i32
      %add3A_946 = vector.broadcast %mul3A_945 : i32 to vector<16xi32>
      %add3A_947 = arith.addi %add3A_943, %add3A_946 : vector<16xi32>
      %add3A_948 = arith.addi %add3A_947, %iota3A : vector<16xi32>
      %mul3A_949 = arith.constant 16 : i32
      %mul3A_950 = arith.muli %scan3A_930, %mul3A_949 : i32
      %swap3A_951 = arith.constant 0 : i32
      %swap3A_952 = tpu.memref_slice %arg7[%scan3A_573, %swap3A_951] : memref<16x128xi32, #tpu.memory_space<vmem>> -> memref<1x128xi32, #tpu.memory_space<vmem>>
      %swap3A_953 = tpu.memref_squeeze %swap3A_952 : memref<1x128xi32, #tpu.memory_space<vmem>> -> memref<128xi32, #tpu.memory_space<vmem>>
      %swap3A_954 = arith.index_cast %mul3A_950 : i32 to index
      %swap3A_955 = tpu.vector_load %swap3A_953[%swap3A_954] {strides = array<i32>} : memref<128xi32, #tpu.memory_space<vmem>>, vector<16xi32>,
      %swap3A_956 = vector.shape_cast %swap3A_955 : vector<16xi32> to vector<16xi32>
      %swap3A_957 = vector.shape_cast %add3A_948 : vector<16xi32> to vector<16xi32>
      tpu.vector_store %swap3A_953[%swap3A_954], %swap3A_957 {strides = array<i32>} : memref<128xi32, #tpu.memory_space<vmem>>, vector<16xi32>,
      %scan3A_958 = arith.constant 0 : i32
      scf.yield %scan3A_958 : i32
    }
    %scan3A_580 = arith.constant 8 : i32
    %dma_start3A_581 = arith.constant 7 : i32
    %dma_start3A_582 = arith.constant 896 : i32
    %dma_start3A_583 = tpu.memref_slice %arg9[%dma_start3A_582] : memref<2048xf32, #tpu.memory_space<vmem>> -> memref<128xf32, #tpu.memory_space<vmem>>
    %dma_start3A_584 = arith.constant 0 : i32
    %dma_start3A_585 = tpu.memref_slice %arg7[%dma_start3A_581, %dma_start3A_584] : memref<16x128xi32, #tpu.memory_space<vmem>> -> memref<1x128xi32, #tpu.memory_space<vmem>>
    %dma_start3A_586 = tpu.memref_squeeze %dma_start3A_585 : memref<1x128xi32, #tpu.memory_space<vmem>> -> memref<128xi32, #tpu.memory_space<vmem>>
    %dma_start3A_587 = arith.constant 0 : i32
    %dma_start3A_588 = tpu.memref_slice %arg4[%dma_start3A_587] : memref<9830400xf32, #tpu.memory_space<hbm>> -> memref<9830400xf32, #tpu.memory_space<hbm>>
    tpu.enqueue_indirect_dma source(%dma_start3A_588 : memref<9830400xf32, #tpu.memory_space<hbm>>) target(%dma_start3A_583 : memref<128xf32, #tpu.memory_space<vmem>>) offsets(%dma_start3A_586 : memref<128xi32, #tpu.memory_space<vmem>>) semaphore(%arg11 : memref<!tpu.dma_semaphore, #tpu.memory_space<semaphore_mem>>)
    %mul3A_589 = arith.constant 16 : i32
    %mul3A_590 = arith.muli %mul3A_589, %and3A_4 : i32
    %add3A_591 = arith.constant 8 : i32
    %add3A_592 = arith.addi %mul3A_590, %add3A_591 : i32
    %shift_left3A_593 = arith.constant 10 : i32
    %shift_left3A_594 = arith.shli %add3A_592, %shift_left3A_593 : i32
    %shift_left3A_595 = arith.constant 7 : i32
    %shift_left3A_596 = arith.shli %shift_right_arithmetic3A_3, %shift_left3A_595 : i32
    %add3A_597 = arith.addi %shift_left3A_594, %shift_left3A_596 : i32
    %scan3A_598 = arith.constant 8 : i32
    %scan3A_599 = arith.constant 0 : i32
    %scan3A_600 = arith.constant 0 : i32
    %scan3A_601 = arith.constant 8 : i32
    %scan3A_602 = arith.addi %scan3A_600, %scan3A_601 : i32
    %scan3A_603 = arith.constant 1 : i32
    %scan3A_604 = scf.for %scan3A_930 = %scan3A_600 to %scan3A_602 step %scan3A_603 iter_args(%scan3A_931 = %scan3A_599) -> (i32)  : i32 {
      %mul3A_932 = arith.constant 16 : i32
      %mul3A_933 = arith.muli %scan3A_930, %mul3A_932 : i32
      %add3A_934 = arith.constant 1024 : i32
      %add3A_935 = arith.addi %add3A_934, %mul3A_933 : i32
      %get3A_936 = arith.index_cast %add3A_935 : i32 to index
      %get3A_937 = tpu.vector_load %arg8[%get3A_936] {strides = array<i32>} : memref<2048xi32, #tpu.memory_space<vmem>>, vector<16xi32>,
      %get3A_938 = vector.shape_cast %get3A_937 : vector<16xi32> to vector<16xi32>
      %shift_left3A_939 = arith.constant 16 : i32
      %shift_left3A_940 = vector.broadcast %shift_left3A_939 : i32 to vector<16xi32>
      %shift_left3A_941 = arith.shli %get3A_938, %shift_left3A_940 : vector<16xi32>
      %add3A_942 = vector.broadcast %add3A_597 : i32 to vector<16xi32>
      %add3A_943 = arith.addi %shift_left3A_941, %add3A_942 : vector<16xi32>
      %mul3A_944 = arith.constant 16 : i32
      %mul3A_945 = arith.muli %scan3A_930, %mul3A_944 : i32
      %add3A_946 = vector.broadcast %mul3A_945 : i32 to vector<16xi32>
      %add3A_947 = arith.addi %add3A_943, %add3A_946 : vector<16xi32>
      %add3A_948 = arith.addi %add3A_947, %iota3A : vector<16xi32>
      %mul3A_949 = arith.constant 16 : i32
      %mul3A_950 = arith.muli %scan3A_930, %mul3A_949 : i32
      %swap3A_951 = arith.constant 0 : i32
      %swap3A_952 = tpu.memref_slice %arg7[%scan3A_598, %swap3A_951] : memref<16x128xi32, #tpu.memory_space<vmem>> -> memref<1x128xi32, #tpu.memory_space<vmem>>
      %swap3A_953 = tpu.memref_squeeze %swap3A_952 : memref<1x128xi32, #tpu.memory_space<vmem>> -> memref<128xi32, #tpu.memory_space<vmem>>
      %swap3A_954 = arith.index_cast %mul3A_950 : i32 to index
      %swap3A_955 = tpu.vector_load %swap3A_953[%swap3A_954] {strides = array<i32>} : memref<128xi32, #tpu.memory_space<vmem>>, vector<16xi32>,
      %swap3A_956 = vector.shape_cast %swap3A_955 : vector<16xi32> to vector<16xi32>
      %swap3A_957 = vector.shape_cast %add3A_948 : vector<16xi32> to vector<16xi32>
      tpu.vector_store %swap3A_953[%swap3A_954], %swap3A_957 {strides = array<i32>} : memref<128xi32, #tpu.memory_space<vmem>>, vector<16xi32>,
      %scan3A_958 = arith.constant 0 : i32
      scf.yield %scan3A_958 : i32
    }
    %scan3A_605 = arith.constant 8 : i32
    %dma_start3A_606 = arith.constant 8 : i32
    %dma_start3A_607 = arith.constant 1024 : i32
    %dma_start3A_608 = tpu.memref_slice %arg9[%dma_start3A_607] : memref<2048xf32, #tpu.memory_space<vmem>> -> memref<128xf32, #tpu.memory_space<vmem>>
    %dma_start3A_609 = arith.constant 0 : i32
    %dma_start3A_610 = tpu.memref_slice %arg7[%dma_start3A_606, %dma_start3A_609] : memref<16x128xi32, #tpu.memory_space<vmem>> -> memref<1x128xi32, #tpu.memory_space<vmem>>
    %dma_start3A_611 = tpu.memref_squeeze %dma_start3A_610 : memref<1x128xi32, #tpu.memory_space<vmem>> -> memref<128xi32, #tpu.memory_space<vmem>>
    %dma_start3A_612 = arith.constant 0 : i32
    %dma_start3A_613 = tpu.memref_slice %arg4[%dma_start3A_612] : memref<9830400xf32, #tpu.memory_space<hbm>> -> memref<9830400xf32, #tpu.memory_space<hbm>>
    tpu.enqueue_indirect_dma source(%dma_start3A_613 : memref<9830400xf32, #tpu.memory_space<hbm>>) target(%dma_start3A_608 : memref<128xf32, #tpu.memory_space<vmem>>) offsets(%dma_start3A_611 : memref<128xi32, #tpu.memory_space<vmem>>) semaphore(%arg11 : memref<!tpu.dma_semaphore, #tpu.memory_space<semaphore_mem>>)
    %mul3A_614 = arith.constant 16 : i32
    %mul3A_615 = arith.muli %mul3A_614, %and3A_4 : i32
    %add3A_616 = arith.constant 9 : i32
    %add3A_617 = arith.addi %mul3A_615, %add3A_616 : i32
    %shift_left3A_618 = arith.constant 10 : i32
    %shift_left3A_619 = arith.shli %add3A_617, %shift_left3A_618 : i32
    %shift_left3A_620 = arith.constant 7 : i32
    %shift_left3A_621 = arith.shli %shift_right_arithmetic3A_3, %shift_left3A_620 : i32
    %add3A_622 = arith.addi %shift_left3A_619, %shift_left3A_621 : i32
    %scan3A_623 = arith.constant 9 : i32
    %scan3A_624 = arith.constant 0 : i32
    %scan3A_625 = arith.constant 0 : i32
    %scan3A_626 = arith.constant 8 : i32
    %scan3A_627 = arith.addi %scan3A_625, %scan3A_626 : i32
    %scan3A_628 = arith.constant 1 : i32
    %scan3A_629 = scf.for %scan3A_930 = %scan3A_625 to %scan3A_627 step %scan3A_628 iter_args(%scan3A_931 = %scan3A_624) -> (i32)  : i32 {
      %mul3A_932 = arith.constant 16 : i32
      %mul3A_933 = arith.muli %scan3A_930, %mul3A_932 : i32
      %add3A_934 = arith.constant 1152 : i32
      %add3A_935 = arith.addi %add3A_934, %mul3A_933 : i32
      %get3A_936 = arith.index_cast %add3A_935 : i32 to index
      %get3A_937 = tpu.vector_load %arg8[%get3A_936] {strides = array<i32>} : memref<2048xi32, #tpu.memory_space<vmem>>, vector<16xi32>,
      %get3A_938 = vector.shape_cast %get3A_937 : vector<16xi32> to vector<16xi32>
      %shift_left3A_939 = arith.constant 16 : i32
      %shift_left3A_940 = vector.broadcast %shift_left3A_939 : i32 to vector<16xi32>
      %shift_left3A_941 = arith.shli %get3A_938, %shift_left3A_940 : vector<16xi32>
      %add3A_942 = vector.broadcast %add3A_622 : i32 to vector<16xi32>
      %add3A_943 = arith.addi %shift_left3A_941, %add3A_942 : vector<16xi32>
      %mul3A_944 = arith.constant 16 : i32
      %mul3A_945 = arith.muli %scan3A_930, %mul3A_944 : i32
      %add3A_946 = vector.broadcast %mul3A_945 : i32 to vector<16xi32>
      %add3A_947 = arith.addi %add3A_943, %add3A_946 : vector<16xi32>
      %add3A_948 = arith.addi %add3A_947, %iota3A : vector<16xi32>
      %mul3A_949 = arith.constant 16 : i32
      %mul3A_950 = arith.muli %scan3A_930, %mul3A_949 : i32
      %swap3A_951 = arith.constant 0 : i32
      %swap3A_952 = tpu.memref_slice %arg7[%scan3A_623, %swap3A_951] : memref<16x128xi32, #tpu.memory_space<vmem>> -> memref<1x128xi32, #tpu.memory_space<vmem>>
      %swap3A_953 = tpu.memref_squeeze %swap3A_952 : memref<1x128xi32, #tpu.memory_space<vmem>> -> memref<128xi32, #tpu.memory_space<vmem>>
      %swap3A_954 = arith.index_cast %mul3A_950 : i32 to index
      %swap3A_955 = tpu.vector_load %swap3A_953[%swap3A_954] {strides = array<i32>} : memref<128xi32, #tpu.memory_space<vmem>>, vector<16xi32>,
      %swap3A_956 = vector.shape_cast %swap3A_955 : vector<16xi32> to vector<16xi32>
      %swap3A_957 = vector.shape_cast %add3A_948 : vector<16xi32> to vector<16xi32>
      tpu.vector_store %swap3A_953[%swap3A_954], %swap3A_957 {strides = array<i32>} : memref<128xi32, #tpu.memory_space<vmem>>, vector<16xi32>,
      %scan3A_958 = arith.constant 0 : i32
      scf.yield %scan3A_958 : i32
    }
    %scan3A_630 = arith.constant 8 : i32
    %dma_start3A_631 = arith.constant 9 : i32
    %dma_start3A_632 = arith.constant 1152 : i32
    %dma_start3A_633 = tpu.memref_slice %arg9[%dma_start3A_632] : memref<2048xf32, #tpu.memory_space<vmem>> -> memref<128xf32, #tpu.memory_space<vmem>>
    %dma_start3A_634 = arith.constant 0 : i32
    %dma_start3A_635 = tpu.memref_slice %arg7[%dma_start3A_631, %dma_start3A_634] : memref<16x128xi32, #tpu.memory_space<vmem>> -> memref<1x128xi32, #tpu.memory_space<vmem>>
    %dma_start3A_636 = tpu.memref_squeeze %dma_start3A_635 : memref<1x128xi32, #tpu.memory_space<vmem>> -> memref<128xi32, #tpu.memory_space<vmem>>
    %dma_start3A_637 = arith.constant 0 : i32
    %dma_start3A_638 = tpu.memref_slice %arg4[%dma_start3A_637] : memref<9830400xf32, #tpu.memory_space<hbm>> -> memref<9830400xf32, #tpu.memory_space<hbm>>
    tpu.enqueue_indirect_dma source(%dma_start3A_638 : memref<9830400xf32, #tpu.memory_space<hbm>>) target(%dma_start3A_633 : memref<128xf32, #tpu.memory_space<vmem>>) offsets(%dma_start3A_636 : memref<128xi32, #tpu.memory_space<vmem>>) semaphore(%arg11 : memref<!tpu.dma_semaphore, #tpu.memory_space<semaphore_mem>>)
    %mul3A_639 = arith.constant 16 : i32
    %mul3A_640 = arith.muli %mul3A_639, %and3A_4 : i32
    %add3A_641 = arith.constant 10 : i32
    %add3A_642 = arith.addi %mul3A_640, %add3A_641 : i32
    %shift_left3A_643 = arith.constant 10 : i32
    %shift_left3A_644 = arith.shli %add3A_642, %shift_left3A_643 : i32
    %shift_left3A_645 = arith.constant 7 : i32
    %shift_left3A_646 = arith.shli %shift_right_arithmetic3A_3, %shift_left3A_645 : i32
    %add3A_647 = arith.addi %shift_left3A_644, %shift_left3A_646 : i32
    %scan3A_648 = arith.constant 10 : i32
    %scan3A_649 = arith.constant 0 : i32
    %scan3A_650 = arith.constant 0 : i32
    %scan3A_651 = arith.constant 8 : i32
    %scan3A_652 = arith.addi %scan3A_650, %scan3A_651 : i32
    %scan3A_653 = arith.constant 1 : i32
    %scan3A_654 = scf.for %scan3A_930 = %scan3A_650 to %scan3A_652 step %scan3A_653 iter_args(%scan3A_931 = %scan3A_649) -> (i32)  : i32 {
      %mul3A_932 = arith.constant 16 : i32
      %mul3A_933 = arith.muli %scan3A_930, %mul3A_932 : i32
      %add3A_934 = arith.constant 1280 : i32
      %add3A_935 = arith.addi %add3A_934, %mul3A_933 : i32
      %get3A_936 = arith.index_cast %add3A_935 : i32 to index
      %get3A_937 = tpu.vector_load %arg8[%get3A_936] {strides = array<i32>} : memref<2048xi32, #tpu.memory_space<vmem>>, vector<16xi32>,
      %get3A_938 = vector.shape_cast %get3A_937 : vector<16xi32> to vector<16xi32>
      %shift_left3A_939 = arith.constant 16 : i32
      %shift_left3A_940 = vector.broadcast %shift_left3A_939 : i32 to vector<16xi32>
      %shift_left3A_941 = arith.shli %get3A_938, %shift_left3A_940 : vector<16xi32>
      %add3A_942 = vector.broadcast %add3A_647 : i32 to vector<16xi32>
      %add3A_943 = arith.addi %shift_left3A_941, %add3A_942 : vector<16xi32>
      %mul3A_944 = arith.constant 16 : i32
      %mul3A_945 = arith.muli %scan3A_930, %mul3A_944 : i32
      %add3A_946 = vector.broadcast %mul3A_945 : i32 to vector<16xi32>
      %add3A_947 = arith.addi %add3A_943, %add3A_946 : vector<16xi32>
      %add3A_948 = arith.addi %add3A_947, %iota3A : vector<16xi32>
      %mul3A_949 = arith.constant 16 : i32
      %mul3A_950 = arith.muli %scan3A_930, %mul3A_949 : i32
      %swap3A_951 = arith.constant 0 : i32
      %swap3A_952 = tpu.memref_slice %arg7[%scan3A_648, %swap3A_951] : memref<16x128xi32, #tpu.memory_space<vmem>> -> memref<1x128xi32, #tpu.memory_space<vmem>>
      %swap3A_953 = tpu.memref_squeeze %swap3A_952 : memref<1x128xi32, #tpu.memory_space<vmem>> -> memref<128xi32, #tpu.memory_space<vmem>>
      %swap3A_954 = arith.index_cast %mul3A_950 : i32 to index
      %swap3A_955 = tpu.vector_load %swap3A_953[%swap3A_954] {strides = array<i32>} : memref<128xi32, #tpu.memory_space<vmem>>, vector<16xi32>,
      %swap3A_956 = vector.shape_cast %swap3A_955 : vector<16xi32> to vector<16xi32>
      %swap3A_957 = vector.shape_cast %add3A_948 : vector<16xi32> to vector<16xi32>
      tpu.vector_store %swap3A_953[%swap3A_954], %swap3A_957 {strides = array<i32>} : memref<128xi32, #tpu.memory_space<vmem>>, vector<16xi32>,
      %scan3A_958 = arith.constant 0 : i32
      scf.yield %scan3A_958 : i32
    }
    %scan3A_655 = arith.constant 8 : i32
    %dma_start3A_656 = arith.constant 10 : i32
    %dma_start3A_657 = arith.constant 1280 : i32
    %dma_start3A_658 = tpu.memref_slice %arg9[%dma_start3A_657] : memref<2048xf32, #tpu.memory_space<vmem>> -> memref<128xf32, #tpu.memory_space<vmem>>
    %dma_start3A_659 = arith.constant 0 : i32
    %dma_start3A_660 = tpu.memref_slice %arg7[%dma_start3A_656, %dma_start3A_659] : memref<16x128xi32, #tpu.memory_space<vmem>> -> memref<1x128xi32, #tpu.memory_space<vmem>>
    %dma_start3A_661 = tpu.memref_squeeze %dma_start3A_660 : memref<1x128xi32, #tpu.memory_space<vmem>> -> memref<128xi32, #tpu.memory_space<vmem>>
    %dma_start3A_662 = arith.constant 0 : i32
    %dma_start3A_663 = tpu.memref_slice %arg4[%dma_start3A_662] : memref<9830400xf32, #tpu.memory_space<hbm>> -> memref<9830400xf32, #tpu.memory_space<hbm>>
    tpu.enqueue_indirect_dma source(%dma_start3A_663 : memref<9830400xf32, #tpu.memory_space<hbm>>) target(%dma_start3A_658 : memref<128xf32, #tpu.memory_space<vmem>>) offsets(%dma_start3A_661 : memref<128xi32, #tpu.memory_space<vmem>>) semaphore(%arg11 : memref<!tpu.dma_semaphore, #tpu.memory_space<semaphore_mem>>)
    %mul3A_664 = arith.constant 16 : i32
    %mul3A_665 = arith.muli %mul3A_664, %and3A_4 : i32
    %add3A_666 = arith.constant 11 : i32
    %add3A_667 = arith.addi %mul3A_665, %add3A_666 : i32
    %shift_left3A_668 = arith.constant 10 : i32
    %shift_left3A_669 = arith.shli %add3A_667, %shift_left3A_668 : i32
    %shift_left3A_670 = arith.constant 7 : i32
    %shift_left3A_671 = arith.shli %shift_right_arithmetic3A_3, %shift_left3A_670 : i32
    %add3A_672 = arith.addi %shift_left3A_669, %shift_left3A_671 : i32
    %scan3A_673 = arith.constant 11 : i32
    %scan3A_674 = arith.constant 0 : i32
    %scan3A_675 = arith.constant 0 : i32
    %scan3A_676 = arith.constant 8 : i32
    %scan3A_677 = arith.addi %scan3A_675, %scan3A_676 : i32
    %scan3A_678 = arith.constant 1 : i32
    %scan3A_679 = scf.for %scan3A_930 = %scan3A_675 to %scan3A_677 step %scan3A_678 iter_args(%scan3A_931 = %scan3A_674) -> (i32)  : i32 {
      %mul3A_932 = arith.constant 16 : i32
      %mul3A_933 = arith.muli %scan3A_930, %mul3A_932 : i32
      %add3A_934 = arith.constant 1408 : i32
      %add3A_935 = arith.addi %add3A_934, %mul3A_933 : i32
      %get3A_936 = arith.index_cast %add3A_935 : i32 to index
      %get3A_937 = tpu.vector_load %arg8[%get3A_936] {strides = array<i32>} : memref<2048xi32, #tpu.memory_space<vmem>>, vector<16xi32>,
      %get3A_938 = vector.shape_cast %get3A_937 : vector<16xi32> to vector<16xi32>
      %shift_left3A_939 = arith.constant 16 : i32
      %shift_left3A_940 = vector.broadcast %shift_left3A_939 : i32 to vector<16xi32>
      %shift_left3A_941 = arith.shli %get3A_938, %shift_left3A_940 : vector<16xi32>
      %add3A_942 = vector.broadcast %add3A_672 : i32 to vector<16xi32>
      %add3A_943 = arith.addi %shift_left3A_941, %add3A_942 : vector<16xi32>
      %mul3A_944 = arith.constant 16 : i32
      %mul3A_945 = arith.muli %scan3A_930, %mul3A_944 : i32
      %add3A_946 = vector.broadcast %mul3A_945 : i32 to vector<16xi32>
      %add3A_947 = arith.addi %add3A_943, %add3A_946 : vector<16xi32>
      %add3A_948 = arith.addi %add3A_947, %iota3A : vector<16xi32>
      %mul3A_949 = arith.constant 16 : i32
      %mul3A_950 = arith.muli %scan3A_930, %mul3A_949 : i32
      %swap3A_951 = arith.constant 0 : i32
      %swap3A_952 = tpu.memref_slice %arg7[%scan3A_673, %swap3A_951] : memref<16x128xi32, #tpu.memory_space<vmem>> -> memref<1x128xi32, #tpu.memory_space<vmem>>
      %swap3A_953 = tpu.memref_squeeze %swap3A_952 : memref<1x128xi32, #tpu.memory_space<vmem>> -> memref<128xi32, #tpu.memory_space<vmem>>
      %swap3A_954 = arith.index_cast %mul3A_950 : i32 to index
      %swap3A_955 = tpu.vector_load %swap3A_953[%swap3A_954] {strides = array<i32>} : memref<128xi32, #tpu.memory_space<vmem>>, vector<16xi32>,
      %swap3A_956 = vector.shape_cast %swap3A_955 : vector<16xi32> to vector<16xi32>
      %swap3A_957 = vector.shape_cast %add3A_948 : vector<16xi32> to vector<16xi32>
      tpu.vector_store %swap3A_953[%swap3A_954], %swap3A_957 {strides = array<i32>} : memref<128xi32, #tpu.memory_space<vmem>>, vector<16xi32>,
      %scan3A_958 = arith.constant 0 : i32
      scf.yield %scan3A_958 : i32
    }
    %scan3A_680 = arith.constant 8 : i32
    %dma_start3A_681 = arith.constant 11 : i32
    %dma_start3A_682 = arith.constant 1408 : i32
    %dma_start3A_683 = tpu.memref_slice %arg9[%dma_start3A_682] : memref<2048xf32, #tpu.memory_space<vmem>> -> memref<128xf32, #tpu.memory_space<vmem>>
    %dma_start3A_684 = arith.constant 0 : i32
    %dma_start3A_685 = tpu.memref_slice %arg7[%dma_start3A_681, %dma_start3A_684] : memref<16x128xi32, #tpu.memory_space<vmem>> -> memref<1x128xi32, #tpu.memory_space<vmem>>
    %dma_start3A_686 = tpu.memref_squeeze %dma_start3A_685 : memref<1x128xi32, #tpu.memory_space<vmem>> -> memref<128xi32, #tpu.memory_space<vmem>>
    %dma_start3A_687 = arith.constant 0 : i32
    %dma_start3A_688 = tpu.memref_slice %arg4[%dma_start3A_687] : memref<9830400xf32, #tpu.memory_space<hbm>> -> memref<9830400xf32, #tpu.memory_space<hbm>>
    tpu.enqueue_indirect_dma source(%dma_start3A_688 : memref<9830400xf32, #tpu.memory_space<hbm>>) target(%dma_start3A_683 : memref<128xf32, #tpu.memory_space<vmem>>) offsets(%dma_start3A_686 : memref<128xi32, #tpu.memory_space<vmem>>) semaphore(%arg11 : memref<!tpu.dma_semaphore, #tpu.memory_space<semaphore_mem>>)
    %mul3A_689 = arith.constant 16 : i32
    %mul3A_690 = arith.muli %mul3A_689, %and3A_4 : i32
    %add3A_691 = arith.constant 12 : i32
    %add3A_692 = arith.addi %mul3A_690, %add3A_691 : i32
    %shift_left3A_693 = arith.constant 10 : i32
    %shift_left3A_694 = arith.shli %add3A_692, %shift_left3A_693 : i32
    %shift_left3A_695 = arith.constant 7 : i32
    %shift_left3A_696 = arith.shli %shift_right_arithmetic3A_3, %shift_left3A_695 : i32
    %add3A_697 = arith.addi %shift_left3A_694, %shift_left3A_696 : i32
    %scan3A_698 = arith.constant 12 : i32
    %scan3A_699 = arith.constant 0 : i32
    %scan3A_700 = arith.constant 0 : i32
    %scan3A_701 = arith.constant 8 : i32
    %scan3A_702 = arith.addi %scan3A_700, %scan3A_701 : i32
    %scan3A_703 = arith.constant 1 : i32
    %scan3A_704 = scf.for %scan3A_930 = %scan3A_700 to %scan3A_702 step %scan3A_703 iter_args(%scan3A_931 = %scan3A_699) -> (i32)  : i32 {
      %mul3A_932 = arith.constant 16 : i32
      %mul3A_933 = arith.muli %scan3A_930, %mul3A_932 : i32
      %add3A_934 = arith.constant 1536 : i32
      %add3A_935 = arith.addi %add3A_934, %mul3A_933 : i32
      %get3A_936 = arith.index_cast %add3A_935 : i32 to index
      %get3A_937 = tpu.vector_load %arg8[%get3A_936] {strides = array<i32>} : memref<2048xi32, #tpu.memory_space<vmem>>, vector<16xi32>,
      %get3A_938 = vector.shape_cast %get3A_937 : vector<16xi32> to vector<16xi32>
      %shift_left3A_939 = arith.constant 16 : i32
      %shift_left3A_940 = vector.broadcast %shift_left3A_939 : i32 to vector<16xi32>
      %shift_left3A_941 = arith.shli %get3A_938, %shift_left3A_940 : vector<16xi32>
      %add3A_942 = vector.broadcast %add3A_697 : i32 to vector<16xi32>
      %add3A_943 = arith.addi %shift_left3A_941, %add3A_942 : vector<16xi32>
      %mul3A_944 = arith.constant 16 : i32
      %mul3A_945 = arith.muli %scan3A_930, %mul3A_944 : i32
      %add3A_946 = vector.broadcast %mul3A_945 : i32 to vector<16xi32>
      %add3A_947 = arith.addi %add3A_943, %add3A_946 : vector<16xi32>
      %add3A_948 = arith.addi %add3A_947, %iota3A : vector<16xi32>
      %mul3A_949 = arith.constant 16 : i32
      %mul3A_950 = arith.muli %scan3A_930, %mul3A_949 : i32
      %swap3A_951 = arith.constant 0 : i32
      %swap3A_952 = tpu.memref_slice %arg7[%scan3A_698, %swap3A_951] : memref<16x128xi32, #tpu.memory_space<vmem>> -> memref<1x128xi32, #tpu.memory_space<vmem>>
      %swap3A_953 = tpu.memref_squeeze %swap3A_952 : memref<1x128xi32, #tpu.memory_space<vmem>> -> memref<128xi32, #tpu.memory_space<vmem>>
      %swap3A_954 = arith.index_cast %mul3A_950 : i32 to index
      %swap3A_955 = tpu.vector_load %swap3A_953[%swap3A_954] {strides = array<i32>} : memref<128xi32, #tpu.memory_space<vmem>>, vector<16xi32>,
      %swap3A_956 = vector.shape_cast %swap3A_955 : vector<16xi32> to vector<16xi32>
      %swap3A_957 = vector.shape_cast %add3A_948 : vector<16xi32> to vector<16xi32>
      tpu.vector_store %swap3A_953[%swap3A_954], %swap3A_957 {strides = array<i32>} : memref<128xi32, #tpu.memory_space<vmem>>, vector<16xi32>,
      %scan3A_958 = arith.constant 0 : i32
      scf.yield %scan3A_958 : i32
    }
    %scan3A_705 = arith.constant 8 : i32
    %dma_start3A_706 = arith.constant 12 : i32
    %dma_start3A_707 = arith.constant 1536 : i32
    %dma_start3A_708 = tpu.memref_slice %arg9[%dma_start3A_707] : memref<2048xf32, #tpu.memory_space<vmem>> -> memref<128xf32, #tpu.memory_space<vmem>>
    %dma_start3A_709 = arith.constant 0 : i32
    %dma_start3A_710 = tpu.memref_slice %arg7[%dma_start3A_706, %dma_start3A_709] : memref<16x128xi32, #tpu.memory_space<vmem>> -> memref<1x128xi32, #tpu.memory_space<vmem>>
    %dma_start3A_711 = tpu.memref_squeeze %dma_start3A_710 : memref<1x128xi32, #tpu.memory_space<vmem>> -> memref<128xi32, #tpu.memory_space<vmem>>
    %dma_start3A_712 = arith.constant 0 : i32
    %dma_start3A_713 = tpu.memref_slice %arg4[%dma_start3A_712] : memref<9830400xf32, #tpu.memory_space<hbm>> -> memref<9830400xf32, #tpu.memory_space<hbm>>
    tpu.enqueue_indirect_dma source(%dma_start3A_713 : memref<9830400xf32, #tpu.memory_space<hbm>>) target(%dma_start3A_708 : memref<128xf32, #tpu.memory_space<vmem>>) offsets(%dma_start3A_711 : memref<128xi32, #tpu.memory_space<vmem>>) semaphore(%arg11 : memref<!tpu.dma_semaphore, #tpu.memory_space<semaphore_mem>>)
    %mul3A_714 = arith.constant 16 : i32
    %mul3A_715 = arith.muli %mul3A_714, %and3A_4 : i32
    %add3A_716 = arith.constant 13 : i32
    %add3A_717 = arith.addi %mul3A_715, %add3A_716 : i32
    %shift_left3A_718 = arith.constant 10 : i32
    %shift_left3A_719 = arith.shli %add3A_717, %shift_left3A_718 : i32
    %shift_left3A_720 = arith.constant 7 : i32
    %shift_left3A_721 = arith.shli %shift_right_arithmetic3A_3, %shift_left3A_720 : i32
    %add3A_722 = arith.addi %shift_left3A_719, %shift_left3A_721 : i32
    %scan3A_723 = arith.constant 13 : i32
    %scan3A_724 = arith.constant 0 : i32
    %scan3A_725 = arith.constant 0 : i32
    %scan3A_726 = arith.constant 8 : i32
    %scan3A_727 = arith.addi %scan3A_725, %scan3A_726 : i32
    %scan3A_728 = arith.constant 1 : i32
    %scan3A_729 = scf.for %scan3A_930 = %scan3A_725 to %scan3A_727 step %scan3A_728 iter_args(%scan3A_931 = %scan3A_724) -> (i32)  : i32 {
      %mul3A_932 = arith.constant 16 : i32
      %mul3A_933 = arith.muli %scan3A_930, %mul3A_932 : i32
      %add3A_934 = arith.constant 1664 : i32
      %add3A_935 = arith.addi %add3A_934, %mul3A_933 : i32
      %get3A_936 = arith.index_cast %add3A_935 : i32 to index
      %get3A_937 = tpu.vector_load %arg8[%get3A_936] {strides = array<i32>} : memref<2048xi32, #tpu.memory_space<vmem>>, vector<16xi32>,
      %get3A_938 = vector.shape_cast %get3A_937 : vector<16xi32> to vector<16xi32>
      %shift_left3A_939 = arith.constant 16 : i32
      %shift_left3A_940 = vector.broadcast %shift_left3A_939 : i32 to vector<16xi32>
      %shift_left3A_941 = arith.shli %get3A_938, %shift_left3A_940 : vector<16xi32>
      %add3A_942 = vector.broadcast %add3A_722 : i32 to vector<16xi32>
      %add3A_943 = arith.addi %shift_left3A_941, %add3A_942 : vector<16xi32>
      %mul3A_944 = arith.constant 16 : i32
      %mul3A_945 = arith.muli %scan3A_930, %mul3A_944 : i32
      %add3A_946 = vector.broadcast %mul3A_945 : i32 to vector<16xi32>
      %add3A_947 = arith.addi %add3A_943, %add3A_946 : vector<16xi32>
      %add3A_948 = arith.addi %add3A_947, %iota3A : vector<16xi32>
      %mul3A_949 = arith.constant 16 : i32
      %mul3A_950 = arith.muli %scan3A_930, %mul3A_949 : i32
      %swap3A_951 = arith.constant 0 : i32
      %swap3A_952 = tpu.memref_slice %arg7[%scan3A_723, %swap3A_951] : memref<16x128xi32, #tpu.memory_space<vmem>> -> memref<1x128xi32, #tpu.memory_space<vmem>>
      %swap3A_953 = tpu.memref_squeeze %swap3A_952 : memref<1x128xi32, #tpu.memory_space<vmem>> -> memref<128xi32, #tpu.memory_space<vmem>>
      %swap3A_954 = arith.index_cast %mul3A_950 : i32 to index
      %swap3A_955 = tpu.vector_load %swap3A_953[%swap3A_954] {strides = array<i32>} : memref<128xi32, #tpu.memory_space<vmem>>, vector<16xi32>,
      %swap3A_956 = vector.shape_cast %swap3A_955 : vector<16xi32> to vector<16xi32>
      %swap3A_957 = vector.shape_cast %add3A_948 : vector<16xi32> to vector<16xi32>
      tpu.vector_store %swap3A_953[%swap3A_954], %swap3A_957 {strides = array<i32>} : memref<128xi32, #tpu.memory_space<vmem>>, vector<16xi32>,
      %scan3A_958 = arith.constant 0 : i32
      scf.yield %scan3A_958 : i32
    }
    %scan3A_730 = arith.constant 8 : i32
    %dma_start3A_731 = arith.constant 13 : i32
    %dma_start3A_732 = arith.constant 1664 : i32
    %dma_start3A_733 = tpu.memref_slice %arg9[%dma_start3A_732] : memref<2048xf32, #tpu.memory_space<vmem>> -> memref<128xf32, #tpu.memory_space<vmem>>
    %dma_start3A_734 = arith.constant 0 : i32
    %dma_start3A_735 = tpu.memref_slice %arg7[%dma_start3A_731, %dma_start3A_734] : memref<16x128xi32, #tpu.memory_space<vmem>> -> memref<1x128xi32, #tpu.memory_space<vmem>>
    %dma_start3A_736 = tpu.memref_squeeze %dma_start3A_735 : memref<1x128xi32, #tpu.memory_space<vmem>> -> memref<128xi32, #tpu.memory_space<vmem>>
    %dma_start3A_737 = arith.constant 0 : i32
    %dma_start3A_738 = tpu.memref_slice %arg4[%dma_start3A_737] : memref<9830400xf32, #tpu.memory_space<hbm>> -> memref<9830400xf32, #tpu.memory_space<hbm>>
    tpu.enqueue_indirect_dma source(%dma_start3A_738 : memref<9830400xf32, #tpu.memory_space<hbm>>) target(%dma_start3A_733 : memref<128xf32, #tpu.memory_space<vmem>>) offsets(%dma_start3A_736 : memref<128xi32, #tpu.memory_space<vmem>>) semaphore(%arg11 : memref<!tpu.dma_semaphore, #tpu.memory_space<semaphore_mem>>)
    %mul3A_739 = arith.constant 16 : i32
    %mul3A_740 = arith.muli %mul3A_739, %and3A_4 : i32
    %add3A_741 = arith.constant 14 : i32
    %add3A_742 = arith.addi %mul3A_740, %add3A_741 : i32
    %shift_left3A_743 = arith.constant 10 : i32
    %shift_left3A_744 = arith.shli %add3A_742, %shift_left3A_743 : i32
    %shift_left3A_745 = arith.constant 7 : i32
    %shift_left3A_746 = arith.shli %shift_right_arithmetic3A_3, %shift_left3A_745 : i32
    %add3A_747 = arith.addi %shift_left3A_744, %shift_left3A_746 : i32
    %scan3A_748 = arith.constant 14 : i32
    %scan3A_749 = arith.constant 0 : i32
    %scan3A_750 = arith.constant 0 : i32
    %scan3A_751 = arith.constant 8 : i32
    %scan3A_752 = arith.addi %scan3A_750, %scan3A_751 : i32
    %scan3A_753 = arith.constant 1 : i32
    %scan3A_754 = scf.for %scan3A_930 = %scan3A_750 to %scan3A_752 step %scan3A_753 iter_args(%scan3A_931 = %scan3A_749) -> (i32)  : i32 {
      %mul3A_932 = arith.constant 16 : i32
      %mul3A_933 = arith.muli %scan3A_930, %mul3A_932 : i32
      %add3A_934 = arith.constant 1792 : i32
      %add3A_935 = arith.addi %add3A_934, %mul3A_933 : i32
      %get3A_936 = arith.index_cast %add3A_935 : i32 to index
      %get3A_937 = tpu.vector_load %arg8[%get3A_936] {strides = array<i32>} : memref<2048xi32, #tpu.memory_space<vmem>>, vector<16xi32>,
      %get3A_938 = vector.shape_cast %get3A_937 : vector<16xi32> to vector<16xi32>
      %shift_left3A_939 = arith.constant 16 : i32
      %shift_left3A_940 = vector.broadcast %shift_left3A_939 : i32 to vector<16xi32>
      %shift_left3A_941 = arith.shli %get3A_938, %shift_left3A_940 : vector<16xi32>
      %add3A_942 = vector.broadcast %add3A_747 : i32 to vector<16xi32>
      %add3A_943 = arith.addi %shift_left3A_941, %add3A_942 : vector<16xi32>
      %mul3A_944 = arith.constant 16 : i32
      %mul3A_945 = arith.muli %scan3A_930, %mul3A_944 : i32
      %add3A_946 = vector.broadcast %mul3A_945 : i32 to vector<16xi32>
      %add3A_947 = arith.addi %add3A_943, %add3A_946 : vector<16xi32>
      %add3A_948 = arith.addi %add3A_947, %iota3A : vector<16xi32>
      %mul3A_949 = arith.constant 16 : i32
      %mul3A_950 = arith.muli %scan3A_930, %mul3A_949 : i32
      %swap3A_951 = arith.constant 0 : i32
      %swap3A_952 = tpu.memref_slice %arg7[%scan3A_748, %swap3A_951] : memref<16x128xi32, #tpu.memory_space<vmem>> -> memref<1x128xi32, #tpu.memory_space<vmem>>
      %swap3A_953 = tpu.memref_squeeze %swap3A_952 : memref<1x128xi32, #tpu.memory_space<vmem>> -> memref<128xi32, #tpu.memory_space<vmem>>
      %swap3A_954 = arith.index_cast %mul3A_950 : i32 to index
      %swap3A_955 = tpu.vector_load %swap3A_953[%swap3A_954] {strides = array<i32>} : memref<128xi32, #tpu.memory_space<vmem>>, vector<16xi32>,
      %swap3A_956 = vector.shape_cast %swap3A_955 : vector<16xi32> to vector<16xi32>
      %swap3A_957 = vector.shape_cast %add3A_948 : vector<16xi32> to vector<16xi32>
      tpu.vector_store %swap3A_953[%swap3A_954], %swap3A_957 {strides = array<i32>} : memref<128xi32, #tpu.memory_space<vmem>>, vector<16xi32>,
      %scan3A_958 = arith.constant 0 : i32
      scf.yield %scan3A_958 : i32
    }
    %scan3A_755 = arith.constant 8 : i32
    %dma_start3A_756 = arith.constant 14 : i32
    %dma_start3A_757 = arith.constant 1792 : i32
    %dma_start3A_758 = tpu.memref_slice %arg9[%dma_start3A_757] : memref<2048xf32, #tpu.memory_space<vmem>> -> memref<128xf32, #tpu.memory_space<vmem>>
    %dma_start3A_759 = arith.constant 0 : i32
    %dma_start3A_760 = tpu.memref_slice %arg7[%dma_start3A_756, %dma_start3A_759] : memref<16x128xi32, #tpu.memory_space<vmem>> -> memref<1x128xi32, #tpu.memory_space<vmem>>
    %dma_start3A_761 = tpu.memref_squeeze %dma_start3A_760 : memref<1x128xi32, #tpu.memory_space<vmem>> -> memref<128xi32, #tpu.memory_space<vmem>>
    %dma_start3A_762 = arith.constant 0 : i32
    %dma_start3A_763 = tpu.memref_slice %arg4[%dma_start3A_762] : memref<9830400xf32, #tpu.memory_space<hbm>> -> memref<9830400xf32, #tpu.memory_space<hbm>>
    tpu.enqueue_indirect_dma source(%dma_start3A_763 : memref<9830400xf32, #tpu.memory_space<hbm>>) target(%dma_start3A_758 : memref<128xf32, #tpu.memory_space<vmem>>) offsets(%dma_start3A_761 : memref<128xi32, #tpu.memory_space<vmem>>) semaphore(%arg11 : memref<!tpu.dma_semaphore, #tpu.memory_space<semaphore_mem>>)
    %mul3A_764 = arith.constant 16 : i32
    %mul3A_765 = arith.muli %mul3A_764, %and3A_4 : i32
    %add3A_766 = arith.constant 15 : i32
    %add3A_767 = arith.addi %mul3A_765, %add3A_766 : i32
    %shift_left3A_768 = arith.constant 10 : i32
    %shift_left3A_769 = arith.shli %add3A_767, %shift_left3A_768 : i32
    %shift_left3A_770 = arith.constant 7 : i32
    %shift_left3A_771 = arith.shli %shift_right_arithmetic3A_3, %shift_left3A_770 : i32
    %add3A_772 = arith.addi %shift_left3A_769, %shift_left3A_771 : i32
    %scan3A_773 = arith.constant 15 : i32
    %scan3A_774 = arith.constant 0 : i32
    %scan3A_775 = arith.constant 0 : i32
    %scan3A_776 = arith.constant 8 : i32
    %scan3A_777 = arith.addi %scan3A_775, %scan3A_776 : i32
    %scan3A_778 = arith.constant 1 : i32
    %scan3A_779 = scf.for %scan3A_930 = %scan3A_775 to %scan3A_777 step %scan3A_778 iter_args(%scan3A_931 = %scan3A_774) -> (i32)  : i32 {
      %mul3A_932 = arith.constant 16 : i32
      %mul3A_933 = arith.muli %scan3A_930, %mul3A_932 : i32
      %add3A_934 = arith.constant 1920 : i32
      %add3A_935 = arith.addi %add3A_934, %mul3A_933 : i32
      %get3A_936 = arith.index_cast %add3A_935 : i32 to index
      %get3A_937 = tpu.vector_load %arg8[%get3A_936] {strides = array<i32>} : memref<2048xi32, #tpu.memory_space<vmem>>, vector<16xi32>,
      %get3A_938 = vector.shape_cast %get3A_937 : vector<16xi32> to vector<16xi32>
      %shift_left3A_939 = arith.constant 16 : i32
      %shift_left3A_940 = vector.broadcast %shift_left3A_939 : i32 to vector<16xi32>
      %shift_left3A_941 = arith.shli %get3A_938, %shift_left3A_940 : vector<16xi32>
      %add3A_942 = vector.broadcast %add3A_772 : i32 to vector<16xi32>
      %add3A_943 = arith.addi %shift_left3A_941, %add3A_942 : vector<16xi32>
      %mul3A_944 = arith.constant 16 : i32
      %mul3A_945 = arith.muli %scan3A_930, %mul3A_944 : i32
      %add3A_946 = vector.broadcast %mul3A_945 : i32 to vector<16xi32>
      %add3A_947 = arith.addi %add3A_943, %add3A_946 : vector<16xi32>
      %add3A_948 = arith.addi %add3A_947, %iota3A : vector<16xi32>
      %mul3A_949 = arith.constant 16 : i32
      %mul3A_950 = arith.muli %scan3A_930, %mul3A_949 : i32
      %swap3A_951 = arith.constant 0 : i32
      %swap3A_952 = tpu.memref_slice %arg7[%scan3A_773, %swap3A_951] : memref<16x128xi32, #tpu.memory_space<vmem>> -> memref<1x128xi32, #tpu.memory_space<vmem>>
      %swap3A_953 = tpu.memref_squeeze %swap3A_952 : memref<1x128xi32, #tpu.memory_space<vmem>> -> memref<128xi32, #tpu.memory_space<vmem>>
      %swap3A_954 = arith.index_cast %mul3A_950 : i32 to index
      %swap3A_955 = tpu.vector_load %swap3A_953[%swap3A_954] {strides = array<i32>} : memref<128xi32, #tpu.memory_space<vmem>>, vector<16xi32>,
      %swap3A_956 = vector.shape_cast %swap3A_955 : vector<16xi32> to vector<16xi32>
      %swap3A_957 = vector.shape_cast %add3A_948 : vector<16xi32> to vector<16xi32>
      tpu.vector_store %swap3A_953[%swap3A_954], %swap3A_957 {strides = array<i32>} : memref<128xi32, #tpu.memory_space<vmem>>, vector<16xi32>,
      %scan3A_958 = arith.constant 0 : i32
      scf.yield %scan3A_958 : i32
    }
    %scan3A_780 = arith.constant 8 : i32
    %dma_start3A_781 = arith.constant 15 : i32
    %dma_start3A_782 = arith.constant 1920 : i32
    %dma_start3A_783 = tpu.memref_slice %arg9[%dma_start3A_782] : memref<2048xf32, #tpu.memory_space<vmem>> -> memref<128xf32, #tpu.memory_space<vmem>>
    %dma_start3A_784 = arith.constant 0 : i32
    %dma_start3A_785 = tpu.memref_slice %arg7[%dma_start3A_781, %dma_start3A_784] : memref<16x128xi32, #tpu.memory_space<vmem>> -> memref<1x128xi32, #tpu.memory_space<vmem>>
    %dma_start3A_786 = tpu.memref_squeeze %dma_start3A_785 : memref<1x128xi32, #tpu.memory_space<vmem>> -> memref<128xi32, #tpu.memory_space<vmem>>
    %dma_start3A_787 = arith.constant 0 : i32
    %dma_start3A_788 = tpu.memref_slice %arg4[%dma_start3A_787] : memref<9830400xf32, #tpu.memory_space<hbm>> -> memref<9830400xf32, #tpu.memory_space<hbm>>
    tpu.enqueue_indirect_dma source(%dma_start3A_788 : memref<9830400xf32, #tpu.memory_space<hbm>>) target(%dma_start3A_783 : memref<128xf32, #tpu.memory_space<vmem>>) offsets(%dma_start3A_786 : memref<128xi32, #tpu.memory_space<vmem>>) semaphore(%arg11 : memref<!tpu.dma_semaphore, #tpu.memory_space<semaphore_mem>>)
    %dma_wait3A_789 = arith.constant 0 : i32
    %dma_wait3A_790 = arith.constant 0 : i32
    %dma_wait3A_791 = tpu.memref_slice %arg9[%dma_wait3A_790] : memref<2048xf32, #tpu.memory_space<vmem>> -> memref<128xf32, #tpu.memory_space<vmem>>
    %dma_wait3A_792 = arith.constant 0 : i32
    %dma_wait3A_793 = tpu.memref_slice %arg7[%dma_wait3A_789, %dma_wait3A_792] : memref<16x128xi32, #tpu.memory_space<vmem>> -> memref<1x128xi32, #tpu.memory_space<vmem>>
    %dma_wait3A_794 = tpu.memref_squeeze %dma_wait3A_793 : memref<1x128xi32, #tpu.memory_space<vmem>> -> memref<128xi32, #tpu.memory_space<vmem>>
    %dma_wait3A_795 = arith.constant 0 : i32
    %dma_wait3A_796 = tpu.memref_slice %arg4[%dma_wait3A_795] : memref<9830400xf32, #tpu.memory_space<hbm>> -> memref<9830400xf32, #tpu.memory_space<hbm>>
    tpu.wait_indirect_dma semaphore(%arg11 : memref<!tpu.dma_semaphore, #tpu.memory_space<semaphore_mem>>) src(%dma_wait3A_796 : memref<9830400xf32, #tpu.memory_space<hbm>>) dst(%dma_wait3A_791 : memref<128xf32, #tpu.memory_space<vmem>>)
    %dma_wait3A_797 = arith.constant 1 : i32
    %dma_wait3A_798 = arith.constant 128 : i32
    %dma_wait3A_799 = tpu.memref_slice %arg9[%dma_wait3A_798] : memref<2048xf32, #tpu.memory_space<vmem>> -> memref<128xf32, #tpu.memory_space<vmem>>
    %dma_wait3A_800 = arith.constant 0 : i32
    %dma_wait3A_801 = tpu.memref_slice %arg7[%dma_wait3A_797, %dma_wait3A_800] : memref<16x128xi32, #tpu.memory_space<vmem>> -> memref<1x128xi32, #tpu.memory_space<vmem>>
    %dma_wait3A_802 = tpu.memref_squeeze %dma_wait3A_801 : memref<1x128xi32, #tpu.memory_space<vmem>> -> memref<128xi32, #tpu.memory_space<vmem>>
    %dma_wait3A_803 = arith.constant 0 : i32
    %dma_wait3A_804 = tpu.memref_slice %arg4[%dma_wait3A_803] : memref<9830400xf32, #tpu.memory_space<hbm>> -> memref<9830400xf32, #tpu.memory_space<hbm>>
    tpu.wait_indirect_dma semaphore(%arg11 : memref<!tpu.dma_semaphore, #tpu.memory_space<semaphore_mem>>) src(%dma_wait3A_804 : memref<9830400xf32, #tpu.memory_space<hbm>>) dst(%dma_wait3A_799 : memref<128xf32, #tpu.memory_space<vmem>>)
    %dma_wait3A_805 = arith.constant 2 : i32
    %dma_wait3A_806 = arith.constant 256 : i32
    %dma_wait3A_807 = tpu.memref_slice %arg9[%dma_wait3A_806] : memref<2048xf32, #tpu.memory_space<vmem>> -> memref<128xf32, #tpu.memory_space<vmem>>
    %dma_wait3A_808 = arith.constant 0 : i32
    %dma_wait3A_809 = tpu.memref_slice %arg7[%dma_wait3A_805, %dma_wait3A_808] : memref<16x128xi32, #tpu.memory_space<vmem>> -> memref<1x128xi32, #tpu.memory_space<vmem>>
    %dma_wait3A_810 = tpu.memref_squeeze %dma_wait3A_809 : memref<1x128xi32, #tpu.memory_space<vmem>> -> memref<128xi32, #tpu.memory_space<vmem>>
    %dma_wait3A_811 = arith.constant 0 : i32
    %dma_wait3A_812 = tpu.memref_slice %arg4[%dma_wait3A_811] : memref<9830400xf32, #tpu.memory_space<hbm>> -> memref<9830400xf32, #tpu.memory_space<hbm>>
    tpu.wait_indirect_dma semaphore(%arg11 : memref<!tpu.dma_semaphore, #tpu.memory_space<semaphore_mem>>) src(%dma_wait3A_812 : memref<9830400xf32, #tpu.memory_space<hbm>>) dst(%dma_wait3A_807 : memref<128xf32, #tpu.memory_space<vmem>>)
    %dma_wait3A_813 = arith.constant 3 : i32
    %dma_wait3A_814 = arith.constant 384 : i32
    %dma_wait3A_815 = tpu.memref_slice %arg9[%dma_wait3A_814] : memref<2048xf32, #tpu.memory_space<vmem>> -> memref<128xf32, #tpu.memory_space<vmem>>
    %dma_wait3A_816 = arith.constant 0 : i32
    %dma_wait3A_817 = tpu.memref_slice %arg7[%dma_wait3A_813, %dma_wait3A_816] : memref<16x128xi32, #tpu.memory_space<vmem>> -> memref<1x128xi32, #tpu.memory_space<vmem>>
    %dma_wait3A_818 = tpu.memref_squeeze %dma_wait3A_817 : memref<1x128xi32, #tpu.memory_space<vmem>> -> memref<128xi32, #tpu.memory_space<vmem>>
    %dma_wait3A_819 = arith.constant 0 : i32
    %dma_wait3A_820 = tpu.memref_slice %arg4[%dma_wait3A_819] : memref<9830400xf32, #tpu.memory_space<hbm>> -> memref<9830400xf32, #tpu.memory_space<hbm>>
    tpu.wait_indirect_dma semaphore(%arg11 : memref<!tpu.dma_semaphore, #tpu.memory_space<semaphore_mem>>) src(%dma_wait3A_820 : memref<9830400xf32, #tpu.memory_space<hbm>>) dst(%dma_wait3A_815 : memref<128xf32, #tpu.memory_space<vmem>>)
    %dma_wait3A_821 = arith.constant 4 : i32
    %dma_wait3A_822 = arith.constant 512 : i32
    %dma_wait3A_823 = tpu.memref_slice %arg9[%dma_wait3A_822] : memref<2048xf32, #tpu.memory_space<vmem>> -> memref<128xf32, #tpu.memory_space<vmem>>
    %dma_wait3A_824 = arith.constant 0 : i32
    %dma_wait3A_825 = tpu.memref_slice %arg7[%dma_wait3A_821, %dma_wait3A_824] : memref<16x128xi32, #tpu.memory_space<vmem>> -> memref<1x128xi32, #tpu.memory_space<vmem>>
    %dma_wait3A_826 = tpu.memref_squeeze %dma_wait3A_825 : memref<1x128xi32, #tpu.memory_space<vmem>> -> memref<128xi32, #tpu.memory_space<vmem>>
    %dma_wait3A_827 = arith.constant 0 : i32
    %dma_wait3A_828 = tpu.memref_slice %arg4[%dma_wait3A_827] : memref<9830400xf32, #tpu.memory_space<hbm>> -> memref<9830400xf32, #tpu.memory_space<hbm>>
    tpu.wait_indirect_dma semaphore(%arg11 : memref<!tpu.dma_semaphore, #tpu.memory_space<semaphore_mem>>) src(%dma_wait3A_828 : memref<9830400xf32, #tpu.memory_space<hbm>>) dst(%dma_wait3A_823 : memref<128xf32, #tpu.memory_space<vmem>>)
    %dma_wait3A_829 = arith.constant 5 : i32
    %dma_wait3A_830 = arith.constant 640 : i32
    %dma_wait3A_831 = tpu.memref_slice %arg9[%dma_wait3A_830] : memref<2048xf32, #tpu.memory_space<vmem>> -> memref<128xf32, #tpu.memory_space<vmem>>
    %dma_wait3A_832 = arith.constant 0 : i32
    %dma_wait3A_833 = tpu.memref_slice %arg7[%dma_wait3A_829, %dma_wait3A_832] : memref<16x128xi32, #tpu.memory_space<vmem>> -> memref<1x128xi32, #tpu.memory_space<vmem>>
    %dma_wait3A_834 = tpu.memref_squeeze %dma_wait3A_833 : memref<1x128xi32, #tpu.memory_space<vmem>> -> memref<128xi32, #tpu.memory_space<vmem>>
    %dma_wait3A_835 = arith.constant 0 : i32
    %dma_wait3A_836 = tpu.memref_slice %arg4[%dma_wait3A_835] : memref<9830400xf32, #tpu.memory_space<hbm>> -> memref<9830400xf32, #tpu.memory_space<hbm>>
    tpu.wait_indirect_dma semaphore(%arg11 : memref<!tpu.dma_semaphore, #tpu.memory_space<semaphore_mem>>) src(%dma_wait3A_836 : memref<9830400xf32, #tpu.memory_space<hbm>>) dst(%dma_wait3A_831 : memref<128xf32, #tpu.memory_space<vmem>>)
    %dma_wait3A_837 = arith.constant 6 : i32
    %dma_wait3A_838 = arith.constant 768 : i32
    %dma_wait3A_839 = tpu.memref_slice %arg9[%dma_wait3A_838] : memref<2048xf32, #tpu.memory_space<vmem>> -> memref<128xf32, #tpu.memory_space<vmem>>
    %dma_wait3A_840 = arith.constant 0 : i32
    %dma_wait3A_841 = tpu.memref_slice %arg7[%dma_wait3A_837, %dma_wait3A_840] : memref<16x128xi32, #tpu.memory_space<vmem>> -> memref<1x128xi32, #tpu.memory_space<vmem>>
    %dma_wait3A_842 = tpu.memref_squeeze %dma_wait3A_841 : memref<1x128xi32, #tpu.memory_space<vmem>> -> memref<128xi32, #tpu.memory_space<vmem>>
    %dma_wait3A_843 = arith.constant 0 : i32
    %dma_wait3A_844 = tpu.memref_slice %arg4[%dma_wait3A_843] : memref<9830400xf32, #tpu.memory_space<hbm>> -> memref<9830400xf32, #tpu.memory_space<hbm>>
    tpu.wait_indirect_dma semaphore(%arg11 : memref<!tpu.dma_semaphore, #tpu.memory_space<semaphore_mem>>) src(%dma_wait3A_844 : memref<9830400xf32, #tpu.memory_space<hbm>>) dst(%dma_wait3A_839 : memref<128xf32, #tpu.memory_space<vmem>>)
    %dma_wait3A_845 = arith.constant 7 : i32
    %dma_wait3A_846 = arith.constant 896 : i32
    %dma_wait3A_847 = tpu.memref_slice %arg9[%dma_wait3A_846] : memref<2048xf32, #tpu.memory_space<vmem>> -> memref<128xf32, #tpu.memory_space<vmem>>
    %dma_wait3A_848 = arith.constant 0 : i32
    %dma_wait3A_849 = tpu.memref_slice %arg7[%dma_wait3A_845, %dma_wait3A_848] : memref<16x128xi32, #tpu.memory_space<vmem>> -> memref<1x128xi32, #tpu.memory_space<vmem>>
    %dma_wait3A_850 = tpu.memref_squeeze %dma_wait3A_849 : memref<1x128xi32, #tpu.memory_space<vmem>> -> memref<128xi32, #tpu.memory_space<vmem>>
    %dma_wait3A_851 = arith.constant 0 : i32
    %dma_wait3A_852 = tpu.memref_slice %arg4[%dma_wait3A_851] : memref<9830400xf32, #tpu.memory_space<hbm>> -> memref<9830400xf32, #tpu.memory_space<hbm>>
    tpu.wait_indirect_dma semaphore(%arg11 : memref<!tpu.dma_semaphore, #tpu.memory_space<semaphore_mem>>) src(%dma_wait3A_852 : memref<9830400xf32, #tpu.memory_space<hbm>>) dst(%dma_wait3A_847 : memref<128xf32, #tpu.memory_space<vmem>>)
    %dma_wait3A_853 = arith.constant 8 : i32
    %dma_wait3A_854 = arith.constant 1024 : i32
    %dma_wait3A_855 = tpu.memref_slice %arg9[%dma_wait3A_854] : memref<2048xf32, #tpu.memory_space<vmem>> -> memref<128xf32, #tpu.memory_space<vmem>>
    %dma_wait3A_856 = arith.constant 0 : i32
    %dma_wait3A_857 = tpu.memref_slice %arg7[%dma_wait3A_853, %dma_wait3A_856] : memref<16x128xi32, #tpu.memory_space<vmem>> -> memref<1x128xi32, #tpu.memory_space<vmem>>
    %dma_wait3A_858 = tpu.memref_squeeze %dma_wait3A_857 : memref<1x128xi32, #tpu.memory_space<vmem>> -> memref<128xi32, #tpu.memory_space<vmem>>
    %dma_wait3A_859 = arith.constant 0 : i32
    %dma_wait3A_860 = tpu.memref_slice %arg4[%dma_wait3A_859] : memref<9830400xf32, #tpu.memory_space<hbm>> -> memref<9830400xf32, #tpu.memory_space<hbm>>
    tpu.wait_indirect_dma semaphore(%arg11 : memref<!tpu.dma_semaphore, #tpu.memory_space<semaphore_mem>>) src(%dma_wait3A_860 : memref<9830400xf32, #tpu.memory_space<hbm>>) dst(%dma_wait3A_855 : memref<128xf32, #tpu.memory_space<vmem>>)
    %dma_wait3A_861 = arith.constant 9 : i32
    %dma_wait3A_862 = arith.constant 1152 : i32
    %dma_wait3A_863 = tpu.memref_slice %arg9[%dma_wait3A_862] : memref<2048xf32, #tpu.memory_space<vmem>> -> memref<128xf32, #tpu.memory_space<vmem>>
    %dma_wait3A_864 = arith.constant 0 : i32
    %dma_wait3A_865 = tpu.memref_slice %arg7[%dma_wait3A_861, %dma_wait3A_864] : memref<16x128xi32, #tpu.memory_space<vmem>> -> memref<1x128xi32, #tpu.memory_space<vmem>>
    %dma_wait3A_866 = tpu.memref_squeeze %dma_wait3A_865 : memref<1x128xi32, #tpu.memory_space<vmem>> -> memref<128xi32, #tpu.memory_space<vmem>>
    %dma_wait3A_867 = arith.constant 0 : i32
    %dma_wait3A_868 = tpu.memref_slice %arg4[%dma_wait3A_867] : memref<9830400xf32, #tpu.memory_space<hbm>> -> memref<9830400xf32, #tpu.memory_space<hbm>>
    tpu.wait_indirect_dma semaphore(%arg11 : memref<!tpu.dma_semaphore, #tpu.memory_space<semaphore_mem>>) src(%dma_wait3A_868 : memref<9830400xf32, #tpu.memory_space<hbm>>) dst(%dma_wait3A_863 : memref<128xf32, #tpu.memory_space<vmem>>)
    %dma_wait3A_869 = arith.constant 10 : i32
    %dma_wait3A_870 = arith.constant 1280 : i32
    %dma_wait3A_871 = tpu.memref_slice %arg9[%dma_wait3A_870] : memref<2048xf32, #tpu.memory_space<vmem>> -> memref<128xf32, #tpu.memory_space<vmem>>
    %dma_wait3A_872 = arith.constant 0 : i32
    %dma_wait3A_873 = tpu.memref_slice %arg7[%dma_wait3A_869, %dma_wait3A_872] : memref<16x128xi32, #tpu.memory_space<vmem>> -> memref<1x128xi32, #tpu.memory_space<vmem>>
    %dma_wait3A_874 = tpu.memref_squeeze %dma_wait3A_873 : memref<1x128xi32, #tpu.memory_space<vmem>> -> memref<128xi32, #tpu.memory_space<vmem>>
    %dma_wait3A_875 = arith.constant 0 : i32
    %dma_wait3A_876 = tpu.memref_slice %arg4[%dma_wait3A_875] : memref<9830400xf32, #tpu.memory_space<hbm>> -> memref<9830400xf32, #tpu.memory_space<hbm>>
    tpu.wait_indirect_dma semaphore(%arg11 : memref<!tpu.dma_semaphore, #tpu.memory_space<semaphore_mem>>) src(%dma_wait3A_876 : memref<9830400xf32, #tpu.memory_space<hbm>>) dst(%dma_wait3A_871 : memref<128xf32, #tpu.memory_space<vmem>>)
    %dma_wait3A_877 = arith.constant 11 : i32
    %dma_wait3A_878 = arith.constant 1408 : i32
    %dma_wait3A_879 = tpu.memref_slice %arg9[%dma_wait3A_878] : memref<2048xf32, #tpu.memory_space<vmem>> -> memref<128xf32, #tpu.memory_space<vmem>>
    %dma_wait3A_880 = arith.constant 0 : i32
    %dma_wait3A_881 = tpu.memref_slice %arg7[%dma_wait3A_877, %dma_wait3A_880] : memref<16x128xi32, #tpu.memory_space<vmem>> -> memref<1x128xi32, #tpu.memory_space<vmem>>
    %dma_wait3A_882 = tpu.memref_squeeze %dma_wait3A_881 : memref<1x128xi32, #tpu.memory_space<vmem>> -> memref<128xi32, #tpu.memory_space<vmem>>
    %dma_wait3A_883 = arith.constant 0 : i32
    %dma_wait3A_884 = tpu.memref_slice %arg4[%dma_wait3A_883] : memref<9830400xf32, #tpu.memory_space<hbm>> -> memref<9830400xf32, #tpu.memory_space<hbm>>
    tpu.wait_indirect_dma semaphore(%arg11 : memref<!tpu.dma_semaphore, #tpu.memory_space<semaphore_mem>>) src(%dma_wait3A_884 : memref<9830400xf32, #tpu.memory_space<hbm>>) dst(%dma_wait3A_879 : memref<128xf32, #tpu.memory_space<vmem>>)
    %dma_wait3A_885 = arith.constant 12 : i32
    %dma_wait3A_886 = arith.constant 1536 : i32
    %dma_wait3A_887 = tpu.memref_slice %arg9[%dma_wait3A_886] : memref<2048xf32, #tpu.memory_space<vmem>> -> memref<128xf32, #tpu.memory_space<vmem>>
    %dma_wait3A_888 = arith.constant 0 : i32
    %dma_wait3A_889 = tpu.memref_slice %arg7[%dma_wait3A_885, %dma_wait3A_888] : memref<16x128xi32, #tpu.memory_space<vmem>> -> memref<1x128xi32, #tpu.memory_space<vmem>>
    %dma_wait3A_890 = tpu.memref_squeeze %dma_wait3A_889 : memref<1x128xi32, #tpu.memory_space<vmem>> -> memref<128xi32, #tpu.memory_space<vmem>>
    %dma_wait3A_891 = arith.constant 0 : i32
    %dma_wait3A_892 = tpu.memref_slice %arg4[%dma_wait3A_891] : memref<9830400xf32, #tpu.memory_space<hbm>> -> memref<9830400xf32, #tpu.memory_space<hbm>>
    tpu.wait_indirect_dma semaphore(%arg11 : memref<!tpu.dma_semaphore, #tpu.memory_space<semaphore_mem>>) src(%dma_wait3A_892 : memref<9830400xf32, #tpu.memory_space<hbm>>) dst(%dma_wait3A_887 : memref<128xf32, #tpu.memory_space<vmem>>)
    %dma_wait3A_893 = arith.constant 13 : i32
    %dma_wait3A_894 = arith.constant 1664 : i32
    %dma_wait3A_895 = tpu.memref_slice %arg9[%dma_wait3A_894] : memref<2048xf32, #tpu.memory_space<vmem>> -> memref<128xf32, #tpu.memory_space<vmem>>
    %dma_wait3A_896 = arith.constant 0 : i32
    %dma_wait3A_897 = tpu.memref_slice %arg7[%dma_wait3A_893, %dma_wait3A_896] : memref<16x128xi32, #tpu.memory_space<vmem>> -> memref<1x128xi32, #tpu.memory_space<vmem>>
    %dma_wait3A_898 = tpu.memref_squeeze %dma_wait3A_897 : memref<1x128xi32, #tpu.memory_space<vmem>> -> memref<128xi32, #tpu.memory_space<vmem>>
    %dma_wait3A_899 = arith.constant 0 : i32
    %dma_wait3A_900 = tpu.memref_slice %arg4[%dma_wait3A_899] : memref<9830400xf32, #tpu.memory_space<hbm>> -> memref<9830400xf32, #tpu.memory_space<hbm>>
    tpu.wait_indirect_dma semaphore(%arg11 : memref<!tpu.dma_semaphore, #tpu.memory_space<semaphore_mem>>) src(%dma_wait3A_900 : memref<9830400xf32, #tpu.memory_space<hbm>>) dst(%dma_wait3A_895 : memref<128xf32, #tpu.memory_space<vmem>>)
    %dma_wait3A_901 = arith.constant 14 : i32
    %dma_wait3A_902 = arith.constant 1792 : i32
    %dma_wait3A_903 = tpu.memref_slice %arg9[%dma_wait3A_902] : memref<2048xf32, #tpu.memory_space<vmem>> -> memref<128xf32, #tpu.memory_space<vmem>>
    %dma_wait3A_904 = arith.constant 0 : i32
    %dma_wait3A_905 = tpu.memref_slice %arg7[%dma_wait3A_901, %dma_wait3A_904] : memref<16x128xi32, #tpu.memory_space<vmem>> -> memref<1x128xi32, #tpu.memory_space<vmem>>
    %dma_wait3A_906 = tpu.memref_squeeze %dma_wait3A_905 : memref<1x128xi32, #tpu.memory_space<vmem>> -> memref<128xi32, #tpu.memory_space<vmem>>
    %dma_wait3A_907 = arith.constant 0 : i32
    %dma_wait3A_908 = tpu.memref_slice %arg4[%dma_wait3A_907] : memref<9830400xf32, #tpu.memory_space<hbm>> -> memref<9830400xf32, #tpu.memory_space<hbm>>
    tpu.wait_indirect_dma semaphore(%arg11 : memref<!tpu.dma_semaphore, #tpu.memory_space<semaphore_mem>>) src(%dma_wait3A_908 : memref<9830400xf32, #tpu.memory_space<hbm>>) dst(%dma_wait3A_903 : memref<128xf32, #tpu.memory_space<vmem>>)
    %dma_wait3A_909 = arith.constant 15 : i32
    %dma_wait3A_910 = arith.constant 1920 : i32
    %dma_wait3A_911 = tpu.memref_slice %arg9[%dma_wait3A_910] : memref<2048xf32, #tpu.memory_space<vmem>> -> memref<128xf32, #tpu.memory_space<vmem>>
    %dma_wait3A_912 = arith.constant 0 : i32
    %dma_wait3A_913 = tpu.memref_slice %arg7[%dma_wait3A_909, %dma_wait3A_912] : memref<16x128xi32, #tpu.memory_space<vmem>> -> memref<1x128xi32, #tpu.memory_space<vmem>>
    %dma_wait3A_914 = tpu.memref_squeeze %dma_wait3A_913 : memref<1x128xi32, #tpu.memory_space<vmem>> -> memref<128xi32, #tpu.memory_space<vmem>>
    %dma_wait3A_915 = arith.constant 0 : i32
    %dma_wait3A_916 = tpu.memref_slice %arg4[%dma_wait3A_915] : memref<9830400xf32, #tpu.memory_space<hbm>> -> memref<9830400xf32, #tpu.memory_space<hbm>>
    tpu.wait_indirect_dma semaphore(%arg11 : memref<!tpu.dma_semaphore, #tpu.memory_space<semaphore_mem>>) src(%dma_wait3A_916 : memref<9830400xf32, #tpu.memory_space<hbm>>) dst(%dma_wait3A_911 : memref<128xf32, #tpu.memory_space<vmem>>)
    %get3A = arith.constant 0 : index
    %get3A_917 = tpu.vector_load %arg9[%get3A] {strides = array<i32>} : memref<2048xf32, #tpu.memory_space<vmem>>, vector<16xf32>,
    %get3A_918 = vector.shape_cast %get3A_917 : vector<16xf32> to vector<16xf32>
    %scan3A_919 = arith.constant 1 : i32
    %scan3A_920 = arith.constant 127 : i32
    %scan3A_921 = arith.addi %scan3A_919, %scan3A_920 : i32
    %scan3A_922 = arith.constant 1 : i32
    %scan3A_923 = scf.for %scan3A_930 = %scan3A_919 to %scan3A_921 step %scan3A_922 iter_args(%scan3A_931 = %get3A_918) -> (vector<16xf32>)  : i32 {
      %mul3A_932 = arith.constant 16 : i32
      %mul3A_933 = arith.muli %scan3A_930, %mul3A_932 : i32
      %get3A_934 = arith.index_cast %mul3A_933 : i32 to index
      %get3A_935 = tpu.vector_load %arg9[%get3A_934] {strides = array<i32>} : memref<2048xf32, #tpu.memory_space<vmem>>, vector<16xf32>,
      %get3A_936 = vector.shape_cast %get3A_935 : vector<16xf32> to vector<16xf32>
      %add3A_937 = arith.addf %scan3A_931, %get3A_936 : vector<16xf32>
      scf.yield %add3A_937 : vector<16xf32>
    }
    %scan3A_924 = arith.constant 127 : i32
    %swap3A = arith.constant 0 : index
    %swap3A_925 = tpu.vector_load %arg10[%swap3A] {strides = array<i32>} : memref<16xf32, #tpu.memory_space<vmem>>, vector<16xf32>,
    %swap3A_926 = vector.shape_cast %swap3A_925 : vector<16xf32> to vector<16xf32>
    %swap3A_927 = vector.shape_cast %scan3A_923 : vector<16xf32> to vector<16xf32>
    tpu.vector_store %arg10[%swap3A], %swap3A_927 {strides = array<i32>} : memref<16xf32, #tpu.memory_space<vmem>>, vector<16xf32>,
    %mul3A_928 = arith.constant 16 : i32
    %mul3A_929 = arith.muli %add3A, %mul3A_928 : i32
    "tpu.region"() ({
      %run_scoped3A = tpu.sem_alloc : memref<!tpu.dma_semaphore, #tpu.memory_space<semaphore_mem>>
      %dma_start3A_930 = tpu.memref_slice %arg5[%mul3A_929] : memref<1024xf32, #tpu.memory_space<hbm>> -> memref<16xf32, #tpu.memory_space<hbm>>
      %dma_start3A_931 = tpu.memref_slice %arg5[%mul3A_929] : memref<1024xf32, #tpu.memory_space<hbm>> -> memref<16xf32, #tpu.memory_space<hbm>>
      tpu.enqueue_dma source(%arg10 : memref<16xf32, #tpu.memory_space<vmem>>) target(%dma_start3A_931 : memref<16xf32, #tpu.memory_space<hbm>>) target_semaphore(%run_scoped3A : memref<!tpu.dma_semaphore, #tpu.memory_space<semaphore_mem>>)
      %dma_wait3A_932 = tpu.memref_slice %arg5[%mul3A_929] : memref<1024xf32, #tpu.memory_space<hbm>> -> memref<16xf32, #tpu.memory_space<hbm>>
      %dma_wait3A_933 = tpu.memref_slice %arg5[%mul3A_929] : memref<1024xf32, #tpu.memory_space<hbm>> -> memref<16xf32, #tpu.memory_space<hbm>>
      tpu.wait_dma2 semaphore(%run_scoped3A : memref<!tpu.dma_semaphore, #tpu.memory_space<semaphore_mem>>) src(%arg10 : memref<16xf32, #tpu.memory_space<vmem>>) dst(%dma_wait3A_933 : memref<16xf32, #tpu.memory_space<hbm>>)
      tpu.yield
    }) : () -> ()
    return
  }
}

module attributes {stable_mosaic.version = 14 : i64} {
  func.func @_tc_lse_body(%arg0: i32, %arg1: memref<30x8x8192xf32, #tpu.memory_space<vmem>>, %arg2: memref<1x1xf32, #tpu.memory_space<vmem>>, %arg3: memref<8x8192xf32, #tpu.memory_space<vmem>>) attributes {dimension_semantics = [#tpu.dimension_semantics<arbitrary>], iteration_bounds = array<i64: 5>, scalar_prefetch = 0 : i64, scratch_operands = 1 : i64, tpu.core_type = #tpu.core_type<tc>, window_params = [{transform_indices = @transform_0, window_bounds = array<i64: 30, 8, 8192>}, {pipeline_mode = #tpu.pipeline_mode<synchronous>, transform_indices = @transform_1, window_bounds = array<i64: 1, 1>}]} {
    %get3A = arith.constant 0 : index
    %get3A_0 = arith.constant 0 : index
    %get3A_1 = arith.constant 0 : index
    %get3A_2 = vector.load %arg1[%get3A, %get3A_0, %get3A_1] : memref<30x8x8192xf32, #tpu.memory_space<vmem>>, vector<30x8x8192xf32>
    %exp3A = math.exp %get3A_2 : vector<30x8x8192xf32>
    %reduce_sum3A = arith.constant dense<0.000000e+00> : vector<8x8192xf32>
    %reduce_sum3A_3 = vector.multi_reduction <add>, %exp3A, %reduce_sum3A [0] : vector<30x8x8192xf32> to vector<8x8192xf32>
    %eq3A = arith.constant 0 : i32
    %eq3A_4 = arith.cmpi eq, %arg0, %eq3A : i32
    %get3A_5 = arith.constant 0 : index
    %get3A_6 = arith.constant 0 : index
    %get3A_7 = vector.load %arg3[%get3A_5, %get3A_6] : memref<8x8192xf32, #tpu.memory_space<vmem>>, vector<8x8192xf32>
    %jit3A = arith.constant 0.000000e+00 : f32
    %broadcast_in_dim3A = vector.broadcast %jit3A : f32 to vector<8x8192xf32>
    %select_n3A = arith.select %eq3A_4, %broadcast_in_dim3A, %get3A_7 : vector<8x8192xf32>
    %add3A = arith.addf %select_n3A, %reduce_sum3A_3 : vector<8x8192xf32>
    %swap3A = arith.constant 0 : index
    %swap3A_8 = arith.constant 0 : index
    %swap3A_9 = vector.load %arg3[%swap3A, %swap3A_8] : memref<8x8192xf32, #tpu.memory_space<vmem>>, vector<8x8192xf32>
    tpu.vector_store %arg3[%swap3A, %swap3A_8], %add3A {strides = array<i32>} : memref<8x8192xf32, #tpu.memory_space<vmem>>, vector<8x8192xf32>,
    %eq3A_10 = arith.constant 4 : i32
    %eq3A_11 = arith.cmpi eq, %arg0, %eq3A_10 : i32
    %convert_element_type3A = arith.extui %eq3A_11 : i1 to i32
    %cond3A = arith.constant 0 : i32
    %cond3A_12 = arith.cmpi ne, %convert_element_type3A, %cond3A : i32
    scf.if %cond3A_12 {
      %log3A = math.log %add3A : vector<8x8192xf32>
      %reduce_sum3A_13 = vector.shape_cast %log3A : vector<8x8192xf32> to vector<1x8x8192xf32>
      %reduce_sum3A_14 = arith.constant dense<0.000000e+00> : vector<1xf32>
      %reduce_sum3A_15 = vector.multi_reduction <add>, %reduce_sum3A_13, %reduce_sum3A_14 [1, 2] : vector<1x8x8192xf32> to vector<1xf32>
      %reduce_sum3A_16 = vector.shape_cast %reduce_sum3A_15 : vector<1xf32> to vector<1x1x1xf32>
      %reduce_sum3A_17 = vector.extract %reduce_sum3A_16[0, 0, 0] : f32 from vector<1x1x1xf32>
      %reshape3A = vector.broadcast %reduce_sum3A_17 : f32 to vector<1x1xf32>
      %swap3A_18 = arith.constant 0 : index
      %swap3A_19 = arith.constant 0 : index
      %swap3A_20 = vector.load %arg2[%swap3A_18, %swap3A_19] : memref<1x1xf32, #tpu.memory_space<vmem>>, vector<1x1xf32>
      tpu.vector_store %arg2[%swap3A_18, %swap3A_19], %reshape3A {strides = array<i32>} : memref<1x1xf32, #tpu.memory_space<vmem>>, vector<1x1xf32>,
    } else {
    }
    return
  }
  func.func @transform_0(%arg0: i32) -> (i32, i32, i32) {
    %c0_i32 = arith.constant 0 : i32
    %c0_i32_0 = arith.constant 0 : i32
    %c0_i32_1 = arith.constant 0 : i32
    return %arg0, %c0_i32, %c0_i32_0 : i32, i32, i32
  }
  func.func @transform_1(%arg0: i32) -> (i32, i32) {
    %c0_i32 = arith.constant 0 : i32
    %c0_i32_0 = arith.constant 0 : i32
    %c0_i32_1 = arith.constant 0 : i32
    return %c0_i32, %c0_i32_0 : i32, i32
  }
}

module attributes {stable_mosaic.version = 14 : i64} {
  func.func @_tc_combine_body(%arg0: memref<1x1xf32, #tpu.memory_space<vmem>>, %arg1: memref<8x128xf32, #tpu.memory_space<vmem>>, %arg2: memref<1x1xf32, #tpu.memory_space<vmem>>) attributes {dimension_semantics = [], scalar_prefetch = 0 : i64, scratch_operands = 0 : i64, tpu.core_type = #tpu.core_type<tc>} {
    %get3A = arith.constant 0 : index
    %get3A_0 = arith.constant 0 : index
    %get3A_1 = vector.load %arg1[%get3A, %get3A_0] : memref<8x128xf32, #tpu.memory_space<vmem>>, vector<8x128xf32>
    %iota3A = tpu.iota {dimensions = array<i32: 0>} : vector<8x128xi32>
    %lt3A = arith.constant 4 : i32
    %lt3A_2 = vector.broadcast %lt3A : i32 to vector<8x128xi32>
    %lt3A_3 = arith.cmpi slt, %iota3A, %lt3A_2 : vector<8x128xi32>
    %jit3A = arith.constant 0.000000e+00 : f32
    %broadcast_in_dim3A = vector.broadcast %jit3A : f32 to vector<8x128xf32>
    %select_n3A = arith.select %lt3A_3, %get3A_1, %broadcast_in_dim3A : vector<8x128xi1>, vector<8x128xf32>
    %reduce_sum3A = vector.shape_cast %select_n3A : vector<8x128xf32> to vector<1x8x128xf32>
    %reduce_sum3A_4 = arith.constant dense<0.000000e+00> : vector<1xf32>
    %reduce_sum3A_5 = vector.multi_reduction <add>, %reduce_sum3A, %reduce_sum3A_4 [1, 2] : vector<1x8x128xf32> to vector<1xf32>
    %reduce_sum3A_6 = vector.shape_cast %reduce_sum3A_5 : vector<1xf32> to vector<1x1x1xf32>
    %reduce_sum3A_7 = vector.extract %reduce_sum3A_6[0, 0, 0] : f32 from vector<1x1x1xf32>
    %get3A_8 = arith.constant 0 : index
    %get3A_9 = arith.constant 0 : index
    %get3A_10 = vector.load %arg0[%get3A_8, %get3A_9] : memref<1x1xf32, #tpu.memory_space<vmem>>, vector<1x1xf32>
    %sub3A = vector.broadcast %reduce_sum3A_7 : f32 to vector<1x1xf32>
    %sub3A_11 = arith.subf %get3A_10, %sub3A : vector<1x1xf32>
    %div3A = arith.constant 6.553600e+04 : f32
    %div3A_12 = vector.broadcast %div3A : f32 to vector<1x1xf32>
    %div3A_13 = arith.divf %sub3A_11, %div3A_12 : vector<1x1xf32>
    %swap3A = arith.constant 0 : index
    %swap3A_14 = arith.constant 0 : index
    %swap3A_15 = vector.load %arg2[%swap3A, %swap3A_14] : memref<1x1xf32, #tpu.memory_space<vmem>>, vector<1x1xf32>
    tpu.vector_store %arg2[%swap3A, %swap3A_14], %div3A_13 {strides = array<i32>} : memref<1x1xf32, #tpu.memory_space<vmem>>, vector<1x1xf32>,
    return
  }
}

</mosaic_0001>

<sc_bundles>
// kernel: kernel.5.cloned.1.call-start
scs
__scs_entry_jumppad:
0x0: {  	(pc) =	sbr.rel $0x88, $3  }
0x1: {  	(tag) =	ssettag $0x0;
	lr =	simm.s32 $0x1  }
0x2: {  	[smem:$0x3F9E] =	sst lr;
	_ =	strace $0xD0000000  }
0x3: {  	_ = 	snop  }
0x4: {  	_ = 	snop  }
0x5: {  	_ = 	snop  }
0x6: {  	_ = 	snop  }
0x7: {  	_ = 	snop  }
__scs_overlays_trampoline_lowered:
0x8: {  	[smem:$0x3FAD] =	sst s0  }
0x9: {  	[smem:$0x3FAE] =	sst s1  }
0xa: {  	[smem:$0x3FAF] =	sst s2  }
0xb: {  	[smem:$0x3FB0] =	sst s3  }
0xc: {  	[smem:$0x3FB1] =	sst s4  }
0xd: {  	[smem:$0x3FB2] =	sst s5  }
0xe: {  	[smem:$0x3FB3] =	sst s6  }
0xf: {  	[smem:$0x3FB4] =	sst s7  }
0x10: {  	[smem:$0x3FB5] =	sst s8  }
0x11: {  	[smem:$0x3FB6] =	sst s9;
	s0 =	simm.s32 @!p0 $0x0  }
0x12: {  	s1 =	sld [smem:$0x3F9C];
	s0 =	simm.s32 @p0 $0x1  }
0x13: {  	[smem:$0x3FB7] =	sst s0;
	s0 =	simm.s32 @!p1 $0x0  }
0x14: {  	s2 =	sld [smem:$0x3F9B];
	s0 =	simm.s32 @p1 $0x1  }
0x15: {  	[smem:$0x3FB8] =	sst s0;
	s0 =	simm.s32 @!p2 $0x0  }
0x16: {  	s3 =	sld [smem:$0x3FDB];
	s0 =	simm.s32 @p2 $0x1  }
0x17: {  	s4 =	simm.s32 $0x1BF5;
	[smem:$0x3FBA] =	sst s0  }
0x18: {  	s0 =	sld [smem:$0x3F9D];
	_ =	swait.ge [sflag:s4], $0x0  }
0x19: {  	s7 =	sld [smem:$0x3F9E]  }
0x1a: {  	s8 =	sadd.s32 $0xFFFFE003, lr  }
0x1b: {  	s9 =	sadd.s32 $0xFFFFFEF7, lr;
	s5 =	simm.s32 $0xFFFFFFFF;
	p2 =	slt.u32 s8, $0xFFFFF086  }
0x1c: {  	p1 =	slt.u32 s9, $0xF7A;
	s5 =	simm.s32 @!p2 $0x0  }
0x1d: {  	s5 =	simm.s32 @p1 $0x1;
	p0 =	seq.s32 s7, s2  }
0x1e: {  	s7 =	smul.u32 @!p0 $0xF7A, s2;
	p2 =	seq.s32 @!p0 s5, $0x0  }
0x1f: {  	s9 =	smul.u32 $0xF7A, s1;
	s8 =	simm.s32 @!p0 $0x1BF5;
	p2 =	por !p2, p0  }
0x20: {  	[sflag:s8] =	ssyncset.s32 @!p0 $0xFFFFF086;
	s6 =	sadd.s32 @!p0 s3, s7;
	s7 =	simm.s32 @!p0 $0x108  }
0x21: {  	s3 =	sadd.s32 s3, s9;
	s6 =	sadd.s32 @!p0 $0x88, s6;
	s7 =	simm.s32 @p2 $0x1082  }
0x22: {  	[simem:s7], [sflag:s8] =	dma.local @!p0 [hbm:s6], $0xF7A  }
0x23: {  	s9 =	sor.u32 $0xD0000000, s2;
	s6 =	simm.s32 $0x108;
	_ =	swait.ge @!p0 [sflag:s8], $0x0  }
0x24: {  	s3 =	sadd.s32 $0x88, s3;
	s6 =	simm.s32 @!p1 $0x1082;
	[sflag:s4] =	ssyncset.s32 $0xFFFFF086  }
0x25: {  	[simem:s6], [sflag:s4] =	dma.local [hbm:s3], $0xF7A  }
0x26: {  	[smem:$0x3F9E] =	sst s1;
	(tag) =	ssettag s2;
	_ =	strace s9  }
0x27: {  	s1 =	sld [smem:$0x3FAE]  }
0x28: {  	s2 =	sld [smem:$0x3FAF]  }
0x29: {  	s4 =	sld [smem:$0x3FB1]  }
0x2a: {  	p0 =	seq.s32 s5, $0x0;
	s5 =	sld [smem:$0x3FB2]  }
0x2b: {  	s6 =	sld [smem:$0x3FB3]  }
0x2c: {  	s7 =	sld [smem:$0x3FB4]  }
0x2d: {  	s3 =	simm.s32 $0x108;
	s8 =	sld [smem:$0x3FB5]  }
0x2e: {  	s3 =	simm.s32 @!p0 $0x1082;
	s9 =	sld [smem:$0x3FB6]  }
0x2f: {  	lr =	sadd.s32 s0, s3;
	s0 =	sld [smem:$0x3FAD]  }
0x30: {  	s3 =	sld [smem:$0x3FB0]  }
0x31: {  	[smem:$0x3FB9] =	sst s10  }
0x32: {  	s10 =	sld [smem:$0x3FB7];
	_ =	sdelay $0x3  }
0x33: {  	p0 =	seq.s32 s10, $0x1;
	s10 =	sld [smem:$0x3FB9];
	_ =	sdelay $0x3  }
0x34: {  	[smem:$0x3FB9] =	sst s10  }
0x35: {  	s10 =	sld [smem:$0x3FB8];
	_ =	sdelay $0x3  }
0x36: {  	p1 =	seq.s32 s10, $0x1;
	s10 =	sld [smem:$0x3FB9];
	_ =	sdelay $0x3  }
0x37: {  	[smem:$0x3FB9] =	sst s10  }
0x38: {  	s10 =	sld [smem:$0x3FBA]  }
0x39: {  	_ = 	snop;
	(pc) =	sbr.ind lr, $3  }
0x3a: {  	_ = 	snop  }
0x3b: {  	_ = 	snop  }
0x3c: {  	p2 =	seq.s32 s10, $0x1;
	s10 =	sld [smem:$0x3FB9]  }
0x3d: {  	_ =	shalt  }
0x3e: {  	_ =	shalt  }
0x3f: {  	_ =	shalt  }
0x40: {  	_ =	shalt  }
0x41: {  	_ =	shalt  }
0x42: {  	_ =	shalt  }
0x43: {  	_ =	shalt  }
0x44: {  	_ =	shalt  }
0x45: {  	_ =	shalt  }
0x46: {  	_ =	shalt  }
0x47: {  	_ =	shalt  }
0x48: {  	_ =	shalt  }
0x49: {  	_ =	shalt  }
0x4a: {  	_ =	shalt  }
0x4b: {  	_ =	shalt  }
0x4c: {  	_ =	shalt  }
0x4d: {  	_ =	shalt  }
0x4e: {  	_ =	shalt  }
0x4f: {  	_ =	shalt  }
0x50: {  	_ =	shalt  }
0x51: {  	_ =	shalt  }
0x52: {  	_ =	shalt  }
0x53: {  	_ =	shalt  }
0x54: {  	_ =	shalt  }
0x55: {  	_ =	shalt  }
0x56: {  	_ =	shalt  }
0x57: {  	_ =	shalt  }
0x58: {  	_ =	shalt  }
0x59: {  	_ =	shalt  }
0x5a: {  	_ =	shalt  }
0x5b: {  	_ =	shalt  }
0x5c: {  	_ =	shalt  }
0x5d: {  	_ =	shalt  }
0x5e: {  	_ =	shalt  }
0x5f: {  	_ =	shalt  }
0x60: {  	_ =	shalt  }
0x61: {  	_ =	shalt  }
0x62: {  	_ =	shalt  }
0x63: {  	_ =	shalt  }
0x64: {  	_ =	shalt  }
0x65: {  	_ =	shalt  }
0x66: {  	_ =	shalt  }
0x67: {  	_ =	shalt  }
0x68: {  	_ =	shalt  }
0x69: {  	_ =	shalt  }
0x6a: {  	_ =	shalt  }
0x6b: {  	_ =	shalt  }
0x6c: {  	_ =	shalt  }
0x6d: {  	_ =	shalt  }
0x6e: {  	_ =	shalt  }
0x6f: {  	_ =	shalt  }
0x70: {  	_ =	shalt  }
0x71: {  	_ =	shalt  }
0x72: {  	_ =	shalt  }
0x73: {  	_ =	shalt  }
0x74: {  	_ =	shalt  }
0x75: {  	_ =	shalt  }
0x76: {  	_ =	shalt  }
0x77: {  	_ =	shalt  }
0x78: {  	_ =	shalt  }
0x79: {  	_ =	shalt  }
0x7a: {  	_ =	shalt  }
0x7b: {  	_ =	shalt  }
0x7c: {  	_ =	shalt  }
0x7d: {  	_ =	shalt  }
0x7e: {  	_ =	shalt  }
0x7f: {  	_ =	shalt  }
0x80: {  	_ =	shalt  }
0x81: {  	_ =	shalt  }
0x82: {  	_ =	shalt  }
0x83: {  	_ =	shalt  }
0x84: {  	_ =	shalt  }
0x85: {  	_ =	shalt  }
0x86: {  	_ =	shalt  }
0x87: {  	_ =	shalt  }
.Lfunc_end0:
.L_simem_size_0:
called_computation_lowered:
.L_overlay_start_0:
0x88: {  	s2 =	sld [smem:$0x3FD9]  }
0x89: {  	s3 =	sld [smem:$0x3FFE];
	_ =	sdelay $0x1  }
0x8a: {  	s1 =	srdreg.scid  }
0x8b: {  	s0 =	sand.u32 $0x1, s1  }
0x8c: {  	s17 =	sshll.u32 s0, $0xA;
	s2 =	sadd.s32 s3, s2  }
0x8d: {  	s2 =	sadd.s32 s2, s17  }
0x8e: {  	[smem:$0x3FC5] =	sst s2  }
0x8f: {  	_ = 	snop  }
0x90: {  	s2 =	sld [smem:$0x3FC9]  }
0x91: {  	s18 =	sld [smem:$0x3FC8]  }
0x92: {  	s4 =	sld [smem:$0x3FC7];
	(tm) =	ssettm $0x1  }
0x93: {  	s5 =	sld [smem:$0x3FFB];
	_ =	sdelay $0x3  }
0x94: {  	_ =	strace s5  }
0x95: {  	s5 =	sld [smem:$0x3FFC];
	_ =	sdelay $0x3  }
0x96: {  	_ =	strace s5  }
0x97: {  	s5 =	sld [smem:$0x3FFD];
	_ =	sdelay $0x3  }
0x98: {  	_ =	strace s5  }
0x99: {  	_ =	strace $0x8FFFFFFF  }
0x9a: {  	s19 =	sld [smem:$0x3FDB];
	_ =	sdelay $0x1  }
0x9b: {  	s6 =	simm.s32 $_scs_section_size  }
0x9c: {  	s7 =	simm.s32 $_size__tile_overlayer_lowered;
	s8 =	simm.s32 $_tile_overlayer_lowered  }
0x9d: {  	s22 =	simm.s32 $0x1BFF;
	s21 =	sshll.u32 s8, $0x1;
	s5 =	sadd.s32 s6, s19  }
0x9e: {  	s9 =	simm.s32 $0x0;
	s20 =	sshll.u32 s7, $0x1;
	s7 =	sadd.s32 s21, s5  }
0x9f: {  	[timem:s9], [sflag:s22] =	dma.local [hbm:s7], s20  }
0xa0: {  	_ =	swait.ge [sflag:s22], s20  }
0xa1: {  	s6 =	ssub.s32 $0x0, s20;
	[sflag:s22] =	ssyncset.done $0x0  }
0xa2: {  	[sflag:s22] =	ssyncadd.s32 s6;
	_ =	sdelay $0x1  }
0xa3: {  	s23 =	simm.s32 $0x1B8B  }
0xa4: {  	_ =	swait.ge [sflag:s23], $0x1  }
0xa5: {  	[sflag:s23] =	ssyncset.done $0x0  }
0xa6: {  	s25 =	simm.s32 $0x1B8E;
	s24 =	sld [smem:$0x3FFE];
	[sflag:s23] =	ssyncadd.s32 $0xFFFFFFFF  }
0xa7: {  	s26 =	simm.s32 $execute0_lowered;
	[smem:$0x3FD2] =	sst s25  }
0xa8: {  	s7 =	sshll.u32 s26, $0x1;
	_ =	strace $0x80000046;
	[dreg:$0x1] =	wrdreg $0xFFFFFFFF  }
0xa9: {  	s28 =	simm.s32 $_size_execute0_lowered;
	s5 =	sadd.s32 s5, s7;
	[dreg:$0x0] =	wrdreg $0x0  }
0xaa: {  	s7 =	sshll.u32 s28, $0x1;
	[dreg:$0x2] =	wrdreg s5  }
0xab: {  	[dreg:$0x3] =	wrdreg s7  }
0xac: {  	[dreg:$0x4] =	wrdreg $0xC0  }
0xad: {  	_ =	task [dreg:s9], $0x5FFFF  }
0xae: {  	[dreg:$0x1] =	wrdreg $0xFFFFFFFF  }
0xaf: {  	[dreg:$0x0] =	wrdreg $0x60  }
0xb0: {  	[dreg:$0x2] =	wrdreg s18  }
0xb1: {  	[dreg:$0x3] =	wrdreg s4  }
0xb2: {  	[dreg:$0x4] =	wrdreg s2  }
0xb3: {  	[dreg:$0x5] =	wrdreg s24  }
0xb4: {  	[dreg:$0x6] =	wrdreg $0x9  }
0xb5: {  	_ =	task.clear_ibuf [dreg:s9], $0x7FFFF;
	_ =	strace $0x90000046  }
0xb6: {  	s29 =	simm.s32 $0x9;
	_ =	strace $0x80000048  }
0xb7: {  	_ =	swait.ge [sflag:s29], $0x1  }
0xb8: {  	[sflag:s29] =	ssyncadd.s32 $0xFFFFFFFF  }
0xb9: {  	_ =	strace $0x90000048  }
0xba: {  	_ =	sfence  }
0xbb: {  	s30 =	sld [smem:$0x0];
	_ =	sdelay $0x2  }
0xbc: {  	s31 =	sshll.u32 s1, $0xD;
	s1 =	sshrl.u32 s1, $0x2  }
0xbd: {  	s3 =	sand.u32 $0x4000, s31;
	s1 =	sadd.s32 s1, s30  }
0xbe: {  	s0 =	sor.u32 s3, s0;
	s1 =	sshll.u32 s1, $0x11  }
0xbf: {  	s0 =	sor.u32 s1, s0  }
0xc0: {  	s0 =	sadd.s32 $0x8F2B, s0  }
0xc1: {  	[sflag:s0] =	ssyncadd.remote.s32 $0x1  }
0xc2: {  	_ =	sfence.sel $0xFFFF  }
0xc3: {  	[dreg:$0x0] =	wrdreg $0xFFFFFFFF;
	(pc) =	sbr.abs _section_cstart, $3  }
0xc4: {  	[dreg:$0x1] =	wrdreg $0xFFFFFFFF  }
0xc5: {  	_ =	task.clear_ibuf [dreg:s9], $0x2FFFF;
	_ =	strace $0x9FFFFFFF  }
0xc6: {  	(tm) =	ssettm $0x7FFFFFFF  }
0xc7: {  	_ =	shalt  }
tec
execute0_lowered:
.L_overlay_start_1:
0x0: {  	(tag) =	ssettag $0x1  }
0x1: {  	s2 =	rddreg [dreg:$0x0]  }
0x2: {  	s1 =	rddreg [dreg:$0x1]  }
0x3: {  	s3 =	rddreg [dreg:$0x2]  }
0x4: {  	s0 =	srdreg.scid;
	s7 =	stileid.u32  }
0x5: {  	s4 =	rddreg [dreg:$0x3];
	s28 =	simm.s32 $0x0;
	s29 =	simm.s32 $0x1  }
0x6: {  	s31 =	simm.s32 $0x0;
	s0 =	sand.u32 $0x1, s0;
	s5 =	sshll.u32 s7, $0x1  }
0x7: {  	[smem:$0x7FF] =	sst s28;
	s24 =	sshrl.u32 s7, $0x1;
	s5 =	sor.u32 s0, s5  }
0x8: {  	_ =	strace $0x80000047;
	s0 =	ssub.s32 $0x2, s0;
	s9 =	sshll.u32 s24, $0x7  }
0x9: {  	s30 =	sshll.u32 s24, $0x12;
	s24 =	simm.s32 $0x2;
	s6 =	sshll.u32 s5, $0x1  }
0xa: {  	s25 =	sshll.u32 s5, $0xE;
	s8 =	sshrl.u32 s0, $0x1;
	s26 =	sshll.u32 s5, $0x9  }
0xb: {  	s4 =	sadd.s32 s6, s4;
	s7 =	sand.u32 $0xC000, s25;
	s23 =	ssub.s32 s0, s8  }
0xc: {  	s6 =	sadd.s32 s2, s26;
	s25 =	simm.s32 $0x80;
	s26 =	simm.s32 $0x1780  }
0xd: {  	s5 =	sor.u32 s9, s7;
	s22 =	sadd.s32 $0x600, s4;
	s23 =	smax.u32 s23, $0x1  }
0xe: {  	s7 =	sor.u32 $0x400, s5;
	s8 =	sor.u32 $0x800, s5;
	s9 =	sor.u32 $0xC00, s5  }
0xf: {  	s10 =	sor.u32 $0x1000, s5;
	s11 =	sor.u32 $0x1400, s5;
	s12 =	sor.u32 $0x1800, s5  }
0x10: {  	s13 =	sor.u32 $0x1C00, s5;
	s14 =	sor.u32 $0x2000, s5;
	s15 =	sor.u32 $0x2400, s5  }
0x11: {  	s16 =	sor.u32 $0x2800, s5;
	s17 =	sor.u32 $0x2C00, s5;
	s18 =	sor.u32 $0x3000, s5  }
0x12: {  	v1 =	vimm.s32 $0x0;
	v2 =	vlaneseq.u32;
	v0 =	vmov s30;
	s19 =	sor.u32 $0x3400, s5;
	s20 =	sor.u32 $0x3800, s5;
	s21 =	sor.u32 $0x3C00, s5  }
.LBB2_1:
0x13: {  	[tilespmem:s28], [sflag:$0x2] =	stream.linear.gather [hbm4b:s6+s28], $0x1000, $0x38;
	[tilespmem:$0x2880] =	vst v63  }
0x14: {  	_ =	swait.ge [sflag:s24], $0x1000  }
0x15: {  	[sflag:s24] =	ssyncset.done $0x0  }
0x16: {  	s0 =	simm.s32 $0x0;
	[sflag:s24] =	ssyncadd.s32 $0xFFFFF000  }
0x17: {  	v3 =	vld [tilespmem:s0+$0x80]  }
0x18: {  	v4 =	vld [tilespmem:s0+$0x0];
	_ =	sdelay $0x3  }
0x19: {  	v3 =	vmul.f32 $5.120000000e+02, v3  }
0x1a: {  	v4 =	vmul.f32 $5.120000000e+02, v4  }
0x1b: {  	s30 =	simm.s32 $0x10;
	v5 =	vtrunc.f32 v3  }
0x1c: {  	v7 =	vld [tilespmem:s30+$0x0];
	v6 =	vtrunc.f32 v4;
	v8 =	vcvt.f32.s32 v5  }
0x1d: {  	v9 =	vld [tilespmem:s30+$0x80];
	v10 =	vcvt.f32.s32 v6  }
0x1e: {  	v11 =	vand.u32 $0x1, v8  }
0x1f: {  	vm0 =	veq.f32 v3, v5;
	v3 =	vand.u32 $0x1, v10;
	vm1 =	veq.s32 v11, $0x1  }
0x20: {  	vm2 =	veq.f32 v4, v6;
	vm3 =	veq.s32 v3, $0x1;
	vm0 =	vmand vm0, vm1  }
0x21: {  	v3 =	vmul.f32 $5.120000000e+02, v7;
	vm13 =	vmand vm2, vm3;
	v4 =	vsel vm0, $0xFFFFFFFF, v1  }
0x22: {  	v7 =	vmul.f32 $5.120000000e+02, v9;
	v6 =	vsel vm13, $0xFFFFFFFF, v1;
	v4 =	vadd.s32 v8, v4  }
0x23: {  	v5 =	vtrunc.f32 v3;
	v9 =	vadd.s32 v10, v6;
	vm14 =	vgt.s32 v4, $0x0  }
0x24: {  	s28 =	simm.s32 $0x20;
	v8 =	vtrunc.f32 v7;
	vm15 =	vgt.s32 v9, $0x0;
	v10 =	vnsel vm14, $0x0, v4  }
0x25: {  	s2 =	simm.s32 $0xC0;
	v6 =	vld [tilespmem:s28+$0x0];
	v4 =	vcvt.f32.s32 v8;
	v9 =	vnsel vm15, $0x0, v9;
	v10 =	vmin.u32 v10, $0x1FF  }
.LBB2_2:
0x26: {  	p0 =	sne.s32 s2, $0x1C0;
	v11 =	vld [tilespmem:s28+$0x80];
	v12 =	vcvt.f32.s32 v5;
	v9 =	vmin.u32 v9, $0x1FF;
	v10 =	vshll.u32 v10, $0x9  }
0x27: {  	vm0 =	veq.f32 v7, v8;
	v7 =	vand.u32 $0x1, v4;
	v8 =	vor.u32 v9, v10  }
0x28: {  	v9 =	vand.u32 $0x1, v12;
	vm1 =	veq.s32 v7, $0x1;
	v7 =	vor.u32 v0, v8  }
0x29: {  	vm2 =	veq.f32 v3, v5;
	vm3 =	veq.s32 v9, $0x1;
	vm0 =	vmand vm0, vm1;
	[tilespmem:s0+$0x1000] =	vst v7;
	s0 =	smov.u32 s30;
	s30 =	smov.u32 s28  }
.Ltmp0:
0x2a: {  	v3 =	vmul.f32 $5.120000000e+02, v6;
	vm1 =	vmand vm2, vm3;
	v5 =	vsel vm0, $0xFFFFFFFF, v1;
	(pc) =	sbr.rel @p0 .LBB2_2-.Ltmp0, $4  }
0x2b: {  	v7 =	vmul.f32 $5.120000000e+02, v11;
	v6 =	vsel vm1, $0xFFFFFFFF, v1;
	v4 =	vadd.s32 v4, v5  }
0x2c: {  	v5 =	vtrunc.f32 v3;
	v9 =	vadd.s32 v12, v6;
	vm0 =	vgt.s32 v4, $0x0  }
0x2d: {  	s28 =	sshra.s32 s2, $0x2;
	v8 =	vtrunc.f32 v7;
	vm1 =	vgt.s32 v9, $0x0;
	v10 =	vnsel vm0, $0x0, v4  }
0x2e: {  	s2 =	sadd.s32 $0x40, s2;
	v6 =	vld [tilespmem:s28+$0x0];
	v4 =	vcvt.f32.s32 v8;
	v9 =	vnsel vm1, $0x0, v9;
	v10 =	vmin.u32 v10, $0x1FF  }
0x2f: {  	v11 =	vld [tilespmem:s28+$0x80];
	_ =	sdelay $0x1  }
0x30: {  	v12 =	vcvt.f32.s32 v5;
	v9 =	vmin.u32 v9, $0x1FF  }
0x31: {  	v10 =	vshll.u32 v10, $0x9;
	vm0 =	veq.f32 v7, v8;
	vm2 =	veq.f32 v3, v5  }
0x32: {  	v7 =	vand.u32 $0x1, v4;
	v8 =	vor.u32 v9, v10;
	v9 =	vand.u32 $0x1, v12  }
0x33: {  	vm1 =	veq.s32 v7, $0x1;
	v8 =	vor.u32 v0, v8;
	v3 =	vmul.f32 $5.120000000e+02, v11  }
0x34: {  	vm3 =	veq.s32 v9, $0x1;
	vm0 =	vmand vm0, vm1;
	v5 =	vmul.f32 $5.120000000e+02, v6  }
0x35: {  	vm10 =	vmand vm2, vm3;
	v6 =	vsel vm0, $0xFFFFFFFF, v1;
	v9 =	vtrunc.f32 v3  }
0x36: {  	v4 =	vadd.s32 v4, v6;
	v6 =	vtrunc.f32 v5;
	v10 =	vcvt.f32.s32 v9  }
0x37: {  	v7 =	vsel vm10, $0xFFFFFFFF, v1;
	vm11 =	vgt.s32 v4, $0x0;
	v11 =	vcvt.f32.s32 v6  }
0x38: {  	v7 =	vadd.s32 v12, v7;
	v4 =	vnsel vm11, $0x0, v4;
	v63 =	vand.u32 $0x1, v10  }
0x39: {  	vm12 =	veq.f32 v3, v9;
	v3 =	vand.u32 $0x1, v11;
	vm13 =	veq.s32 v63, $0x1  }
0x3a: {  	vm14 =	veq.f32 v5, v6;
	vm15 =	veq.s32 v3, $0x1;
	vm0 =	vmand vm12, vm13  }
0x3b: {  	vm6 =	vgt.s32 v7, $0x0;
	vm2 =	vmand vm14, vm15;
	v3 =	vsel vm0, $0xFFFFFFFF, v1  }
0x3c: {  	v5 =	vnsel vm6, $0x0, v7;
	v6 =	vsel vm2, $0xFFFFFFFF, v1;
	v3 =	vadd.s32 v10, v3  }
0x3d: {  	v4 =	vmin.u32 v4, $0x1FF;
	v6 =	vadd.s32 v11, v6;
	vm7 =	vgt.s32 v3, $0x0  }
0x3e: {  	v5 =	vmin.u32 v5, $0x1FF;
	vm8 =	vgt.s32 v6, $0x0;
	v3 =	vnsel vm7, $0x0, v3  }
0x3f: {  	v4 =	vshll.u32 v4, $0x9;
	v6 =	vnsel vm8, $0x0, v6;
	v3 =	vmin.u32 v3, $0x1FF  }
0x40: {  	v4 =	vor.u32 v5, v4;
	v5 =	vmin.u32 v6, $0x1FF;
	v3 =	vshll.u32 v3, $0x9  }
0x41: {  	[tilespmem:s0+$0x1000] =	vst v8;
	v4 =	vor.u32 v0, v4;
	v3 =	vor.u32 v5, v3  }
0x42: {  	[tilespmem:s30+$0x1000] =	vst v4;
	v3 =	vor.u32 v0, v3  }
0x43: {  	s4 =	simm.s32 $0x1000;
	s2 =	simm.s32 $0x1800;
	s0 =	simm.s32 $0x0;
	[tilespmem:s28+$0x1000] =	vst v3  }
0x44: {  	[tilespmem:s2], [sflag:$0x1] =	stream.indirect.gather [hbm4b:s1+s25], $0x1, s4, s25, $0xb8;
	[tilespmem:$0x2880] =	vst v63  }
0x45: {  	v3 =	vld [tilespmem:s0+$0x180]  }
0x46: {  	v4 =	vld [tilespmem:s0+$0x100];
	_ =	sdelay $0x3  }
0x47: {  	v3 =	vmul.f32 $5.120000000e+02, v3  }
0x48: {  	v4 =	vmul.f32 $5.120000000e+02, v4  }
0x49: {  	s30 =	simm.s32 $0x10;
	v5 =	vtrunc.f32 v3  }
0x4a: {  	v7 =	vld [tilespmem:s30+$0x100];
	v6 =	vtrunc.f32 v4;
	v8 =	vcvt.f32.s32 v5  }
0x4b: {  	v9 =	vld [tilespmem:s30+$0x180];
	v10 =	vcvt.f32.s32 v6  }
0x4c: {  	v11 =	vand.u32 $0x1, v8  }
0x4d: {  	vm9 =	veq.f32 v3, v5;
	v3 =	vand.u32 $0x1, v10;
	vm10 =	veq.s32 v11, $0x1  }
0x4e: {  	vm11 =	veq.f32 v4, v6;
	vm12 =	veq.s32 v3, $0x1;
	vm0 =	vmand vm9, vm10  }
0x4f: {  	v3 =	vmul.f32 $5.120000000e+02, v7;
	vm13 =	vmand vm11, vm12;
	v4 =	vsel vm0, $0xFFFFFFFF, v1  }
0x50: {  	v7 =	vmul.f32 $5.120000000e+02, v9;
	v6 =	vsel vm13, $0xFFFFFFFF, v1;
	v4 =	vadd.s32 v8, v4  }
0x51: {  	v5 =	vtrunc.f32 v3;
	v9 =	vadd.s32 v10, v6;
	vm14 =	vgt.s32 v4, $0x0  }
0x52: {  	s28 =	simm.s32 $0x20;
	v8 =	vtrunc.f32 v7;
	vm15 =	vgt.s32 v9, $0x0;
	v10 =	vnsel vm14, $0x0, v4  }
0x53: {  	s2 =	simm.s32 $0xC0;
	v6 =	vld [tilespmem:s28+$0x100];
	v4 =	vcvt.f32.s32 v8;
	v9 =	vnsel vm15, $0x0, v9;
	v10 =	vmin.u32 v10, $0x1FF  }
.LBB2_4:
0x54: {  	p0 =	sne.s32 s2, $0x1C0;
	v11 =	vld [tilespmem:s28+$0x180];
	v12 =	vcvt.f32.s32 v5;
	v9 =	vmin.u32 v9, $0x1FF;
	v10 =	vshll.u32 v10, $0x9  }
0x55: {  	vm0 =	veq.f32 v7, v8;
	v7 =	vand.u32 $0x1, v4;
	v8 =	vor.u32 v9, v10  }
0x56: {  	v9 =	vand.u32 $0x1, v12;
	vm1 =	veq.s32 v7, $0x1;
	v7 =	vor.u32 v0, v8  }
0x57: {  	vm2 =	veq.f32 v3, v5;
	vm3 =	veq.s32 v9, $0x1;
	vm0 =	vmand vm0, vm1;
	[tilespmem:s0+$0x1080] =	vst v7;
	s0 =	smov.u32 s30;
	s30 =	smov.u32 s28  }
.Ltmp1:
0x58: {  	v3 =	vmul.f32 $5.120000000e+02, v6;
	vm1 =	vmand vm2, vm3;
	v5 =	vsel vm0, $0xFFFFFFFF, v1;
	(pc) =	sbr.rel @p0 .LBB2_4-.Ltmp1, $4  }
0x59: {  	v7 =	vmul.f32 $5.120000000e+02, v11;
	v6 =	vsel vm1, $0xFFFFFFFF, v1;
	v4 =	vadd.s32 v4, v5  }
0x5a: {  	v5 =	vtrunc.f32 v3;
	v9 =	vadd.s32 v12, v6;
	vm0 =	vgt.s32 v4, $0x0  }
0x5b: {  	s28 =	sshra.s32 s2, $0x2;
	v8 =	vtrunc.f32 v7;
	vm1 =	vgt.s32 v9, $0x0;
	v10 =	vnsel vm0, $0x0, v4  }
0x5c: {  	s2 =	sadd.s32 $0x40, s2;
	v6 =	vld [tilespmem:s28+$0x100];
	v4 =	vcvt.f32.s32 v8;
	v9 =	vnsel vm1, $0x0, v9;
	v10 =	vmin.u32 v10, $0x1FF  }
0x5d: {  	v11 =	vld [tilespmem:s28+$0x180];
	_ =	sdelay $0x1  }
0x5e: {  	v12 =	vcvt.f32.s32 v5;
	v9 =	vmin.u32 v9, $0x1FF  }
0x5f: {  	v10 =	vshll.u32 v10, $0x9;
	vm0 =	veq.f32 v7, v8;
	vm2 =	veq.f32 v3, v5  }
0x60: {  	v7 =	vand.u32 $0x1, v4;
	v8 =	vor.u32 v9, v10;
	v9 =	vand.u32 $0x1, v12  }
0x61: {  	vm1 =	veq.s32 v7, $0x1;
	v8 =	vor.u32 v0, v8;
	v3 =	vmul.f32 $5.120000000e+02, v11  }
0x62: {  	vm3 =	veq.s32 v9, $0x1;
	vm0 =	vmand vm0, vm1;
	v5 =	vmul.f32 $5.120000000e+02, v6  }
0x63: {  	vm10 =	vmand vm2, vm3;
	v6 =	vsel vm0, $0xFFFFFFFF, v1;
	v9 =	vtrunc.f32 v3  }
0x64: {  	v4 =	vadd.s32 v4, v6;
	v6 =	vtrunc.f32 v5;
	v10 =	vcvt.f32.s32 v9  }
0x65: {  	v7 =	vsel vm10, $0xFFFFFFFF, v1;
	vm11 =	vgt.s32 v4, $0x0;
	v11 =	vcvt.f32.s32 v6  }
0x66: {  	v7 =	vadd.s32 v12, v7;
	v4 =	vnsel vm11, $0x0, v4;
	v63 =	vand.u32 $0x1, v10  }
0x67: {  	vm12 =	veq.f32 v3, v9;
	v3 =	vand.u32 $0x1, v11;
	vm13 =	veq.s32 v63, $0x1  }
0x68: {  	vm14 =	veq.f32 v5, v6;
	vm15 =	veq.s32 v3, $0x1;
	vm0 =	vmand vm12, vm13  }
0x69: {  	vm6 =	vgt.s32 v7, $0x0;
	vm2 =	vmand vm14, vm15;
	v3 =	vsel vm0, $0xFFFFFFFF, v1  }
0x6a: {  	v5 =	vnsel vm6, $0x0, v7;
	v6 =	vsel vm2, $0xFFFFFFFF, v1;
	v3 =	vadd.s32 v10, v3  }
0x6b: {  	v4 =	vmin.u32 v4, $0x1FF;
	v6 =	vadd.s32 v11, v6;
	vm7 =	vgt.s32 v3, $0x0  }
0x6c: {  	v5 =	vmin.u32 v5, $0x1FF;
	vm8 =	vgt.s32 v6, $0x0;
	v3 =	vnsel vm7, $0x0, v3  }
0x6d: {  	v4 =	vshll.u32 v4, $0x9;
	v6 =	vnsel vm8, $0x0, v6;
	v3 =	vmin.u32 v3, $0x1FF  }
0x6e: {  	v4 =	vor.u32 v5, v4;
	v5 =	vmin.u32 v6, $0x1FF;
	v3 =	vshll.u32 v3, $0x9  }
0x6f: {  	[tilespmem:s0+$0x1080] =	vst v8;
	v4 =	vor.u32 v0, v4;
	v3 =	vor.u32 v5, v3  }
0x70: {  	[tilespmem:s30+$0x1080] =	vst v4;
	v3 =	vor.u32 v0, v3  }
0x71: {  	s4 =	simm.s32 $0x1080;
	s2 =	simm.s32 $0x1880;
	s0 =	simm.s32 $0x0;
	[tilespmem:s28+$0x1080] =	vst v3  }
0x72: {  	[tilespmem:s2], [sflag:$0x1] =	stream.indirect.gather [hbm4b:s1+s25], $0x1, s4, s25, $0xb8;
	[tilespmem:$0x2880] =	vst v63  }
0x73: {  	v3 =	vld [tilespmem:s0+$0x280]  }
0x74: {  	v4 =	vld [tilespmem:s0+$0x200];
	_ =	sdelay $0x3  }
0x75: {  	v3 =	vmul.f32 $5.120000000e+02, v3  }
0x76: {  	v4 =	vmul.f32 $5.120000000e+02, v4  }
0x77: {  	s30 =	simm.s32 $0x10;
	v5 =	vtrunc.f32 v3  }
0x78: {  	v7 =	vld [tilespmem:s30+$0x200];
	v6 =	vtrunc.f32 v4;
	v8 =	vcvt.f32.s32 v5  }
0x79: {  	v9 =	vld [tilespmem:s30+$0x280];
	v10 =	vcvt.f32.s32 v6  }
0x7a: {  	v11 =	vand.u32 $0x1, v8  }
0x7b: {  	vm9 =	veq.f32 v3, v5;
	v3 =	vand.u32 $0x1, v10;
	vm10 =	veq.s32 v11, $0x1  }
0x7c: {  	vm11 =	veq.f32 v4, v6;
	vm12 =	veq.s32 v3, $0x1;
	vm0 =	vmand vm9, vm10  }
0x7d: {  	v3 =	vmul.f32 $5.120000000e+02, v7;
	vm13 =	vmand vm11, vm12;
	v4 =	vsel vm0, $0xFFFFFFFF, v1  }
0x7e: {  	v7 =	vmul.f32 $5.120000000e+02, v9;
	v6 =	vsel vm13, $0xFFFFFFFF, v1;
	v4 =	vadd.s32 v8, v4  }
0x7f: {  	v5 =	vtrunc.f32 v3;
	v9 =	vadd.s32 v10, v6;
	vm14 =	vgt.s32 v4, $0x0  }
0x80: {  	s28 =	simm.s32 $0x20;
	v8 =	vtrunc.f32 v7;
	vm15 =	vgt.s32 v9, $0x0;
	v10 =	vnsel vm14, $0x0, v4  }
0x81: {  	s2 =	simm.s32 $0xC0;
	v6 =	vld [tilespmem:s28+$0x200];
	v4 =	vcvt.f32.s32 v8;
	v9 =	vnsel vm15, $0x0, v9;
	v10 =	vmin.u32 v10, $0x1FF  }
.LBB2_6:
0x82: {  	p0 =	sne.s32 s2, $0x1C0;
	v11 =	vld [tilespmem:s28+$0x280];
	v12 =	vcvt.f32.s32 v5;
	v9 =	vmin.u32 v9, $0x1FF;
	v10 =	vshll.u32 v10, $0x9  }
0x83: {  	vm0 =	veq.f32 v7, v8;
	v7 =	vand.u32 $0x1, v4;
	v8 =	vor.u32 v9, v10  }
0x84: {  	v9 =	vand.u32 $0x1, v12;
	vm1 =	veq.s32 v7, $0x1;
	v7 =	vor.u32 v0, v8  }
0x85: {  	vm2 =	veq.f32 v3, v5;
	vm3 =	veq.s32 v9, $0x1;
	vm0 =	vmand vm0, vm1;
	[tilespmem:s0+$0x1100] =	vst v7;
	s0 =	smov.u32 s30;
	s30 =	smov.u32 s28  }
.Ltmp2:
0x86: {  	v3 =	vmul.f32 $5.120000000e+02, v6;
	vm1 =	vmand vm2, vm3;
	v5 =	vsel vm0, $0xFFFFFFFF, v1;
	(pc) =	sbr.rel @p0 .LBB2_6-.Ltmp2, $4  }
0x87: {  	v7 =	vmul.f32 $5.120000000e+02, v11;
	v6 =	vsel vm1, $0xFFFFFFFF, v1;
	v4 =	vadd.s32 v4, v5  }
0x88: {  	v5 =	vtrunc.f32 v3;
	v9 =	vadd.s32 v12, v6;
	vm0 =	vgt.s32 v4, $0x0  }
0x89: {  	s28 =	sshra.s32 s2, $0x2;
	v8 =	vtrunc.f32 v7;
	vm1 =	vgt.s32 v9, $0x0;
	v10 =	vnsel vm0, $0x0, v4  }
0x8a: {  	s2 =	sadd.s32 $0x40, s2;
	v6 =	vld [tilespmem:s28+$0x200];
	v4 =	vcvt.f32.s32 v8;
	v9 =	vnsel vm1, $0x0, v9;
	v10 =	vmin.u32 v10, $0x1FF  }
0x8b: {  	v11 =	vld [tilespmem:s28+$0x280];
	_ =	sdelay $0x1  }
0x8c: {  	v12 =	vcvt.f32.s32 v5;
	v9 =	vmin.u32 v9, $0x1FF  }
0x8d: {  	v10 =	vshll.u32 v10, $0x9;
	vm0 =	veq.f32 v7, v8;
	vm2 =	veq.f32 v3, v5  }
0x8e: {  	v7 =	vand.u32 $0x1, v4;
	v8 =	vor.u32 v9, v10;
	v9 =	vand.u32 $0x1, v12  }
0x8f: {  	vm1 =	veq.s32 v7, $0x1;
	v8 =	vor.u32 v0, v8;
	v3 =	vmul.f32 $5.120000000e+02, v11  }
0x90: {  	vm3 =	veq.s32 v9, $0x1;
	vm0 =	vmand vm0, vm1;
	v5 =	vmul.f32 $5.120000000e+02, v6  }
0x91: {  	vm10 =	vmand vm2, vm3;
	v6 =	vsel vm0, $0xFFFFFFFF, v1;
	v9 =	vtrunc.f32 v3  }
0x92: {  	v4 =	vadd.s32 v4, v6;
	v6 =	vtrunc.f32 v5;
	v10 =	vcvt.f32.s32 v9  }
0x93: {  	v7 =	vsel vm10, $0xFFFFFFFF, v1;
	vm11 =	vgt.s32 v4, $0x0;
	v11 =	vcvt.f32.s32 v6  }
0x94: {  	v7 =	vadd.s32 v12, v7;
	v4 =	vnsel vm11, $0x0, v4;
	v63 =	vand.u32 $0x1, v10  }
0x95: {  	vm12 =	veq.f32 v3, v9;
	v3 =	vand.u32 $0x1, v11;
	vm13 =	veq.s32 v63, $0x1  }
0x96: {  	vm14 =	veq.f32 v5, v6;
	vm15 =	veq.s32 v3, $0x1;
	vm0 =	vmand vm12, vm13  }
0x97: {  	vm6 =	vgt.s32 v7, $0x0;
	vm2 =	vmand vm14, vm15;
	v3 =	vsel vm0, $0xFFFFFFFF, v1  }
0x98: {  	v5 =	vnsel vm6, $0x0, v7;
	v6 =	vsel vm2, $0xFFFFFFFF, v1;
	v3 =	vadd.s32 v10, v3  }
0x99: {  	v4 =	vmin.u32 v4, $0x1FF;
	v6 =	vadd.s32 v11, v6;
	vm7 =	vgt.s32 v3, $0x0  }
0x9a: {  	v5 =	vmin.u32 v5, $0x1FF;
	vm8 =	vgt.s32 v6, $0x0;
	v3 =	vnsel vm7, $0x0, v3  }
0x9b: {  	v4 =	vshll.u32 v4, $0x9;
	v6 =	vnsel vm8, $0x0, v6;
	v3 =	vmin.u32 v3, $0x1FF  }
0x9c: {  	v4 =	vor.u32 v5, v4;
	v5 =	vmin.u32 v6, $0x1FF;
	v3 =	vshll.u32 v3, $0x9  }
0x9d: {  	[tilespmem:s0+$0x1100] =	vst v8;
	v4 =	vor.u32 v0, v4;
	v3 =	vor.u32 v5, v3  }
0x9e: {  	[tilespmem:s30+$0x1100] =	vst v4;
	v3 =	vor.u32 v0, v3  }
0x9f: {  	s4 =	simm.s32 $0x1100;
	s2 =	simm.s32 $0x1900;
	s0 =	simm.s32 $0x0;
	[tilespmem:s28+$0x1100] =	vst v3  }
0xa0: {  	[tilespmem:s2], [sflag:$0x1] =	stream.indirect.gather [hbm4b:s1+s25], $0x1, s4, s25, $0xb8;
	[tilespmem:$0x2880] =	vst v63  }
0xa1: {  	v3 =	vld [tilespmem:s0+$0x380]  }
0xa2: {  	v4 =	vld [tilespmem:s0+$0x300];
	_ =	sdelay $0x3  }
0xa3: {  	v3 =	vmul.f32 $5.120000000e+02, v3  }
0xa4: {  	v4 =	vmul.f32 $5.120000000e+02, v4  }
0xa5: {  	s30 =	simm.s32 $0x10;
	v5 =	vtrunc.f32 v3  }
0xa6: {  	v7 =	vld [tilespmem:s30+$0x300];
	v6 =	vtrunc.f32 v4;
	v8 =	vcvt.f32.s32 v5  }
0xa7: {  	v9 =	vld [tilespmem:s30+$0x380];
	v10 =	vcvt.f32.s32 v6  }
0xa8: {  	v11 =	vand.u32 $0x1, v8  }
0xa9: {  	vm9 =	veq.f32 v3, v5;
	v3 =	vand.u32 $0x1, v10;
	vm10 =	veq.s32 v11, $0x1  }
0xaa: {  	vm11 =	veq.f32 v4, v6;
	vm12 =	veq.s32 v3, $0x1;
	vm0 =	vmand vm9, vm10  }
0xab: {  	v3 =	vmul.f32 $5.120000000e+02, v7;
	vm13 =	vmand vm11, vm12;
	v4 =	vsel vm0, $0xFFFFFFFF, v1  }
0xac: {  	v7 =	vmul.f32 $5.120000000e+02, v9;
	v6 =	vsel vm13, $0xFFFFFFFF, v1;
	v4 =	vadd.s32 v8, v4  }
0xad: {  	v5 =	vtrunc.f32 v3;
	v9 =	vadd.s32 v10, v6;
	vm14 =	vgt.s32 v4, $0x0  }
0xae: {  	s28 =	simm.s32 $0x20;
	v8 =	vtrunc.f32 v7;
	vm15 =	vgt.s32 v9, $0x0;
	v10 =	vnsel vm14, $0x0, v4  }
0xaf: {  	s2 =	simm.s32 $0xC0;
	v6 =	vld [tilespmem:s28+$0x300];
	v4 =	vcvt.f32.s32 v8;
	v9 =	vnsel vm15, $0x0, v9;
	v10 =	vmin.u32 v10, $0x1FF  }
.LBB2_8:
0xb0: {  	p0 =	sne.s32 s2, $0x1C0;
	v11 =	vld [tilespmem:s28+$0x380];
	v12 =	vcvt.f32.s32 v5;
	v9 =	vmin.u32 v9, $0x1FF;
	v10 =	vshll.u32 v10, $0x9  }
0xb1: {  	vm0 =	veq.f32 v7, v8;
	v7 =	vand.u32 $0x1, v4;
	v8 =	vor.u32 v9, v10  }
0xb2: {  	v9 =	vand.u32 $0x1, v12;
	vm1 =	veq.s32 v7, $0x1;
	v7 =	vor.u32 v0, v8  }
0xb3: {  	vm2 =	veq.f32 v3, v5;
	vm3 =	veq.s32 v9, $0x1;
	vm0 =	vmand vm0, vm1;
	[tilespmem:s0+$0x1180] =	vst v7;
	s0 =	smov.u32 s30;
	s30 =	smov.u32 s28  }
.Ltmp3:
0xb4: {  	v3 =	vmul.f32 $5.120000000e+02, v6;
	vm1 =	vmand vm2, vm3;
	v5 =	vsel vm0, $0xFFFFFFFF, v1;
	(pc) =	sbr.rel @p0 .LBB2_8-.Ltmp3, $4  }
0xb5: {  	v7 =	vmul.f32 $5.120000000e+02, v11;
	v6 =	vsel vm1, $0xFFFFFFFF, v1;
	v4 =	vadd.s32 v4, v5  }
0xb6: {  	v5 =	vtrunc.f32 v3;
	v9 =	vadd.s32 v12, v6;
	vm0 =	vgt.s32 v4, $0x0  }
0xb7: {  	s28 =	sshra.s32 s2, $0x2;
	v8 =	vtrunc.f32 v7;
	vm1 =	vgt.s32 v9, $0x0;
	v10 =	vnsel vm0, $0x0, v4  }
0xb8: {  	s2 =	sadd.s32 $0x40, s2;
	v6 =	vld [tilespmem:s28+$0x300];
	v4 =	vcvt.f32.s32 v8;
	v9 =	vnsel vm1, $0x0, v9;
	v10 =	vmin.u32 v10, $0x1FF  }
0xb9: {  	v11 =	vld [tilespmem:s28+$0x380];
	_ =	sdelay $0x1  }
0xba: {  	v12 =	vcvt.f32.s32 v5;
	v9 =	vmin.u32 v9, $0x1FF  }
0xbb: {  	v10 =	vshll.u32 v10, $0x9;
	vm0 =	veq.f32 v7, v8;
	vm2 =	veq.f32 v3, v5  }
0xbc: {  	v7 =	vand.u32 $0x1, v4;
	v8 =	vor.u32 v9, v10;
	v9 =	vand.u32 $0x1, v12  }
0xbd: {  	vm1 =	veq.s32 v7, $0x1;
	v8 =	vor.u32 v0, v8;
	v3 =	vmul.f32 $5.120000000e+02, v11  }
0xbe: {  	vm3 =	veq.s32 v9, $0x1;
	vm0 =	vmand vm0, vm1;
	v5 =	vmul.f32 $5.120000000e+02, v6  }
0xbf: {  	vm10 =	vmand vm2, vm3;
	v6 =	vsel vm0, $0xFFFFFFFF, v1;
	v9 =	vtrunc.f32 v3  }
0xc0: {  	v4 =	vadd.s32 v4, v6;
	v6 =	vtrunc.f32 v5;
	v10 =	vcvt.f32.s32 v9  }
0xc1: {  	v7 =	vsel vm10, $0xFFFFFFFF, v1;
	vm11 =	vgt.s32 v4, $0x0;
	v11 =	vcvt.f32.s32 v6  }
0xc2: {  	v7 =	vadd.s32 v12, v7;
	v4 =	vnsel vm11, $0x0, v4;
	v63 =	vand.u32 $0x1, v10  }
0xc3: {  	vm12 =	veq.f32 v3, v9;
	v3 =	vand.u32 $0x1, v11;
	vm13 =	veq.s32 v63, $0x1  }
0xc4: {  	vm14 =	veq.f32 v5, v6;
	vm15 =	veq.s32 v3, $0x1;
	vm0 =	vmand vm12, vm13  }
0xc5: {  	vm6 =	vgt.s32 v7, $0x0;
	vm2 =	vmand vm14, vm15;
	v3 =	vsel vm0, $0xFFFFFFFF, v1  }
0xc6: {  	v5 =	vnsel vm6, $0x0, v7;
	v6 =	vsel vm2, $0xFFFFFFFF, v1;
	v3 =	vadd.s32 v10, v3  }
0xc7: {  	v4 =	vmin.u32 v4, $0x1FF;
	v6 =	vadd.s32 v11, v6;
	vm7 =	vgt.s32 v3, $0x0  }
0xc8: {  	v5 =	vmin.u32 v5, $0x1FF;
	vm8 =	vgt.s32 v6, $0x0;
	v3 =	vnsel vm7, $0x0, v3  }
0xc9: {  	v4 =	vshll.u32 v4, $0x9;
	v6 =	vnsel vm8, $0x0, v6;
	v3 =	vmin.u32 v3, $0x1FF  }
0xca: {  	v4 =	vor.u32 v5, v4;
	v5 =	vmin.u32 v6, $0x1FF;
	v3 =	vshll.u32 v3, $0x9  }
0xcb: {  	[tilespmem:s0+$0x1180] =	vst v8;
	v4 =	vor.u32 v0, v4;
	v3 =	vor.u32 v5, v3  }
0xcc: {  	[tilespmem:s30+$0x1180] =	vst v4;
	v3 =	vor.u32 v0, v3  }
0xcd: {  	s4 =	simm.s32 $0x1180;
	s2 =	simm.s32 $0x1980;
	s0 =	simm.s32 $0x0;
	[tilespmem:s28+$0x1180] =	vst v3  }
0xce: {  	[tilespmem:s2], [sflag:$0x1] =	stream.indirect.gather [hbm4b:s1+s25], $0x1, s4, s25, $0xb8;
	[tilespmem:$0x2880] =	vst v63  }
0xcf: {  	v3 =	vld [tilespmem:s0+$0x480]  }
0xd0: {  	v4 =	vld [tilespmem:s0+$0x400];
	_ =	sdelay $0x3  }
0xd1: {  	v3 =	vmul.f32 $5.120000000e+02, v3  }
0xd2: {  	v4 =	vmul.f32 $5.120000000e+02, v4  }
0xd3: {  	s30 =	simm.s32 $0x10;
	v5 =	vtrunc.f32 v3  }
0xd4: {  	v7 =	vld [tilespmem:s30+$0x400];
	v6 =	vtrunc.f32 v4;
	v8 =	vcvt.f32.s32 v5  }
0xd5: {  	v9 =	vld [tilespmem:s30+$0x480];
	v10 =	vcvt.f32.s32 v6  }
0xd6: {  	v11 =	vand.u32 $0x1, v8  }
0xd7: {  	vm9 =	veq.f32 v3, v5;
	v3 =	vand.u32 $0x1, v10;
	vm10 =	veq.s32 v11, $0x1  }
0xd8: {  	vm11 =	veq.f32 v4, v6;
	vm12 =	veq.s32 v3, $0x1;
	vm0 =	vmand vm9, vm10  }
0xd9: {  	v3 =	vmul.f32 $5.120000000e+02, v7;
	vm13 =	vmand vm11, vm12;
	v4 =	vsel vm0, $0xFFFFFFFF, v1  }
0xda: {  	v7 =	vmul.f32 $5.120000000e+02, v9;
	v6 =	vsel vm13, $0xFFFFFFFF, v1;
	v4 =	vadd.s32 v8, v4  }
0xdb: {  	v5 =	vtrunc.f32 v3;
	v9 =	vadd.s32 v10, v6;
	vm14 =	vgt.s32 v4, $0x0  }
0xdc: {  	s28 =	simm.s32 $0x20;
	v8 =	vtrunc.f32 v7;
	vm15 =	vgt.s32 v9, $0x0;
	v10 =	vnsel vm14, $0x0, v4  }
0xdd: {  	s2 =	simm.s32 $0xC0;
	v6 =	vld [tilespmem:s28+$0x400];
	v4 =	vcvt.f32.s32 v8;
	v9 =	vnsel vm15, $0x0, v9;
	v10 =	vmin.u32 v10, $0x1FF  }
.LBB2_10:
0xde: {  	p0 =	sne.s32 s2, $0x1C0;
	v11 =	vld [tilespmem:s28+$0x480];
	v12 =	vcvt.f32.s32 v5;
	v9 =	vmin.u32 v9, $0x1FF;
	v10 =	vshll.u32 v10, $0x9  }
0xdf: {  	vm0 =	veq.f32 v7, v8;
	v7 =	vand.u32 $0x1, v4;
	v8 =	vor.u32 v9, v10  }
0xe0: {  	v9 =	vand.u32 $0x1, v12;
	vm1 =	veq.s32 v7, $0x1;
	v7 =	vor.u32 v0, v8  }
0xe1: {  	vm2 =	veq.f32 v3, v5;
	vm3 =	veq.s32 v9, $0x1;
	vm0 =	vmand vm0, vm1;
	[tilespmem:s0+$0x1200] =	vst v7;
	s0 =	smov.u32 s30;
	s30 =	smov.u32 s28  }
.Ltmp4:
0xe2: {  	v3 =	vmul.f32 $5.120000000e+02, v6;
	vm1 =	vmand vm2, vm3;
	v5 =	vsel vm0, $0xFFFFFFFF, v1;
	(pc) =	sbr.rel @p0 .LBB2_10-.Ltmp4, $4  }
0xe3: {  	v7 =	vmul.f32 $5.120000000e+02, v11;
	v6 =	vsel vm1, $0xFFFFFFFF, v1;
	v4 =	vadd.s32 v4, v5  }
0xe4: {  	v5 =	vtrunc.f32 v3;
	v9 =	vadd.s32 v12, v6;
	vm0 =	vgt.s32 v4, $0x0  }
0xe5: {  	s28 =	sshra.s32 s2, $0x2;
	v8 =	vtrunc.f32 v7;
	vm1 =	vgt.s32 v9, $0x0;
	v10 =	vnsel vm0, $0x0, v4  }
0xe6: {  	s2 =	sadd.s32 $0x40, s2;
	v6 =	vld [tilespmem:s28+$0x400];
	v4 =	vcvt.f32.s32 v8;
	v9 =	vnsel vm1, $0x0, v9;
	v10 =	vmin.u32 v10, $0x1FF  }
0xe7: {  	v11 =	vld [tilespmem:s28+$0x480];
	_ =	sdelay $0x1  }
0xe8: {  	v12 =	vcvt.f32.s32 v5;
	v9 =	vmin.u32 v9, $0x1FF  }
0xe9: {  	v10 =	vshll.u32 v10, $0x9;
	vm0 =	veq.f32 v7, v8;
	vm2 =	veq.f32 v3, v5  }
0xea: {  	v7 =	vand.u32 $0x1, v4;
	v8 =	vor.u32 v9, v10;
	v9 =	vand.u32 $0x1, v12  }
0xeb: {  	vm1 =	veq.s32 v7, $0x1;
	v8 =	vor.u32 v0, v8;
	v3 =	vmul.f32 $5.120000000e+02, v11  }
0xec: {  	vm3 =	veq.s32 v9, $0x1;
	vm0 =	vmand vm0, vm1;
	v5 =	vmul.f32 $5.120000000e+02, v6  }
0xed: {  	vm10 =	vmand vm2, vm3;
	v6 =	vsel vm0, $0xFFFFFFFF, v1;
	v9 =	vtrunc.f32 v3  }
0xee: {  	v4 =	vadd.s32 v4, v6;
	v6 =	vtrunc.f32 v5;
	v10 =	vcvt.f32.s32 v9  }
0xef: {  	v7 =	vsel vm10, $0xFFFFFFFF, v1;
	vm11 =	vgt.s32 v4, $0x0;
	v11 =	vcvt.f32.s32 v6  }
0xf0: {  	v7 =	vadd.s32 v12, v7;
	v4 =	vnsel vm11, $0x0, v4;
	v63 =	vand.u32 $0x1, v10  }
0xf1: {  	vm12 =	veq.f32 v3, v9;
	v3 =	vand.u32 $0x1, v11;
	vm13 =	veq.s32 v63, $0x1  }
0xf2: {  	vm14 =	veq.f32 v5, v6;
	vm15 =	veq.s32 v3, $0x1;
	vm0 =	vmand vm12, vm13  }
0xf3: {  	vm6 =	vgt.s32 v7, $0x0;
	vm2 =	vmand vm14, vm15;
	v3 =	vsel vm0, $0xFFFFFFFF, v1  }
0xf4: {  	v5 =	vnsel vm6, $0x0, v7;
	v6 =	vsel vm2, $0xFFFFFFFF, v1;
	v3 =	vadd.s32 v10, v3  }
0xf5: {  	v4 =	vmin.u32 v4, $0x1FF;
	v6 =	vadd.s32 v11, v6;
	vm7 =	vgt.s32 v3, $0x0  }
0xf6: {  	v5 =	vmin.u32 v5, $0x1FF;
	vm8 =	vgt.s32 v6, $0x0;
	v3 =	vnsel vm7, $0x0, v3  }
0xf7: {  	v4 =	vshll.u32 v4, $0x9;
	v6 =	vnsel vm8, $0x0, v6;
	v3 =	vmin.u32 v3, $0x1FF  }
0xf8: {  	v4 =	vor.u32 v5, v4;
	v5 =	vmin.u32 v6, $0x1FF;
	v3 =	vshll.u32 v3, $0x9  }
0xf9: {  	[tilespmem:s0+$0x1200] =	vst v8;
	v4 =	vor.u32 v0, v4;
	v3 =	vor.u32 v5, v3  }
0xfa: {  	[tilespmem:s30+$0x1200] =	vst v4;
	v3 =	vor.u32 v0, v3  }
0xfb: {  	s4 =	simm.s32 $0x1200;
	s2 =	simm.s32 $0x1A00;
	s0 =	simm.s32 $0x0;
	[tilespmem:s28+$0x1200] =	vst v3  }
0xfc: {  	[tilespmem:s2], [sflag:$0x1] =	stream.indirect.gather [hbm4b:s1+s25], $0x1, s4, s25, $0xb8;
	[tilespmem:$0x2880] =	vst v63  }
0xfd: {  	v3 =	vld [tilespmem:s0+$0x580]  }
0xfe: {  	v4 =	vld [tilespmem:s0+$0x500];
	_ =	sdelay $0x3  }
0xff: {  	v3 =	vmul.f32 $5.120000000e+02, v3  }
0x100: {  	v4 =	vmul.f32 $5.120000000e+02, v4  }
0x101: {  	s30 =	simm.s32 $0x10;
	v5 =	vtrunc.f32 v3  }
0x102: {  	v7 =	vld [tilespmem:s30+$0x500];
	v6 =	vtrunc.f32 v4;
	v8 =	vcvt.f32.s32 v5  }
0x103: {  	v9 =	vld [tilespmem:s30+$0x580];
	v10 =	vcvt.f32.s32 v6  }
0x104: {  	v11 =	vand.u32 $0x1, v8  }
0x105: {  	vm9 =	veq.f32 v3, v5;
	v3 =	vand.u32 $0x1, v10;
	vm10 =	veq.s32 v11, $0x1  }
0x106: {  	vm11 =	veq.f32 v4, v6;
	vm12 =	veq.s32 v3, $0x1;
	vm0 =	vmand vm9, vm10  }
0x107: {  	v3 =	vmul.f32 $5.120000000e+02, v7;
	vm13 =	vmand vm11, vm12;
	v4 =	vsel vm0, $0xFFFFFFFF, v1  }
0x108: {  	v7 =	vmul.f32 $5.120000000e+02, v9;
	v6 =	vsel vm13, $0xFFFFFFFF, v1;
	v4 =	vadd.s32 v8, v4  }
0x109: {  	v5 =	vtrunc.f32 v3;
	v9 =	vadd.s32 v10, v6;
	vm14 =	vgt.s32 v4, $0x0  }
0x10a: {  	s28 =	simm.s32 $0x20;
	v8 =	vtrunc.f32 v7;
	vm15 =	vgt.s32 v9, $0x0;
	v10 =	vnsel vm14, $0x0, v4  }
0x10b: {  	s2 =	simm.s32 $0xC0;
	v6 =	vld [tilespmem:s28+$0x500];
	v4 =	vcvt.f32.s32 v8;
	v9 =	vnsel vm15, $0x0, v9;
	v10 =	vmin.u32 v10, $0x1FF  }
.LBB2_12:
0x10c: {  	p0 =	sne.s32 s2, $0x1C0;
	v11 =	vld [tilespmem:s28+$0x580];
	v12 =	vcvt.f32.s32 v5;
	v9 =	vmin.u32 v9, $0x1FF;
	v10 =	vshll.u32 v10, $0x9  }
0x10d: {  	vm0 =	veq.f32 v7, v8;
	v7 =	vand.u32 $0x1, v4;
	v8 =	vor.u32 v9, v10  }
0x10e: {  	v9 =	vand.u32 $0x1, v12;
	vm1 =	veq.s32 v7, $0x1;
	v7 =	vor.u32 v0, v8  }
0x10f: {  	vm2 =	veq.f32 v3, v5;
	vm3 =	veq.s32 v9, $0x1;
	vm0 =	vmand vm0, vm1;
	[tilespmem:s0+$0x1280] =	vst v7;
	s0 =	smov.u32 s30;
	s30 =	smov.u32 s28  }
.Ltmp5:
0x110: {  	v3 =	vmul.f32 $5.120000000e+02, v6;
	vm1 =	vmand vm2, vm3;
	v5 =	vsel vm0, $0xFFFFFFFF, v1;
	(pc) =	sbr.rel @p0 .LBB2_12-.Ltmp5, $4  }
0x111: {  	v7 =	vmul.f32 $5.120000000e+02, v11;
	v6 =	vsel vm1, $0xFFFFFFFF, v1;
	v4 =	vadd.s32 v4, v5  }
0x112: {  	v5 =	vtrunc.f32 v3;
	v9 =	vadd.s32 v12, v6;
	vm0 =	vgt.s32 v4, $0x0  }
0x113: {  	s28 =	sshra.s32 s2, $0x2;
	v8 =	vtrunc.f32 v7;
	vm1 =	vgt.s32 v9, $0x0;
	v10 =	vnsel vm0, $0x0, v4  }
0x114: {  	s2 =	sadd.s32 $0x40, s2;
	v6 =	vld [tilespmem:s28+$0x500];
	v4 =	vcvt.f32.s32 v8;
	v9 =	vnsel vm1, $0x0, v9;
	v10 =	vmin.u32 v10, $0x1FF  }
0x115: {  	v11 =	vld [tilespmem:s28+$0x580];
	_ =	sdelay $0x1  }
0x116: {  	v12 =	vcvt.f32.s32 v5;
	v9 =	vmin.u32 v9, $0x1FF  }
0x117: {  	v10 =	vshll.u32 v10, $0x9;
	vm0 =	veq.f32 v7, v8;
	vm2 =	veq.f32 v3, v5  }
0x118: {  	v7 =	vand.u32 $0x1, v4;
	v8 =	vor.u32 v9, v10;
	v9 =	vand.u32 $0x1, v12  }
0x119: {  	vm1 =	veq.s32 v7, $0x1;
	v8 =	vor.u32 v0, v8;
	v3 =	vmul.f32 $5.120000000e+02, v11  }
0x11a: {  	vm3 =	veq.s32 v9, $0x1;
	vm0 =	vmand vm0, vm1;
	v5 =	vmul.f32 $5.120000000e+02, v6  }
0x11b: {  	vm10 =	vmand vm2, vm3;
	v6 =	vsel vm0, $0xFFFFFFFF, v1;
	v9 =	vtrunc.f32 v3  }
0x11c: {  	v4 =	vadd.s32 v4, v6;
	v6 =	vtrunc.f32 v5;
	v10 =	vcvt.f32.s32 v9  }
0x11d: {  	v7 =	vsel vm10, $0xFFFFFFFF, v1;
	vm11 =	vgt.s32 v4, $0x0;
	v11 =	vcvt.f32.s32 v6  }
0x11e: {  	v7 =	vadd.s32 v12, v7;
	v4 =	vnsel vm11, $0x0, v4;
	v63 =	vand.u32 $0x1, v10  }
0x11f: {  	vm12 =	veq.f32 v3, v9;
	v3 =	vand.u32 $0x1, v11;
	vm13 =	veq.s32 v63, $0x1  }
0x120: {  	vm14 =	veq.f32 v5, v6;
	vm15 =	veq.s32 v3, $0x1;
	vm0 =	vmand vm12, vm13  }
0x121: {  	vm6 =	vgt.s32 v7, $0x0;
	vm2 =	vmand vm14, vm15;
	v3 =	vsel vm0, $0xFFFFFFFF, v1  }
0x122: {  	v5 =	vnsel vm6, $0x0, v7;
	v6 =	vsel vm2, $0xFFFFFFFF, v1;
	v3 =	vadd.s32 v10, v3  }
0x123: {  	v4 =	vmin.u32 v4, $0x1FF;
	v6 =	vadd.s32 v11, v6;
	vm7 =	vgt.s32 v3, $0x0  }
0x124: {  	v5 =	vmin.u32 v5, $0x1FF;
	vm8 =	vgt.s32 v6, $0x0;
	v3 =	vnsel vm7, $0x0, v3  }
0x125: {  	v4 =	vshll.u32 v4, $0x9;
	v6 =	vnsel vm8, $0x0, v6;
	v3 =	vmin.u32 v3, $0x1FF  }
0x126: {  	v4 =	vor.u32 v5, v4;
	v5 =	vmin.u32 v6, $0x1FF;
	v3 =	vshll.u32 v3, $0x9  }
0x127: {  	[tilespmem:s0+$0x1280] =	vst v8;
	v4 =	vor.u32 v0, v4;
	v3 =	vor.u32 v5, v3  }
0x128: {  	[tilespmem:s30+$0x1280] =	vst v4;
	v3 =	vor.u32 v0, v3  }
0x129: {  	s4 =	simm.s32 $0x1280;
	s2 =	simm.s32 $0x1A80;
	s0 =	simm.s32 $0x0;
	[tilespmem:s28+$0x1280] =	vst v3  }
0x12a: {  	[tilespmem:s2], [sflag:$0x1] =	stream.indirect.gather [hbm4b:s1+s25], $0x1, s4, s25, $0xb8;
	[tilespmem:$0x2880] =	vst v63  }
0x12b: {  	v3 =	vld [tilespmem:s0+$0x680]  }
0x12c: {  	v4 =	vld [tilespmem:s0+$0x600];
	_ =	sdelay $0x3  }
0x12d: {  	v3 =	vmul.f32 $5.120000000e+02, v3  }
0x12e: {  	v4 =	vmul.f32 $5.120000000e+02, v4  }
0x12f: {  	s30 =	simm.s32 $0x10;
	v5 =	vtrunc.f32 v3  }
0x130: {  	v7 =	vld [tilespmem:s30+$0x600];
	v6 =	vtrunc.f32 v4;
	v8 =	vcvt.f32.s32 v5  }
0x131: {  	v9 =	vld [tilespmem:s30+$0x680];
	v10 =	vcvt.f32.s32 v6  }
0x132: {  	v11 =	vand.u32 $0x1, v8  }
0x133: {  	vm9 =	veq.f32 v3, v5;
	v3 =	vand.u32 $0x1, v10;
	vm10 =	veq.s32 v11, $0x1  }
0x134: {  	vm11 =	veq.f32 v4, v6;
	vm12 =	veq.s32 v3, $0x1;
	vm0 =	vmand vm9, vm10  }
0x135: {  	v3 =	vmul.f32 $5.120000000e+02, v7;
	vm13 =	vmand vm11, vm12;
	v4 =	vsel vm0, $0xFFFFFFFF, v1  }
0x136: {  	v7 =	vmul.f32 $5.120000000e+02, v9;
	v6 =	vsel vm13, $0xFFFFFFFF, v1;
	v4 =	vadd.s32 v8, v4  }
0x137: {  	v5 =	vtrunc.f32 v3;
	v9 =	vadd.s32 v10, v6;
	vm14 =	vgt.s32 v4, $0x0  }
0x138: {  	s28 =	simm.s32 $0x20;
	v8 =	vtrunc.f32 v7;
	vm15 =	vgt.s32 v9, $0x0;
	v10 =	vnsel vm14, $0x0, v4  }
0x139: {  	s2 =	simm.s32 $0xC0;
	v6 =	vld [tilespmem:s28+$0x600];
	v4 =	vcvt.f32.s32 v8;
	v9 =	vnsel vm15, $0x0, v9;
	v10 =	vmin.u32 v10, $0x1FF  }
.LBB2_14:
0x13a: {  	p0 =	sne.s32 s2, $0x1C0;
	v11 =	vld [tilespmem:s28+$0x680];
	v12 =	vcvt.f32.s32 v5;
	v9 =	vmin.u32 v9, $0x1FF;
	v10 =	vshll.u32 v10, $0x9  }
0x13b: {  	vm0 =	veq.f32 v7, v8;
	v7 =	vand.u32 $0x1, v4;
	v8 =	vor.u32 v9, v10  }
0x13c: {  	v9 =	vand.u32 $0x1, v12;
	vm1 =	veq.s32 v7, $0x1;
	v7 =	vor.u32 v0, v8  }
0x13d: {  	vm2 =	veq.f32 v3, v5;
	vm3 =	veq.s32 v9, $0x1;
	vm0 =	vmand vm0, vm1;
	[tilespmem:s0+$0x1300] =	vst v7;
	s0 =	smov.u32 s30;
	s30 =	smov.u32 s28  }
.Ltmp6:
0x13e: {  	v3 =	vmul.f32 $5.120000000e+02, v6;
	vm1 =	vmand vm2, vm3;
	v5 =	vsel vm0, $0xFFFFFFFF, v1;
	(pc) =	sbr.rel @p0 .LBB2_14-.Ltmp6, $4  }
0x13f: {  	v7 =	vmul.f32 $5.120000000e+02, v11;
	v6 =	vsel vm1, $0xFFFFFFFF, v1;
	v4 =	vadd.s32 v4, v5  }
0x140: {  	v5 =	vtrunc.f32 v3;
	v9 =	vadd.s32 v12, v6;
	vm0 =	vgt.s32 v4, $0x0  }
0x141: {  	s28 =	sshra.s32 s2, $0x2;
	v8 =	vtrunc.f32 v7;
	vm1 =	vgt.s32 v9, $0x0;
	v10 =	vnsel vm0, $0x0, v4  }
0x142: {  	s2 =	sadd.s32 $0x40, s2;
	v6 =	vld [tilespmem:s28+$0x600];
	v4 =	vcvt.f32.s32 v8;
	v9 =	vnsel vm1, $0x0, v9;
	v10 =	vmin.u32 v10, $0x1FF  }
0x143: {  	v11 =	vld [tilespmem:s28+$0x680];
	_ =	sdelay $0x1  }
0x144: {  	v12 =	vcvt.f32.s32 v5;
	v9 =	vmin.u32 v9, $0x1FF  }
0x145: {  	v10 =	vshll.u32 v10, $0x9;
	vm0 =	veq.f32 v7, v8;
	vm2 =	veq.f32 v3, v5  }
0x146: {  	v7 =	vand.u32 $0x1, v4;
	v8 =	vor.u32 v9, v10;
	v9 =	vand.u32 $0x1, v12  }
0x147: {  	vm1 =	veq.s32 v7, $0x1;
	v8 =	vor.u32 v0, v8;
	v3 =	vmul.f32 $5.120000000e+02, v11  }
0x148: {  	vm3 =	veq.s32 v9, $0x1;
	vm0 =	vmand vm0, vm1;
	v5 =	vmul.f32 $5.120000000e+02, v6  }
0x149: {  	vm10 =	vmand vm2, vm3;
	v6 =	vsel vm0, $0xFFFFFFFF, v1;
	v9 =	vtrunc.f32 v3  }
0x14a: {  	v4 =	vadd.s32 v4, v6;
	v6 =	vtrunc.f32 v5;
	v10 =	vcvt.f32.s32 v9  }
0x14b: {  	v7 =	vsel vm10, $0xFFFFFFFF, v1;
	vm11 =	vgt.s32 v4, $0x0;
	v11 =	vcvt.f32.s32 v6  }
0x14c: {  	v7 =	vadd.s32 v12, v7;
	v4 =	vnsel vm11, $0x0, v4;
	v63 =	vand.u32 $0x1, v10  }
0x14d: {  	vm12 =	veq.f32 v3, v9;
	v3 =	vand.u32 $0x1, v11;
	vm13 =	veq.s32 v63, $0x1  }
0x14e: {  	vm14 =	veq.f32 v5, v6;
	vm15 =	veq.s32 v3, $0x1;
	vm0 =	vmand vm12, vm13  }
0x14f: {  	vm6 =	vgt.s32 v7, $0x0;
	vm2 =	vmand vm14, vm15;
	v3 =	vsel vm0, $0xFFFFFFFF, v1  }
0x150: {  	v5 =	vnsel vm6, $0x0, v7;
	v6 =	vsel vm2, $0xFFFFFFFF, v1;
	v3 =	vadd.s32 v10, v3  }
0x151: {  	v4 =	vmin.u32 v4, $0x1FF;
	v6 =	vadd.s32 v11, v6;
	vm7 =	vgt.s32 v3, $0x0  }
0x152: {  	v5 =	vmin.u32 v5, $0x1FF;
	vm8 =	vgt.s32 v6, $0x0;
	v3 =	vnsel vm7, $0x0, v3  }
0x153: {  	v4 =	vshll.u32 v4, $0x9;
	v6 =	vnsel vm8, $0x0, v6;
	v3 =	vmin.u32 v3, $0x1FF  }
0x154: {  	v4 =	vor.u32 v5, v4;
	v5 =	vmin.u32 v6, $0x1FF;
	v3 =	vshll.u32 v3, $0x9  }
0x155: {  	[tilespmem:s0+$0x1300] =	vst v8;
	v4 =	vor.u32 v0, v4;
	v3 =	vor.u32 v5, v3  }
0x156: {  	[tilespmem:s30+$0x1300] =	vst v4;
	v3 =	vor.u32 v0, v3  }
0x157: {  	s4 =	simm.s32 $0x1300;
	s2 =	simm.s32 $0x1B00;
	s0 =	simm.s32 $0x0;
	[tilespmem:s28+$0x1300] =	vst v3  }
0x158: {  	[tilespmem:s2], [sflag:$0x1] =	stream.indirect.gather [hbm4b:s1+s25], $0x1, s4, s25, $0xb8;
	[tilespmem:$0x2880] =	vst v63  }
0x159: {  	v3 =	vld [tilespmem:s0+$0x780]  }
0x15a: {  	v4 =	vld [tilespmem:s0+$0x700];
	_ =	sdelay $0x3  }
0x15b: {  	v3 =	vmul.f32 $5.120000000e+02, v3  }
0x15c: {  	v4 =	vmul.f32 $5.120000000e+02, v4  }
0x15d: {  	s30 =	simm.s32 $0x10;
	v5 =	vtrunc.f32 v3  }
0x15e: {  	v7 =	vld [tilespmem:s30+$0x700];
	v6 =	vtrunc.f32 v4;
	v8 =	vcvt.f32.s32 v5  }
0x15f: {  	v9 =	vld [tilespmem:s30+$0x780];
	v10 =	vcvt.f32.s32 v6  }
0x160: {  	v11 =	vand.u32 $0x1, v8  }
0x161: {  	vm9 =	veq.f32 v3, v5;
	v3 =	vand.u32 $0x1, v10;
	vm10 =	veq.s32 v11, $0x1  }
0x162: {  	vm11 =	veq.f32 v4, v6;
	vm12 =	veq.s32 v3, $0x1;
	vm0 =	vmand vm9, vm10  }
0x163: {  	v3 =	vmul.f32 $5.120000000e+02, v7;
	vm13 =	vmand vm11, vm12;
	v4 =	vsel vm0, $0xFFFFFFFF, v1  }
0x164: {  	v7 =	vmul.f32 $5.120000000e+02, v9;
	v6 =	vsel vm13, $0xFFFFFFFF, v1;
	v4 =	vadd.s32 v8, v4  }
0x165: {  	v5 =	vtrunc.f32 v3;
	v9 =	vadd.s32 v10, v6;
	vm14 =	vgt.s32 v4, $0x0  }
0x166: {  	s28 =	simm.s32 $0x20;
	v8 =	vtrunc.f32 v7;
	vm15 =	vgt.s32 v9, $0x0;
	v10 =	vnsel vm14, $0x0, v4  }
0x167: {  	s2 =	simm.s32 $0xC0;
	v6 =	vld [tilespmem:s28+$0x700];
	v4 =	vcvt.f32.s32 v8;
	v9 =	vnsel vm15, $0x0, v9;
	v10 =	vmin.u32 v10, $0x1FF  }
.LBB2_16:
0x168: {  	p0 =	sne.s32 s2, $0x1C0;
	v11 =	vld [tilespmem:s28+$0x780];
	v12 =	vcvt.f32.s32 v5;
	v9 =	vmin.u32 v9, $0x1FF;
	v10 =	vshll.u32 v10, $0x9  }
0x169: {  	vm0 =	veq.f32 v7, v8;
	v7 =	vand.u32 $0x1, v4;
	v8 =	vor.u32 v9, v10  }
0x16a: {  	v9 =	vand.u32 $0x1, v12;
	vm1 =	veq.s32 v7, $0x1;
	v7 =	vor.u32 v0, v8  }
0x16b: {  	vm2 =	veq.f32 v3, v5;
	vm3 =	veq.s32 v9, $0x1;
	vm0 =	vmand vm0, vm1;
	[tilespmem:s0+$0x1380] =	vst v7;
	s0 =	smov.u32 s30;
	s30 =	smov.u32 s28  }
.Ltmp7:
0x16c: {  	v3 =	vmul.f32 $5.120000000e+02, v6;
	vm1 =	vmand vm2, vm3;
	v5 =	vsel vm0, $0xFFFFFFFF, v1;
	(pc) =	sbr.rel @p0 .LBB2_16-.Ltmp7, $4  }
0x16d: {  	v7 =	vmul.f32 $5.120000000e+02, v11;
	v6 =	vsel vm1, $0xFFFFFFFF, v1;
	v4 =	vadd.s32 v4, v5  }
0x16e: {  	v5 =	vtrunc.f32 v3;
	v9 =	vadd.s32 v12, v6;
	vm0 =	vgt.s32 v4, $0x0  }
0x16f: {  	s28 =	sshra.s32 s2, $0x2;
	v8 =	vtrunc.f32 v7;
	vm1 =	vgt.s32 v9, $0x0;
	v10 =	vnsel vm0, $0x0, v4  }
0x170: {  	s2 =	sadd.s32 $0x40, s2;
	v6 =	vld [tilespmem:s28+$0x700];
	v4 =	vcvt.f32.s32 v8;
	v9 =	vnsel vm1, $0x0, v9;
	v10 =	vmin.u32 v10, $0x1FF  }
0x171: {  	v11 =	vld [tilespmem:s28+$0x780];
	_ =	sdelay $0x1  }
0x172: {  	v12 =	vcvt.f32.s32 v5;
	v9 =	vmin.u32 v9, $0x1FF  }
0x173: {  	v10 =	vshll.u32 v10, $0x9;
	vm0 =	veq.f32 v7, v8;
	vm2 =	veq.f32 v3, v5  }
0x174: {  	v7 =	vand.u32 $0x1, v4;
	v8 =	vor.u32 v9, v10;
	v9 =	vand.u32 $0x1, v12  }
0x175: {  	vm1 =	veq.s32 v7, $0x1;
	v8 =	vor.u32 v0, v8;
	v3 =	vmul.f32 $5.120000000e+02, v11  }
0x176: {  	vm3 =	veq.s32 v9, $0x1;
	vm0 =	vmand vm0, vm1;
	v5 =	vmul.f32 $5.120000000e+02, v6  }
0x177: {  	vm10 =	vmand vm2, vm3;
	v6 =	vsel vm0, $0xFFFFFFFF, v1;
	v9 =	vtrunc.f32 v3  }
0x178: {  	v4 =	vadd.s32 v4, v6;
	v6 =	vtrunc.f32 v5;
	v10 =	vcvt.f32.s32 v9  }
0x179: {  	v7 =	vsel vm10, $0xFFFFFFFF, v1;
	vm11 =	vgt.s32 v4, $0x0;
	v11 =	vcvt.f32.s32 v6  }
0x17a: {  	v7 =	vadd.s32 v12, v7;
	v4 =	vnsel vm11, $0x0, v4;
	v63 =	vand.u32 $0x1, v10  }
0x17b: {  	vm12 =	veq.f32 v3, v9;
	v3 =	vand.u32 $0x1, v11;
	vm13 =	veq.s32 v63, $0x1  }
0x17c: {  	vm14 =	veq.f32 v5, v6;
	vm15 =	veq.s32 v3, $0x1;
	vm0 =	vmand vm12, vm13  }
0x17d: {  	vm6 =	vgt.s32 v7, $0x0;
	vm2 =	vmand vm14, vm15;
	v3 =	vsel vm0, $0xFFFFFFFF, v1  }
0x17e: {  	v5 =	vnsel vm6, $0x0, v7;
	v6 =	vsel vm2, $0xFFFFFFFF, v1;
	v3 =	vadd.s32 v10, v3  }
0x17f: {  	v4 =	vmin.u32 v4, $0x1FF;
	v6 =	vadd.s32 v11, v6;
	vm7 =	vgt.s32 v3, $0x0  }
0x180: {  	v5 =	vmin.u32 v5, $0x1FF;
	vm8 =	vgt.s32 v6, $0x0;
	v3 =	vnsel vm7, $0x0, v3  }
0x181: {  	v4 =	vshll.u32 v4, $0x9;
	v6 =	vnsel vm8, $0x0, v6;
	v3 =	vmin.u32 v3, $0x1FF  }
0x182: {  	v4 =	vor.u32 v5, v4;
	v5 =	vmin.u32 v6, $0x1FF;
	v3 =	vshll.u32 v3, $0x9  }
0x183: {  	[tilespmem:s0+$0x1380] =	vst v8;
	v4 =	vor.u32 v0, v4;
	v3 =	vor.u32 v5, v3  }
0x184: {  	[tilespmem:s30+$0x1380] =	vst v4;
	v3 =	vor.u32 v0, v3  }
0x185: {  	s4 =	simm.s32 $0x1380;
	s2 =	simm.s32 $0x1B80;
	s0 =	simm.s32 $0x0;
	[tilespmem:s28+$0x1380] =	vst v3  }
0x186: {  	[tilespmem:s2], [sflag:$0x1] =	stream.indirect.gather [hbm4b:s1+s25], $0x1, s4, s25, $0xb8;
	[tilespmem:$0x2880] =	vst v63  }
0x187: {  	v3 =	vld [tilespmem:s0+$0x880]  }
0x188: {  	v4 =	vld [tilespmem:s0+$0x800];
	_ =	sdelay $0x3  }
0x189: {  	v3 =	vmul.f32 $5.120000000e+02, v3  }
0x18a: {  	v4 =	vmul.f32 $5.120000000e+02, v4  }
0x18b: {  	s30 =	simm.s32 $0x10;
	v5 =	vtrunc.f32 v3  }
0x18c: {  	v7 =	vld [tilespmem:s30+$0x800];
	v6 =	vtrunc.f32 v4;
	v8 =	vcvt.f32.s32 v5  }
0x18d: {  	v9 =	vld [tilespmem:s30+$0x880];
	v10 =	vcvt.f32.s32 v6  }
0x18e: {  	v11 =	vand.u32 $0x1, v8  }
0x18f: {  	vm9 =	veq.f32 v3, v5;
	v3 =	vand.u32 $0x1, v10;
	vm10 =	veq.s32 v11, $0x1  }
0x190: {  	vm11 =	veq.f32 v4, v6;
	vm12 =	veq.s32 v3, $0x1;
	vm0 =	vmand vm9, vm10  }
0x191: {  	v3 =	vmul.f32 $5.120000000e+02, v7;
	vm13 =	vmand vm11, vm12;
	v4 =	vsel vm0, $0xFFFFFFFF, v1  }
0x192: {  	v7 =	vmul.f32 $5.120000000e+02, v9;
	v6 =	vsel vm13, $0xFFFFFFFF, v1;
	v4 =	vadd.s32 v8, v4  }
0x193: {  	v5 =	vtrunc.f32 v3;
	v9 =	vadd.s32 v10, v6;
	vm14 =	vgt.s32 v4, $0x0  }
0x194: {  	s28 =	simm.s32 $0x20;
	v8 =	vtrunc.f32 v7;
	vm15 =	vgt.s32 v9, $0x0;
	v10 =	vnsel vm14, $0x0, v4  }
0x195: {  	s2 =	simm.s32 $0xC0;
	v6 =	vld [tilespmem:s28+$0x800];
	v4 =	vcvt.f32.s32 v8;
	v9 =	vnsel vm15, $0x0, v9;
	v10 =	vmin.u32 v10, $0x1FF  }
.LBB2_18:
0x196: {  	p0 =	sne.s32 s2, $0x1C0;
	v11 =	vld [tilespmem:s28+$0x880];
	v12 =	vcvt.f32.s32 v5;
	v9 =	vmin.u32 v9, $0x1FF;
	v10 =	vshll.u32 v10, $0x9  }
0x197: {  	vm0 =	veq.f32 v7, v8;
	v7 =	vand.u32 $0x1, v4;
	v8 =	vor.u32 v9, v10  }
0x198: {  	v9 =	vand.u32 $0x1, v12;
	vm1 =	veq.s32 v7, $0x1;
	v7 =	vor.u32 v0, v8  }
0x199: {  	vm2 =	veq.f32 v3, v5;
	vm3 =	veq.s32 v9, $0x1;
	vm0 =	vmand vm0, vm1;
	[tilespmem:s0+$0x1400] =	vst v7;
	s0 =	smov.u32 s30;
	s30 =	smov.u32 s28  }
.Ltmp8:
0x19a: {  	v3 =	vmul.f32 $5.120000000e+02, v6;
	vm1 =	vmand vm2, vm3;
	v5 =	vsel vm0, $0xFFFFFFFF, v1;
	(pc) =	sbr.rel @p0 .LBB2_18-.Ltmp8, $4  }
0x19b: {  	v7 =	vmul.f32 $5.120000000e+02, v11;
	v6 =	vsel vm1, $0xFFFFFFFF, v1;
	v4 =	vadd.s32 v4, v5  }
0x19c: {  	v5 =	vtrunc.f32 v3;
	v9 =	vadd.s32 v12, v6;
	vm0 =	vgt.s32 v4, $0x0  }
0x19d: {  	s28 =	sshra.s32 s2, $0x2;
	v8 =	vtrunc.f32 v7;
	vm1 =	vgt.s32 v9, $0x0;
	v10 =	vnsel vm0, $0x0, v4  }
0x19e: {  	s2 =	sadd.s32 $0x40, s2;
	v6 =	vld [tilespmem:s28+$0x800];
	v4 =	vcvt.f32.s32 v8;
	v9 =	vnsel vm1, $0x0, v9;
	v10 =	vmin.u32 v10, $0x1FF  }
0x19f: {  	v11 =	vld [tilespmem:s28+$0x880];
	_ =	sdelay $0x1  }
0x1a0: {  	v12 =	vcvt.f32.s32 v5;
	v9 =	vmin.u32 v9, $0x1FF  }
0x1a1: {  	v10 =	vshll.u32 v10, $0x9;
	vm0 =	veq.f32 v7, v8;
	vm2 =	veq.f32 v3, v5  }
0x1a2: {  	v7 =	vand.u32 $0x1, v4;
	v8 =	vor.u32 v9, v10;
	v9 =	vand.u32 $0x1, v12  }
0x1a3: {  	vm1 =	veq.s32 v7, $0x1;
	v8 =	vor.u32 v0, v8;
	v3 =	vmul.f32 $5.120000000e+02, v11  }
0x1a4: {  	vm3 =	veq.s32 v9, $0x1;
	vm0 =	vmand vm0, vm1;
	v5 =	vmul.f32 $5.120000000e+02, v6  }
0x1a5: {  	vm10 =	vmand vm2, vm3;
	v6 =	vsel vm0, $0xFFFFFFFF, v1;
	v9 =	vtrunc.f32 v3  }
0x1a6: {  	v4 =	vadd.s32 v4, v6;
	v6 =	vtrunc.f32 v5;
	v10 =	vcvt.f32.s32 v9  }
0x1a7: {  	v7 =	vsel vm10, $0xFFFFFFFF, v1;
	vm11 =	vgt.s32 v4, $0x0;
	v11 =	vcvt.f32.s32 v6  }
0x1a8: {  	v7 =	vadd.s32 v12, v7;
	v4 =	vnsel vm11, $0x0, v4;
	v63 =	vand.u32 $0x1, v10  }
0x1a9: {  	vm12 =	veq.f32 v3, v9;
	v3 =	vand.u32 $0x1, v11;
	vm13 =	veq.s32 v63, $0x1  }
0x1aa: {  	vm14 =	veq.f32 v5, v6;
	vm15 =	veq.s32 v3, $0x1;
	vm0 =	vmand vm12, vm13  }
0x1ab: {  	vm6 =	vgt.s32 v7, $0x0;
	vm2 =	vmand vm14, vm15;
	v3 =	vsel vm0, $0xFFFFFFFF, v1  }
0x1ac: {  	v5 =	vnsel vm6, $0x0, v7;
	v6 =	vsel vm2, $0xFFFFFFFF, v1;
	v3 =	vadd.s32 v10, v3  }
0x1ad: {  	v4 =	vmin.u32 v4, $0x1FF;
	v6 =	vadd.s32 v11, v6;
	vm7 =	vgt.s32 v3, $0x0  }
0x1ae: {  	v5 =	vmin.u32 v5, $0x1FF;
	vm8 =	vgt.s32 v6, $0x0;
	v3 =	vnsel vm7, $0x0, v3  }
0x1af: {  	v4 =	vshll.u32 v4, $0x9;
	v6 =	vnsel vm8, $0x0, v6;
	v3 =	vmin.u32 v3, $0x1FF  }
0x1b0: {  	v4 =	vor.u32 v5, v4;
	v5 =	vmin.u32 v6, $0x1FF;
	v3 =	vshll.u32 v3, $0x9  }
0x1b1: {  	[tilespmem:s0+$0x1400] =	vst v8;
	v4 =	vor.u32 v0, v4;
	v3 =	vor.u32 v5, v3  }
0x1b2: {  	[tilespmem:s30+$0x1400] =	vst v4;
	v3 =	vor.u32 v0, v3  }
0x1b3: {  	s4 =	simm.s32 $0x1400;
	s2 =	simm.s32 $0x1C00;
	s0 =	simm.s32 $0x0;
	[tilespmem:s28+$0x1400] =	vst v3  }
0x1b4: {  	[tilespmem:s2], [sflag:$0x1] =	stream.indirect.gather [hbm4b:s1+s25], $0x1, s4, s25, $0xb8;
	[tilespmem:$0x2880] =	vst v63  }
0x1b5: {  	v3 =	vld [tilespmem:s0+$0x980]  }
0x1b6: {  	v4 =	vld [tilespmem:s0+$0x900];
	_ =	sdelay $0x3  }
0x1b7: {  	v3 =	vmul.f32 $5.120000000e+02, v3  }
0x1b8: {  	v4 =	vmul.f32 $5.120000000e+02, v4  }
0x1b9: {  	s30 =	simm.s32 $0x10;
	v5 =	vtrunc.f32 v3  }
0x1ba: {  	v7 =	vld [tilespmem:s30+$0x900];
	v6 =	vtrunc.f32 v4;
	v8 =	vcvt.f32.s32 v5  }
0x1bb: {  	v9 =	vld [tilespmem:s30+$0x980];
	v10 =	vcvt.f32.s32 v6  }
0x1bc: {  	v11 =	vand.u32 $0x1, v8  }
0x1bd: {  	vm9 =	veq.f32 v3, v5;
	v3 =	vand.u32 $0x1, v10;
	vm10 =	veq.s32 v11, $0x1  }
0x1be: {  	vm11 =	veq.f32 v4, v6;
	vm12 =	veq.s32 v3, $0x1;
	vm0 =	vmand vm9, vm10  }
0x1bf: {  	v3 =	vmul.f32 $5.120000000e+02, v7;
	vm13 =	vmand vm11, vm12;
	v4 =	vsel vm0, $0xFFFFFFFF, v1  }
0x1c0: {  	v7 =	vmul.f32 $5.120000000e+02, v9;
	v6 =	vsel vm13, $0xFFFFFFFF, v1;
	v4 =	vadd.s32 v8, v4  }
0x1c1: {  	v5 =	vtrunc.f32 v3;
	v9 =	vadd.s32 v10, v6;
	vm14 =	vgt.s32 v4, $0x0  }
0x1c2: {  	s28 =	simm.s32 $0x20;
	v8 =	vtrunc.f32 v7;
	vm15 =	vgt.s32 v9, $0x0;
	v10 =	vnsel vm14, $0x0, v4  }
0x1c3: {  	s2 =	simm.s32 $0xC0;
	v6 =	vld [tilespmem:s28+$0x900];
	v4 =	vcvt.f32.s32 v8;
	v9 =	vnsel vm15, $0x0, v9;
	v10 =	vmin.u32 v10, $0x1FF  }
.LBB2_20:
0x1c4: {  	p0 =	sne.s32 s2, $0x1C0;
	v11 =	vld [tilespmem:s28+$0x980];
	v12 =	vcvt.f32.s32 v5;
	v9 =	vmin.u32 v9, $0x1FF;
	v10 =	vshll.u32 v10, $0x9  }
0x1c5: {  	vm0 =	veq.f32 v7, v8;
	v7 =	vand.u32 $0x1, v4;
	v8 =	vor.u32 v9, v10  }
0x1c6: {  	v9 =	vand.u32 $0x1, v12;
	vm1 =	veq.s32 v7, $0x1;
	v7 =	vor.u32 v0, v8  }
0x1c7: {  	vm2 =	veq.f32 v3, v5;
	vm3 =	veq.s32 v9, $0x1;
	vm0 =	vmand vm0, vm1;
	[tilespmem:s0+$0x1480] =	vst v7;
	s0 =	smov.u32 s30;
	s30 =	smov.u32 s28  }
.Ltmp9:
0x1c8: {  	v3 =	vmul.f32 $5.120000000e+02, v6;
	vm1 =	vmand vm2, vm3;
	v5 =	vsel vm0, $0xFFFFFFFF, v1;
	(pc) =	sbr.rel @p0 .LBB2_20-.Ltmp9, $4  }
0x1c9: {  	v7 =	vmul.f32 $5.120000000e+02, v11;
	v6 =	vsel vm1, $0xFFFFFFFF, v1;
	v4 =	vadd.s32 v4, v5  }
0x1ca: {  	v5 =	vtrunc.f32 v3;
	v9 =	vadd.s32 v12, v6;
	vm0 =	vgt.s32 v4, $0x0  }
0x1cb: {  	s28 =	sshra.s32 s2, $0x2;
	v8 =	vtrunc.f32 v7;
	vm1 =	vgt.s32 v9, $0x0;
	v10 =	vnsel vm0, $0x0, v4  }
0x1cc: {  	s2 =	sadd.s32 $0x40, s2;
	v6 =	vld [tilespmem:s28+$0x900];
	v4 =	vcvt.f32.s32 v8;
	v9 =	vnsel vm1, $0x0, v9;
	v10 =	vmin.u32 v10, $0x1FF  }
0x1cd: {  	v11 =	vld [tilespmem:s28+$0x980];
	_ =	sdelay $0x1  }
0x1ce: {  	v12 =	vcvt.f32.s32 v5;
	v9 =	vmin.u32 v9, $0x1FF  }
0x1cf: {  	v10 =	vshll.u32 v10, $0x9;
	vm0 =	veq.f32 v7, v8;
	vm2 =	veq.f32 v3, v5  }
0x1d0: {  	v7 =	vand.u32 $0x1, v4;
	v8 =	vor.u32 v9, v10;
	v9 =	vand.u32 $0x1, v12  }
0x1d1: {  	vm1 =	veq.s32 v7, $0x1;
	v8 =	vor.u32 v0, v8;
	v3 =	vmul.f32 $5.120000000e+02, v11  }
0x1d2: {  	vm3 =	veq.s32 v9, $0x1;
	vm0 =	vmand vm0, vm1;
	v5 =	vmul.f32 $5.120000000e+02, v6  }
0x1d3: {  	vm10 =	vmand vm2, vm3;
	v6 =	vsel vm0, $0xFFFFFFFF, v1;
	v9 =	vtrunc.f32 v3  }
0x1d4: {  	v4 =	vadd.s32 v4, v6;
	v6 =	vtrunc.f32 v5;
	v10 =	vcvt.f32.s32 v9  }
0x1d5: {  	v7 =	vsel vm10, $0xFFFFFFFF, v1;
	vm11 =	vgt.s32 v4, $0x0;
	v11 =	vcvt.f32.s32 v6  }
0x1d6: {  	v7 =	vadd.s32 v12, v7;
	v4 =	vnsel vm11, $0x0, v4;
	v63 =	vand.u32 $0x1, v10  }
0x1d7: {  	vm12 =	veq.f32 v3, v9;
	v3 =	vand.u32 $0x1, v11;
	vm13 =	veq.s32 v63, $0x1  }
0x1d8: {  	vm14 =	veq.f32 v5, v6;
	vm15 =	veq.s32 v3, $0x1;
	vm0 =	vmand vm12, vm13  }
0x1d9: {  	vm6 =	vgt.s32 v7, $0x0;
	vm2 =	vmand vm14, vm15;
	v3 =	vsel vm0, $0xFFFFFFFF, v1  }
0x1da: {  	v5 =	vnsel vm6, $0x0, v7;
	v6 =	vsel vm2, $0xFFFFFFFF, v1;
	v3 =	vadd.s32 v10, v3  }
0x1db: {  	v4 =	vmin.u32 v4, $0x1FF;
	v6 =	vadd.s32 v11, v6;
	vm7 =	vgt.s32 v3, $0x0  }
0x1dc: {  	v5 =	vmin.u32 v5, $0x1FF;
	vm8 =	vgt.s32 v6, $0x0;
	v3 =	vnsel vm7, $0x0, v3  }
0x1dd: {  	v4 =	vshll.u32 v4, $0x9;
	v6 =	vnsel vm8, $0x0, v6;
	v3 =	vmin.u32 v3, $0x1FF  }
0x1de: {  	v4 =	vor.u32 v5, v4;
	v5 =	vmin.u32 v6, $0x1FF;
	v3 =	vshll.u32 v3, $0x9  }
0x1df: {  	[tilespmem:s0+$0x1480] =	vst v8;
	v4 =	vor.u32 v0, v4;
	v3 =	vor.u32 v5, v3  }
0x1e0: {  	[tilespmem:s30+$0x1480] =	vst v4;
	v3 =	vor.u32 v0, v3  }
0x1e1: {  	s4 =	simm.s32 $0x1480;
	s2 =	simm.s32 $0x1C80;
	s0 =	simm.s32 $0x0;
	[tilespmem:s28+$0x1480] =	vst v3  }
0x1e2: {  	[tilespmem:s2], [sflag:$0x1] =	stream.indirect.gather [hbm4b:s1+s25], $0x1, s4, s25, $0xb8;
	[tilespmem:$0x2880] =	vst v63  }
0x1e3: {  	v3 =	vld [tilespmem:s0+$0xA80]  }
0x1e4: {  	v4 =	vld [tilespmem:s0+$0xA00];
	_ =	sdelay $0x3  }
0x1e5: {  	v3 =	vmul.f32 $5.120000000e+02, v3  }
0x1e6: {  	v4 =	vmul.f32 $5.120000000e+02, v4  }
0x1e7: {  	s30 =	simm.s32 $0x10;
	v5 =	vtrunc.f32 v3  }
0x1e8: {  	v7 =	vld [tilespmem:s30+$0xA00];
	v6 =	vtrunc.f32 v4;
	v8 =	vcvt.f32.s32 v5  }
0x1e9: {  	v9 =	vld [tilespmem:s30+$0xA80];
	v10 =	vcvt.f32.s32 v6  }
0x1ea: {  	v11 =	vand.u32 $0x1, v8  }
0x1eb: {  	vm9 =	veq.f32 v3, v5;
	v3 =	vand.u32 $0x1, v10;
	vm10 =	veq.s32 v11, $0x1  }
0x1ec: {  	vm11 =	veq.f32 v4, v6;
	vm12 =	veq.s32 v3, $0x1;
	vm0 =	vmand vm9, vm10  }
0x1ed: {  	v3 =	vmul.f32 $5.120000000e+02, v7;
	vm13 =	vmand vm11, vm12;
	v4 =	vsel vm0, $0xFFFFFFFF, v1  }
0x1ee: {  	v7 =	vmul.f32 $5.120000000e+02, v9;
	v6 =	vsel vm13, $0xFFFFFFFF, v1;
	v4 =	vadd.s32 v8, v4  }
0x1ef: {  	v5 =	vtrunc.f32 v3;
	v9 =	vadd.s32 v10, v6;
	vm14 =	vgt.s32 v4, $0x0  }
0x1f0: {  	s28 =	simm.s32 $0x20;
	v8 =	vtrunc.f32 v7;
	vm15 =	vgt.s32 v9, $0x0;
	v10 =	vnsel vm14, $0x0, v4  }
0x1f1: {  	s2 =	simm.s32 $0xC0;
	v6 =	vld [tilespmem:s28+$0xA00];
	v4 =	vcvt.f32.s32 v8;
	v9 =	vnsel vm15, $0x0, v9;
	v10 =	vmin.u32 v10, $0x1FF  }
.LBB2_22:
0x1f2: {  	p0 =	sne.s32 s2, $0x1C0;
	v11 =	vld [tilespmem:s28+$0xA80];
	v12 =	vcvt.f32.s32 v5;
	v9 =	vmin.u32 v9, $0x1FF;
	v10 =	vshll.u32 v10, $0x9  }
0x1f3: {  	vm0 =	veq.f32 v7, v8;
	v7 =	vand.u32 $0x1, v4;
	v8 =	vor.u32 v9, v10  }
0x1f4: {  	v9 =	vand.u32 $0x1, v12;
	vm1 =	veq.s32 v7, $0x1;
	v7 =	vor.u32 v0, v8  }
0x1f5: {  	vm2 =	veq.f32 v3, v5;
	vm3 =	veq.s32 v9, $0x1;
	vm0 =	vmand vm0, vm1;
	[tilespmem:s0+$0x1500] =	vst v7;
	s0 =	smov.u32 s30;
	s30 =	smov.u32 s28  }
.Ltmp10:
0x1f6: {  	v3 =	vmul.f32 $5.120000000e+02, v6;
	vm1 =	vmand vm2, vm3;
	v5 =	vsel vm0, $0xFFFFFFFF, v1;
	(pc) =	sbr.rel @p0 .LBB2_22-.Ltmp10, $4  }
0x1f7: {  	v7 =	vmul.f32 $5.120000000e+02, v11;
	v6 =	vsel vm1, $0xFFFFFFFF, v1;
	v4 =	vadd.s32 v4, v5  }
0x1f8: {  	v5 =	vtrunc.f32 v3;
	v9 =	vadd.s32 v12, v6;
	vm0 =	vgt.s32 v4, $0x0  }
0x1f9: {  	s28 =	sshra.s32 s2, $0x2;
	v8 =	vtrunc.f32 v7;
	vm1 =	vgt.s32 v9, $0x0;
	v10 =	vnsel vm0, $0x0, v4  }
0x1fa: {  	s2 =	sadd.s32 $0x40, s2;
	v6 =	vld [tilespmem:s28+$0xA00];
	v4 =	vcvt.f32.s32 v8;
	v9 =	vnsel vm1, $0x0, v9;
	v10 =	vmin.u32 v10, $0x1FF  }
0x1fb: {  	v11 =	vld [tilespmem:s28+$0xA80];
	_ =	sdelay $0x1  }
0x1fc: {  	v12 =	vcvt.f32.s32 v5;
	v9 =	vmin.u32 v9, $0x1FF  }
0x1fd: {  	v10 =	vshll.u32 v10, $0x9;
	vm0 =	veq.f32 v7, v8;
	vm2 =	veq.f32 v3, v5  }
0x1fe: {  	v7 =	vand.u32 $0x1, v4;
	v8 =	vor.u32 v9, v10;
	v9 =	vand.u32 $0x1, v12  }
0x1ff: {  	vm1 =	veq.s32 v7, $0x1;
	v8 =	vor.u32 v0, v8;
	v3 =	vmul.f32 $5.120000000e+02, v11  }
0x200: {  	vm3 =	veq.s32 v9, $0x1;
	vm0 =	vmand vm0, vm1;
	v5 =	vmul.f32 $5.120000000e+02, v6  }
0x201: {  	vm10 =	vmand vm2, vm3;
	v6 =	vsel vm0, $0xFFFFFFFF, v1;
	v9 =	vtrunc.f32 v3  }
0x202: {  	v4 =	vadd.s32 v4, v6;
	v6 =	vtrunc.f32 v5;
	v10 =	vcvt.f32.s32 v9  }
0x203: {  	v7 =	vsel vm10, $0xFFFFFFFF, v1;
	vm11 =	vgt.s32 v4, $0x0;
	v11 =	vcvt.f32.s32 v6  }
0x204: {  	v7 =	vadd.s32 v12, v7;
	v4 =	vnsel vm11, $0x0, v4;
	v63 =	vand.u32 $0x1, v10  }
0x205: {  	vm12 =	veq.f32 v3, v9;
	v3 =	vand.u32 $0x1, v11;
	vm13 =	veq.s32 v63, $0x1  }
0x206: {  	vm14 =	veq.f32 v5, v6;
	vm15 =	veq.s32 v3, $0x1;
	vm0 =	vmand vm12, vm13  }
0x207: {  	vm6 =	vgt.s32 v7, $0x0;
	vm2 =	vmand vm14, vm15;
	v3 =	vsel vm0, $0xFFFFFFFF, v1  }
0x208: {  	v5 =	vnsel vm6, $0x0, v7;
	v6 =	vsel vm2, $0xFFFFFFFF, v1;
	v3 =	vadd.s32 v10, v3  }
0x209: {  	v4 =	vmin.u32 v4, $0x1FF;
	v6 =	vadd.s32 v11, v6;
	vm7 =	vgt.s32 v3, $0x0  }
0x20a: {  	v5 =	vmin.u32 v5, $0x1FF;
	vm8 =	vgt.s32 v6, $0x0;
	v3 =	vnsel vm7, $0x0, v3  }
0x20b: {  	v4 =	vshll.u32 v4, $0x9;
	v6 =	vnsel vm8, $0x0, v6;
	v3 =	vmin.u32 v3, $0x1FF  }
0x20c: {  	v4 =	vor.u32 v5, v4;
	v5 =	vmin.u32 v6, $0x1FF;
	v3 =	vshll.u32 v3, $0x9  }
0x20d: {  	[tilespmem:s0+$0x1500] =	vst v8;
	v4 =	vor.u32 v0, v4;
	v3 =	vor.u32 v5, v3  }
0x20e: {  	[tilespmem:s30+$0x1500] =	vst v4;
	v3 =	vor.u32 v0, v3  }
0x20f: {  	s4 =	simm.s32 $0x1500;
	s2 =	simm.s32 $0x1D00;
	s0 =	simm.s32 $0x0;
	[tilespmem:s28+$0x1500] =	vst v3  }
0x210: {  	[tilespmem:s2], [sflag:$0x1] =	stream.indirect.gather [hbm4b:s1+s25], $0x1, s4, s25, $0xb8;
	[tilespmem:$0x2880] =	vst v63  }
0x211: {  	v3 =	vld [tilespmem:s0+$0xB80]  }
0x212: {  	v4 =	vld [tilespmem:s0+$0xB00];
	_ =	sdelay $0x3  }
0x213: {  	v3 =	vmul.f32 $5.120000000e+02, v3  }
0x214: {  	v4 =	vmul.f32 $5.120000000e+02, v4  }
0x215: {  	s30 =	simm.s32 $0x10;
	v5 =	vtrunc.f32 v3  }
0x216: {  	v7 =	vld [tilespmem:s30+$0xB00];
	v6 =	vtrunc.f32 v4;
	v8 =	vcvt.f32.s32 v5  }
0x217: {  	v9 =	vld [tilespmem:s30+$0xB80];
	v10 =	vcvt.f32.s32 v6  }
0x218: {  	v11 =	vand.u32 $0x1, v8  }
0x219: {  	vm9 =	veq.f32 v3, v5;
	v3 =	vand.u32 $0x1, v10;
	vm10 =	veq.s32 v11, $0x1  }
0x21a: {  	vm11 =	veq.f32 v4, v6;
	vm12 =	veq.s32 v3, $0x1;
	vm0 =	vmand vm9, vm10  }
0x21b: {  	v3 =	vmul.f32 $5.120000000e+02, v7;
	vm13 =	vmand vm11, vm12;
	v4 =	vsel vm0, $0xFFFFFFFF, v1  }
0x21c: {  	v7 =	vmul.f32 $5.120000000e+02, v9;
	v6 =	vsel vm13, $0xFFFFFFFF, v1;
	v4 =	vadd.s32 v8, v4  }
0x21d: {  	v5 =	vtrunc.f32 v3;
	v9 =	vadd.s32 v10, v6;
	vm14 =	vgt.s32 v4, $0x0  }
0x21e: {  	s28 =	simm.s32 $0x20;
	v8 =	vtrunc.f32 v7;
	vm15 =	vgt.s32 v9, $0x0;
	v10 =	vnsel vm14, $0x0, v4  }
0x21f: {  	s2 =	simm.s32 $0xC0;
	v6 =	vld [tilespmem:s28+$0xB00];
	v4 =	vcvt.f32.s32 v8;
	v9 =	vnsel vm15, $0x0, v9;
	v10 =	vmin.u32 v10, $0x1FF  }
.LBB2_24:
0x220: {  	p0 =	sne.s32 s2, $0x1C0;
	v11 =	vld [tilespmem:s28+$0xB80];
	v12 =	vcvt.f32.s32 v5;
	v9 =	vmin.u32 v9, $0x1FF;
	v10 =	vshll.u32 v10, $0x9  }
0x221: {  	vm0 =	veq.f32 v7, v8;
	v7 =	vand.u32 $0x1, v4;
	v8 =	vor.u32 v9, v10  }
0x222: {  	v9 =	vand.u32 $0x1, v12;
	vm1 =	veq.s32 v7, $0x1;
	v7 =	vor.u32 v0, v8  }
0x223: {  	vm2 =	veq.f32 v3, v5;
	vm3 =	veq.s32 v9, $0x1;
	vm0 =	vmand vm0, vm1;
	[tilespmem:s0+$0x1580] =	vst v7;
	s0 =	smov.u32 s30;
	s30 =	smov.u32 s28  }
.Ltmp11:
0x224: {  	v3 =	vmul.f32 $5.120000000e+02, v6;
	vm1 =	vmand vm2, vm3;
	v5 =	vsel vm0, $0xFFFFFFFF, v1;
	(pc) =	sbr.rel @p0 .LBB2_24-.Ltmp11, $4  }
0x225: {  	v7 =	vmul.f32 $5.120000000e+02, v11;
	v6 =	vsel vm1, $0xFFFFFFFF, v1;
	v4 =	vadd.s32 v4, v5  }
0x226: {  	v5 =	vtrunc.f32 v3;
	v9 =	vadd.s32 v12, v6;
	vm0 =	vgt.s32 v4, $0x0  }
0x227: {  	s28 =	sshra.s32 s2, $0x2;
	v8 =	vtrunc.f32 v7;
	vm1 =	vgt.s32 v9, $0x0;
	v10 =	vnsel vm0, $0x0, v4  }
0x228: {  	s2 =	sadd.s32 $0x40, s2;
	v6 =	vld [tilespmem:s28+$0xB00];
	v4 =	vcvt.f32.s32 v8;
	v9 =	vnsel vm1, $0x0, v9;
	v10 =	vmin.u32 v10, $0x1FF  }
0x229: {  	v11 =	vld [tilespmem:s28+$0xB80];
	_ =	sdelay $0x1  }
0x22a: {  	v12 =	vcvt.f32.s32 v5;
	v9 =	vmin.u32 v9, $0x1FF  }
0x22b: {  	v10 =	vshll.u32 v10, $0x9;
	vm0 =	veq.f32 v7, v8;
	vm2 =	veq.f32 v3, v5  }
0x22c: {  	v7 =	vand.u32 $0x1, v4;
	v8 =	vor.u32 v9, v10;
	v9 =	vand.u32 $0x1, v12  }
0x22d: {  	vm1 =	veq.s32 v7, $0x1;
	v8 =	vor.u32 v0, v8;
	v3 =	vmul.f32 $5.120000000e+02, v11  }
0x22e: {  	vm3 =	veq.s32 v9, $0x1;
	vm0 =	vmand vm0, vm1;
	v5 =	vmul.f32 $5.120000000e+02, v6  }
0x22f: {  	vm10 =	vmand vm2, vm3;
	v6 =	vsel vm0, $0xFFFFFFFF, v1;
	v9 =	vtrunc.f32 v3  }
0x230: {  	v4 =	vadd.s32 v4, v6;
	v6 =	vtrunc.f32 v5;
	v10 =	vcvt.f32.s32 v9  }
0x231: {  	v7 =	vsel vm10, $0xFFFFFFFF, v1;
	vm11 =	vgt.s32 v4, $0x0;
	v11 =	vcvt.f32.s32 v6  }
0x232: {  	v7 =	vadd.s32 v12, v7;
	v4 =	vnsel vm11, $0x0, v4;
	v63 =	vand.u32 $0x1, v10  }
0x233: {  	vm12 =	veq.f32 v3, v9;
	v3 =	vand.u32 $0x1, v11;
	vm13 =	veq.s32 v63, $0x1  }
0x234: {  	vm14 =	veq.f32 v5, v6;
	vm15 =	veq.s32 v3, $0x1;
	vm0 =	vmand vm12, vm13  }
0x235: {  	vm6 =	vgt.s32 v7, $0x0;
	vm2 =	vmand vm14, vm15;
	v3 =	vsel vm0, $0xFFFFFFFF, v1  }
0x236: {  	v5 =	vnsel vm6, $0x0, v7;
	v6 =	vsel vm2, $0xFFFFFFFF, v1;
	v3 =	vadd.s32 v10, v3  }
0x237: {  	v4 =	vmin.u32 v4, $0x1FF;
	v6 =	vadd.s32 v11, v6;
	vm7 =	vgt.s32 v3, $0x0  }
0x238: {  	v5 =	vmin.u32 v5, $0x1FF;
	vm8 =	vgt.s32 v6, $0x0;
	v3 =	vnsel vm7, $0x0, v3  }
0x239: {  	v4 =	vshll.u32 v4, $0x9;
	v6 =	vnsel vm8, $0x0, v6;
	v3 =	vmin.u32 v3, $0x1FF  }
0x23a: {  	v4 =	vor.u32 v5, v4;
	v5 =	vmin.u32 v6, $0x1FF;
	v3 =	vshll.u32 v3, $0x9  }
0x23b: {  	[tilespmem:s0+$0x1580] =	vst v8;
	v4 =	vor.u32 v0, v4;
	v3 =	vor.u32 v5, v3  }
0x23c: {  	[tilespmem:s30+$0x1580] =	vst v4;
	v3 =	vor.u32 v0, v3  }
0x23d: {  	s4 =	simm.s32 $0x1580;
	s2 =	simm.s32 $0x1D80;
	s0 =	simm.s32 $0x0;
	[tilespmem:s28+$0x1580] =	vst v3  }
0x23e: {  	[tilespmem:s2], [sflag:$0x1] =	stream.indirect.gather [hbm4b:s1+s25], $0x1, s4, s25, $0xb8;
	[tilespmem:$0x2880] =	vst v63  }
0x23f: {  	v3 =	vld [tilespmem:s0+$0xC80]  }
0x240: {  	v4 =	vld [tilespmem:s0+$0xC00];
	_ =	sdelay $0x3  }
0x241: {  	v3 =	vmul.f32 $5.120000000e+02, v3  }
0x242: {  	v4 =	vmul.f32 $5.120000000e+02, v4  }
0x243: {  	s30 =	simm.s32 $0x10;
	v5 =	vtrunc.f32 v3  }
0x244: {  	v7 =	vld [tilespmem:s30+$0xC00];
	v6 =	vtrunc.f32 v4;
	v8 =	vcvt.f32.s32 v5  }
0x245: {  	v9 =	vld [tilespmem:s30+$0xC80];
	v10 =	vcvt.f32.s32 v6  }
0x246: {  	v11 =	vand.u32 $0x1, v8  }
0x247: {  	vm9 =	veq.f32 v3, v5;
	v3 =	vand.u32 $0x1, v10;
	vm10 =	veq.s32 v11, $0x1  }
0x248: {  	vm11 =	veq.f32 v4, v6;
	vm12 =	veq.s32 v3, $0x1;
	vm0 =	vmand vm9, vm10  }
0x249: {  	v3 =	vmul.f32 $5.120000000e+02, v7;
	vm13 =	vmand vm11, vm12;
	v4 =	vsel vm0, $0xFFFFFFFF, v1  }
0x24a: {  	v7 =	vmul.f32 $5.120000000e+02, v9;
	v6 =	vsel vm13, $0xFFFFFFFF, v1;
	v4 =	vadd.s32 v8, v4  }
0x24b: {  	v5 =	vtrunc.f32 v3;
	v9 =	vadd.s32 v10, v6;
	vm14 =	vgt.s32 v4, $0x0  }
0x24c: {  	s28 =	simm.s32 $0x20;
	v8 =	vtrunc.f32 v7;
	vm15 =	vgt.s32 v9, $0x0;
	v10 =	vnsel vm14, $0x0, v4  }
0x24d: {  	s2 =	simm.s32 $0xC0;
	v6 =	vld [tilespmem:s28+$0xC00];
	v4 =	vcvt.f32.s32 v8;
	v9 =	vnsel vm15, $0x0, v9;
	v10 =	vmin.u32 v10, $0x1FF  }
.LBB2_26:
0x24e: {  	p0 =	sne.s32 s2, $0x1C0;
	v11 =	vld [tilespmem:s28+$0xC80];
	v12 =	vcvt.f32.s32 v5;
	v9 =	vmin.u32 v9, $0x1FF;
	v10 =	vshll.u32 v10, $0x9  }
0x24f: {  	vm0 =	veq.f32 v7, v8;
	v7 =	vand.u32 $0x1, v4;
	v8 =	vor.u32 v9, v10  }
0x250: {  	v9 =	vand.u32 $0x1, v12;
	vm1 =	veq.s32 v7, $0x1;
	v7 =	vor.u32 v0, v8  }
0x251: {  	vm2 =	veq.f32 v3, v5;
	vm3 =	veq.s32 v9, $0x1;
	vm0 =	vmand vm0, vm1;
	[tilespmem:s0+$0x1600] =	vst v7;
	s0 =	smov.u32 s30;
	s30 =	smov.u32 s28  }
.Ltmp12:
0x252: {  	v3 =	vmul.f32 $5.120000000e+02, v6;
	vm1 =	vmand vm2, vm3;
	v5 =	vsel vm0, $0xFFFFFFFF, v1;
	(pc) =	sbr.rel @p0 .LBB2_26-.Ltmp12, $4  }
0x253: {  	v7 =	vmul.f32 $5.120000000e+02, v11;
	v6 =	vsel vm1, $0xFFFFFFFF, v1;
	v4 =	vadd.s32 v4, v5  }
0x254: {  	v5 =	vtrunc.f32 v3;
	v9 =	vadd.s32 v12, v6;
	vm0 =	vgt.s32 v4, $0x0  }
0x255: {  	s28 =	sshra.s32 s2, $0x2;
	v8 =	vtrunc.f32 v7;
	vm1 =	vgt.s32 v9, $0x0;
	v10 =	vnsel vm0, $0x0, v4  }
0x256: {  	s2 =	sadd.s32 $0x40, s2;
	v6 =	vld [tilespmem:s28+$0xC00];
	v4 =	vcvt.f32.s32 v8;
	v9 =	vnsel vm1, $0x0, v9;
	v10 =	vmin.u32 v10, $0x1FF  }
0x257: {  	v11 =	vld [tilespmem:s28+$0xC80];
	_ =	sdelay $0x1  }
0x258: {  	v12 =	vcvt.f32.s32 v5;
	v9 =	vmin.u32 v9, $0x1FF  }
0x259: {  	v10 =	vshll.u32 v10, $0x9;
	vm0 =	veq.f32 v7, v8;
	vm2 =	veq.f32 v3, v5  }
0x25a: {  	v7 =	vand.u32 $0x1, v4;
	v8 =	vor.u32 v9, v10;
	v9 =	vand.u32 $0x1, v12  }
0x25b: {  	vm1 =	veq.s32 v7, $0x1;
	v8 =	vor.u32 v0, v8;
	v3 =	vmul.f32 $5.120000000e+02, v11  }
0x25c: {  	vm3 =	veq.s32 v9, $0x1;
	vm0 =	vmand vm0, vm1;
	v5 =	vmul.f32 $5.120000000e+02, v6  }
0x25d: {  	vm10 =	vmand vm2, vm3;
	v6 =	vsel vm0, $0xFFFFFFFF, v1;
	v9 =	vtrunc.f32 v3  }
0x25e: {  	v4 =	vadd.s32 v4, v6;
	v6 =	vtrunc.f32 v5;
	v10 =	vcvt.f32.s32 v9  }
0x25f: {  	v7 =	vsel vm10, $0xFFFFFFFF, v1;
	vm11 =	vgt.s32 v4, $0x0;
	v11 =	vcvt.f32.s32 v6  }
0x260: {  	v7 =	vadd.s32 v12, v7;
	v4 =	vnsel vm11, $0x0, v4;
	v63 =	vand.u32 $0x1, v10  }
0x261: {  	vm12 =	veq.f32 v3, v9;
	v3 =	vand.u32 $0x1, v11;
	vm13 =	veq.s32 v63, $0x1  }
0x262: {  	vm14 =	veq.f32 v5, v6;
	vm15 =	veq.s32 v3, $0x1;
	vm0 =	vmand vm12, vm13  }
0x263: {  	vm6 =	vgt.s32 v7, $0x0;
	vm2 =	vmand vm14, vm15;
	v3 =	vsel vm0, $0xFFFFFFFF, v1  }
0x264: {  	v5 =	vnsel vm6, $0x0, v7;
	v6 =	vsel vm2, $0xFFFFFFFF, v1;
	v3 =	vadd.s32 v10, v3  }
0x265: {  	v4 =	vmin.u32 v4, $0x1FF;
	v6 =	vadd.s32 v11, v6;
	vm7 =	vgt.s32 v3, $0x0  }
0x266: {  	v5 =	vmin.u32 v5, $0x1FF;
	vm8 =	vgt.s32 v6, $0x0;
	v3 =	vnsel vm7, $0x0, v3  }
0x267: {  	v4 =	vshll.u32 v4, $0x9;
	v6 =	vnsel vm8, $0x0, v6;
	v3 =	vmin.u32 v3, $0x1FF  }
0x268: {  	v4 =	vor.u32 v5, v4;
	v5 =	vmin.u32 v6, $0x1FF;
	v3 =	vshll.u32 v3, $0x9  }
0x269: {  	[tilespmem:s0+$0x1600] =	vst v8;
	v4 =	vor.u32 v0, v4;
	v3 =	vor.u32 v5, v3  }
0x26a: {  	[tilespmem:s30+$0x1600] =	vst v4;
	v3 =	vor.u32 v0, v3  }
0x26b: {  	s4 =	simm.s32 $0x1600;
	s2 =	simm.s32 $0x1E00;
	s0 =	simm.s32 $0x0;
	[tilespmem:s28+$0x1600] =	vst v3  }
0x26c: {  	[tilespmem:s2], [sflag:$0x1] =	stream.indirect.gather [hbm4b:s1+s25], $0x1, s4, s25, $0xb8;
	[tilespmem:$0x2880] =	vst v63  }
0x26d: {  	v3 =	vld [tilespmem:s0+$0xD80]  }
0x26e: {  	v4 =	vld [tilespmem:s0+$0xD00];
	_ =	sdelay $0x3  }
0x26f: {  	v3 =	vmul.f32 $5.120000000e+02, v3  }
0x270: {  	v4 =	vmul.f32 $5.120000000e+02, v4  }
0x271: {  	s30 =	simm.s32 $0x10;
	v5 =	vtrunc.f32 v3  }
0x272: {  	v7 =	vld [tilespmem:s30+$0xD00];
	v6 =	vtrunc.f32 v4;
	v8 =	vcvt.f32.s32 v5  }
0x273: {  	v9 =	vld [tilespmem:s30+$0xD80];
	v10 =	vcvt.f32.s32 v6  }
0x274: {  	v11 =	vand.u32 $0x1, v8  }
0x275: {  	vm9 =	veq.f32 v3, v5;
	v3 =	vand.u32 $0x1, v10;
	vm10 =	veq.s32 v11, $0x1  }
0x276: {  	vm11 =	veq.f32 v4, v6;
	vm12 =	veq.s32 v3, $0x1;
	vm0 =	vmand vm9, vm10  }
0x277: {  	v3 =	vmul.f32 $5.120000000e+02, v7;
	vm13 =	vmand vm11, vm12;
	v4 =	vsel vm0, $0xFFFFFFFF, v1  }
0x278: {  	v7 =	vmul.f32 $5.120000000e+02, v9;
	v6 =	vsel vm13, $0xFFFFFFFF, v1;
	v4 =	vadd.s32 v8, v4  }
0x279: {  	v5 =	vtrunc.f32 v3;
	v9 =	vadd.s32 v10, v6;
	vm14 =	vgt.s32 v4, $0x0  }
0x27a: {  	s28 =	simm.s32 $0x20;
	v8 =	vtrunc.f32 v7;
	vm15 =	vgt.s32 v9, $0x0;
	v10 =	vnsel vm14, $0x0, v4  }
0x27b: {  	s2 =	simm.s32 $0xC0;
	v6 =	vld [tilespmem:s28+$0xD00];
	v4 =	vcvt.f32.s32 v8;
	v9 =	vnsel vm15, $0x0, v9;
	v10 =	vmin.u32 v10, $0x1FF  }
.LBB2_28:
0x27c: {  	p0 =	sne.s32 s2, $0x1C0;
	v11 =	vld [tilespmem:s28+$0xD80];
	v12 =	vcvt.f32.s32 v5;
	v9 =	vmin.u32 v9, $0x1FF;
	v10 =	vshll.u32 v10, $0x9  }
0x27d: {  	vm0 =	veq.f32 v7, v8;
	v7 =	vand.u32 $0x1, v4;
	v8 =	vor.u32 v9, v10  }
0x27e: {  	v9 =	vand.u32 $0x1, v12;
	vm1 =	veq.s32 v7, $0x1;
	v7 =	vor.u32 v0, v8  }
0x27f: {  	vm2 =	veq.f32 v3, v5;
	vm3 =	veq.s32 v9, $0x1;
	vm0 =	vmand vm0, vm1;
	[tilespmem:s0+$0x1680] =	vst v7;
	s0 =	smov.u32 s30;
	s30 =	smov.u32 s28  }
.Ltmp13:
0x280: {  	v3 =	vmul.f32 $5.120000000e+02, v6;
	vm1 =	vmand vm2, vm3;
	v5 =	vsel vm0, $0xFFFFFFFF, v1;
	(pc) =	sbr.rel @p0 .LBB2_28-.Ltmp13, $4  }
0x281: {  	v7 =	vmul.f32 $5.120000000e+02, v11;
	v6 =	vsel vm1, $0xFFFFFFFF, v1;
	v4 =	vadd.s32 v4, v5  }
0x282: {  	v5 =	vtrunc.f32 v3;
	v9 =	vadd.s32 v12, v6;
	vm0 =	vgt.s32 v4, $0x0  }
0x283: {  	s28 =	sshra.s32 s2, $0x2;
	v8 =	vtrunc.f32 v7;
	vm1 =	vgt.s32 v9, $0x0;
	v10 =	vnsel vm0, $0x0, v4  }
0x284: {  	s2 =	sadd.s32 $0x40, s2;
	v6 =	vld [tilespmem:s28+$0xD00];
	v4 =	vcvt.f32.s32 v8;
	v9 =	vnsel vm1, $0x0, v9;
	v10 =	vmin.u32 v10, $0x1FF  }
0x285: {  	v11 =	vld [tilespmem:s28+$0xD80];
	_ =	sdelay $0x1  }
0x286: {  	v12 =	vcvt.f32.s32 v5;
	v9 =	vmin.u32 v9, $0x1FF  }
0x287: {  	v10 =	vshll.u32 v10, $0x9;
	vm0 =	veq.f32 v7, v8;
	vm2 =	veq.f32 v3, v5  }
0x288: {  	v7 =	vand.u32 $0x1, v4;
	v8 =	vor.u32 v9, v10;
	v9 =	vand.u32 $0x1, v12  }
0x289: {  	vm1 =	veq.s32 v7, $0x1;
	v8 =	vor.u32 v0, v8;
	v3 =	vmul.f32 $5.120000000e+02, v11  }
0x28a: {  	vm3 =	veq.s32 v9, $0x1;
	vm0 =	vmand vm0, vm1;
	v5 =	vmul.f32 $5.120000000e+02, v6  }
0x28b: {  	vm10 =	vmand vm2, vm3;
	v6 =	vsel vm0, $0xFFFFFFFF, v1;
	v9 =	vtrunc.f32 v3  }
0x28c: {  	v4 =	vadd.s32 v4, v6;
	v6 =	vtrunc.f32 v5;
	v10 =	vcvt.f32.s32 v9  }
0x28d: {  	v7 =	vsel vm10, $0xFFFFFFFF, v1;
	vm11 =	vgt.s32 v4, $0x0;
	v11 =	vcvt.f32.s32 v6  }
0x28e: {  	v7 =	vadd.s32 v12, v7;
	v4 =	vnsel vm11, $0x0, v4;
	v63 =	vand.u32 $0x1, v10  }
0x28f: {  	vm12 =	veq.f32 v3, v9;
	v3 =	vand.u32 $0x1, v11;
	vm13 =	veq.s32 v63, $0x1  }
0x290: {  	vm14 =	veq.f32 v5, v6;
	vm15 =	veq.s32 v3, $0x1;
	vm0 =	vmand vm12, vm13  }
0x291: {  	vm6 =	vgt.s32 v7, $0x0;
	vm2 =	vmand vm14, vm15;
	v3 =	vsel vm0, $0xFFFFFFFF, v1  }
0x292: {  	v5 =	vnsel vm6, $0x0, v7;
	v6 =	vsel vm2, $0xFFFFFFFF, v1;
	v3 =	vadd.s32 v10, v3  }
0x293: {  	v4 =	vmin.u32 v4, $0x1FF;
	v6 =	vadd.s32 v11, v6;
	vm7 =	vgt.s32 v3, $0x0  }
0x294: {  	v5 =	vmin.u32 v5, $0x1FF;
	vm8 =	vgt.s32 v6, $0x0;
	v3 =	vnsel vm7, $0x0, v3  }
0x295: {  	v4 =	vshll.u32 v4, $0x9;
	v6 =	vnsel vm8, $0x0, v6;
	v3 =	vmin.u32 v3, $0x1FF  }
0x296: {  	v4 =	vor.u32 v5, v4;
	v5 =	vmin.u32 v6, $0x1FF;
	v3 =	vshll.u32 v3, $0x9  }
0x297: {  	[tilespmem:s0+$0x1680] =	vst v8;
	v4 =	vor.u32 v0, v4;
	v3 =	vor.u32 v5, v3  }
0x298: {  	[tilespmem:s30+$0x1680] =	vst v4;
	v3 =	vor.u32 v0, v3  }
0x299: {  	s4 =	simm.s32 $0x1680;
	s2 =	simm.s32 $0x1E80;
	s0 =	simm.s32 $0x0;
	[tilespmem:s28+$0x1680] =	vst v3  }
0x29a: {  	[tilespmem:s2], [sflag:$0x1] =	stream.indirect.gather [hbm4b:s1+s25], $0x1, s4, s25, $0xb8;
	[tilespmem:$0x2880] =	vst v63  }
0x29b: {  	v3 =	vld [tilespmem:s0+$0xE80]  }
0x29c: {  	v4 =	vld [tilespmem:s0+$0xE00];
	_ =	sdelay $0x3  }
0x29d: {  	v3 =	vmul.f32 $5.120000000e+02, v3  }
0x29e: {  	v4 =	vmul.f32 $5.120000000e+02, v4  }
0x29f: {  	s30 =	simm.s32 $0x10;
	v5 =	vtrunc.f32 v3  }
0x2a0: {  	v7 =	vld [tilespmem:s30+$0xE00];
	v6 =	vtrunc.f32 v4;
	v8 =	vcvt.f32.s32 v5  }
0x2a1: {  	v9 =	vld [tilespmem:s30+$0xE80];
	v10 =	vcvt.f32.s32 v6  }
0x2a2: {  	v11 =	vand.u32 $0x1, v8  }
0x2a3: {  	vm9 =	veq.f32 v3, v5;
	v3 =	vand.u32 $0x1, v10;
	vm10 =	veq.s32 v11, $0x1  }
0x2a4: {  	vm11 =	veq.f32 v4, v6;
	vm12 =	veq.s32 v3, $0x1;
	vm0 =	vmand vm9, vm10  }
0x2a5: {  	v3 =	vmul.f32 $5.120000000e+02, v7;
	vm13 =	vmand vm11, vm12;
	v4 =	vsel vm0, $0xFFFFFFFF, v1  }
0x2a6: {  	v7 =	vmul.f32 $5.120000000e+02, v9;
	v6 =	vsel vm13, $0xFFFFFFFF, v1;
	v4 =	vadd.s32 v8, v4  }
0x2a7: {  	v5 =	vtrunc.f32 v3;
	v9 =	vadd.s32 v10, v6;
	vm14 =	vgt.s32 v4, $0x0  }
0x2a8: {  	s28 =	simm.s32 $0x20;
	v8 =	vtrunc.f32 v7;
	vm15 =	vgt.s32 v9, $0x0;
	v10 =	vnsel vm14, $0x0, v4  }
0x2a9: {  	s2 =	simm.s32 $0xC0;
	v6 =	vld [tilespmem:s28+$0xE00];
	v4 =	vcvt.f32.s32 v8;
	v9 =	vnsel vm15, $0x0, v9;
	v10 =	vmin.u32 v10, $0x1FF  }
.LBB2_30:
0x2aa: {  	p0 =	sne.s32 s2, $0x1C0;
	v11 =	vld [tilespmem:s28+$0xE80];
	v12 =	vcvt.f32.s32 v5;
	v9 =	vmin.u32 v9, $0x1FF;
	v10 =	vshll.u32 v10, $0x9  }
0x2ab: {  	vm0 =	veq.f32 v7, v8;
	v7 =	vand.u32 $0x1, v4;
	v8 =	vor.u32 v9, v10  }
0x2ac: {  	v9 =	vand.u32 $0x1, v12;
	vm1 =	veq.s32 v7, $0x1;
	v7 =	vor.u32 v0, v8  }
0x2ad: {  	vm2 =	veq.f32 v3, v5;
	vm3 =	veq.s32 v9, $0x1;
	vm0 =	vmand vm0, vm1;
	[tilespmem:s0+$0x1700] =	vst v7;
	s0 =	smov.u32 s30;
	s30 =	smov.u32 s28  }
.Ltmp14:
0x2ae: {  	v3 =	vmul.f32 $5.120000000e+02, v6;
	vm1 =	vmand vm2, vm3;
	v5 =	vsel vm0, $0xFFFFFFFF, v1;
	(pc) =	sbr.rel @p0 .LBB2_30-.Ltmp14, $4  }
0x2af: {  	v7 =	vmul.f32 $5.120000000e+02, v11;
	v6 =	vsel vm1, $0xFFFFFFFF, v1;
	v4 =	vadd.s32 v4, v5  }
0x2b0: {  	v5 =	vtrunc.f32 v3;
	v9 =	vadd.s32 v12, v6;
	vm0 =	vgt.s32 v4, $0x0  }
0x2b1: {  	s28 =	sshra.s32 s2, $0x2;
	v8 =	vtrunc.f32 v7;
	vm1 =	vgt.s32 v9, $0x0;
	v10 =	vnsel vm0, $0x0, v4  }
0x2b2: {  	s2 =	sadd.s32 $0x40, s2;
	v6 =	vld [tilespmem:s28+$0xE00];
	v4 =	vcvt.f32.s32 v8;
	v9 =	vnsel vm1, $0x0, v9;
	v10 =	vmin.u32 v10, $0x1FF  }
0x2b3: {  	v11 =	vld [tilespmem:s28+$0xE80];
	_ =	sdelay $0x1  }
0x2b4: {  	v12 =	vcvt.f32.s32 v5;
	v9 =	vmin.u32 v9, $0x1FF  }
0x2b5: {  	v10 =	vshll.u32 v10, $0x9;
	vm0 =	veq.f32 v7, v8;
	vm2 =	veq.f32 v3, v5  }
0x2b6: {  	v7 =	vand.u32 $0x1, v4;
	v8 =	vor.u32 v9, v10;
	v9 =	vand.u32 $0x1, v12  }
0x2b7: {  	vm1 =	veq.s32 v7, $0x1;
	v8 =	vor.u32 v0, v8;
	v3 =	vmul.f32 $5.120000000e+02, v11  }
0x2b8: {  	vm3 =	veq.s32 v9, $0x1;
	vm0 =	vmand vm0, vm1;
	v5 =	vmul.f32 $5.120000000e+02, v6  }
0x2b9: {  	vm10 =	vmand vm2, vm3;
	v6 =	vsel vm0, $0xFFFFFFFF, v1;
	v9 =	vtrunc.f32 v3  }
0x2ba: {  	v4 =	vadd.s32 v4, v6;
	v6 =	vtrunc.f32 v5;
	v10 =	vcvt.f32.s32 v9  }
0x2bb: {  	v7 =	vsel vm10, $0xFFFFFFFF, v1;
	vm11 =	vgt.s32 v4, $0x0;
	v11 =	vcvt.f32.s32 v6  }
0x2bc: {  	v7 =	vadd.s32 v12, v7;
	v4 =	vnsel vm11, $0x0, v4;
	v63 =	vand.u32 $0x1, v10  }
0x2bd: {  	vm12 =	veq.f32 v3, v9;
	v3 =	vand.u32 $0x1, v11;
	vm13 =	veq.s32 v63, $0x1  }
0x2be: {  	vm14 =	veq.f32 v5, v6;
	vm15 =	veq.s32 v3, $0x1;
	vm0 =	vmand vm12, vm13  }
0x2bf: {  	vm6 =	vgt.s32 v7, $0x0;
	vm2 =	vmand vm14, vm15;
	v3 =	vsel vm0, $0xFFFFFFFF, v1  }
0x2c0: {  	v5 =	vnsel vm6, $0x0, v7;
	v6 =	vsel vm2, $0xFFFFFFFF, v1;
	v3 =	vadd.s32 v10, v3  }
0x2c1: {  	v4 =	vmin.u32 v4, $0x1FF;
	v6 =	vadd.s32 v11, v6;
	vm7 =	vgt.s32 v3, $0x0  }
0x2c2: {  	v5 =	vmin.u32 v5, $0x1FF;
	vm8 =	vgt.s32 v6, $0x0;
	v3 =	vnsel vm7, $0x0, v3  }
0x2c3: {  	v4 =	vshll.u32 v4, $0x9;
	v6 =	vnsel vm8, $0x0, v6;
	v3 =	vmin.u32 v3, $0x1FF  }
0x2c4: {  	v4 =	vor.u32 v5, v4;
	v5 =	vmin.u32 v6, $0x1FF;
	v3 =	vshll.u32 v3, $0x9  }
0x2c5: {  	[tilespmem:s0+$0x1700] =	vst v8;
	v4 =	vor.u32 v0, v4;
	v3 =	vor.u32 v5, v3  }
0x2c6: {  	[tilespmem:s30+$0x1700] =	vst v4;
	v3 =	vor.u32 v0, v3  }
0x2c7: {  	s4 =	simm.s32 $0x1700;
	s2 =	simm.s32 $0x1F00;
	s0 =	simm.s32 $0x0;
	[tilespmem:s28+$0x1700] =	vst v3  }
0x2c8: {  	[tilespmem:s2], [sflag:$0x1] =	stream.indirect.gather [hbm4b:s1+s25], $0x1, s4, s25, $0xb8;
	[tilespmem:$0x2880] =	vst v63  }
0x2c9: {  	v3 =	vld [tilespmem:s0+$0xF80]  }
0x2ca: {  	v4 =	vld [tilespmem:s0+$0xF00];
	_ =	sdelay $0x3  }
0x2cb: {  	v3 =	vmul.f32 $5.120000000e+02, v3  }
0x2cc: {  	v4 =	vmul.f32 $5.120000000e+02, v4  }
0x2cd: {  	s30 =	simm.s32 $0x10;
	v5 =	vtrunc.f32 v3  }
0x2ce: {  	v7 =	vld [tilespmem:s30+$0xF00];
	v6 =	vtrunc.f32 v4;
	v8 =	vcvt.f32.s32 v5  }
0x2cf: {  	v9 =	vld [tilespmem:s30+$0xF80];
	v10 =	vcvt.f32.s32 v6  }
0x2d0: {  	v11 =	vand.u32 $0x1, v8  }
0x2d1: {  	vm9 =	veq.f32 v3, v5;
	v3 =	vand.u32 $0x1, v10;
	vm10 =	veq.s32 v11, $0x1  }
0x2d2: {  	vm11 =	veq.f32 v4, v6;
	vm12 =	veq.s32 v3, $0x1;
	vm0 =	vmand vm9, vm10  }
0x2d3: {  	v3 =	vmul.f32 $5.120000000e+02, v7;
	vm13 =	vmand vm11, vm12;
	v4 =	vsel vm0, $0xFFFFFFFF, v1  }
0x2d4: {  	v7 =	vmul.f32 $5.120000000e+02, v9;
	v6 =	vsel vm13, $0xFFFFFFFF, v1;
	v4 =	vadd.s32 v8, v4  }
0x2d5: {  	v5 =	vtrunc.f32 v3;
	v9 =	vadd.s32 v10, v6;
	vm14 =	vgt.s32 v4, $0x0  }
0x2d6: {  	s28 =	simm.s32 $0x20;
	v8 =	vtrunc.f32 v7;
	vm15 =	vgt.s32 v9, $0x0;
	v10 =	vnsel vm14, $0x0, v4  }
0x2d7: {  	s2 =	simm.s32 $0xC0;
	v6 =	vld [tilespmem:s28+$0xF00];
	v4 =	vcvt.f32.s32 v8;
	v9 =	vnsel vm15, $0x0, v9;
	v10 =	vmin.u32 v10, $0x1FF  }
.LBB2_32:
0x2d8: {  	p0 =	sne.s32 s2, $0x1C0;
	v11 =	vld [tilespmem:s28+$0xF80];
	v12 =	vcvt.f32.s32 v5;
	v9 =	vmin.u32 v9, $0x1FF;
	v10 =	vshll.u32 v10, $0x9  }
0x2d9: {  	vm0 =	veq.f32 v7, v8;
	v7 =	vand.u32 $0x1, v4;
	v8 =	vor.u32 v9, v10  }
0x2da: {  	v9 =	vand.u32 $0x1, v12;
	vm1 =	veq.s32 v7, $0x1;
	v7 =	vor.u32 v0, v8  }
0x2db: {  	vm2 =	veq.f32 v3, v5;
	vm3 =	veq.s32 v9, $0x1;
	vm0 =	vmand vm0, vm1;
	[tilespmem:s0+$0x1780] =	vst v7;
	s0 =	smov.u32 s30;
	s30 =	smov.u32 s28  }
.Ltmp15:
0x2dc: {  	v3 =	vmul.f32 $5.120000000e+02, v6;
	vm1 =	vmand vm2, vm3;
	v5 =	vsel vm0, $0xFFFFFFFF, v1;
	(pc) =	sbr.rel @p0 .LBB2_32-.Ltmp15, $4  }
0x2dd: {  	v7 =	vmul.f32 $5.120000000e+02, v11;
	v6 =	vsel vm1, $0xFFFFFFFF, v1;
	v4 =	vadd.s32 v4, v5  }
0x2de: {  	v5 =	vtrunc.f32 v3;
	v9 =	vadd.s32 v12, v6;
	vm0 =	vgt.s32 v4, $0x0  }
0x2df: {  	s28 =	sshra.s32 s2, $0x2;
	v8 =	vtrunc.f32 v7;
	vm1 =	vgt.s32 v9, $0x0;
	v10 =	vnsel vm0, $0x0, v4  }
0x2e0: {  	s2 =	sadd.s32 $0x40, s2;
	v6 =	vld [tilespmem:s28+$0xF00];
	v4 =	vcvt.f32.s32 v8;
	v9 =	vnsel vm1, $0x0, v9;
	v10 =	vmin.u32 v10, $0x1FF  }
0x2e1: {  	v11 =	vld [tilespmem:s28+$0xF80];
	_ =	sdelay $0x1  }
0x2e2: {  	v12 =	vcvt.f32.s32 v5;
	v9 =	vmin.u32 v9, $0x1FF  }
0x2e3: {  	v10 =	vshll.u32 v10, $0x9;
	vm0 =	veq.f32 v7, v8;
	vm2 =	veq.f32 v3, v5  }
0x2e4: {  	v53 =	vand.u32 $0x1, v4;
	v54 =	vor.u32 v9, v10;
	v55 =	vand.u32 $0x1, v12  }
0x2e5: {  	vm1 =	veq.s32 v53, $0x1;
	v8 =	vor.u32 v0, v54;
	v3 =	vmul.f32 $5.120000000e+02, v11  }
0x2e6: {  	vm3 =	veq.s32 v55, $0x1;
	vm0 =	vmand vm0, vm1;
	v5 =	vmul.f32 $5.120000000e+02, v6  }
0x2e7: {  	vm7 =	vmand vm2, vm3;
	v56 =	vsel vm0, $0xFFFFFFFF, v1;
	v58 =	vtrunc.f32 v3  }
0x2e8: {  	v4 =	vadd.s32 v4, v56;
	v59 =	vtrunc.f32 v5;
	v60 =	vcvt.f32.s32 v58  }
0x2e9: {  	v57 =	vsel vm7, $0xFFFFFFFF, v1;
	vm8 =	vgt.s32 v4, $0x0;
	v61 =	vcvt.f32.s32 v59  }
0x2ea: {  	v7 =	vadd.s32 v12, v57;
	v4 =	vnsel vm8, $0x0, v4;
	v62 =	vand.u32 $0x1, v60  }
0x2eb: {  	vm9 =	veq.f32 v3, v58;
	v3 =	vand.u32 $0x1, v61;
	vm10 =	veq.s32 v62, $0x1  }
0x2ec: {  	vm11 =	veq.f32 v5, v59;
	vm12 =	veq.s32 v3, $0x1;
	vm0 =	vmand vm9, vm10  }
0x2ed: {  	vm13 =	vgt.s32 v7, $0x0;
	vm2 =	vmand vm11, vm12;
	v3 =	vsel vm0, $0xFFFFFFFF, v1  }
0x2ee: {  	v5 =	vnsel vm13, $0x0, v7;
	v63 =	vsel vm2, $0xFFFFFFFF, v1;
	v3 =	vadd.s32 v60, v3  }
0x2ef: {  	v4 =	vmin.u32 v4, $0x1FF;
	v6 =	vadd.s32 v61, v63;
	vm14 =	vgt.s32 v3, $0x0  }
0x2f0: {  	v5 =	vmin.u32 v5, $0x1FF;
	vm15 =	vgt.s32 v6, $0x0;
	v3 =	vnsel vm14, $0x0, v3  }
0x2f1: {  	v4 =	vshll.u32 v4, $0x9;
	v6 =	vnsel vm15, $0x0, v6;
	v3 =	vmin.u32 v3, $0x1FF  }
0x2f2: {  	v4 =	vor.u32 v5, v4;
	v5 =	vmin.u32 v6, $0x1FF;
	v3 =	vshll.u32 v3, $0x9  }
0x2f3: {  	[tilespmem:s0+$0x1780] =	vst v8;
	v4 =	vor.u32 v0, v4;
	v3 =	vor.u32 v5, v3  }
0x2f4: {  	[tilespmem:s30+$0x1780] =	vst v4;
	v3 =	vor.u32 v0, v3  }
0x2f5: {  	s4 =	simm.s32 $0x1F80;
	[tilespmem:s28+$0x1780] =	vst v3  }
0x2f6: {  	[tilespmem:s4], [sflag:$0x1] =	stream.indirect.gather [hbm4b:s1+s25], $0x1, s26, s25, $0xb8;
	[tilespmem:$0x2880] =	vst v63  }
0x2f7: {  	_ =	swait.ge [sflag:s29], $0x80  }
0x2f8: {  	[sflag:s29] =	ssyncset.done $0x0  }
0x2f9: {  	[sflag:s29] =	ssyncadd.s32 $0xFFFFFF80  }
0x2fa: {  	_ =	swait.ge [sflag:s29], $0x80  }
0x2fb: {  	[sflag:s29] =	ssyncset.done $0x0  }
0x2fc: {  	[sflag:s29] =	ssyncadd.s32 $0xFFFFFF80  }
0x2fd: {  	_ =	swait.ge [sflag:s29], $0x80  }
0x2fe: {  	[sflag:s29] =	ssyncset.done $0x0  }
0x2ff: {  	[sflag:s29] =	ssyncadd.s32 $0xFFFFFF80  }
0x300: {  	_ =	swait.ge [sflag:s29], $0x80  }
0x301: {  	[sflag:s29] =	ssyncset.done $0x0  }
0x302: {  	[sflag:s29] =	ssyncadd.s32 $0xFFFFFF80  }
0x303: {  	_ =	swait.ge [sflag:s29], $0x80  }
0x304: {  	[sflag:s29] =	ssyncset.done $0x0  }
0x305: {  	[sflag:s29] =	ssyncadd.s32 $0xFFFFFF80  }
0x306: {  	_ =	swait.ge [sflag:s29], $0x80  }
0x307: {  	[sflag:s29] =	ssyncset.done $0x0  }
0x308: {  	[sflag:s29] =	ssyncadd.s32 $0xFFFFFF80  }
0x309: {  	_ =	swait.ge [sflag:s29], $0x80  }
0x30a: {  	[sflag:s29] =	ssyncset.done $0x0  }
0x30b: {  	[sflag:s29] =	ssyncadd.s32 $0xFFFFFF80  }
0x30c: {  	_ =	swait.ge [sflag:s29], $0x80  }
0x30d: {  	[sflag:s29] =	ssyncset.done $0x0  }
0x30e: {  	[sflag:s29] =	ssyncadd.s32 $0xFFFFFF80  }
0x30f: {  	_ =	swait.ge [sflag:s29], $0x80  }
0x310: {  	[sflag:s29] =	ssyncset.done $0x0  }
0x311: {  	[sflag:s29] =	ssyncadd.s32 $0xFFFFFF80  }
0x312: {  	_ =	swait.ge [sflag:s29], $0x80  }
0x313: {  	[sflag:s29] =	ssyncset.done $0x0  }
0x314: {  	[sflag:s29] =	ssyncadd.s32 $0xFFFFFF80  }
0x315: {  	_ =	swait.ge [sflag:s29], $0x80  }
0x316: {  	[sflag:s29] =	ssyncset.done $0x0  }
0x317: {  	[sflag:s29] =	ssyncadd.s32 $0xFFFFFF80  }
0x318: {  	_ =	swait.ge [sflag:s29], $0x80  }
0x319: {  	[sflag:s29] =	ssyncset.done $0x0  }
0x31a: {  	[sflag:s29] =	ssyncadd.s32 $0xFFFFFF80  }
0x31b: {  	_ =	swait.ge [sflag:s29], $0x80  }
0x31c: {  	[sflag:s29] =	ssyncset.done $0x0  }
0x31d: {  	[sflag:s29] =	ssyncadd.s32 $0xFFFFFF80  }
0x31e: {  	_ =	swait.ge [sflag:s29], $0x80  }
0x31f: {  	[sflag:s29] =	ssyncset.done $0x0  }
0x320: {  	[sflag:s29] =	ssyncadd.s32 $0xFFFFFF80  }
0x321: {  	_ =	swait.ge [sflag:s29], $0x80  }
0x322: {  	[sflag:s29] =	ssyncset.done $0x0  }
0x323: {  	[sflag:s29] =	ssyncadd.s32 $0xFFFFFF80  }
0x324: {  	_ =	swait.ge [sflag:s29], $0x80  }
0x325: {  	[sflag:s29] =	ssyncset.done $0x0  }
0x326: {  	s2 =	simm.s32 $0x1800;
	[sflag:s29] =	ssyncadd.s32 $0xFFFFFF80  }
0x327: {  	v3 =	vld [tilespmem:s2+$0x0];
	_ =	sdelay $0x4  }
0x328: {  	s4 =	sadd.s32 $0x0, s5;
	v3 =	vshll.u32 v3, $0x10  }
0x329: {  	v3 =	vadd.s32 s4, v3  }
0x32a: {  	s0 =	simm.s32 $0x1000;
	v3 =	vor.u32 v2, v3  }
0x32b: {  	s28 =	simm.s32 $0x1810;
	[tilespmem:s0+$0x0] =	vst v3  }
0x32c: {  	s30 =	simm.s32 $0x20;
	s2 =	simm.s32 $0x10;
	v3 =	vld [tilespmem:s28+$0x0]  }
.LBB2_34:
0x32d: {  	p0 =	sne.s32 s30, $0x70;
	_ =	sdelay $0x3  }
.Ltmp16:
0x32e: {  	s4 =	sadd.s32 s5, s2;
	s2 =	smov.u32 s30;
	v3 =	vshll.u32 v3, $0x10;
	(pc) =	sbr.rel @p0 .LBB2_34-.Ltmp16, $4  }
0x32f: {  	v3 =	vadd.s32 s4, v3  }
0x330: {  	s0 =	sadd.s32 $0x10, s0;
	v3 =	vor.u32 v2, v3  }
0x331: {  	s28 =	sadd.s32 $0x10, s28;
	[tilespmem:s0+$0x0] =	vst v3  }
0x332: {  	s30 =	sadd.s32 $0x10, s30;
	v3 =	vld [tilespmem:s28+$0x0]  }
0x333: {  	_ =	sdelay $0x3  }
0x334: {  	s2 =	sadd.s32 s5, s2;
	v3 =	vshll.u32 v3, $0x10  }
0x335: {  	v3 =	vadd.s32 s2, v3  }
0x336: {  	s0 =	sadd.s32 $0x10, s0;
	v3 =	vor.u32 v2, v3  }
0x337: {  	s4 =	simm.s32 $0x2000;
	s2 =	simm.s32 $0x1000;
	[tilespmem:s0+$0x0] =	vst v3  }
0x338: {  	[tilespmem:s4], [sflag:$0x1] =	stream.indirect.gather [hbm4b:s3+s25], $0x1, s2, s25, $0xb8;
	[tilespmem:$0x2880] =	vst v63  }
0x339: {  	s2 =	simm.s32 $0x1880  }
0x33a: {  	v3 =	vld [tilespmem:s2+$0x0];
	_ =	sdelay $0x4  }
0x33b: {  	s4 =	sadd.s32 $0x0, s7;
	v3 =	vshll.u32 v3, $0x10  }
0x33c: {  	v3 =	vadd.s32 s4, v3  }
0x33d: {  	s0 =	simm.s32 $0x1080;
	v3 =	vadd.s32 v2, v3  }
0x33e: {  	s28 =	simm.s32 $0x1890;
	[tilespmem:s0+$0x0] =	vst v3  }
0x33f: {  	s30 =	simm.s32 $0x20;
	s2 =	simm.s32 $0x10;
	v3 =	vld [tilespmem:s28+$0x0]  }
.LBB2_36:
0x340: {  	p0 =	sne.s32 s30, $0x70;
	_ =	sdelay $0x3  }
.Ltmp17:
0x341: {  	s4 =	sadd.s32 s7, s2;
	s2 =	smov.u32 s30;
	v3 =	vshll.u32 v3, $0x10;
	(pc) =	sbr.rel @p0 .LBB2_36-.Ltmp17, $4  }
0x342: {  	v3 =	vadd.s32 s4, v3  }
0x343: {  	s0 =	sadd.s32 $0x10, s0;
	v3 =	vadd.s32 v2, v3  }
0x344: {  	s28 =	sadd.s32 $0x10, s28;
	[tilespmem:s0+$0x0] =	vst v3  }
0x345: {  	s30 =	sadd.s32 $0x10, s30;
	v3 =	vld [tilespmem:s28+$0x0]  }
0x346: {  	_ =	sdelay $0x3  }
0x347: {  	s2 =	sadd.s32 s7, s2;
	v3 =	vshll.u32 v3, $0x10  }
0x348: {  	v3 =	vadd.s32 s2, v3  }
0x349: {  	s0 =	sadd.s32 $0x10, s0;
	v3 =	vadd.s32 v2, v3  }
0x34a: {  	s4 =	simm.s32 $0x2080;
	s2 =	simm.s32 $0x1080;
	[tilespmem:s0+$0x0] =	vst v3  }
0x34b: {  	[tilespmem:s4], [sflag:$0x1] =	stream.indirect.gather [hbm4b:s3+s25], $0x1, s2, s25, $0xb8;
	[tilespmem:$0x2880] =	vst v63  }
0x34c: {  	s2 =	simm.s32 $0x1900  }
0x34d: {  	v3 =	vld [tilespmem:s2+$0x0];
	_ =	sdelay $0x4  }
0x34e: {  	s4 =	sadd.s32 $0x0, s8;
	v3 =	vshll.u32 v3, $0x10  }
0x34f: {  	v3 =	vadd.s32 s4, v3  }
0x350: {  	s0 =	simm.s32 $0x1100;
	v3 =	vadd.s32 v2, v3  }
0x351: {  	s28 =	simm.s32 $0x1910;
	[tilespmem:s0+$0x0] =	vst v3  }
0x352: {  	s30 =	simm.s32 $0x20;
	s2 =	simm.s32 $0x10;
	v3 =	vld [tilespmem:s28+$0x0]  }
.LBB2_38:
0x353: {  	p0 =	sne.s32 s30, $0x70;
	_ =	sdelay $0x3  }
.Ltmp18:
0x354: {  	s4 =	sadd.s32 s8, s2;
	s2 =	smov.u32 s30;
	v3 =	vshll.u32 v3, $0x10;
	(pc) =	sbr.rel @p0 .LBB2_38-.Ltmp18, $4  }
0x355: {  	v3 =	vadd.s32 s4, v3  }
0x356: {  	s0 =	sadd.s32 $0x10, s0;
	v3 =	vadd.s32 v2, v3  }
0x357: {  	s28 =	sadd.s32 $0x10, s28;
	[tilespmem:s0+$0x0] =	vst v3  }
0x358: {  	s30 =	sadd.s32 $0x10, s30;
	v3 =	vld [tilespmem:s28+$0x0]  }
0x359: {  	_ =	sdelay $0x3  }
0x35a: {  	s2 =	sadd.s32 s8, s2;
	v3 =	vshll.u32 v3, $0x10  }
0x35b: {  	v3 =	vadd.s32 s2, v3  }
0x35c: {  	s0 =	sadd.s32 $0x10, s0;
	v3 =	vadd.s32 v2, v3  }
0x35d: {  	s4 =	simm.s32 $0x2100;
	s2 =	simm.s32 $0x1100;
	[tilespmem:s0+$0x0] =	vst v3  }
0x35e: {  	[tilespmem:s4], [sflag:$0x1] =	stream.indirect.gather [hbm4b:s3+s25], $0x1, s2, s25, $0xb8;
	[tilespmem:$0x2880] =	vst v63  }
0x35f: {  	s2 =	simm.s32 $0x1980  }
0x360: {  	v3 =	vld [tilespmem:s2+$0x0];
	_ =	sdelay $0x4  }
0x361: {  	s4 =	sadd.s32 $0x0, s9;
	v3 =	vshll.u32 v3, $0x10  }
0x362: {  	v3 =	vadd.s32 s4, v3  }
0x363: {  	s0 =	simm.s32 $0x1180;
	v3 =	vadd.s32 v2, v3  }
0x364: {  	s28 =	simm.s32 $0x1990;
	[tilespmem:s0+$0x0] =	vst v3  }
0x365: {  	s30 =	simm.s32 $0x20;
	s2 =	simm.s32 $0x10;
	v3 =	vld [tilespmem:s28+$0x0]  }
.LBB2_40:
0x366: {  	p0 =	sne.s32 s30, $0x70;
	_ =	sdelay $0x3  }
.Ltmp19:
0x367: {  	s4 =	sadd.s32 s9, s2;
	s2 =	smov.u32 s30;
	v3 =	vshll.u32 v3, $0x10;
	(pc) =	sbr.rel @p0 .LBB2_40-.Ltmp19, $4  }
0x368: {  	v3 =	vadd.s32 s4, v3  }
0x369: {  	s0 =	sadd.s32 $0x10, s0;
	v3 =	vadd.s32 v2, v3  }
0x36a: {  	s28 =	sadd.s32 $0x10, s28;
	[tilespmem:s0+$0x0] =	vst v3  }
0x36b: {  	s30 =	sadd.s32 $0x10, s30;
	v3 =	vld [tilespmem:s28+$0x0]  }
0x36c: {  	_ =	sdelay $0x3  }
0x36d: {  	s2 =	sadd.s32 s9, s2;
	v3 =	vshll.u32 v3, $0x10  }
0x36e: {  	v3 =	vadd.s32 s2, v3  }
0x36f: {  	s0 =	sadd.s32 $0x10, s0;
	v3 =	vadd.s32 v2, v3  }
0x370: {  	s4 =	simm.s32 $0x2180;
	s2 =	simm.s32 $0x1180;
	[tilespmem:s0+$0x0] =	vst v3  }
0x371: {  	[tilespmem:s4], [sflag:$0x1] =	stream.indirect.gather [hbm4b:s3+s25], $0x1, s2, s25, $0xb8;
	[tilespmem:$0x2880] =	vst v63  }
0x372: {  	s2 =	simm.s32 $0x1A00  }
0x373: {  	v3 =	vld [tilespmem:s2+$0x0];
	_ =	sdelay $0x4  }
0x374: {  	s4 =	sadd.s32 $0x0, s10;
	v3 =	vshll.u32 v3, $0x10  }
0x375: {  	v3 =	vadd.s32 s4, v3  }
0x376: {  	s0 =	simm.s32 $0x1200;
	v3 =	vadd.s32 v2, v3  }
0x377: {  	s28 =	simm.s32 $0x1A10;
	[tilespmem:s0+$0x0] =	vst v3  }
0x378: {  	s30 =	simm.s32 $0x20;
	s2 =	simm.s32 $0x10;
	v3 =	vld [tilespmem:s28+$0x0]  }
.LBB2_42:
0x379: {  	p0 =	sne.s32 s30, $0x70;
	_ =	sdelay $0x3  }
.Ltmp20:
0x37a: {  	s4 =	sadd.s32 s10, s2;
	s2 =	smov.u32 s30;
	v3 =	vshll.u32 v3, $0x10;
	(pc) =	sbr.rel @p0 .LBB2_42-.Ltmp20, $4  }
0x37b: {  	v3 =	vadd.s32 s4, v3  }
0x37c: {  	s0 =	sadd.s32 $0x10, s0;
	v3 =	vadd.s32 v2, v3  }
0x37d: {  	s28 =	sadd.s32 $0x10, s28;
	[tilespmem:s0+$0x0] =	vst v3  }
0x37e: {  	s30 =	sadd.s32 $0x10, s30;
	v3 =	vld [tilespmem:s28+$0x0]  }
0x37f: {  	_ =	sdelay $0x3  }
0x380: {  	s2 =	sadd.s32 s10, s2;
	v3 =	vshll.u32 v3, $0x10  }
0x381: {  	v3 =	vadd.s32 s2, v3  }
0x382: {  	s0 =	sadd.s32 $0x10, s0;
	v3 =	vadd.s32 v2, v3  }
0x383: {  	s4 =	simm.s32 $0x2200;
	s2 =	simm.s32 $0x1200;
	[tilespmem:s0+$0x0] =	vst v3  }
0x384: {  	[tilespmem:s4], [sflag:$0x1] =	stream.indirect.gather [hbm4b:s3+s25], $0x1, s2, s25, $0xb8;
	[tilespmem:$0x2880] =	vst v63  }
0x385: {  	s2 =	simm.s32 $0x1A80  }
0x386: {  	v3 =	vld [tilespmem:s2+$0x0];
	_ =	sdelay $0x4  }
0x387: {  	s4 =	sadd.s32 $0x0, s11;
	v3 =	vshll.u32 v3, $0x10  }
0x388: {  	v3 =	vadd.s32 s4, v3  }
0x389: {  	s0 =	simm.s32 $0x1280;
	v3 =	vadd.s32 v2, v3  }
0x38a: {  	s28 =	simm.s32 $0x1A90;
	[tilespmem:s0+$0x0] =	vst v3  }
0x38b: {  	s30 =	simm.s32 $0x20;
	s2 =	simm.s32 $0x10;
	v3 =	vld [tilespmem:s28+$0x0]  }
.LBB2_44:
0x38c: {  	p0 =	sne.s32 s30, $0x70;
	_ =	sdelay $0x3  }
.Ltmp21:
0x38d: {  	s4 =	sadd.s32 s11, s2;
	s2 =	smov.u32 s30;
	v3 =	vshll.u32 v3, $0x10;
	(pc) =	sbr.rel @p0 .LBB2_44-.Ltmp21, $4  }
0x38e: {  	v3 =	vadd.s32 s4, v3  }
0x38f: {  	s0 =	sadd.s32 $0x10, s0;
	v3 =	vadd.s32 v2, v3  }
0x390: {  	s28 =	sadd.s32 $0x10, s28;
	[tilespmem:s0+$0x0] =	vst v3  }
0x391: {  	s30 =	sadd.s32 $0x10, s30;
	v3 =	vld [tilespmem:s28+$0x0]  }
0x392: {  	_ =	sdelay $0x3  }
0x393: {  	s2 =	sadd.s32 s11, s2;
	v3 =	vshll.u32 v3, $0x10  }
0x394: {  	v3 =	vadd.s32 s2, v3  }
0x395: {  	s0 =	sadd.s32 $0x10, s0;
	v3 =	vadd.s32 v2, v3  }
0x396: {  	s4 =	simm.s32 $0x2280;
	s2 =	simm.s32 $0x1280;
	[tilespmem:s0+$0x0] =	vst v3  }
0x397: {  	[tilespmem:s4], [sflag:$0x1] =	stream.indirect.gather [hbm4b:s3+s25], $0x1, s2, s25, $0xb8;
	[tilespmem:$0x2880] =	vst v63  }
0x398: {  	s2 =	simm.s32 $0x1B00  }
0x399: {  	v3 =	vld [tilespmem:s2+$0x0];
	_ =	sdelay $0x4  }
0x39a: {  	s4 =	sadd.s32 $0x0, s12;
	v3 =	vshll.u32 v3, $0x10  }
0x39b: {  	v3 =	vadd.s32 s4, v3  }
0x39c: {  	s0 =	simm.s32 $0x1300;
	v3 =	vadd.s32 v2, v3  }
0x39d: {  	s28 =	simm.s32 $0x1B10;
	[tilespmem:s0+$0x0] =	vst v3  }
0x39e: {  	s30 =	simm.s32 $0x20;
	s2 =	simm.s32 $0x10;
	v3 =	vld [tilespmem:s28+$0x0]  }
.LBB2_46:
0x39f: {  	p0 =	sne.s32 s30, $0x70;
	_ =	sdelay $0x3  }
.Ltmp22:
0x3a0: {  	s4 =	sadd.s32 s12, s2;
	s2 =	smov.u32 s30;
	v3 =	vshll.u32 v3, $0x10;
	(pc) =	sbr.rel @p0 .LBB2_46-.Ltmp22, $4  }
0x3a1: {  	v3 =	vadd.s32 s4, v3  }
0x3a2: {  	s0 =	sadd.s32 $0x10, s0;
	v3 =	vadd.s32 v2, v3  }
0x3a3: {  	s28 =	sadd.s32 $0x10, s28;
	[tilespmem:s0+$0x0] =	vst v3  }
0x3a4: {  	s30 =	sadd.s32 $0x10, s30;
	v3 =	vld [tilespmem:s28+$0x0]  }
0x3a5: {  	_ =	sdelay $0x3  }
0x3a6: {  	s2 =	sadd.s32 s12, s2;
	v3 =	vshll.u32 v3, $0x10  }
0x3a7: {  	v3 =	vadd.s32 s2, v3  }
0x3a8: {  	s0 =	sadd.s32 $0x10, s0;
	v3 =	vadd.s32 v2, v3  }
0x3a9: {  	s4 =	simm.s32 $0x2300;
	s2 =	simm.s32 $0x1300;
	[tilespmem:s0+$0x0] =	vst v3  }
0x3aa: {  	[tilespmem:s4], [sflag:$0x1] =	stream.indirect.gather [hbm4b:s3+s25], $0x1, s2, s25, $0xb8;
	[tilespmem:$0x2880] =	vst v63  }
0x3ab: {  	s2 =	simm.s32 $0x1B80  }
0x3ac: {  	v3 =	vld [tilespmem:s2+$0x0];
	_ =	sdelay $0x4  }
0x3ad: {  	s4 =	sadd.s32 $0x0, s13;
	v3 =	vshll.u32 v3, $0x10  }
0x3ae: {  	v3 =	vadd.s32 s4, v3  }
0x3af: {  	s0 =	simm.s32 $0x1380;
	v3 =	vadd.s32 v2, v3  }
0x3b0: {  	s28 =	simm.s32 $0x1B90;
	[tilespmem:s0+$0x0] =	vst v3  }
0x3b1: {  	s30 =	simm.s32 $0x20;
	s2 =	simm.s32 $0x10;
	v3 =	vld [tilespmem:s28+$0x0]  }
.LBB2_48:
0x3b2: {  	p0 =	sne.s32 s30, $0x70;
	_ =	sdelay $0x3  }
.Ltmp23:
0x3b3: {  	s4 =	sadd.s32 s13, s2;
	s2 =	smov.u32 s30;
	v3 =	vshll.u32 v3, $0x10;
	(pc) =	sbr.rel @p0 .LBB2_48-.Ltmp23, $4  }
0x3b4: {  	v3 =	vadd.s32 s4, v3  }
0x3b5: {  	s0 =	sadd.s32 $0x10, s0;
	v3 =	vadd.s32 v2, v3  }
0x3b6: {  	s28 =	sadd.s32 $0x10, s28;
	[tilespmem:s0+$0x0] =	vst v3  }
0x3b7: {  	s30 =	sadd.s32 $0x10, s30;
	v3 =	vld [tilespmem:s28+$0x0]  }
0x3b8: {  	_ =	sdelay $0x3  }
0x3b9: {  	s2 =	sadd.s32 s13, s2;
	v3 =	vshll.u32 v3, $0x10  }
0x3ba: {  	v3 =	vadd.s32 s2, v3  }
0x3bb: {  	s0 =	sadd.s32 $0x10, s0;
	v3 =	vadd.s32 v2, v3  }
0x3bc: {  	s4 =	simm.s32 $0x2380;
	s2 =	simm.s32 $0x1380;
	[tilespmem:s0+$0x0] =	vst v3  }
0x3bd: {  	[tilespmem:s4], [sflag:$0x1] =	stream.indirect.gather [hbm4b:s3+s25], $0x1, s2, s25, $0xb8;
	[tilespmem:$0x2880] =	vst v63  }
0x3be: {  	s2 =	simm.s32 $0x1C00  }
0x3bf: {  	v3 =	vld [tilespmem:s2+$0x0];
	_ =	sdelay $0x4  }
0x3c0: {  	s4 =	sadd.s32 $0x0, s14;
	v3 =	vshll.u32 v3, $0x10  }
0x3c1: {  	v3 =	vadd.s32 s4, v3  }
0x3c2: {  	s0 =	simm.s32 $0x1400;
	v3 =	vadd.s32 v2, v3  }
0x3c3: {  	s28 =	simm.s32 $0x1C10;
	[tilespmem:s0+$0x0] =	vst v3  }
0x3c4: {  	s30 =	simm.s32 $0x20;
	s2 =	simm.s32 $0x10;
	v3 =	vld [tilespmem:s28+$0x0]  }
.LBB2_50:
0x3c5: {  	p0 =	sne.s32 s30, $0x70;
	_ =	sdelay $0x3  }
.Ltmp24:
0x3c6: {  	s4 =	sadd.s32 s14, s2;
	s2 =	smov.u32 s30;
	v3 =	vshll.u32 v3, $0x10;
	(pc) =	sbr.rel @p0 .LBB2_50-.Ltmp24, $4  }
0x3c7: {  	v3 =	vadd.s32 s4, v3  }
0x3c8: {  	s0 =	sadd.s32 $0x10, s0;
	v3 =	vadd.s32 v2, v3  }
0x3c9: {  	s28 =	sadd.s32 $0x10, s28;
	[tilespmem:s0+$0x0] =	vst v3  }
0x3ca: {  	s30 =	sadd.s32 $0x10, s30;
	v3 =	vld [tilespmem:s28+$0x0]  }
0x3cb: {  	_ =	sdelay $0x3  }
0x3cc: {  	s2 =	sadd.s32 s14, s2;
	v3 =	vshll.u32 v3, $0x10  }
0x3cd: {  	v3 =	vadd.s32 s2, v3  }
0x3ce: {  	s0 =	sadd.s32 $0x10, s0;
	v3 =	vadd.s32 v2, v3  }
0x3cf: {  	s4 =	simm.s32 $0x2400;
	s2 =	simm.s32 $0x1400;
	[tilespmem:s0+$0x0] =	vst v3  }
0x3d0: {  	[tilespmem:s4], [sflag:$0x1] =	stream.indirect.gather [hbm4b:s3+s25], $0x1, s2, s25, $0xb8;
	[tilespmem:$0x2880] =	vst v63  }
0x3d1: {  	s2 =	simm.s32 $0x1C80  }
0x3d2: {  	v3 =	vld [tilespmem:s2+$0x0];
	_ =	sdelay $0x4  }
0x3d3: {  	s4 =	sadd.s32 $0x0, s15;
	v3 =	vshll.u32 v3, $0x10  }
0x3d4: {  	v3 =	vadd.s32 s4, v3  }
0x3d5: {  	s0 =	simm.s32 $0x1480;
	v3 =	vadd.s32 v2, v3  }
0x3d6: {  	s28 =	simm.s32 $0x1C90;
	[tilespmem:s0+$0x0] =	vst v3  }
0x3d7: {  	s30 =	simm.s32 $0x20;
	s2 =	simm.s32 $0x10;
	v3 =	vld [tilespmem:s28+$0x0]  }
.LBB2_52:
0x3d8: {  	p0 =	sne.s32 s30, $0x70;
	_ =	sdelay $0x3  }
.Ltmp25:
0x3d9: {  	s4 =	sadd.s32 s15, s2;
	s2 =	smov.u32 s30;
	v3 =	vshll.u32 v3, $0x10;
	(pc) =	sbr.rel @p0 .LBB2_52-.Ltmp25, $4  }
0x3da: {  	v3 =	vadd.s32 s4, v3  }
0x3db: {  	s0 =	sadd.s32 $0x10, s0;
	v3 =	vadd.s32 v2, v3  }
0x3dc: {  	s28 =	sadd.s32 $0x10, s28;
	[tilespmem:s0+$0x0] =	vst v3  }
0x3dd: {  	s30 =	sadd.s32 $0x10, s30;
	v3 =	vld [tilespmem:s28+$0x0]  }
0x3de: {  	_ =	sdelay $0x3  }
0x3df: {  	s2 =	sadd.s32 s15, s2;
	v3 =	vshll.u32 v3, $0x10  }
0x3e0: {  	v3 =	vadd.s32 s2, v3  }
0x3e1: {  	s0 =	sadd.s32 $0x10, s0;
	v3 =	vadd.s32 v2, v3  }
0x3e2: {  	s4 =	simm.s32 $0x2480;
	s2 =	simm.s32 $0x1480;
	[tilespmem:s0+$0x0] =	vst v3  }
0x3e3: {  	[tilespmem:s4], [sflag:$0x1] =	stream.indirect.gather [hbm4b:s3+s25], $0x1, s2, s25, $0xb8;
	[tilespmem:$0x2880] =	vst v63  }
0x3e4: {  	s2 =	simm.s32 $0x1D00  }
0x3e5: {  	v3 =	vld [tilespmem:s2+$0x0];
	_ =	sdelay $0x4  }
0x3e6: {  	s4 =	sadd.s32 $0x0, s16;
	v3 =	vshll.u32 v3, $0x10  }
0x3e7: {  	v3 =	vadd.s32 s4, v3  }
0x3e8: {  	s0 =	simm.s32 $0x1500;
	v3 =	vadd.s32 v2, v3  }
0x3e9: {  	s28 =	simm.s32 $0x1D10;
	[tilespmem:s0+$0x0] =	vst v3  }
0x3ea: {  	s30 =	simm.s32 $0x20;
	s2 =	simm.s32 $0x10;
	v3 =	vld [tilespmem:s28+$0x0]  }
.LBB2_54:
0x3eb: {  	p0 =	sne.s32 s30, $0x70;
	_ =	sdelay $0x3  }
.Ltmp26:
0x3ec: {  	s4 =	sadd.s32 s16, s2;
	s2 =	smov.u32 s30;
	v3 =	vshll.u32 v3, $0x10;
	(pc) =	sbr.rel @p0 .LBB2_54-.Ltmp26, $4  }
0x3ed: {  	v3 =	vadd.s32 s4, v3  }
0x3ee: {  	s0 =	sadd.s32 $0x10, s0;
	v3 =	vadd.s32 v2, v3  }
0x3ef: {  	s28 =	sadd.s32 $0x10, s28;
	[tilespmem:s0+$0x0] =	vst v3  }
0x3f0: {  	s30 =	sadd.s32 $0x10, s30;
	v3 =	vld [tilespmem:s28+$0x0]  }
0x3f1: {  	_ =	sdelay $0x3  }
0x3f2: {  	s2 =	sadd.s32 s16, s2;
	v3 =	vshll.u32 v3, $0x10  }
0x3f3: {  	v3 =	vadd.s32 s2, v3  }
0x3f4: {  	s0 =	sadd.s32 $0x10, s0;
	v3 =	vadd.s32 v2, v3  }
0x3f5: {  	s4 =	simm.s32 $0x2500;
	s2 =	simm.s32 $0x1500;
	[tilespmem:s0+$0x0] =	vst v3  }
0x3f6: {  	[tilespmem:s4], [sflag:$0x1] =	stream.indirect.gather [hbm4b:s3+s25], $0x1, s2, s25, $0xb8;
	[tilespmem:$0x2880] =	vst v63  }
0x3f7: {  	s2 =	simm.s32 $0x1D80  }
0x3f8: {  	v3 =	vld [tilespmem:s2+$0x0];
	_ =	sdelay $0x4  }
0x3f9: {  	s4 =	sadd.s32 $0x0, s17;
	v3 =	vshll.u32 v3, $0x10  }
0x3fa: {  	v3 =	vadd.s32 s4, v3  }
0x3fb: {  	s0 =	simm.s32 $0x1580;
	v3 =	vadd.s32 v2, v3  }
0x3fc: {  	s28 =	simm.s32 $0x1D90;
	[tilespmem:s0+$0x0] =	vst v3  }
0x3fd: {  	s30 =	simm.s32 $0x20;
	s2 =	simm.s32 $0x10;
	v3 =	vld [tilespmem:s28+$0x0]  }
.LBB2_56:
0x3fe: {  	p0 =	sne.s32 s30, $0x70;
	_ =	sdelay $0x3  }
.Ltmp27:
0x3ff: {  	s4 =	sadd.s32 s17, s2;
	s2 =	smov.u32 s30;
	v3 =	vshll.u32 v3, $0x10;
	(pc) =	sbr.rel @p0 .LBB2_56-.Ltmp27, $4  }
0x400: {  	v3 =	vadd.s32 s4, v3  }
0x401: {  	s0 =	sadd.s32 $0x10, s0;
	v3 =	vadd.s32 v2, v3  }
0x402: {  	s28 =	sadd.s32 $0x10, s28;
	[tilespmem:s0+$0x0] =	vst v3  }
0x403: {  	s30 =	sadd.s32 $0x10, s30;
	v3 =	vld [tilespmem:s28+$0x0]  }
0x404: {  	_ =	sdelay $0x3  }
0x405: {  	s2 =	sadd.s32 s17, s2;
	v3 =	vshll.u32 v3, $0x10  }
0x406: {  	v3 =	vadd.s32 s2, v3  }
0x407: {  	s0 =	sadd.s32 $0x10, s0;
	v3 =	vadd.s32 v2, v3  }
0x408: {  	s4 =	simm.s32 $0x2580;
	s2 =	simm.s32 $0x1580;
	[tilespmem:s0+$0x0] =	vst v3  }
0x409: {  	[tilespmem:s4], [sflag:$0x1] =	stream.indirect.gather [hbm4b:s3+s25], $0x1, s2, s25, $0xb8;
	[tilespmem:$0x2880] =	vst v63  }
0x40a: {  	s2 =	simm.s32 $0x1E00  }
0x40b: {  	v3 =	vld [tilespmem:s2+$0x0];
	_ =	sdelay $0x4  }
0x40c: {  	s4 =	sadd.s32 $0x0, s18;
	v3 =	vshll.u32 v3, $0x10  }
0x40d: {  	v3 =	vadd.s32 s4, v3  }
0x40e: {  	s0 =	simm.s32 $0x1600;
	v3 =	vadd.s32 v2, v3  }
0x40f: {  	s28 =	simm.s32 $0x1E10;
	[tilespmem:s0+$0x0] =	vst v3  }
0x410: {  	s30 =	simm.s32 $0x20;
	s2 =	simm.s32 $0x10;
	v3 =	vld [tilespmem:s28+$0x0]  }
.LBB2_58:
0x411: {  	p0 =	sne.s32 s30, $0x70;
	_ =	sdelay $0x3  }
.Ltmp28:
0x412: {  	s4 =	sadd.s32 s18, s2;
	s2 =	smov.u32 s30;
	v3 =	vshll.u32 v3, $0x10;
	(pc) =	sbr.rel @p0 .LBB2_58-.Ltmp28, $4  }
0x413: {  	v3 =	vadd.s32 s4, v3  }
0x414: {  	s0 =	sadd.s32 $0x10, s0;
	v3 =	vadd.s32 v2, v3  }
0x415: {  	s28 =	sadd.s32 $0x10, s28;
	[tilespmem:s0+$0x0] =	vst v3  }
0x416: {  	s30 =	sadd.s32 $0x10, s30;
	v3 =	vld [tilespmem:s28+$0x0]  }
0x417: {  	_ =	sdelay $0x3  }
0x418: {  	s2 =	sadd.s32 s18, s2;
	v3 =	vshll.u32 v3, $0x10  }
0x419: {  	v3 =	vadd.s32 s2, v3  }
0x41a: {  	s0 =	sadd.s32 $0x10, s0;
	v3 =	vadd.s32 v2, v3  }
0x41b: {  	s4 =	simm.s32 $0x2600;
	s2 =	simm.s32 $0x1600;
	[tilespmem:s0+$0x0] =	vst v3  }
0x41c: {  	[tilespmem:s4], [sflag:$0x1] =	stream.indirect.gather [hbm4b:s3+s25], $0x1, s2, s25, $0xb8;
	[tilespmem:$0x2880] =	vst v63  }
0x41d: {  	s2 =	simm.s32 $0x1E80  }
0x41e: {  	v3 =	vld [tilespmem:s2+$0x0];
	_ =	sdelay $0x4  }
0x41f: {  	s4 =	sadd.s32 $0x0, s19;
	v3 =	vshll.u32 v3, $0x10  }
0x420: {  	v3 =	vadd.s32 s4, v3  }
0x421: {  	s0 =	simm.s32 $0x1680;
	v3 =	vadd.s32 v2, v3  }
0x422: {  	s28 =	simm.s32 $0x1E90;
	[tilespmem:s0+$0x0] =	vst v3  }
0x423: {  	s30 =	simm.s32 $0x20;
	s2 =	simm.s32 $0x10;
	v3 =	vld [tilespmem:s28+$0x0]  }
.LBB2_60:
0x424: {  	p0 =	sne.s32 s30, $0x70;
	_ =	sdelay $0x3  }
.Ltmp29:
0x425: {  	s4 =	sadd.s32 s19, s2;
	s2 =	smov.u32 s30;
	v3 =	vshll.u32 v3, $0x10;
	(pc) =	sbr.rel @p0 .LBB2_60-.Ltmp29, $4  }
0x426: {  	v3 =	vadd.s32 s4, v3  }
0x427: {  	s0 =	sadd.s32 $0x10, s0;
	v3 =	vadd.s32 v2, v3  }
0x428: {  	s28 =	sadd.s32 $0x10, s28;
	[tilespmem:s0+$0x0] =	vst v3  }
0x429: {  	s30 =	sadd.s32 $0x10, s30;
	v3 =	vld [tilespmem:s28+$0x0]  }
0x42a: {  	_ =	sdelay $0x3  }
0x42b: {  	s2 =	sadd.s32 s19, s2;
	v3 =	vshll.u32 v3, $0x10  }
0x42c: {  	v3 =	vadd.s32 s2, v3  }
0x42d: {  	s0 =	sadd.s32 $0x10, s0;
	v3 =	vadd.s32 v2, v3  }
0x42e: {  	s4 =	simm.s32 $0x2680;
	s2 =	simm.s32 $0x1680;
	[tilespmem:s0+$0x0] =	vst v3  }
0x42f: {  	[tilespmem:s4], [sflag:$0x1] =	stream.indirect.gather [hbm4b:s3+s25], $0x1, s2, s25, $0xb8;
	[tilespmem:$0x2880] =	vst v63  }
0x430: {  	s2 =	simm.s32 $0x1F00  }
0x431: {  	v3 =	vld [tilespmem:s2+$0x0];
	_ =	sdelay $0x4  }
0x432: {  	s4 =	sadd.s32 $0x0, s20;
	v3 =	vshll.u32 v3, $0x10  }
0x433: {  	v3 =	vadd.s32 s4, v3  }
0x434: {  	s0 =	simm.s32 $0x1700;
	v3 =	vadd.s32 v2, v3  }
0x435: {  	s28 =	simm.s32 $0x1F10;
	[tilespmem:s0+$0x0] =	vst v3  }
0x436: {  	s30 =	simm.s32 $0x20;
	s2 =	simm.s32 $0x10;
	v3 =	vld [tilespmem:s28+$0x0]  }
.LBB2_62:
0x437: {  	p0 =	sne.s32 s30, $0x70;
	_ =	sdelay $0x3  }
.Ltmp30:
0x438: {  	s4 =	sadd.s32 s20, s2;
	s2 =	smov.u32 s30;
	v3 =	vshll.u32 v3, $0x10;
	(pc) =	sbr.rel @p0 .LBB2_62-.Ltmp30, $4  }
0x439: {  	v3 =	vadd.s32 s4, v3  }
0x43a: {  	s0 =	sadd.s32 $0x10, s0;
	v3 =	vadd.s32 v2, v3  }
0x43b: {  	s28 =	sadd.s32 $0x10, s28;
	[tilespmem:s0+$0x0] =	vst v3  }
0x43c: {  	s30 =	sadd.s32 $0x10, s30;
	v3 =	vld [tilespmem:s28+$0x0]  }
0x43d: {  	_ =	sdelay $0x3  }
0x43e: {  	s2 =	sadd.s32 s20, s2;
	v3 =	vshll.u32 v3, $0x10  }
0x43f: {  	v3 =	vadd.s32 s2, v3  }
0x440: {  	s0 =	sadd.s32 $0x10, s0;
	v3 =	vadd.s32 v2, v3  }
0x441: {  	s4 =	simm.s32 $0x2700;
	s2 =	simm.s32 $0x1700;
	[tilespmem:s0+$0x0] =	vst v3  }
0x442: {  	[tilespmem:s4], [sflag:$0x1] =	stream.indirect.gather [hbm4b:s3+s25], $0x1, s2, s25, $0xb8;
	[tilespmem:$0x2880] =	vst v63  }
0x443: {  	s2 =	simm.s32 $0x1F80  }
0x444: {  	v3 =	vld [tilespmem:s2+$0x0];
	_ =	sdelay $0x4  }
0x445: {  	s4 =	sadd.s32 $0x0, s21;
	v3 =	vshll.u32 v3, $0x10  }
0x446: {  	v3 =	vadd.s32 s4, v3  }
0x447: {  	s0 =	simm.s32 $0x1780;
	v3 =	vadd.s32 v2, v3  }
0x448: {  	s28 =	simm.s32 $0x1F90;
	[tilespmem:s0+$0x0] =	vst v3  }
0x449: {  	s30 =	simm.s32 $0x20;
	s2 =	simm.s32 $0x10;
	v3 =	vld [tilespmem:s28+$0x0]  }
.LBB2_64:
0x44a: {  	p0 =	sne.s32 s30, $0x70;
	_ =	sdelay $0x3  }
.Ltmp31:
0x44b: {  	s4 =	sadd.s32 s21, s2;
	s2 =	smov.u32 s30;
	v3 =	vshll.u32 v3, $0x10;
	(pc) =	sbr.rel @p0 .LBB2_64-.Ltmp31, $4  }
0x44c: {  	v3 =	vadd.s32 s4, v3  }
0x44d: {  	s0 =	sadd.s32 $0x10, s0;
	v3 =	vadd.s32 v2, v3  }
0x44e: {  	s28 =	sadd.s32 $0x10, s28;
	[tilespmem:s0+$0x0] =	vst v3  }
0x44f: {  	s30 =	sadd.s32 $0x10, s30;
	v3 =	vld [tilespmem:s28+$0x0]  }
0x450: {  	_ =	sdelay $0x3  }
0x451: {  	s2 =	sadd.s32 s21, s2;
	v3 =	vshll.u32 v3, $0x10  }
0x452: {  	v3 =	vadd.s32 s2, v3  }
0x453: {  	s0 =	sadd.s32 $0x10, s0;
	v3 =	vadd.s32 v2, v3  }
0x454: {  	s28 =	simm.s32 $0x2780;
	[tilespmem:s0+$0x0] =	vst v3  }
0x455: {  	[tilespmem:s28], [sflag:$0x1] =	stream.indirect.gather [hbm4b:s3+s25], $0x1, s26, s25, $0xb8;
	[tilespmem:$0x2880] =	vst v63  }
0x456: {  	_ =	swait.ge [sflag:s29], $0x80  }
0x457: {  	[sflag:s29] =	ssyncset.done $0x0  }
0x458: {  	[sflag:s29] =	ssyncadd.s32 $0xFFFFFF80  }
0x459: {  	_ =	swait.ge [sflag:s29], $0x80  }
0x45a: {  	[sflag:s29] =	ssyncset.done $0x0  }
0x45b: {  	[sflag:s29] =	ssyncadd.s32 $0xFFFFFF80  }
0x45c: {  	_ =	swait.ge [sflag:s29], $0x80  }
0x45d: {  	[sflag:s29] =	ssyncset.done $0x0  }
0x45e: {  	[sflag:s29] =	ssyncadd.s32 $0xFFFFFF80  }
0x45f: {  	_ =	swait.ge [sflag:s29], $0x80  }
0x460: {  	[sflag:s29] =	ssyncset.done $0x0  }
0x461: {  	[sflag:s29] =	ssyncadd.s32 $0xFFFFFF80  }
0x462: {  	_ =	swait.ge [sflag:s29], $0x80  }
0x463: {  	[sflag:s29] =	ssyncset.done $0x0  }
0x464: {  	[sflag:s29] =	ssyncadd.s32 $0xFFFFFF80  }
0x465: {  	_ =	swait.ge [sflag:s29], $0x80  }
0x466: {  	[sflag:s29] =	ssyncset.done $0x0  }
0x467: {  	[sflag:s29] =	ssyncadd.s32 $0xFFFFFF80  }
0x468: {  	_ =	swait.ge [sflag:s29], $0x80  }
0x469: {  	[sflag:s29] =	ssyncset.done $0x0  }
0x46a: {  	[sflag:s29] =	ssyncadd.s32 $0xFFFFFF80  }
0x46b: {  	_ =	swait.ge [sflag:s29], $0x80  }
0x46c: {  	[sflag:s29] =	ssyncset.done $0x0  }
0x46d: {  	[sflag:s29] =	ssyncadd.s32 $0xFFFFFF80  }
0x46e: {  	_ =	swait.ge [sflag:s29], $0x80  }
0x46f: {  	[sflag:s29] =	ssyncset.done $0x0  }
0x470: {  	[sflag:s29] =	ssyncadd.s32 $0xFFFFFF80  }
0x471: {  	_ =	swait.ge [sflag:s29], $0x80  }
0x472: {  	[sflag:s29] =	ssyncset.done $0x0  }
0x473: {  	[sflag:s29] =	ssyncadd.s32 $0xFFFFFF80  }
0x474: {  	_ =	swait.ge [sflag:s29], $0x80  }
0x475: {  	[sflag:s29] =	ssyncset.done $0x0  }
0x476: {  	[sflag:s29] =	ssyncadd.s32 $0xFFFFFF80  }
0x477: {  	_ =	swait.ge [sflag:s29], $0x80  }
0x478: {  	[sflag:s29] =	ssyncset.done $0x0  }
0x479: {  	[sflag:s29] =	ssyncadd.s32 $0xFFFFFF80  }
0x47a: {  	_ =	swait.ge [sflag:s29], $0x80  }
0x47b: {  	[sflag:s29] =	ssyncset.done $0x0  }
0x47c: {  	[sflag:s29] =	ssyncadd.s32 $0xFFFFFF80  }
0x47d: {  	_ =	swait.ge [sflag:s29], $0x80  }
0x47e: {  	[sflag:s29] =	ssyncset.done $0x0  }
0x47f: {  	[sflag:s29] =	ssyncadd.s32 $0xFFFFFF80  }
0x480: {  	_ =	swait.ge [sflag:s29], $0x80  }
0x481: {  	[sflag:s29] =	ssyncset.done $0x0  }
0x482: {  	[sflag:s29] =	ssyncadd.s32 $0xFFFFFF80  }
0x483: {  	_ =	swait.ge [sflag:s29], $0x80  }
0x484: {  	[sflag:s29] =	ssyncset.done $0x0  }
0x485: {  	[sflag:s29] =	ssyncadd.s32 $0xFFFFFF80  }
0x486: {  	s30 =	simm.s32 $0x10;
	v3 =	vld [tilespmem:$0x2000]  }
0x487: {  	s0 =	simm.s32 $0x80;
	v4 =	vld [tilespmem:s30+$0x2000]  }
.LBB2_66:
0x488: {  	p0 =	sne.s32 s0, $0x1FC0  }
.Ltmp32:
0x489: {  	_ = 	snop;
	(pc) =	sbr.rel @p0 .LBB2_66-.Ltmp32, $3  }
0x48a: {  	_ =	sdelay $0x1  }
0x48b: {  	s2 =	sshra.s32 s0, $0x2;
	s0 =	sadd.s32 $0x40, s0;
	v3 =	vadd.f32 v4, v3  }
0x48c: {  	v4 =	vld [tilespmem:s2+$0x2000]  }
0x48d: {  	_ =	sdelay $0x3  }
0x48e: {  	s31 =	sadd.s32 $0x1, s31;
	v3 =	vadd.f32 v4, v3  }
0x48f: {  	p0 =	sne.s32 s31, s23  }
.Ltmp33:
0x490: {  	s28 =	simm.s32 $0x0;
	s0 =	simm.s32 $0x2800;
	[tilespmem:$0x2800] =	vst v3;
	(pc) =	sbr.rel @p0 .LBB2_1-.Ltmp33, $4  }
0x491: {  	[hbm4b:s22+s28] =	stream.linear.scatter [tilespmem:s0], [sflag:$0x2], $0x10, $0x38;
	[tilespmem:$0x2880] =	vst v63  }
0x492: {  	_ =	swait.ge [sflag:s24], $0x10  }
0x493: {  	[sflag:s24] =	ssyncset.done $0x0  }
0x494: {  	[sflag:s24] =	ssyncadd.s32 $0xFFFFFFF0  }
0x495: {  	_ =	sfence.sel $0x180000  }
0x496: {  	[bflag:$0x0] =	sbarrier.arrive $0xFFFF  }
0x497: {  	_ =	strace $0x90000047  }
0x498: {  	s0 =	stileid.u32;
	[bflag:$0x2] =	sbarrier.arrive $0xFFFF  }
0x499: {  	p0 =	sne.s32 s0, $0x0;
	s0 =	rddreg [dreg:$0x4]  }
0x49a: {  	s0 =	sadd.s32 @!p0 $0x100000, s0  }
0x49b: {  	[sflag:s0] =	ssyncadd.tile.s32 @!p0 $0x1;
	_ =	shalt  }
.Lfunc_end2:
_tile_overlayer_lowered:
.L_overlay_start_2:
0x49c: {  	(tag) =	ssettag $0x2  }
0x49d: {  	s0 =	rddreg [dreg:$0x0];
	s2 =	stileid.u32  }
0x49e: {  	s1 =	rddreg [dreg:$0x1];
	p0 =	sne.s32 s2, $0x0  }
0x49f: {  	s3 =	rddreg [dreg:$0x2];
	[bflag:$0x3] =	sbarrier.arrive $0xFFFF;
	s2 =	simm.s32 @!p0 $0x1C02  }
0x4a0: {  	[timem:s3], [sflag:s2] =	dma.local @!p0 [hbm:s0], s1  }
0x4a1: {  	s0 =	simm.s32 @!p0 $0x2  }
0x4a2: {  	_ =	swait.ge @!p0 [sflag:s0], s1  }
0x4a3: {  	s1 =	ssub.s32 @!p0 $0x0, s1;
	[sflag:s0] =	ssyncset.done @!p0 $0x0  }
0x4a4: {  	[sflag:s0] =	ssyncadd.s32 @!p0 s1  }
0x4a5: {  	[bflag:$0x3] =	sbarrier.arrive $0xFFFF  }
0x4a6: {  	_ =	shalt  }

</sc_bundles>
